<compile_context>
chip_gen: v7x
topology: tpu7x:2x2x1
jax: 0.10.2.dev20260603
libtpu: 0.0.44.dev20260713+nightly
codegen_flags: <defaults>
</compile_context>

<pallas_src>
import functools

import jax
import jax.numpy as jnp
from jax import lax
from jax.experimental import pallas as pl
from jax.experimental.pallas import tpu as pltpu
from jax.experimental.pallas import tpu_sc as plsc

B, C, N, L = 4, 3, 512, 4096
S = B * C
NW = 32
LCHUNK = L // NW
NGROUPS = LCHUNK // 16
UNROLL = 8
NHALF = N // 2
BLOCKS_PER_HALF = NHALF // UNROLL
NEG_INF = float("-inf")


def _tec_body(mixed_hbm, ref_hbm, outmax_hbm, outidx_hbm,
              bufs, m_all, acc_f, acc_i, omax_all, oidx_all,
              sem0, sem1):
    cid = lax.axis_index("c")
    sid = lax.axis_index("s")
    wid = sid * 2 + cid
    l0 = wid * LCHUNK
    sems = (sem0, sem1)

    def src(s, h):
        return ref_hbm.at[s, pl.ds(h * NHALF, NHALF), pl.ds(l0, LCHUNK)]

    pltpu.sync_copy(mixed_hbm.at[:, pl.ds(l0, LCHUNK)], m_all)

    pltpu.async_copy(src(0, 0), bufs.at[0], sems[0])

    uconst = [jnp.full((16,), u, jnp.int32) for u in range(UNROLL)]

    def task(s, carry):
        b = s // C
        for h in (0, 1):
            pltpu.make_async_copy(src(s, h), bufs.at[h], sems[h]).wait()
            if h == 0:
                pltpu.async_copy(src(s, 1), bufs.at[1], sems[1])
            else:
                @pl.when(s < S - 1)
                def _():
                    pltpu.async_copy(src(s + 1, 0), bufs.at[0], sems[0])
            for g in range(NGROUPS):
                mg = m_all[b, pl.ds(g * 16, 16)]
                if h == 0:
                    init = (jnp.full((16,), NEG_INF, jnp.float32),
                            jnp.full((16,), NEG_INF, jnp.float32),
                            jnp.zeros((16,), jnp.int32),
                            jnp.zeros((16,), jnp.int32))
                else:
                    init = (acc_f[0, g], acc_f[1, g], acc_i[0, g],
                            acc_i[1, g])

                def nblock(i, acc, h=h, g=g, mg=mg):
                    mx1, mx2, bsel, il = acc
                    mx1_in = mx1
                    for u in range(UNROLL):
                        r = bufs[h, i * UNROLL + u, pl.ds(g * 16, 16)]
                        p = mg * r
                        gt = p > mx1
                        mx2 = jnp.maximum(mx2, jnp.minimum(mx1, p))
                        mx1 = jnp.maximum(mx1, p)
                        il = jnp.where(gt, uconst[u], il)
                    nbv = jnp.full((16,), h * BLOCKS_PER_HALF + i, jnp.int32)
                    bsel = jnp.where(mx1 != mx1_in, nbv, bsel)
                    return mx1, mx2, bsel, il

                mx1, mx2, bsel, il = lax.fori_loop(0, BLOCKS_PER_HALF,
                                                   nblock, init)
                if h == 0:
                    acc_f[0, g] = mx1
                    acc_f[1, g] = mx2
                    acc_i[0, g] = bsel
                    acc_i[1, g] = il
                else:
                    omax_all[s, 0, pl.ds(g * 16, 16)] = mx1
                    omax_all[s, 1, pl.ds(g * 16, 16)] = mx2
                    oidx_all[s, pl.ds(g * 16, 16)] = bsel * UNROLL + il
        return carry

    lax.fori_loop(0, S, task, 0)

    pltpu.sync_copy(omax_all, outmax_hbm.at[:, :, pl.ds(l0, LCHUNK)])
    pltpu.sync_copy(oidx_all, outidx_hbm.at[:, pl.ds(l0, LCHUNK)])


@jax.jit
def kernel(input_mixed, ref_panel):
    ref3 = ref_panel.reshape(S, N, L)
    run = pl.kernel(
        _tec_body,
        out_type=(jax.ShapeDtypeStruct((S, 2, L), jnp.float32),
                  jax.ShapeDtypeStruct((S, L), jnp.int32)),
        mesh=plsc.VectorSubcoreMesh(core_axis_name="c", subcore_axis_name="s"),
        scratch_types=[
            pltpu.VMEM((2, NHALF, LCHUNK), jnp.float32),
            pltpu.VMEM((B, LCHUNK), jnp.float32),
            pltpu.VMEM((2, NGROUPS, 16), jnp.float32),
            pltpu.VMEM((2, NGROUPS, 16), jnp.int32),
            pltpu.VMEM((S, 2, LCHUNK), jnp.float32),
            pltpu.VMEM((S, LCHUNK), jnp.int32),
            pltpu.SemaphoreType.DMA,
            pltpu.SemaphoreType.DMA,
        ],
    )
    mx, idx = run(input_mixed, ref3)
    return mx.reshape(B, C, 2, L), idx.reshape(B, C, L)

# --- scband reference (transcript-rebuilt; emitter-appended) ---
"""Pipeline reference for scband-agnostic-model-infer-used-36275293782831 (READ-ONLY COPY).

The authoritative reference and input builder live on the scoring server;
editing this copy changes nothing except your own understanding.
"""

import jax, jax.numpy as jnp
import numpy as np

K = 2  # topk_k from init_kwargs


def setup_inputs(seed: int = 0) -> dict:
    key = jax.random.key(seed)
    k1, k2 = jax.random.split(key)
    # mixed genotype window: batch=4 windows, win_size=4096 SNPs (values ~ +/-1 encoded)
    input_mixed = jax.random.normal(k1, (4, 4096), dtype=jnp.float32)
    # reference panel: per window, 3 ancestry groups, 512 reference haplotypes each
    ref_panel = jax.random.normal(k2, (4, 3, 512, 4096), dtype=jnp.float32)
    return {"input_mixed": input_mixed, "ref_panel": ref_panel}


def reference(input_mixed, ref_panel):
    # XOR op: elementwise multiply mixed sequence against every reference haplotype
    # input_mixed: [B, L] -> [B, 1, 1, L]; ref_panel: [B, C, N, L]
    prod = input_mixed[:, None, None, :] * ref_panel  # [B, C, N, L]
    # TopKPool: torch.topk(inp, k, dim=0) over the reference-haplotype axis N.
    # jax.lax.top_k operates on last axis, so move N to the end.
    prod_t = jnp.swapaxes(prod, -1, -2)  # [B, C, L, N]
    vals, idx = jax.lax.top_k(prod_t, K)  # [B, C, L, K]
    maximums = jnp.swapaxes(vals, -1, -2)  # [B, C, K, L]  (torch returns [K, L] per group)
    indices = idx[..., 0].astype(jnp.int32)  # indices[0] in torch: argmax ref index, [B, C, L]
    return maximums, indices

if __name__ == "__main__":
    import jax
    _d = setup_inputs()
    print(jax.jit(kernel)(*tuple(_d.values())))

</pallas_src>

<mosaic_0001>
#map = affine_map<(d0, d1) -> (0, 0)>
#map1 = affine_map<(d0, d1) -> (0, 0, 0)>
module attributes {stable_mosaic.version = 14 : i64} {
  func.func @_tec_body(%arg0: i32, %arg1: i32, %arg2: memref<4x4096xf32, #tpu.memory_space<hbm>>, %arg3: memref<12x512x4096xf32, #tpu.memory_space<hbm>>, %arg4: memref<12x2x4096xf32, #tpu.memory_space<hbm>>, %arg5: memref<12x4096xi32, #tpu.memory_space<hbm>>, %arg6: memref<2x256x128xf32, #tpu.memory_space<vmem>>, %arg7: memref<4x128xf32, #tpu.memory_space<vmem>>, %arg8: memref<2x8x16xf32, #tpu.memory_space<vmem>>, %arg9: memref<2x8x16xi32, #tpu.memory_space<vmem>>, %arg10: memref<12x2x128xf32, #tpu.memory_space<vmem>>, %arg11: memref<12x128xi32, #tpu.memory_space<vmem>>, %arg12: memref<!tpu.dma_semaphore, #tpu.memory_space<semaphore_mem>>, %arg13: memref<!tpu.dma_semaphore, #tpu.memory_space<semaphore_mem>>) attributes {dimension_semantics = [#tpu.dimension_semantics<core_parallel>, #tpu.dimension_semantics<subcore_parallel>], iteration_bounds = array<i64: 2, 16>, scalar_prefetch = 0 : i64, scratch_operands = 8 : i64, tpu.core_type = #tpu.core_type<sc_vector_subcore>, window_params = [{transform_indices = #map}, {transform_indices = #map1}, {transform_indices = #map1}, {transform_indices = #map}]} {
    %mul3A = arith.constant 2 : i32
    %mul3A_0 = arith.muli %arg1, %mul3A : i32
    %add3A = arith.addi %mul3A_0, %arg0 : i32
    %mul3A_1 = arith.constant 128 : i32
    %mul3A_2 = arith.muli %add3A, %mul3A_1 : i32
    "tpu.region"() ({
      %run_scoped3A = tpu.sem_alloc : memref<!tpu.dma_semaphore, #tpu.memory_space<semaphore_mem>>
      %dma_start3A_38 = arith.constant 0 : i32
      %dma_start3A_39 = tpu.memref_slice %arg2[%dma_start3A_38, %mul3A_2] : memref<4x4096xf32, #tpu.memory_space<hbm>> -> memref<4x128xf32, #tpu.memory_space<hbm>>
      %dma_start3A_40 = arith.constant 0 : i32
      %dma_start3A_41 = tpu.memref_slice %arg2[%dma_start3A_40, %mul3A_2] : memref<4x4096xf32, #tpu.memory_space<hbm>> -> memref<4x128xf32, #tpu.memory_space<hbm>>
      tpu.enqueue_dma source(%dma_start3A_41 : memref<4x128xf32, #tpu.memory_space<hbm>>) target(%arg7 : memref<4x128xf32, #tpu.memory_space<vmem>>) target_semaphore(%run_scoped3A : memref<!tpu.dma_semaphore, #tpu.memory_space<semaphore_mem>>)
      %dma_wait3A = arith.constant 0 : i32
      %dma_wait3A_42 = tpu.memref_slice %arg2[%dma_wait3A, %mul3A_2] : memref<4x4096xf32, #tpu.memory_space<hbm>> -> memref<4x128xf32, #tpu.memory_space<hbm>>
      %dma_wait3A_43 = arith.constant 0 : i32
      %dma_wait3A_44 = tpu.memref_slice %arg2[%dma_wait3A_43, %mul3A_2] : memref<4x4096xf32, #tpu.memory_space<hbm>> -> memref<4x128xf32, #tpu.memory_space<hbm>>
      tpu.wait_dma2 semaphore(%run_scoped3A : memref<!tpu.dma_semaphore, #tpu.memory_space<semaphore_mem>>) src(%dma_wait3A_44 : memref<4x128xf32, #tpu.memory_space<hbm>>) dst(%arg7 : memref<4x128xf32, #tpu.memory_space<vmem>>)
      tpu.yield
    }) : () -> ()
    %dma_start3A = arith.constant 0 : i32
    %dma_start3A_3 = arith.constant 0 : i32
    %dma_start3A_4 = arith.constant 0 : i32
    %dma_start3A_5 = arith.constant 0 : i32
    %dma_start3A_6 = tpu.memref_slice %arg6[%dma_start3A_3, %dma_start3A_4, %dma_start3A_5] : memref<2x256x128xf32, #tpu.memory_space<vmem>> -> memref<1x256x128xf32, #tpu.memory_space<vmem>>
    %dma_start3A_7 = tpu.memref_squeeze %dma_start3A_6 : memref<1x256x128xf32, #tpu.memory_space<vmem>> -> memref<256x128xf32, #tpu.memory_space<vmem>>
    %dma_start3A_8 = arith.constant 0 : i32
    %dma_start3A_9 = tpu.memref_slice %arg3[%dma_start3A, %dma_start3A_8, %mul3A_2] : memref<12x512x4096xf32, #tpu.memory_space<hbm>> -> memref<1x256x128xf32, #tpu.memory_space<hbm>>
    %dma_start3A_10 = tpu.memref_squeeze %dma_start3A_9 : memref<1x256x128xf32, #tpu.memory_space<hbm>> -> memref<256x128xf32, #tpu.memory_space<hbm>>
    %dma_start3A_11 = arith.constant 0 : i32
    %dma_start3A_12 = arith.constant 0 : i32
    %dma_start3A_13 = tpu.memref_slice %arg6[%dma_start3A_3, %dma_start3A_11, %dma_start3A_12] : memref<2x256x128xf32, #tpu.memory_space<vmem>> -> memref<1x256x128xf32, #tpu.memory_space<vmem>>
    %dma_start3A_14 = tpu.memref_squeeze %dma_start3A_13 : memref<1x256x128xf32, #tpu.memory_space<vmem>> -> memref<256x128xf32, #tpu.memory_space<vmem>>
    %dma_start3A_15 = arith.constant 0 : i32
    %dma_start3A_16 = tpu.memref_slice %arg3[%dma_start3A, %dma_start3A_15, %mul3A_2] : memref<12x512x4096xf32, #tpu.memory_space<hbm>> -> memref<1x256x128xf32, #tpu.memory_space<hbm>>
    %dma_start3A_17 = tpu.memref_squeeze %dma_start3A_16 : memref<1x256x128xf32, #tpu.memory_space<hbm>> -> memref<256x128xf32, #tpu.memory_space<hbm>>
    tpu.enqueue_dma source(%dma_start3A_17 : memref<256x128xf32, #tpu.memory_space<hbm>>) target(%dma_start3A_14 : memref<256x128xf32, #tpu.memory_space<vmem>>) target_semaphore(%arg12 : memref<!tpu.dma_semaphore, #tpu.memory_space<semaphore_mem>>)
    %broadcast_in_dim3A = arith.constant 0 : i32
    %broadcast_in_dim3A_18 = vector.broadcast %broadcast_in_dim3A : i32 to vector<16xi32>
    %broadcast_in_dim3A_19 = arith.constant 1 : i32
    %broadcast_in_dim3A_20 = vector.broadcast %broadcast_in_dim3A_19 : i32 to vector<16xi32>
    %broadcast_in_dim3A_21 = arith.constant 2 : i32
    %broadcast_in_dim3A_22 = vector.broadcast %broadcast_in_dim3A_21 : i32 to vector<16xi32>
    %broadcast_in_dim3A_23 = arith.constant 3 : i32
    %broadcast_in_dim3A_24 = vector.broadcast %broadcast_in_dim3A_23 : i32 to vector<16xi32>
    %broadcast_in_dim3A_25 = arith.constant 4 : i32
    %broadcast_in_dim3A_26 = vector.broadcast %broadcast_in_dim3A_25 : i32 to vector<16xi32>
    %broadcast_in_dim3A_27 = arith.constant 5 : i32
    %broadcast_in_dim3A_28 = vector.broadcast %broadcast_in_dim3A_27 : i32 to vector<16xi32>
    %broadcast_in_dim3A_29 = arith.constant 6 : i32
    %broadcast_in_dim3A_30 = vector.broadcast %broadcast_in_dim3A_29 : i32 to vector<16xi32>
    %broadcast_in_dim3A_31 = arith.constant 7 : i32
    %broadcast_in_dim3A_32 = vector.broadcast %broadcast_in_dim3A_31 : i32 to vector<16xi32>
    %scan3A = arith.constant 0 : i32
    %scan3A_33 = arith.constant 0 : i32
    %scan3A_34 = arith.constant 12 : i32
    %scan3A_35 = arith.addi %scan3A_33, %scan3A_34 : i32
    %scan3A_36 = arith.constant 1 : i32
    scf.for %scan3A_38 = %scan3A_33 to %scan3A_35 step %scan3A_36  : i32 {
      %jit3A = arith.constant 3 : i32
      %div3A = arith.divsi %scan3A_38, %jit3A : i32
      %sign3A = arith.constant 0 : i32
      %sign3A_39 = arith.cmpi sgt, %scan3A_38, %sign3A : i32
      %sign3A_40 = arith.extui %sign3A_39 : i1 to i32
      %sign3A_41 = arith.constant 0 : i32
      %sign3A_42 = arith.cmpi slt, %scan3A_38, %sign3A_41 : i32
      %sign3A_43 = arith.extui %sign3A_42 : i1 to i32
      %sign3A_44 = arith.subi %sign3A_40, %sign3A_43 : i32
      %sign3A_45 = arith.constant 0 : i32
      %sign3A_46 = arith.cmpi sgt, %jit3A, %sign3A_45 : i32
      %sign3A_47 = arith.extui %sign3A_46 : i1 to i32
      %sign3A_48 = arith.constant 0 : i32
      %sign3A_49 = arith.cmpi slt, %jit3A, %sign3A_48 : i32
      %sign3A_50 = arith.extui %sign3A_49 : i1 to i32
      %sign3A_51 = arith.subi %sign3A_47, %sign3A_50 : i32
      %ne3A = arith.cmpi ne, %sign3A_44, %sign3A_51 : i32
      %rem3A = arith.remsi %scan3A_38, %jit3A : i32
      %ne3A_52 = arith.constant 0 : i32
      %ne3A_53 = arith.cmpi ne, %rem3A, %ne3A_52 : i32
      %and3A = arith.andi %ne3A, %ne3A_53 : i1
      %sub3A = arith.constant 1 : i32
      %sub3A_54 = arith.subi %div3A, %sub3A : i32
      %select_n3A = arith.select %and3A, %sub3A_54, %div3A : i32
      %dma_wait3A = arith.constant 0 : i32
      %dma_wait3A_55 = arith.constant 0 : i32
      %dma_wait3A_56 = arith.constant 0 : i32
      %dma_wait3A_57 = tpu.memref_slice %arg6[%dma_wait3A, %dma_wait3A_55, %dma_wait3A_56] : memref<2x256x128xf32, #tpu.memory_space<vmem>> -> memref<1x256x128xf32, #tpu.memory_space<vmem>>
      %dma_wait3A_58 = tpu.memref_squeeze %dma_wait3A_57 : memref<1x256x128xf32, #tpu.memory_space<vmem>> -> memref<256x128xf32, #tpu.memory_space<vmem>>
      %dma_wait3A_59 = arith.constant 0 : i32
      %dma_wait3A_60 = tpu.memref_slice %arg3[%scan3A_38, %dma_wait3A_59, %mul3A_2] : memref<12x512x4096xf32, #tpu.memory_space<hbm>> -> memref<1x256x128xf32, #tpu.memory_space<hbm>>
      %dma_wait3A_61 = tpu.memref_squeeze %dma_wait3A_60 : memref<1x256x128xf32, #tpu.memory_space<hbm>> -> memref<256x128xf32, #tpu.memory_space<hbm>>
      %dma_wait3A_62 = arith.constant 0 : i32
      %dma_wait3A_63 = arith.constant 0 : i32
      %dma_wait3A_64 = tpu.memref_slice %arg6[%dma_wait3A, %dma_wait3A_62, %dma_wait3A_63] : memref<2x256x128xf32, #tpu.memory_space<vmem>> -> memref<1x256x128xf32, #tpu.memory_space<vmem>>
      %dma_wait3A_65 = tpu.memref_squeeze %dma_wait3A_64 : memref<1x256x128xf32, #tpu.memory_space<vmem>> -> memref<256x128xf32, #tpu.memory_space<vmem>>
      %dma_wait3A_66 = arith.constant 0 : i32
      %dma_wait3A_67 = tpu.memref_slice %arg3[%scan3A_38, %dma_wait3A_66, %mul3A_2] : memref<12x512x4096xf32, #tpu.memory_space<hbm>> -> memref<1x256x128xf32, #tpu.memory_space<hbm>>
      %dma_wait3A_68 = tpu.memref_squeeze %dma_wait3A_67 : memref<1x256x128xf32, #tpu.memory_space<hbm>> -> memref<256x128xf32, #tpu.memory_space<hbm>>
      tpu.wait_dma2 semaphore(%arg12 : memref<!tpu.dma_semaphore, #tpu.memory_space<semaphore_mem>>) src(%dma_wait3A_68 : memref<256x128xf32, #tpu.memory_space<hbm>>) dst(%dma_wait3A_65 : memref<256x128xf32, #tpu.memory_space<vmem>>)
      %dma_start3A_69 = arith.constant 1 : i32
      %dma_start3A_70 = arith.constant 0 : i32
      %dma_start3A_71 = arith.constant 0 : i32
      %dma_start3A_72 = tpu.memref_slice %arg6[%dma_start3A_69, %dma_start3A_70, %dma_start3A_71] : memref<2x256x128xf32, #tpu.memory_space<vmem>> -> memref<1x256x128xf32, #tpu.memory_space<vmem>>
      %dma_start3A_73 = tpu.memref_squeeze %dma_start3A_72 : memref<1x256x128xf32, #tpu.memory_space<vmem>> -> memref<256x128xf32, #tpu.memory_space<vmem>>
      %dma_start3A_74 = arith.constant 256 : i32
      %dma_start3A_75 = tpu.memref_slice %arg3[%scan3A_38, %dma_start3A_74, %mul3A_2] : memref<12x512x4096xf32, #tpu.memory_space<hbm>> -> memref<1x256x128xf32, #tpu.memory_space<hbm>>
      %dma_start3A_76 = tpu.memref_squeeze %dma_start3A_75 : memref<1x256x128xf32, #tpu.memory_space<hbm>> -> memref<256x128xf32, #tpu.memory_space<hbm>>
      %dma_start3A_77 = arith.constant 0 : i32
      %dma_start3A_78 = arith.constant 0 : i32
      %dma_start3A_79 = tpu.memref_slice %arg6[%dma_start3A_69, %dma_start3A_77, %dma_start3A_78] : memref<2x256x128xf32, #tpu.memory_space<vmem>> -> memref<1x256x128xf32, #tpu.memory_space<vmem>>
      %dma_start3A_80 = tpu.memref_squeeze %dma_start3A_79 : memref<1x256x128xf32, #tpu.memory_space<vmem>> -> memref<256x128xf32, #tpu.memory_space<vmem>>
      %dma_start3A_81 = arith.constant 256 : i32
      %dma_start3A_82 = tpu.memref_slice %arg3[%scan3A_38, %dma_start3A_81, %mul3A_2] : memref<12x512x4096xf32, #tpu.memory_space<hbm>> -> memref<1x256x128xf32, #tpu.memory_space<hbm>>
      %dma_start3A_83 = tpu.memref_squeeze %dma_start3A_82 : memref<1x256x128xf32, #tpu.memory_space<hbm>> -> memref<256x128xf32, #tpu.memory_space<hbm>>
      tpu.enqueue_dma source(%dma_start3A_83 : memref<256x128xf32, #tpu.memory_space<hbm>>) target(%dma_start3A_80 : memref<256x128xf32, #tpu.memory_space<vmem>>) target_semaphore(%arg13 : memref<!tpu.dma_semaphore, #tpu.memory_space<semaphore_mem>>)
      %get3A = arith.index_cast %select_n3A : i32 to index
      %get3A_84 = arith.constant 0 : index
      %get3A_85 = tpu.vector_load %arg7[%get3A, %get3A_84] {strides = array<i32>} : memref<4x128xf32, #tpu.memory_space<vmem>>, vector<1x16xf32>,
      %get3A_86 = vector.shape_cast %get3A_85 : vector<1x16xf32> to vector<16xf32>
      %broadcast_in_dim3A_87 = arith.constant 0xFF800000 : f32
      %broadcast_in_dim3A_88 = vector.broadcast %broadcast_in_dim3A_87 : f32 to vector<16xf32>
      %broadcast_in_dim3A_89 = arith.constant 0xFF800000 : f32
      %broadcast_in_dim3A_90 = vector.broadcast %broadcast_in_dim3A_89 : f32 to vector<16xf32>
      %broadcast_in_dim3A_91 = arith.constant 0 : i32
      %broadcast_in_dim3A_92 = vector.broadcast %broadcast_in_dim3A_91 : i32 to vector<16xi32>
      %broadcast_in_dim3A_93 = arith.constant 0 : i32
      %broadcast_in_dim3A_94 = vector.broadcast %broadcast_in_dim3A_93 : i32 to vector<16xi32>
      %scan3A_95 = arith.constant 0 : i32
      %scan3A_96 = arith.constant 32 : i32
      %scan3A_97 = arith.addi %scan3A_95, %scan3A_96 : i32
      %scan3A_98 = arith.constant 1 : i32
      %scan3A_99:4 = scf.for %scan3A_987 = %scan3A_95 to %scan3A_97 step %scan3A_98 iter_args(%scan3A_988 = %broadcast_in_dim3A_88, %scan3A_989 = %broadcast_in_dim3A_90, %scan3A_990 = %broadcast_in_dim3A_92, %scan3A_991 = %broadcast_in_dim3A_94) -> (vector<16xf32>, vector<16xf32>, vector<16xi32>, vector<16xi32>)  : i32 {
        %mul3A_992 = arith.constant 8 : i32
        %mul3A_993 = arith.muli %scan3A_987, %mul3A_992 : i32
        %add3A_994 = arith.constant 0 : i32
        %add3A_995 = arith.addi %mul3A_993, %add3A_994 : i32
        %get3A_996 = arith.constant 0 : i32
        %get3A_997 = arith.index_cast %get3A_996 : i32 to index
        %get3A_998 = arith.index_cast %add3A_995 : i32 to index
        %get3A_999 = arith.constant 0 : index
        %get3A_1000 = tpu.vector_load %arg6[%get3A_997, %get3A_998, %get3A_999] {strides = array<i32>} : memref<2x256x128xf32, #tpu.memory_space<vmem>>, vector<1x1x16xf32>,
        %get3A_1001 = vector.shape_cast %get3A_1000 : vector<1x1x16xf32> to vector<16xf32>
        %mul3A_1002 = arith.mulf %get3A_86, %get3A_1001 : vector<16xf32>
        %gt3A = arith.cmpf ogt, %mul3A_1002, %scan3A_988 : vector<16xf32>
        %min3A = arith.minimumf %scan3A_988, %mul3A_1002 : vector<16xf32>
        %max3A = arith.maximumf %scan3A_989, %min3A : vector<16xf32>
        %max3A_1003 = arith.maximumf %scan3A_988, %mul3A_1002 : vector<16xf32>
        %select_n3A_1004 = arith.select %gt3A, %broadcast_in_dim3A_18, %scan3A_991 : vector<16xi1>, vector<16xi32>
        %mul3A_1005 = arith.constant 8 : i32
        %mul3A_1006 = arith.muli %scan3A_987, %mul3A_1005 : i32
        %add3A_1007 = arith.constant 1 : i32
        %add3A_1008 = arith.addi %mul3A_1006, %add3A_1007 : i32
        %get3A_1009 = arith.constant 0 : i32
        %get3A_1010 = arith.index_cast %get3A_1009 : i32 to index
        %get3A_1011 = arith.index_cast %add3A_1008 : i32 to index
        %get3A_1012 = arith.constant 0 : index
        %get3A_1013 = tpu.vector_load %arg6[%get3A_1010, %get3A_1011, %get3A_1012] {strides = array<i32>} : memref<2x256x128xf32, #tpu.memory_space<vmem>>, vector<1x1x16xf32>,
        %get3A_1014 = vector.shape_cast %get3A_1013 : vector<1x1x16xf32> to vector<16xf32>
        %mul3A_1015 = arith.mulf %get3A_86, %get3A_1014 : vector<16xf32>
        %gt3A_1016 = arith.cmpf ogt, %mul3A_1015, %max3A_1003 : vector<16xf32>
        %min3A_1017 = arith.minimumf %max3A_1003, %mul3A_1015 : vector<16xf32>
        %max3A_1018 = arith.maximumf %max3A, %min3A_1017 : vector<16xf32>
        %max3A_1019 = arith.maximumf %max3A_1003, %mul3A_1015 : vector<16xf32>
        %select_n3A_1020 = arith.select %gt3A_1016, %broadcast_in_dim3A_20, %select_n3A_1004 : vector<16xi1>, vector<16xi32>
        %mul3A_1021 = arith.constant 8 : i32
        %mul3A_1022 = arith.muli %scan3A_987, %mul3A_1021 : i32
        %add3A_1023 = arith.constant 2 : i32
        %add3A_1024 = arith.addi %mul3A_1022, %add3A_1023 : i32
        %get3A_1025 = arith.constant 0 : i32
        %get3A_1026 = arith.index_cast %get3A_1025 : i32 to index
        %get3A_1027 = arith.index_cast %add3A_1024 : i32 to index
        %get3A_1028 = arith.constant 0 : index
        %get3A_1029 = tpu.vector_load %arg6[%get3A_1026, %get3A_1027, %get3A_1028] {strides = array<i32>} : memref<2x256x128xf32, #tpu.memory_space<vmem>>, vector<1x1x16xf32>,
        %get3A_1030 = vector.shape_cast %get3A_1029 : vector<1x1x16xf32> to vector<16xf32>
        %mul3A_1031 = arith.mulf %get3A_86, %get3A_1030 : vector<16xf32>
        %gt3A_1032 = arith.cmpf ogt, %mul3A_1031, %max3A_1019 : vector<16xf32>
        %min3A_1033 = arith.minimumf %max3A_1019, %mul3A_1031 : vector<16xf32>
        %max3A_1034 = arith.maximumf %max3A_1018, %min3A_1033 : vector<16xf32>
        %max3A_1035 = arith.maximumf %max3A_1019, %mul3A_1031 : vector<16xf32>
        %select_n3A_1036 = arith.select %gt3A_1032, %broadcast_in_dim3A_22, %select_n3A_1020 : vector<16xi1>, vector<16xi32>
        %mul3A_1037 = arith.constant 8 : i32
        %mul3A_1038 = arith.muli %scan3A_987, %mul3A_1037 : i32
        %add3A_1039 = arith.constant 3 : i32
        %add3A_1040 = arith.addi %mul3A_1038, %add3A_1039 : i32
        %get3A_1041 = arith.constant 0 : i32
        %get3A_1042 = arith.index_cast %get3A_1041 : i32 to index
        %get3A_1043 = arith.index_cast %add3A_1040 : i32 to index
        %get3A_1044 = arith.constant 0 : index
        %get3A_1045 = tpu.vector_load %arg6[%get3A_1042, %get3A_1043, %get3A_1044] {strides = array<i32>} : memref<2x256x128xf32, #tpu.memory_space<vmem>>, vector<1x1x16xf32>,
        %get3A_1046 = vector.shape_cast %get3A_1045 : vector<1x1x16xf32> to vector<16xf32>
        %mul3A_1047 = arith.mulf %get3A_86, %get3A_1046 : vector<16xf32>
        %gt3A_1048 = arith.cmpf ogt, %mul3A_1047, %max3A_1035 : vector<16xf32>
        %min3A_1049 = arith.minimumf %max3A_1035, %mul3A_1047 : vector<16xf32>
        %max3A_1050 = arith.maximumf %max3A_1034, %min3A_1049 : vector<16xf32>
        %max3A_1051 = arith.maximumf %max3A_1035, %mul3A_1047 : vector<16xf32>
        %select_n3A_1052 = arith.select %gt3A_1048, %broadcast_in_dim3A_24, %select_n3A_1036 : vector<16xi1>, vector<16xi32>
        %mul3A_1053 = arith.constant 8 : i32
        %mul3A_1054 = arith.muli %scan3A_987, %mul3A_1053 : i32
        %add3A_1055 = arith.constant 4 : i32
        %add3A_1056 = arith.addi %mul3A_1054, %add3A_1055 : i32
        %get3A_1057 = arith.constant 0 : i32
        %get3A_1058 = arith.index_cast %get3A_1057 : i32 to index
        %get3A_1059 = arith.index_cast %add3A_1056 : i32 to index
        %get3A_1060 = arith.constant 0 : index
        %get3A_1061 = tpu.vector_load %arg6[%get3A_1058, %get3A_1059, %get3A_1060] {strides = array<i32>} : memref<2x256x128xf32, #tpu.memory_space<vmem>>, vector<1x1x16xf32>,
        %get3A_1062 = vector.shape_cast %get3A_1061 : vector<1x1x16xf32> to vector<16xf32>
        %mul3A_1063 = arith.mulf %get3A_86, %get3A_1062 : vector<16xf32>
        %gt3A_1064 = arith.cmpf ogt, %mul3A_1063, %max3A_1051 : vector<16xf32>
        %min3A_1065 = arith.minimumf %max3A_1051, %mul3A_1063 : vector<16xf32>
        %max3A_1066 = arith.maximumf %max3A_1050, %min3A_1065 : vector<16xf32>
        %max3A_1067 = arith.maximumf %max3A_1051, %mul3A_1063 : vector<16xf32>
        %select_n3A_1068 = arith.select %gt3A_1064, %broadcast_in_dim3A_26, %select_n3A_1052 : vector<16xi1>, vector<16xi32>
        %mul3A_1069 = arith.constant 8 : i32
        %mul3A_1070 = arith.muli %scan3A_987, %mul3A_1069 : i32
        %add3A_1071 = arith.constant 5 : i32
        %add3A_1072 = arith.addi %mul3A_1070, %add3A_1071 : i32
        %get3A_1073 = arith.constant 0 : i32
        %get3A_1074 = arith.index_cast %get3A_1073 : i32 to index
        %get3A_1075 = arith.index_cast %add3A_1072 : i32 to index
        %get3A_1076 = arith.constant 0 : index
        %get3A_1077 = tpu.vector_load %arg6[%get3A_1074, %get3A_1075, %get3A_1076] {strides = array<i32>} : memref<2x256x128xf32, #tpu.memory_space<vmem>>, vector<1x1x16xf32>,
        %get3A_1078 = vector.shape_cast %get3A_1077 : vector<1x1x16xf32> to vector<16xf32>
        %mul3A_1079 = arith.mulf %get3A_86, %get3A_1078 : vector<16xf32>
        %gt3A_1080 = arith.cmpf ogt, %mul3A_1079, %max3A_1067 : vector<16xf32>
        %min3A_1081 = arith.minimumf %max3A_1067, %mul3A_1079 : vector<16xf32>
        %max3A_1082 = arith.maximumf %max3A_1066, %min3A_1081 : vector<16xf32>
        %max3A_1083 = arith.maximumf %max3A_1067, %mul3A_1079 : vector<16xf32>
        %select_n3A_1084 = arith.select %gt3A_1080, %broadcast_in_dim3A_28, %select_n3A_1068 : vector<16xi1>, vector<16xi32>
        %mul3A_1085 = arith.constant 8 : i32
        %mul3A_1086 = arith.muli %scan3A_987, %mul3A_1085 : i32
        %add3A_1087 = arith.constant 6 : i32
        %add3A_1088 = arith.addi %mul3A_1086, %add3A_1087 : i32
        %get3A_1089 = arith.constant 0 : i32
        %get3A_1090 = arith.index_cast %get3A_1089 : i32 to index
        %get3A_1091 = arith.index_cast %add3A_1088 : i32 to index
        %get3A_1092 = arith.constant 0 : index
        %get3A_1093 = tpu.vector_load %arg6[%get3A_1090, %get3A_1091, %get3A_1092] {strides = array<i32>} : memref<2x256x128xf32, #tpu.memory_space<vmem>>, vector<1x1x16xf32>,
        %get3A_1094 = vector.shape_cast %get3A_1093 : vector<1x1x16xf32> to vector<16xf32>
        %mul3A_1095 = arith.mulf %get3A_86, %get3A_1094 : vector<16xf32>
        %gt3A_1096 = arith.cmpf ogt, %mul3A_1095, %max3A_1083 : vector<16xf32>
        %min3A_1097 = arith.minimumf %max3A_1083, %mul3A_1095 : vector<16xf32>
        %max3A_1098 = arith.maximumf %max3A_1082, %min3A_1097 : vector<16xf32>
        %max3A_1099 = arith.maximumf %max3A_1083, %mul3A_1095 : vector<16xf32>
        %select_n3A_1100 = arith.select %gt3A_1096, %broadcast_in_dim3A_30, %select_n3A_1084 : vector<16xi1>, vector<16xi32>
        %mul3A_1101 = arith.constant 8 : i32
        %mul3A_1102 = arith.muli %scan3A_987, %mul3A_1101 : i32
        %add3A_1103 = arith.constant 7 : i32
        %add3A_1104 = arith.addi %mul3A_1102, %add3A_1103 : i32
        %get3A_1105 = arith.constant 0 : i32
        %get3A_1106 = arith.index_cast %get3A_1105 : i32 to index
        %get3A_1107 = arith.index_cast %add3A_1104 : i32 to index
        %get3A_1108 = arith.constant 0 : index
        %get3A_1109 = tpu.vector_load %arg6[%get3A_1106, %get3A_1107, %get3A_1108] {strides = array<i32>} : memref<2x256x128xf32, #tpu.memory_space<vmem>>, vector<1x1x16xf32>,
        %get3A_1110 = vector.shape_cast %get3A_1109 : vector<1x1x16xf32> to vector<16xf32>
        %mul3A_1111 = arith.mulf %get3A_86, %get3A_1110 : vector<16xf32>
        %gt3A_1112 = arith.cmpf ogt, %mul3A_1111, %max3A_1099 : vector<16xf32>
        %min3A_1113 = arith.minimumf %max3A_1099, %mul3A_1111 : vector<16xf32>
        %max3A_1114 = arith.maximumf %max3A_1098, %min3A_1113 : vector<16xf32>
        %max3A_1115 = arith.maximumf %max3A_1099, %mul3A_1111 : vector<16xf32>
        %select_n3A_1116 = arith.select %gt3A_1112, %broadcast_in_dim3A_32, %select_n3A_1100 : vector<16xi1>, vector<16xi32>
        %add3A_1117 = arith.constant 0 : i32
        %add3A_1118 = arith.addi %add3A_1117, %scan3A_987 : i32
        %broadcast_in_dim3A_1119 = vector.broadcast %add3A_1118 : i32 to vector<16xi32>
        %ne3A_1120 = arith.cmpf one, %max3A_1115, %scan3A_988 : vector<16xf32>
        %select_n3A_1121 = arith.select %ne3A_1120, %broadcast_in_dim3A_1119, %scan3A_990 : vector<16xi1>, vector<16xi32>
        scf.yield %max3A_1115, %max3A_1114, %select_n3A_1121, %select_n3A_1116 : vector<16xf32>, vector<16xf32>, vector<16xi32>, vector<16xi32>
      }
      %scan3A_100 = arith.constant 32 : i32
      %swap3A = arith.constant 0 : i32
      %swap3A_101 = arith.constant 0 : i32
      %swap3A_102 = arith.index_cast %swap3A : i32 to index
      %swap3A_103 = arith.index_cast %swap3A_101 : i32 to index
      %swap3A_104 = arith.constant 0 : index
      %swap3A_105 = tpu.vector_load %arg8[%swap3A_102, %swap3A_103, %swap3A_104] {strides = array<i32>} : memref<2x8x16xf32, #tpu.memory_space<vmem>>, vector<1x1x16xf32>,
      %swap3A_106 = vector.shape_cast %swap3A_105 : vector<1x1x16xf32> to vector<16xf32>
      %swap3A_107 = vector.shape_cast %scan3A_99#0 : vector<16xf32> to vector<1x1x16xf32>
      tpu.vector_store %arg8[%swap3A_102, %swap3A_103, %swap3A_104], %swap3A_107 {strides = array<i32>} : memref<2x8x16xf32, #tpu.memory_space<vmem>>, vector<1x1x16xf32>,
      %swap3A_108 = arith.constant 1 : i32
      %swap3A_109 = arith.constant 0 : i32
      %swap3A_110 = arith.index_cast %swap3A_108 : i32 to index
      %swap3A_111 = arith.index_cast %swap3A_109 : i32 to index
      %swap3A_112 = arith.constant 0 : index
      %swap3A_113 = tpu.vector_load %arg8[%swap3A_110, %swap3A_111, %swap3A_112] {strides = array<i32>} : memref<2x8x16xf32, #tpu.memory_space<vmem>>, vector<1x1x16xf32>,
      %swap3A_114 = vector.shape_cast %swap3A_113 : vector<1x1x16xf32> to vector<16xf32>
      %swap3A_115 = vector.shape_cast %scan3A_99#1 : vector<16xf32> to vector<1x1x16xf32>
      tpu.vector_store %arg8[%swap3A_110, %swap3A_111, %swap3A_112], %swap3A_115 {strides = array<i32>} : memref<2x8x16xf32, #tpu.memory_space<vmem>>, vector<1x1x16xf32>,
      %swap3A_116 = arith.constant 0 : i32
      %swap3A_117 = arith.constant 0 : i32
      %swap3A_118 = arith.index_cast %swap3A_116 : i32 to index
      %swap3A_119 = arith.index_cast %swap3A_117 : i32 to index
      %swap3A_120 = arith.constant 0 : index
      %swap3A_121 = tpu.vector_load %arg9[%swap3A_118, %swap3A_119, %swap3A_120] {strides = array<i32>} : memref<2x8x16xi32, #tpu.memory_space<vmem>>, vector<1x1x16xi32>,
      %swap3A_122 = vector.shape_cast %swap3A_121 : vector<1x1x16xi32> to vector<16xi32>
      %swap3A_123 = vector.shape_cast %scan3A_99#2 : vector<16xi32> to vector<1x1x16xi32>
      tpu.vector_store %arg9[%swap3A_118, %swap3A_119, %swap3A_120], %swap3A_123 {strides = array<i32>} : memref<2x8x16xi32, #tpu.memory_space<vmem>>, vector<1x1x16xi32>,
      %swap3A_124 = arith.constant 1 : i32
      %swap3A_125 = arith.constant 0 : i32
      %swap3A_126 = arith.index_cast %swap3A_124 : i32 to index
      %swap3A_127 = arith.index_cast %swap3A_125 : i32 to index
      %swap3A_128 = arith.constant 0 : index
      %swap3A_129 = tpu.vector_load %arg9[%swap3A_126, %swap3A_127, %swap3A_128] {strides = array<i32>} : memref<2x8x16xi32, #tpu.memory_space<vmem>>, vector<1x1x16xi32>,
      %swap3A_130 = vector.shape_cast %swap3A_129 : vector<1x1x16xi32> to vector<16xi32>
      %swap3A_131 = vector.shape_cast %scan3A_99#3 : vector<16xi32> to vector<1x1x16xi32>
      tpu.vector_store %arg9[%swap3A_126, %swap3A_127, %swap3A_128], %swap3A_131 {strides = array<i32>} : memref<2x8x16xi32, #tpu.memory_space<vmem>>, vector<1x1x16xi32>,
      %get3A_132 = arith.index_cast %select_n3A : i32 to index
      %get3A_133 = arith.constant 16 : index
      %get3A_134 = tpu.vector_load %arg7[%get3A_132, %get3A_133] {strides = array<i32>} : memref<4x128xf32, #tpu.memory_space<vmem>>, vector<1x16xf32>,
      %get3A_135 = vector.shape_cast %get3A_134 : vector<1x16xf32> to vector<16xf32>
      %broadcast_in_dim3A_136 = arith.constant 0xFF800000 : f32
      %broadcast_in_dim3A_137 = vector.broadcast %broadcast_in_dim3A_136 : f32 to vector<16xf32>
      %broadcast_in_dim3A_138 = arith.constant 0xFF800000 : f32
      %broadcast_in_dim3A_139 = vector.broadcast %broadcast_in_dim3A_138 : f32 to vector<16xf32>
      %broadcast_in_dim3A_140 = arith.constant 0 : i32
      %broadcast_in_dim3A_141 = vector.broadcast %broadcast_in_dim3A_140 : i32 to vector<16xi32>
      %broadcast_in_dim3A_142 = arith.constant 0 : i32
      %broadcast_in_dim3A_143 = vector.broadcast %broadcast_in_dim3A_142 : i32 to vector<16xi32>
      %scan3A_144 = arith.constant 0 : i32
      %scan3A_145 = arith.constant 32 : i32
      %scan3A_146 = arith.addi %scan3A_144, %scan3A_145 : i32
      %scan3A_147 = arith.constant 1 : i32
      %scan3A_148:4 = scf.for %scan3A_987 = %scan3A_144 to %scan3A_146 step %scan3A_147 iter_args(%scan3A_988 = %broadcast_in_dim3A_137, %scan3A_989 = %broadcast_in_dim3A_139, %scan3A_990 = %broadcast_in_dim3A_141, %scan3A_991 = %broadcast_in_dim3A_143) -> (vector<16xf32>, vector<16xf32>, vector<16xi32>, vector<16xi32>)  : i32 {
        %mul3A_992 = arith.constant 8 : i32
        %mul3A_993 = arith.muli %scan3A_987, %mul3A_992 : i32
        %add3A_994 = arith.constant 0 : i32
        %add3A_995 = arith.addi %mul3A_993, %add3A_994 : i32
        %get3A_996 = arith.constant 0 : i32
        %get3A_997 = arith.index_cast %get3A_996 : i32 to index
        %get3A_998 = arith.index_cast %add3A_995 : i32 to index
        %get3A_999 = arith.constant 16 : index
        %get3A_1000 = tpu.vector_load %arg6[%get3A_997, %get3A_998, %get3A_999] {strides = array<i32>} : memref<2x256x128xf32, #tpu.memory_space<vmem>>, vector<1x1x16xf32>,
        %get3A_1001 = vector.shape_cast %get3A_1000 : vector<1x1x16xf32> to vector<16xf32>
        %mul3A_1002 = arith.mulf %get3A_135, %get3A_1001 : vector<16xf32>
        %gt3A = arith.cmpf ogt, %mul3A_1002, %scan3A_988 : vector<16xf32>
        %min3A = arith.minimumf %scan3A_988, %mul3A_1002 : vector<16xf32>
        %max3A = arith.maximumf %scan3A_989, %min3A : vector<16xf32>
        %max3A_1003 = arith.maximumf %scan3A_988, %mul3A_1002 : vector<16xf32>
        %select_n3A_1004 = arith.select %gt3A, %broadcast_in_dim3A_18, %scan3A_991 : vector<16xi1>, vector<16xi32>
        %mul3A_1005 = arith.constant 8 : i32
        %mul3A_1006 = arith.muli %scan3A_987, %mul3A_1005 : i32
        %add3A_1007 = arith.constant 1 : i32
        %add3A_1008 = arith.addi %mul3A_1006, %add3A_1007 : i32
        %get3A_1009 = arith.constant 0 : i32
        %get3A_1010 = arith.index_cast %get3A_1009 : i32 to index
        %get3A_1011 = arith.index_cast %add3A_1008 : i32 to index
        %get3A_1012 = arith.constant 16 : index
        %get3A_1013 = tpu.vector_load %arg6[%get3A_1010, %get3A_1011, %get3A_1012] {strides = array<i32>} : memref<2x256x128xf32, #tpu.memory_space<vmem>>, vector<1x1x16xf32>,
        %get3A_1014 = vector.shape_cast %get3A_1013 : vector<1x1x16xf32> to vector<16xf32>
        %mul3A_1015 = arith.mulf %get3A_135, %get3A_1014 : vector<16xf32>
        %gt3A_1016 = arith.cmpf ogt, %mul3A_1015, %max3A_1003 : vector<16xf32>
        %min3A_1017 = arith.minimumf %max3A_1003, %mul3A_1015 : vector<16xf32>
        %max3A_1018 = arith.maximumf %max3A, %min3A_1017 : vector<16xf32>
        %max3A_1019 = arith.maximumf %max3A_1003, %mul3A_1015 : vector<16xf32>
        %select_n3A_1020 = arith.select %gt3A_1016, %broadcast_in_dim3A_20, %select_n3A_1004 : vector<16xi1>, vector<16xi32>
        %mul3A_1021 = arith.constant 8 : i32
        %mul3A_1022 = arith.muli %scan3A_987, %mul3A_1021 : i32
        %add3A_1023 = arith.constant 2 : i32
        %add3A_1024 = arith.addi %mul3A_1022, %add3A_1023 : i32
        %get3A_1025 = arith.constant 0 : i32
        %get3A_1026 = arith.index_cast %get3A_1025 : i32 to index
        %get3A_1027 = arith.index_cast %add3A_1024 : i32 to index
        %get3A_1028 = arith.constant 16 : index
        %get3A_1029 = tpu.vector_load %arg6[%get3A_1026, %get3A_1027, %get3A_1028] {strides = array<i32>} : memref<2x256x128xf32, #tpu.memory_space<vmem>>, vector<1x1x16xf32>,
        %get3A_1030 = vector.shape_cast %get3A_1029 : vector<1x1x16xf32> to vector<16xf32>
        %mul3A_1031 = arith.mulf %get3A_135, %get3A_1030 : vector<16xf32>
        %gt3A_1032 = arith.cmpf ogt, %mul3A_1031, %max3A_1019 : vector<16xf32>
        %min3A_1033 = arith.minimumf %max3A_1019, %mul3A_1031 : vector<16xf32>
        %max3A_1034 = arith.maximumf %max3A_1018, %min3A_1033 : vector<16xf32>
        %max3A_1035 = arith.maximumf %max3A_1019, %mul3A_1031 : vector<16xf32>
        %select_n3A_1036 = arith.select %gt3A_1032, %broadcast_in_dim3A_22, %select_n3A_1020 : vector<16xi1>, vector<16xi32>
        %mul3A_1037 = arith.constant 8 : i32
        %mul3A_1038 = arith.muli %scan3A_987, %mul3A_1037 : i32
        %add3A_1039 = arith.constant 3 : i32
        %add3A_1040 = arith.addi %mul3A_1038, %add3A_1039 : i32
        %get3A_1041 = arith.constant 0 : i32
        %get3A_1042 = arith.index_cast %get3A_1041 : i32 to index
        %get3A_1043 = arith.index_cast %add3A_1040 : i32 to index
        %get3A_1044 = arith.constant 16 : index
        %get3A_1045 = tpu.vector_load %arg6[%get3A_1042, %get3A_1043, %get3A_1044] {strides = array<i32>} : memref<2x256x128xf32, #tpu.memory_space<vmem>>, vector<1x1x16xf32>,
        %get3A_1046 = vector.shape_cast %get3A_1045 : vector<1x1x16xf32> to vector<16xf32>
        %mul3A_1047 = arith.mulf %get3A_135, %get3A_1046 : vector<16xf32>
        %gt3A_1048 = arith.cmpf ogt, %mul3A_1047, %max3A_1035 : vector<16xf32>
        %min3A_1049 = arith.minimumf %max3A_1035, %mul3A_1047 : vector<16xf32>
        %max3A_1050 = arith.maximumf %max3A_1034, %min3A_1049 : vector<16xf32>
        %max3A_1051 = arith.maximumf %max3A_1035, %mul3A_1047 : vector<16xf32>
        %select_n3A_1052 = arith.select %gt3A_1048, %broadcast_in_dim3A_24, %select_n3A_1036 : vector<16xi1>, vector<16xi32>
        %mul3A_1053 = arith.constant 8 : i32
        %mul3A_1054 = arith.muli %scan3A_987, %mul3A_1053 : i32
        %add3A_1055 = arith.constant 4 : i32
        %add3A_1056 = arith.addi %mul3A_1054, %add3A_1055 : i32
        %get3A_1057 = arith.constant 0 : i32
        %get3A_1058 = arith.index_cast %get3A_1057 : i32 to index
        %get3A_1059 = arith.index_cast %add3A_1056 : i32 to index
        %get3A_1060 = arith.constant 16 : index
        %get3A_1061 = tpu.vector_load %arg6[%get3A_1058, %get3A_1059, %get3A_1060] {strides = array<i32>} : memref<2x256x128xf32, #tpu.memory_space<vmem>>, vector<1x1x16xf32>,
        %get3A_1062 = vector.shape_cast %get3A_1061 : vector<1x1x16xf32> to vector<16xf32>
        %mul3A_1063 = arith.mulf %get3A_135, %get3A_1062 : vector<16xf32>
        %gt3A_1064 = arith.cmpf ogt, %mul3A_1063, %max3A_1051 : vector<16xf32>
        %min3A_1065 = arith.minimumf %max3A_1051, %mul3A_1063 : vector<16xf32>
        %max3A_1066 = arith.maximumf %max3A_1050, %min3A_1065 : vector<16xf32>
        %max3A_1067 = arith.maximumf %max3A_1051, %mul3A_1063 : vector<16xf32>
        %select_n3A_1068 = arith.select %gt3A_1064, %broadcast_in_dim3A_26, %select_n3A_1052 : vector<16xi1>, vector<16xi32>
        %mul3A_1069 = arith.constant 8 : i32
        %mul3A_1070 = arith.muli %scan3A_987, %mul3A_1069 : i32
        %add3A_1071 = arith.constant 5 : i32
        %add3A_1072 = arith.addi %mul3A_1070, %add3A_1071 : i32
        %get3A_1073 = arith.constant 0 : i32
        %get3A_1074 = arith.index_cast %get3A_1073 : i32 to index
        %get3A_1075 = arith.index_cast %add3A_1072 : i32 to index
        %get3A_1076 = arith.constant 16 : index
        %get3A_1077 = tpu.vector_load %arg6[%get3A_1074, %get3A_1075, %get3A_1076] {strides = array<i32>} : memref<2x256x128xf32, #tpu.memory_space<vmem>>, vector<1x1x16xf32>,
        %get3A_1078 = vector.shape_cast %get3A_1077 : vector<1x1x16xf32> to vector<16xf32>
        %mul3A_1079 = arith.mulf %get3A_135, %get3A_1078 : vector<16xf32>
        %gt3A_1080 = arith.cmpf ogt, %mul3A_1079, %max3A_1067 : vector<16xf32>
        %min3A_1081 = arith.minimumf %max3A_1067, %mul3A_1079 : vector<16xf32>
        %max3A_1082 = arith.maximumf %max3A_1066, %min3A_1081 : vector<16xf32>
        %max3A_1083 = arith.maximumf %max3A_1067, %mul3A_1079 : vector<16xf32>
        %select_n3A_1084 = arith.select %gt3A_1080, %broadcast_in_dim3A_28, %select_n3A_1068 : vector<16xi1>, vector<16xi32>
        %mul3A_1085 = arith.constant 8 : i32
        %mul3A_1086 = arith.muli %scan3A_987, %mul3A_1085 : i32
        %add3A_1087 = arith.constant 6 : i32
        %add3A_1088 = arith.addi %mul3A_1086, %add3A_1087 : i32
        %get3A_1089 = arith.constant 0 : i32
        %get3A_1090 = arith.index_cast %get3A_1089 : i32 to index
        %get3A_1091 = arith.index_cast %add3A_1088 : i32 to index
        %get3A_1092 = arith.constant 16 : index
        %get3A_1093 = tpu.vector_load %arg6[%get3A_1090, %get3A_1091, %get3A_1092] {strides = array<i32>} : memref<2x256x128xf32, #tpu.memory_space<vmem>>, vector<1x1x16xf32>,
        %get3A_1094 = vector.shape_cast %get3A_1093 : vector<1x1x16xf32> to vector<16xf32>
        %mul3A_1095 = arith.mulf %get3A_135, %get3A_1094 : vector<16xf32>
        %gt3A_1096 = arith.cmpf ogt, %mul3A_1095, %max3A_1083 : vector<16xf32>
        %min3A_1097 = arith.minimumf %max3A_1083, %mul3A_1095 : vector<16xf32>
        %max3A_1098 = arith.maximumf %max3A_1082, %min3A_1097 : vector<16xf32>
        %max3A_1099 = arith.maximumf %max3A_1083, %mul3A_1095 : vector<16xf32>
        %select_n3A_1100 = arith.select %gt3A_1096, %broadcast_in_dim3A_30, %select_n3A_1084 : vector<16xi1>, vector<16xi32>
        %mul3A_1101 = arith.constant 8 : i32
        %mul3A_1102 = arith.muli %scan3A_987, %mul3A_1101 : i32
        %add3A_1103 = arith.constant 7 : i32
        %add3A_1104 = arith.addi %mul3A_1102, %add3A_1103 : i32
        %get3A_1105 = arith.constant 0 : i32
        %get3A_1106 = arith.index_cast %get3A_1105 : i32 to index
        %get3A_1107 = arith.index_cast %add3A_1104 : i32 to index
        %get3A_1108 = arith.constant 16 : index
        %get3A_1109 = tpu.vector_load %arg6[%get3A_1106, %get3A_1107, %get3A_1108] {strides = array<i32>} : memref<2x256x128xf32, #tpu.memory_space<vmem>>, vector<1x1x16xf32>,
        %get3A_1110 = vector.shape_cast %get3A_1109 : vector<1x1x16xf32> to vector<16xf32>
        %mul3A_1111 = arith.mulf %get3A_135, %get3A_1110 : vector<16xf32>
        %gt3A_1112 = arith.cmpf ogt, %mul3A_1111, %max3A_1099 : vector<16xf32>
        %min3A_1113 = arith.minimumf %max3A_1099, %mul3A_1111 : vector<16xf32>
        %max3A_1114 = arith.maximumf %max3A_1098, %min3A_1113 : vector<16xf32>
        %max3A_1115 = arith.maximumf %max3A_1099, %mul3A_1111 : vector<16xf32>
        %select_n3A_1116 = arith.select %gt3A_1112, %broadcast_in_dim3A_32, %select_n3A_1100 : vector<16xi1>, vector<16xi32>
        %add3A_1117 = arith.constant 0 : i32
        %add3A_1118 = arith.addi %add3A_1117, %scan3A_987 : i32
        %broadcast_in_dim3A_1119 = vector.broadcast %add3A_1118 : i32 to vector<16xi32>
        %ne3A_1120 = arith.cmpf one, %max3A_1115, %scan3A_988 : vector<16xf32>
        %select_n3A_1121 = arith.select %ne3A_1120, %broadcast_in_dim3A_1119, %scan3A_990 : vector<16xi1>, vector<16xi32>
        scf.yield %max3A_1115, %max3A_1114, %select_n3A_1121, %select_n3A_1116 : vector<16xf32>, vector<16xf32>, vector<16xi32>, vector<16xi32>
      }
      %scan3A_149 = arith.constant 32 : i32
      %swap3A_150 = arith.constant 0 : i32
      %swap3A_151 = arith.constant 1 : i32
      %swap3A_152 = arith.index_cast %swap3A_150 : i32 to index
      %swap3A_153 = arith.index_cast %swap3A_151 : i32 to index
      %swap3A_154 = arith.constant 0 : index
      %swap3A_155 = tpu.vector_load %arg8[%swap3A_152, %swap3A_153, %swap3A_154] {strides = array<i32>} : memref<2x8x16xf32, #tpu.memory_space<vmem>>, vector<1x1x16xf32>,
      %swap3A_156 = vector.shape_cast %swap3A_155 : vector<1x1x16xf32> to vector<16xf32>
      %swap3A_157 = vector.shape_cast %scan3A_148#0 : vector<16xf32> to vector<1x1x16xf32>
      tpu.vector_store %arg8[%swap3A_152, %swap3A_153, %swap3A_154], %swap3A_157 {strides = array<i32>} : memref<2x8x16xf32, #tpu.memory_space<vmem>>, vector<1x1x16xf32>,
      %swap3A_158 = arith.constant 1 : i32
      %swap3A_159 = arith.constant 1 : i32
      %swap3A_160 = arith.index_cast %swap3A_158 : i32 to index
      %swap3A_161 = arith.index_cast %swap3A_159 : i32 to index
      %swap3A_162 = arith.constant 0 : index
      %swap3A_163 = tpu.vector_load %arg8[%swap3A_160, %swap3A_161, %swap3A_162] {strides = array<i32>} : memref<2x8x16xf32, #tpu.memory_space<vmem>>, vector<1x1x16xf32>,
      %swap3A_164 = vector.shape_cast %swap3A_163 : vector<1x1x16xf32> to vector<16xf32>
      %swap3A_165 = vector.shape_cast %scan3A_148#1 : vector<16xf32> to vector<1x1x16xf32>
      tpu.vector_store %arg8[%swap3A_160, %swap3A_161, %swap3A_162], %swap3A_165 {strides = array<i32>} : memref<2x8x16xf32, #tpu.memory_space<vmem>>, vector<1x1x16xf32>,
      %swap3A_166 = arith.constant 0 : i32
      %swap3A_167 = arith.constant 1 : i32
      %swap3A_168 = arith.index_cast %swap3A_166 : i32 to index
      %swap3A_169 = arith.index_cast %swap3A_167 : i32 to index
      %swap3A_170 = arith.constant 0 : index
      %swap3A_171 = tpu.vector_load %arg9[%swap3A_168, %swap3A_169, %swap3A_170] {strides = array<i32>} : memref<2x8x16xi32, #tpu.memory_space<vmem>>, vector<1x1x16xi32>,
      %swap3A_172 = vector.shape_cast %swap3A_171 : vector<1x1x16xi32> to vector<16xi32>
      %swap3A_173 = vector.shape_cast %scan3A_148#2 : vector<16xi32> to vector<1x1x16xi32>
      tpu.vector_store %arg9[%swap3A_168, %swap3A_169, %swap3A_170], %swap3A_173 {strides = array<i32>} : memref<2x8x16xi32, #tpu.memory_space<vmem>>, vector<1x1x16xi32>,
      %swap3A_174 = arith.constant 1 : i32
      %swap3A_175 = arith.constant 1 : i32
      %swap3A_176 = arith.index_cast %swap3A_174 : i32 to index
      %swap3A_177 = arith.index_cast %swap3A_175 : i32 to index
      %swap3A_178 = arith.constant 0 : index
      %swap3A_179 = tpu.vector_load %arg9[%swap3A_176, %swap3A_177, %swap3A_178] {strides = array<i32>} : memref<2x8x16xi32, #tpu.memory_space<vmem>>, vector<1x1x16xi32>,
      %swap3A_180 = vector.shape_cast %swap3A_179 : vector<1x1x16xi32> to vector<16xi32>
      %swap3A_181 = vector.shape_cast %scan3A_148#3 : vector<16xi32> to vector<1x1x16xi32>
      tpu.vector_store %arg9[%swap3A_176, %swap3A_177, %swap3A_178], %swap3A_181 {strides = array<i32>} : memref<2x8x16xi32, #tpu.memory_space<vmem>>, vector<1x1x16xi32>,
      %get3A_182 = arith.index_cast %select_n3A : i32 to index
      %get3A_183 = arith.constant 32 : index
      %get3A_184 = tpu.vector_load %arg7[%get3A_182, %get3A_183] {strides = array<i32>} : memref<4x128xf32, #tpu.memory_space<vmem>>, vector<1x16xf32>,
      %get3A_185 = vector.shape_cast %get3A_184 : vector<1x16xf32> to vector<16xf32>
      %broadcast_in_dim3A_186 = arith.constant 0xFF800000 : f32
      %broadcast_in_dim3A_187 = vector.broadcast %broadcast_in_dim3A_186 : f32 to vector<16xf32>
      %broadcast_in_dim3A_188 = arith.constant 0xFF800000 : f32
      %broadcast_in_dim3A_189 = vector.broadcast %broadcast_in_dim3A_188 : f32 to vector<16xf32>
      %broadcast_in_dim3A_190 = arith.constant 0 : i32
      %broadcast_in_dim3A_191 = vector.broadcast %broadcast_in_dim3A_190 : i32 to vector<16xi32>
      %broadcast_in_dim3A_192 = arith.constant 0 : i32
      %broadcast_in_dim3A_193 = vector.broadcast %broadcast_in_dim3A_192 : i32 to vector<16xi32>
      %scan3A_194 = arith.constant 0 : i32
      %scan3A_195 = arith.constant 32 : i32
      %scan3A_196 = arith.addi %scan3A_194, %scan3A_195 : i32
      %scan3A_197 = arith.constant 1 : i32
      %scan3A_198:4 = scf.for %scan3A_987 = %scan3A_194 to %scan3A_196 step %scan3A_197 iter_args(%scan3A_988 = %broadcast_in_dim3A_187, %scan3A_989 = %broadcast_in_dim3A_189, %scan3A_990 = %broadcast_in_dim3A_191, %scan3A_991 = %broadcast_in_dim3A_193) -> (vector<16xf32>, vector<16xf32>, vector<16xi32>, vector<16xi32>)  : i32 {
        %mul3A_992 = arith.constant 8 : i32
        %mul3A_993 = arith.muli %scan3A_987, %mul3A_992 : i32
        %add3A_994 = arith.constant 0 : i32
        %add3A_995 = arith.addi %mul3A_993, %add3A_994 : i32
        %get3A_996 = arith.constant 0 : i32
        %get3A_997 = arith.index_cast %get3A_996 : i32 to index
        %get3A_998 = arith.index_cast %add3A_995 : i32 to index
        %get3A_999 = arith.constant 32 : index
        %get3A_1000 = tpu.vector_load %arg6[%get3A_997, %get3A_998, %get3A_999] {strides = array<i32>} : memref<2x256x128xf32, #tpu.memory_space<vmem>>, vector<1x1x16xf32>,
        %get3A_1001 = vector.shape_cast %get3A_1000 : vector<1x1x16xf32> to vector<16xf32>
        %mul3A_1002 = arith.mulf %get3A_185, %get3A_1001 : vector<16xf32>
        %gt3A = arith.cmpf ogt, %mul3A_1002, %scan3A_988 : vector<16xf32>
        %min3A = arith.minimumf %scan3A_988, %mul3A_1002 : vector<16xf32>
        %max3A = arith.maximumf %scan3A_989, %min3A : vector<16xf32>
        %max3A_1003 = arith.maximumf %scan3A_988, %mul3A_1002 : vector<16xf32>
        %select_n3A_1004 = arith.select %gt3A, %broadcast_in_dim3A_18, %scan3A_991 : vector<16xi1>, vector<16xi32>
        %mul3A_1005 = arith.constant 8 : i32
        %mul3A_1006 = arith.muli %scan3A_987, %mul3A_1005 : i32
        %add3A_1007 = arith.constant 1 : i32
        %add3A_1008 = arith.addi %mul3A_1006, %add3A_1007 : i32
        %get3A_1009 = arith.constant 0 : i32
        %get3A_1010 = arith.index_cast %get3A_1009 : i32 to index
        %get3A_1011 = arith.index_cast %add3A_1008 : i32 to index
        %get3A_1012 = arith.constant 32 : index
        %get3A_1013 = tpu.vector_load %arg6[%get3A_1010, %get3A_1011, %get3A_1012] {strides = array<i32>} : memref<2x256x128xf32, #tpu.memory_space<vmem>>, vector<1x1x16xf32>,
        %get3A_1014 = vector.shape_cast %get3A_1013 : vector<1x1x16xf32> to vector<16xf32>
        %mul3A_1015 = arith.mulf %get3A_185, %get3A_1014 : vector<16xf32>
        %gt3A_1016 = arith.cmpf ogt, %mul3A_1015, %max3A_1003 : vector<16xf32>
        %min3A_1017 = arith.minimumf %max3A_1003, %mul3A_1015 : vector<16xf32>
        %max3A_1018 = arith.maximumf %max3A, %min3A_1017 : vector<16xf32>
        %max3A_1019 = arith.maximumf %max3A_1003, %mul3A_1015 : vector<16xf32>
        %select_n3A_1020 = arith.select %gt3A_1016, %broadcast_in_dim3A_20, %select_n3A_1004 : vector<16xi1>, vector<16xi32>
        %mul3A_1021 = arith.constant 8 : i32
        %mul3A_1022 = arith.muli %scan3A_987, %mul3A_1021 : i32
        %add3A_1023 = arith.constant 2 : i32
        %add3A_1024 = arith.addi %mul3A_1022, %add3A_1023 : i32
        %get3A_1025 = arith.constant 0 : i32
        %get3A_1026 = arith.index_cast %get3A_1025 : i32 to index
        %get3A_1027 = arith.index_cast %add3A_1024 : i32 to index
        %get3A_1028 = arith.constant 32 : index
        %get3A_1029 = tpu.vector_load %arg6[%get3A_1026, %get3A_1027, %get3A_1028] {strides = array<i32>} : memref<2x256x128xf32, #tpu.memory_space<vmem>>, vector<1x1x16xf32>,
        %get3A_1030 = vector.shape_cast %get3A_1029 : vector<1x1x16xf32> to vector<16xf32>
        %mul3A_1031 = arith.mulf %get3A_185, %get3A_1030 : vector<16xf32>
        %gt3A_1032 = arith.cmpf ogt, %mul3A_1031, %max3A_1019 : vector<16xf32>
        %min3A_1033 = arith.minimumf %max3A_1019, %mul3A_1031 : vector<16xf32>
        %max3A_1034 = arith.maximumf %max3A_1018, %min3A_1033 : vector<16xf32>
        %max3A_1035 = arith.maximumf %max3A_1019, %mul3A_1031 : vector<16xf32>
        %select_n3A_1036 = arith.select %gt3A_1032, %broadcast_in_dim3A_22, %select_n3A_1020 : vector<16xi1>, vector<16xi32>
        %mul3A_1037 = arith.constant 8 : i32
        %mul3A_1038 = arith.muli %scan3A_987, %mul3A_1037 : i32
        %add3A_1039 = arith.constant 3 : i32
        %add3A_1040 = arith.addi %mul3A_1038, %add3A_1039 : i32
        %get3A_1041 = arith.constant 0 : i32
        %get3A_1042 = arith.index_cast %get3A_1041 : i32 to index
        %get3A_1043 = arith.index_cast %add3A_1040 : i32 to index
        %get3A_1044 = arith.constant 32 : index
        %get3A_1045 = tpu.vector_load %arg6[%get3A_1042, %get3A_1043, %get3A_1044] {strides = array<i32>} : memref<2x256x128xf32, #tpu.memory_space<vmem>>, vector<1x1x16xf32>,
        %get3A_1046 = vector.shape_cast %get3A_1045 : vector<1x1x16xf32> to vector<16xf32>
        %mul3A_1047 = arith.mulf %get3A_185, %get3A_1046 : vector<16xf32>
        %gt3A_1048 = arith.cmpf ogt, %mul3A_1047, %max3A_1035 : vector<16xf32>
        %min3A_1049 = arith.minimumf %max3A_1035, %mul3A_1047 : vector<16xf32>
        %max3A_1050 = arith.maximumf %max3A_1034, %min3A_1049 : vector<16xf32>
        %max3A_1051 = arith.maximumf %max3A_1035, %mul3A_1047 : vector<16xf32>
        %select_n3A_1052 = arith.select %gt3A_1048, %broadcast_in_dim3A_24, %select_n3A_1036 : vector<16xi1>, vector<16xi32>
        %mul3A_1053 = arith.constant 8 : i32
        %mul3A_1054 = arith.muli %scan3A_987, %mul3A_1053 : i32
        %add3A_1055 = arith.constant 4 : i32
        %add3A_1056 = arith.addi %mul3A_1054, %add3A_1055 : i32
        %get3A_1057 = arith.constant 0 : i32
        %get3A_1058 = arith.index_cast %get3A_1057 : i32 to index
        %get3A_1059 = arith.index_cast %add3A_1056 : i32 to index
        %get3A_1060 = arith.constant 32 : index
        %get3A_1061 = tpu.vector_load %arg6[%get3A_1058, %get3A_1059, %get3A_1060] {strides = array<i32>} : memref<2x256x128xf32, #tpu.memory_space<vmem>>, vector<1x1x16xf32>,
        %get3A_1062 = vector.shape_cast %get3A_1061 : vector<1x1x16xf32> to vector<16xf32>
        %mul3A_1063 = arith.mulf %get3A_185, %get3A_1062 : vector<16xf32>
        %gt3A_1064 = arith.cmpf ogt, %mul3A_1063, %max3A_1051 : vector<16xf32>
        %min3A_1065 = arith.minimumf %max3A_1051, %mul3A_1063 : vector<16xf32>
        %max3A_1066 = arith.maximumf %max3A_1050, %min3A_1065 : vector<16xf32>
        %max3A_1067 = arith.maximumf %max3A_1051, %mul3A_1063 : vector<16xf32>
        %select_n3A_1068 = arith.select %gt3A_1064, %broadcast_in_dim3A_26, %select_n3A_1052 : vector<16xi1>, vector<16xi32>
        %mul3A_1069 = arith.constant 8 : i32
        %mul3A_1070 = arith.muli %scan3A_987, %mul3A_1069 : i32
        %add3A_1071 = arith.constant 5 : i32
        %add3A_1072 = arith.addi %mul3A_1070, %add3A_1071 : i32
        %get3A_1073 = arith.constant 0 : i32
        %get3A_1074 = arith.index_cast %get3A_1073 : i32 to index
        %get3A_1075 = arith.index_cast %add3A_1072 : i32 to index
        %get3A_1076 = arith.constant 32 : index
        %get3A_1077 = tpu.vector_load %arg6[%get3A_1074, %get3A_1075, %get3A_1076] {strides = array<i32>} : memref<2x256x128xf32, #tpu.memory_space<vmem>>, vector<1x1x16xf32>,
        %get3A_1078 = vector.shape_cast %get3A_1077 : vector<1x1x16xf32> to vector<16xf32>
        %mul3A_1079 = arith.mulf %get3A_185, %get3A_1078 : vector<16xf32>
        %gt3A_1080 = arith.cmpf ogt, %mul3A_1079, %max3A_1067 : vector<16xf32>
        %min3A_1081 = arith.minimumf %max3A_1067, %mul3A_1079 : vector<16xf32>
        %max3A_1082 = arith.maximumf %max3A_1066, %min3A_1081 : vector<16xf32>
        %max3A_1083 = arith.maximumf %max3A_1067, %mul3A_1079 : vector<16xf32>
        %select_n3A_1084 = arith.select %gt3A_1080, %broadcast_in_dim3A_28, %select_n3A_1068 : vector<16xi1>, vector<16xi32>
        %mul3A_1085 = arith.constant 8 : i32
        %mul3A_1086 = arith.muli %scan3A_987, %mul3A_1085 : i32
        %add3A_1087 = arith.constant 6 : i32
        %add3A_1088 = arith.addi %mul3A_1086, %add3A_1087 : i32
        %get3A_1089 = arith.constant 0 : i32
        %get3A_1090 = arith.index_cast %get3A_1089 : i32 to index
        %get3A_1091 = arith.index_cast %add3A_1088 : i32 to index
        %get3A_1092 = arith.constant 32 : index
        %get3A_1093 = tpu.vector_load %arg6[%get3A_1090, %get3A_1091, %get3A_1092] {strides = array<i32>} : memref<2x256x128xf32, #tpu.memory_space<vmem>>, vector<1x1x16xf32>,
        %get3A_1094 = vector.shape_cast %get3A_1093 : vector<1x1x16xf32> to vector<16xf32>
        %mul3A_1095 = arith.mulf %get3A_185, %get3A_1094 : vector<16xf32>
        %gt3A_1096 = arith.cmpf ogt, %mul3A_1095, %max3A_1083 : vector<16xf32>
        %min3A_1097 = arith.minimumf %max3A_1083, %mul3A_1095 : vector<16xf32>
        %max3A_1098 = arith.maximumf %max3A_1082, %min3A_1097 : vector<16xf32>
        %max3A_1099 = arith.maximumf %max3A_1083, %mul3A_1095 : vector<16xf32>
        %select_n3A_1100 = arith.select %gt3A_1096, %broadcast_in_dim3A_30, %select_n3A_1084 : vector<16xi1>, vector<16xi32>
        %mul3A_1101 = arith.constant 8 : i32
        %mul3A_1102 = arith.muli %scan3A_987, %mul3A_1101 : i32
        %add3A_1103 = arith.constant 7 : i32
        %add3A_1104 = arith.addi %mul3A_1102, %add3A_1103 : i32
        %get3A_1105 = arith.constant 0 : i32
        %get3A_1106 = arith.index_cast %get3A_1105 : i32 to index
        %get3A_1107 = arith.index_cast %add3A_1104 : i32 to index
        %get3A_1108 = arith.constant 32 : index
        %get3A_1109 = tpu.vector_load %arg6[%get3A_1106, %get3A_1107, %get3A_1108] {strides = array<i32>} : memref<2x256x128xf32, #tpu.memory_space<vmem>>, vector<1x1x16xf32>,
        %get3A_1110 = vector.shape_cast %get3A_1109 : vector<1x1x16xf32> to vector<16xf32>
        %mul3A_1111 = arith.mulf %get3A_185, %get3A_1110 : vector<16xf32>
        %gt3A_1112 = arith.cmpf ogt, %mul3A_1111, %max3A_1099 : vector<16xf32>
        %min3A_1113 = arith.minimumf %max3A_1099, %mul3A_1111 : vector<16xf32>
        %max3A_1114 = arith.maximumf %max3A_1098, %min3A_1113 : vector<16xf32>
        %max3A_1115 = arith.maximumf %max3A_1099, %mul3A_1111 : vector<16xf32>
        %select_n3A_1116 = arith.select %gt3A_1112, %broadcast_in_dim3A_32, %select_n3A_1100 : vector<16xi1>, vector<16xi32>
        %add3A_1117 = arith.constant 0 : i32
        %add3A_1118 = arith.addi %add3A_1117, %scan3A_987 : i32
        %broadcast_in_dim3A_1119 = vector.broadcast %add3A_1118 : i32 to vector<16xi32>
        %ne3A_1120 = arith.cmpf one, %max3A_1115, %scan3A_988 : vector<16xf32>
        %select_n3A_1121 = arith.select %ne3A_1120, %broadcast_in_dim3A_1119, %scan3A_990 : vector<16xi1>, vector<16xi32>
        scf.yield %max3A_1115, %max3A_1114, %select_n3A_1121, %select_n3A_1116 : vector<16xf32>, vector<16xf32>, vector<16xi32>, vector<16xi32>
      }
      %scan3A_199 = arith.constant 32 : i32
      %swap3A_200 = arith.constant 0 : i32
      %swap3A_201 = arith.constant 2 : i32
      %swap3A_202 = arith.index_cast %swap3A_200 : i32 to index
      %swap3A_203 = arith.index_cast %swap3A_201 : i32 to index
      %swap3A_204 = arith.constant 0 : index
      %swap3A_205 = tpu.vector_load %arg8[%swap3A_202, %swap3A_203, %swap3A_204] {strides = array<i32>} : memref<2x8x16xf32, #tpu.memory_space<vmem>>, vector<1x1x16xf32>,
      %swap3A_206 = vector.shape_cast %swap3A_205 : vector<1x1x16xf32> to vector<16xf32>
      %swap3A_207 = vector.shape_cast %scan3A_198#0 : vector<16xf32> to vector<1x1x16xf32>
      tpu.vector_store %arg8[%swap3A_202, %swap3A_203, %swap3A_204], %swap3A_207 {strides = array<i32>} : memref<2x8x16xf32, #tpu.memory_space<vmem>>, vector<1x1x16xf32>,
      %swap3A_208 = arith.constant 1 : i32
      %swap3A_209 = arith.constant 2 : i32
      %swap3A_210 = arith.index_cast %swap3A_208 : i32 to index
      %swap3A_211 = arith.index_cast %swap3A_209 : i32 to index
      %swap3A_212 = arith.constant 0 : index
      %swap3A_213 = tpu.vector_load %arg8[%swap3A_210, %swap3A_211, %swap3A_212] {strides = array<i32>} : memref<2x8x16xf32, #tpu.memory_space<vmem>>, vector<1x1x16xf32>,
      %swap3A_214 = vector.shape_cast %swap3A_213 : vector<1x1x16xf32> to vector<16xf32>
      %swap3A_215 = vector.shape_cast %scan3A_198#1 : vector<16xf32> to vector<1x1x16xf32>
      tpu.vector_store %arg8[%swap3A_210, %swap3A_211, %swap3A_212], %swap3A_215 {strides = array<i32>} : memref<2x8x16xf32, #tpu.memory_space<vmem>>, vector<1x1x16xf32>,
      %swap3A_216 = arith.constant 0 : i32
      %swap3A_217 = arith.constant 2 : i32
      %swap3A_218 = arith.index_cast %swap3A_216 : i32 to index
      %swap3A_219 = arith.index_cast %swap3A_217 : i32 to index
      %swap3A_220 = arith.constant 0 : index
      %swap3A_221 = tpu.vector_load %arg9[%swap3A_218, %swap3A_219, %swap3A_220] {strides = array<i32>} : memref<2x8x16xi32, #tpu.memory_space<vmem>>, vector<1x1x16xi32>,
      %swap3A_222 = vector.shape_cast %swap3A_221 : vector<1x1x16xi32> to vector<16xi32>
      %swap3A_223 = vector.shape_cast %scan3A_198#2 : vector<16xi32> to vector<1x1x16xi32>
      tpu.vector_store %arg9[%swap3A_218, %swap3A_219, %swap3A_220], %swap3A_223 {strides = array<i32>} : memref<2x8x16xi32, #tpu.memory_space<vmem>>, vector<1x1x16xi32>,
      %swap3A_224 = arith.constant 1 : i32
      %swap3A_225 = arith.constant 2 : i32
      %swap3A_226 = arith.index_cast %swap3A_224 : i32 to index
      %swap3A_227 = arith.index_cast %swap3A_225 : i32 to index
      %swap3A_228 = arith.constant 0 : index
      %swap3A_229 = tpu.vector_load %arg9[%swap3A_226, %swap3A_227, %swap3A_228] {strides = array<i32>} : memref<2x8x16xi32, #tpu.memory_space<vmem>>, vector<1x1x16xi32>,
      %swap3A_230 = vector.shape_cast %swap3A_229 : vector<1x1x16xi32> to vector<16xi32>
      %swap3A_231 = vector.shape_cast %scan3A_198#3 : vector<16xi32> to vector<1x1x16xi32>
      tpu.vector_store %arg9[%swap3A_226, %swap3A_227, %swap3A_228], %swap3A_231 {strides = array<i32>} : memref<2x8x16xi32, #tpu.memory_space<vmem>>, vector<1x1x16xi32>,
      %get3A_232 = arith.index_cast %select_n3A : i32 to index
      %get3A_233 = arith.constant 48 : index
      %get3A_234 = tpu.vector_load %arg7[%get3A_232, %get3A_233] {strides = array<i32>} : memref<4x128xf32, #tpu.memory_space<vmem>>, vector<1x16xf32>,
      %get3A_235 = vector.shape_cast %get3A_234 : vector<1x16xf32> to vector<16xf32>
      %broadcast_in_dim3A_236 = arith.constant 0xFF800000 : f32
      %broadcast_in_dim3A_237 = vector.broadcast %broadcast_in_dim3A_236 : f32 to vector<16xf32>
      %broadcast_in_dim3A_238 = arith.constant 0xFF800000 : f32
      %broadcast_in_dim3A_239 = vector.broadcast %broadcast_in_dim3A_238 : f32 to vector<16xf32>
      %broadcast_in_dim3A_240 = arith.constant 0 : i32
      %broadcast_in_dim3A_241 = vector.broadcast %broadcast_in_dim3A_240 : i32 to vector<16xi32>
      %broadcast_in_dim3A_242 = arith.constant 0 : i32
      %broadcast_in_dim3A_243 = vector.broadcast %broadcast_in_dim3A_242 : i32 to vector<16xi32>
      %scan3A_244 = arith.constant 0 : i32
      %scan3A_245 = arith.constant 32 : i32
      %scan3A_246 = arith.addi %scan3A_244, %scan3A_245 : i32
      %scan3A_247 = arith.constant 1 : i32
      %scan3A_248:4 = scf.for %scan3A_987 = %scan3A_244 to %scan3A_246 step %scan3A_247 iter_args(%scan3A_988 = %broadcast_in_dim3A_237, %scan3A_989 = %broadcast_in_dim3A_239, %scan3A_990 = %broadcast_in_dim3A_241, %scan3A_991 = %broadcast_in_dim3A_243) -> (vector<16xf32>, vector<16xf32>, vector<16xi32>, vector<16xi32>)  : i32 {
        %mul3A_992 = arith.constant 8 : i32
        %mul3A_993 = arith.muli %scan3A_987, %mul3A_992 : i32
        %add3A_994 = arith.constant 0 : i32
        %add3A_995 = arith.addi %mul3A_993, %add3A_994 : i32
        %get3A_996 = arith.constant 0 : i32
        %get3A_997 = arith.index_cast %get3A_996 : i32 to index
        %get3A_998 = arith.index_cast %add3A_995 : i32 to index
        %get3A_999 = arith.constant 48 : index
        %get3A_1000 = tpu.vector_load %arg6[%get3A_997, %get3A_998, %get3A_999] {strides = array<i32>} : memref<2x256x128xf32, #tpu.memory_space<vmem>>, vector<1x1x16xf32>,
        %get3A_1001 = vector.shape_cast %get3A_1000 : vector<1x1x16xf32> to vector<16xf32>
        %mul3A_1002 = arith.mulf %get3A_235, %get3A_1001 : vector<16xf32>
        %gt3A = arith.cmpf ogt, %mul3A_1002, %scan3A_988 : vector<16xf32>
        %min3A = arith.minimumf %scan3A_988, %mul3A_1002 : vector<16xf32>
        %max3A = arith.maximumf %scan3A_989, %min3A : vector<16xf32>
        %max3A_1003 = arith.maximumf %scan3A_988, %mul3A_1002 : vector<16xf32>
        %select_n3A_1004 = arith.select %gt3A, %broadcast_in_dim3A_18, %scan3A_991 : vector<16xi1>, vector<16xi32>
        %mul3A_1005 = arith.constant 8 : i32
        %mul3A_1006 = arith.muli %scan3A_987, %mul3A_1005 : i32
        %add3A_1007 = arith.constant 1 : i32
        %add3A_1008 = arith.addi %mul3A_1006, %add3A_1007 : i32
        %get3A_1009 = arith.constant 0 : i32
        %get3A_1010 = arith.index_cast %get3A_1009 : i32 to index
        %get3A_1011 = arith.index_cast %add3A_1008 : i32 to index
        %get3A_1012 = arith.constant 48 : index
        %get3A_1013 = tpu.vector_load %arg6[%get3A_1010, %get3A_1011, %get3A_1012] {strides = array<i32>} : memref<2x256x128xf32, #tpu.memory_space<vmem>>, vector<1x1x16xf32>,
        %get3A_1014 = vector.shape_cast %get3A_1013 : vector<1x1x16xf32> to vector<16xf32>
        %mul3A_1015 = arith.mulf %get3A_235, %get3A_1014 : vector<16xf32>
        %gt3A_1016 = arith.cmpf ogt, %mul3A_1015, %max3A_1003 : vector<16xf32>
        %min3A_1017 = arith.minimumf %max3A_1003, %mul3A_1015 : vector<16xf32>
        %max3A_1018 = arith.maximumf %max3A, %min3A_1017 : vector<16xf32>
        %max3A_1019 = arith.maximumf %max3A_1003, %mul3A_1015 : vector<16xf32>
        %select_n3A_1020 = arith.select %gt3A_1016, %broadcast_in_dim3A_20, %select_n3A_1004 : vector<16xi1>, vector<16xi32>
        %mul3A_1021 = arith.constant 8 : i32
        %mul3A_1022 = arith.muli %scan3A_987, %mul3A_1021 : i32
        %add3A_1023 = arith.constant 2 : i32
        %add3A_1024 = arith.addi %mul3A_1022, %add3A_1023 : i32
        %get3A_1025 = arith.constant 0 : i32
        %get3A_1026 = arith.index_cast %get3A_1025 : i32 to index
        %get3A_1027 = arith.index_cast %add3A_1024 : i32 to index
        %get3A_1028 = arith.constant 48 : index
        %get3A_1029 = tpu.vector_load %arg6[%get3A_1026, %get3A_1027, %get3A_1028] {strides = array<i32>} : memref<2x256x128xf32, #tpu.memory_space<vmem>>, vector<1x1x16xf32>,
        %get3A_1030 = vector.shape_cast %get3A_1029 : vector<1x1x16xf32> to vector<16xf32>
        %mul3A_1031 = arith.mulf %get3A_235, %get3A_1030 : vector<16xf32>
        %gt3A_1032 = arith.cmpf ogt, %mul3A_1031, %max3A_1019 : vector<16xf32>
        %min3A_1033 = arith.minimumf %max3A_1019, %mul3A_1031 : vector<16xf32>
        %max3A_1034 = arith.maximumf %max3A_1018, %min3A_1033 : vector<16xf32>
        %max3A_1035 = arith.maximumf %max3A_1019, %mul3A_1031 : vector<16xf32>
        %select_n3A_1036 = arith.select %gt3A_1032, %broadcast_in_dim3A_22, %select_n3A_1020 : vector<16xi1>, vector<16xi32>
        %mul3A_1037 = arith.constant 8 : i32
        %mul3A_1038 = arith.muli %scan3A_987, %mul3A_1037 : i32
        %add3A_1039 = arith.constant 3 : i32
        %add3A_1040 = arith.addi %mul3A_1038, %add3A_1039 : i32
        %get3A_1041 = arith.constant 0 : i32
        %get3A_1042 = arith.index_cast %get3A_1041 : i32 to index
        %get3A_1043 = arith.index_cast %add3A_1040 : i32 to index
        %get3A_1044 = arith.constant 48 : index
        %get3A_1045 = tpu.vector_load %arg6[%get3A_1042, %get3A_1043, %get3A_1044] {strides = array<i32>} : memref<2x256x128xf32, #tpu.memory_space<vmem>>, vector<1x1x16xf32>,
        %get3A_1046 = vector.shape_cast %get3A_1045 : vector<1x1x16xf32> to vector<16xf32>
        %mul3A_1047 = arith.mulf %get3A_235, %get3A_1046 : vector<16xf32>
        %gt3A_1048 = arith.cmpf ogt, %mul3A_1047, %max3A_1035 : vector<16xf32>
        %min3A_1049 = arith.minimumf %max3A_1035, %mul3A_1047 : vector<16xf32>
        %max3A_1050 = arith.maximumf %max3A_1034, %min3A_1049 : vector<16xf32>
        %max3A_1051 = arith.maximumf %max3A_1035, %mul3A_1047 : vector<16xf32>
        %select_n3A_1052 = arith.select %gt3A_1048, %broadcast_in_dim3A_24, %select_n3A_1036 : vector<16xi1>, vector<16xi32>
        %mul3A_1053 = arith.constant 8 : i32
        %mul3A_1054 = arith.muli %scan3A_987, %mul3A_1053 : i32
        %add3A_1055 = arith.constant 4 : i32
        %add3A_1056 = arith.addi %mul3A_1054, %add3A_1055 : i32
        %get3A_1057 = arith.constant 0 : i32
        %get3A_1058 = arith.index_cast %get3A_1057 : i32 to index
        %get3A_1059 = arith.index_cast %add3A_1056 : i32 to index
        %get3A_1060 = arith.constant 48 : index
        %get3A_1061 = tpu.vector_load %arg6[%get3A_1058, %get3A_1059, %get3A_1060] {strides = array<i32>} : memref<2x256x128xf32, #tpu.memory_space<vmem>>, vector<1x1x16xf32>,
        %get3A_1062 = vector.shape_cast %get3A_1061 : vector<1x1x16xf32> to vector<16xf32>
        %mul3A_1063 = arith.mulf %get3A_235, %get3A_1062 : vector<16xf32>
        %gt3A_1064 = arith.cmpf ogt, %mul3A_1063, %max3A_1051 : vector<16xf32>
        %min3A_1065 = arith.minimumf %max3A_1051, %mul3A_1063 : vector<16xf32>
        %max3A_1066 = arith.maximumf %max3A_1050, %min3A_1065 : vector<16xf32>
        %max3A_1067 = arith.maximumf %max3A_1051, %mul3A_1063 : vector<16xf32>
        %select_n3A_1068 = arith.select %gt3A_1064, %broadcast_in_dim3A_26, %select_n3A_1052 : vector<16xi1>, vector<16xi32>
        %mul3A_1069 = arith.constant 8 : i32
        %mul3A_1070 = arith.muli %scan3A_987, %mul3A_1069 : i32
        %add3A_1071 = arith.constant 5 : i32
        %add3A_1072 = arith.addi %mul3A_1070, %add3A_1071 : i32
        %get3A_1073 = arith.constant 0 : i32
        %get3A_1074 = arith.index_cast %get3A_1073 : i32 to index
        %get3A_1075 = arith.index_cast %add3A_1072 : i32 to index
        %get3A_1076 = arith.constant 48 : index
        %get3A_1077 = tpu.vector_load %arg6[%get3A_1074, %get3A_1075, %get3A_1076] {strides = array<i32>} : memref<2x256x128xf32, #tpu.memory_space<vmem>>, vector<1x1x16xf32>,
        %get3A_1078 = vector.shape_cast %get3A_1077 : vector<1x1x16xf32> to vector<16xf32>
        %mul3A_1079 = arith.mulf %get3A_235, %get3A_1078 : vector<16xf32>
        %gt3A_1080 = arith.cmpf ogt, %mul3A_1079, %max3A_1067 : vector<16xf32>
        %min3A_1081 = arith.minimumf %max3A_1067, %mul3A_1079 : vector<16xf32>
        %max3A_1082 = arith.maximumf %max3A_1066, %min3A_1081 : vector<16xf32>
        %max3A_1083 = arith.maximumf %max3A_1067, %mul3A_1079 : vector<16xf32>
        %select_n3A_1084 = arith.select %gt3A_1080, %broadcast_in_dim3A_28, %select_n3A_1068 : vector<16xi1>, vector<16xi32>
        %mul3A_1085 = arith.constant 8 : i32
        %mul3A_1086 = arith.muli %scan3A_987, %mul3A_1085 : i32
        %add3A_1087 = arith.constant 6 : i32
        %add3A_1088 = arith.addi %mul3A_1086, %add3A_1087 : i32
        %get3A_1089 = arith.constant 0 : i32
        %get3A_1090 = arith.index_cast %get3A_1089 : i32 to index
        %get3A_1091 = arith.index_cast %add3A_1088 : i32 to index
        %get3A_1092 = arith.constant 48 : index
        %get3A_1093 = tpu.vector_load %arg6[%get3A_1090, %get3A_1091, %get3A_1092] {strides = array<i32>} : memref<2x256x128xf32, #tpu.memory_space<vmem>>, vector<1x1x16xf32>,
        %get3A_1094 = vector.shape_cast %get3A_1093 : vector<1x1x16xf32> to vector<16xf32>
        %mul3A_1095 = arith.mulf %get3A_235, %get3A_1094 : vector<16xf32>
        %gt3A_1096 = arith.cmpf ogt, %mul3A_1095, %max3A_1083 : vector<16xf32>
        %min3A_1097 = arith.minimumf %max3A_1083, %mul3A_1095 : vector<16xf32>
        %max3A_1098 = arith.maximumf %max3A_1082, %min3A_1097 : vector<16xf32>
        %max3A_1099 = arith.maximumf %max3A_1083, %mul3A_1095 : vector<16xf32>
        %select_n3A_1100 = arith.select %gt3A_1096, %broadcast_in_dim3A_30, %select_n3A_1084 : vector<16xi1>, vector<16xi32>
        %mul3A_1101 = arith.constant 8 : i32
        %mul3A_1102 = arith.muli %scan3A_987, %mul3A_1101 : i32
        %add3A_1103 = arith.constant 7 : i32
        %add3A_1104 = arith.addi %mul3A_1102, %add3A_1103 : i32
        %get3A_1105 = arith.constant 0 : i32
        %get3A_1106 = arith.index_cast %get3A_1105 : i32 to index
        %get3A_1107 = arith.index_cast %add3A_1104 : i32 to index
        %get3A_1108 = arith.constant 48 : index
        %get3A_1109 = tpu.vector_load %arg6[%get3A_1106, %get3A_1107, %get3A_1108] {strides = array<i32>} : memref<2x256x128xf32, #tpu.memory_space<vmem>>, vector<1x1x16xf32>,
        %get3A_1110 = vector.shape_cast %get3A_1109 : vector<1x1x16xf32> to vector<16xf32>
        %mul3A_1111 = arith.mulf %get3A_235, %get3A_1110 : vector<16xf32>
        %gt3A_1112 = arith.cmpf ogt, %mul3A_1111, %max3A_1099 : vector<16xf32>
        %min3A_1113 = arith.minimumf %max3A_1099, %mul3A_1111 : vector<16xf32>
        %max3A_1114 = arith.maximumf %max3A_1098, %min3A_1113 : vector<16xf32>
        %max3A_1115 = arith.maximumf %max3A_1099, %mul3A_1111 : vector<16xf32>
        %select_n3A_1116 = arith.select %gt3A_1112, %broadcast_in_dim3A_32, %select_n3A_1100 : vector<16xi1>, vector<16xi32>
        %add3A_1117 = arith.constant 0 : i32
        %add3A_1118 = arith.addi %add3A_1117, %scan3A_987 : i32
        %broadcast_in_dim3A_1119 = vector.broadcast %add3A_1118 : i32 to vector<16xi32>
        %ne3A_1120 = arith.cmpf one, %max3A_1115, %scan3A_988 : vector<16xf32>
        %select_n3A_1121 = arith.select %ne3A_1120, %broadcast_in_dim3A_1119, %scan3A_990 : vector<16xi1>, vector<16xi32>
        scf.yield %max3A_1115, %max3A_1114, %select_n3A_1121, %select_n3A_1116 : vector<16xf32>, vector<16xf32>, vector<16xi32>, vector<16xi32>
      }
      %scan3A_249 = arith.constant 32 : i32
      %swap3A_250 = arith.constant 0 : i32
      %swap3A_251 = arith.constant 3 : i32
      %swap3A_252 = arith.index_cast %swap3A_250 : i32 to index
      %swap3A_253 = arith.index_cast %swap3A_251 : i32 to index
      %swap3A_254 = arith.constant 0 : index
      %swap3A_255 = tpu.vector_load %arg8[%swap3A_252, %swap3A_253, %swap3A_254] {strides = array<i32>} : memref<2x8x16xf32, #tpu.memory_space<vmem>>, vector<1x1x16xf32>,
      %swap3A_256 = vector.shape_cast %swap3A_255 : vector<1x1x16xf32> to vector<16xf32>
      %swap3A_257 = vector.shape_cast %scan3A_248#0 : vector<16xf32> to vector<1x1x16xf32>
      tpu.vector_store %arg8[%swap3A_252, %swap3A_253, %swap3A_254], %swap3A_257 {strides = array<i32>} : memref<2x8x16xf32, #tpu.memory_space<vmem>>, vector<1x1x16xf32>,
      %swap3A_258 = arith.constant 1 : i32
      %swap3A_259 = arith.constant 3 : i32
      %swap3A_260 = arith.index_cast %swap3A_258 : i32 to index
      %swap3A_261 = arith.index_cast %swap3A_259 : i32 to index
      %swap3A_262 = arith.constant 0 : index
      %swap3A_263 = tpu.vector_load %arg8[%swap3A_260, %swap3A_261, %swap3A_262] {strides = array<i32>} : memref<2x8x16xf32, #tpu.memory_space<vmem>>, vector<1x1x16xf32>,
      %swap3A_264 = vector.shape_cast %swap3A_263 : vector<1x1x16xf32> to vector<16xf32>
      %swap3A_265 = vector.shape_cast %scan3A_248#1 : vector<16xf32> to vector<1x1x16xf32>
      tpu.vector_store %arg8[%swap3A_260, %swap3A_261, %swap3A_262], %swap3A_265 {strides = array<i32>} : memref<2x8x16xf32, #tpu.memory_space<vmem>>, vector<1x1x16xf32>,
      %swap3A_266 = arith.constant 0 : i32
      %swap3A_267 = arith.constant 3 : i32
      %swap3A_268 = arith.index_cast %swap3A_266 : i32 to index
      %swap3A_269 = arith.index_cast %swap3A_267 : i32 to index
      %swap3A_270 = arith.constant 0 : index
      %swap3A_271 = tpu.vector_load %arg9[%swap3A_268, %swap3A_269, %swap3A_270] {strides = array<i32>} : memref<2x8x16xi32, #tpu.memory_space<vmem>>, vector<1x1x16xi32>,
      %swap3A_272 = vector.shape_cast %swap3A_271 : vector<1x1x16xi32> to vector<16xi32>
      %swap3A_273 = vector.shape_cast %scan3A_248#2 : vector<16xi32> to vector<1x1x16xi32>
      tpu.vector_store %arg9[%swap3A_268, %swap3A_269, %swap3A_270], %swap3A_273 {strides = array<i32>} : memref<2x8x16xi32, #tpu.memory_space<vmem>>, vector<1x1x16xi32>,
      %swap3A_274 = arith.constant 1 : i32
      %swap3A_275 = arith.constant 3 : i32
      %swap3A_276 = arith.index_cast %swap3A_274 : i32 to index
      %swap3A_277 = arith.index_cast %swap3A_275 : i32 to index
      %swap3A_278 = arith.constant 0 : index
      %swap3A_279 = tpu.vector_load %arg9[%swap3A_276, %swap3A_277, %swap3A_278] {strides = array<i32>} : memref<2x8x16xi32, #tpu.memory_space<vmem>>, vector<1x1x16xi32>,
      %swap3A_280 = vector.shape_cast %swap3A_279 : vector<1x1x16xi32> to vector<16xi32>
      %swap3A_281 = vector.shape_cast %scan3A_248#3 : vector<16xi32> to vector<1x1x16xi32>
      tpu.vector_store %arg9[%swap3A_276, %swap3A_277, %swap3A_278], %swap3A_281 {strides = array<i32>} : memref<2x8x16xi32, #tpu.memory_space<vmem>>, vector<1x1x16xi32>,
      %get3A_282 = arith.index_cast %select_n3A : i32 to index
      %get3A_283 = arith.constant 64 : index
      %get3A_284 = tpu.vector_load %arg7[%get3A_282, %get3A_283] {strides = array<i32>} : memref<4x128xf32, #tpu.memory_space<vmem>>, vector<1x16xf32>,
      %get3A_285 = vector.shape_cast %get3A_284 : vector<1x16xf32> to vector<16xf32>
      %broadcast_in_dim3A_286 = arith.constant 0xFF800000 : f32
      %broadcast_in_dim3A_287 = vector.broadcast %broadcast_in_dim3A_286 : f32 to vector<16xf32>
      %broadcast_in_dim3A_288 = arith.constant 0xFF800000 : f32
      %broadcast_in_dim3A_289 = vector.broadcast %broadcast_in_dim3A_288 : f32 to vector<16xf32>
      %broadcast_in_dim3A_290 = arith.constant 0 : i32
      %broadcast_in_dim3A_291 = vector.broadcast %broadcast_in_dim3A_290 : i32 to vector<16xi32>
      %broadcast_in_dim3A_292 = arith.constant 0 : i32
      %broadcast_in_dim3A_293 = vector.broadcast %broadcast_in_dim3A_292 : i32 to vector<16xi32>
      %scan3A_294 = arith.constant 0 : i32
      %scan3A_295 = arith.constant 32 : i32
      %scan3A_296 = arith.addi %scan3A_294, %scan3A_295 : i32
      %scan3A_297 = arith.constant 1 : i32
      %scan3A_298:4 = scf.for %scan3A_987 = %scan3A_294 to %scan3A_296 step %scan3A_297 iter_args(%scan3A_988 = %broadcast_in_dim3A_287, %scan3A_989 = %broadcast_in_dim3A_289, %scan3A_990 = %broadcast_in_dim3A_291, %scan3A_991 = %broadcast_in_dim3A_293) -> (vector<16xf32>, vector<16xf32>, vector<16xi32>, vector<16xi32>)  : i32 {
        %mul3A_992 = arith.constant 8 : i32
        %mul3A_993 = arith.muli %scan3A_987, %mul3A_992 : i32
        %add3A_994 = arith.constant 0 : i32
        %add3A_995 = arith.addi %mul3A_993, %add3A_994 : i32
        %get3A_996 = arith.constant 0 : i32
        %get3A_997 = arith.index_cast %get3A_996 : i32 to index
        %get3A_998 = arith.index_cast %add3A_995 : i32 to index
        %get3A_999 = arith.constant 64 : index
        %get3A_1000 = tpu.vector_load %arg6[%get3A_997, %get3A_998, %get3A_999] {strides = array<i32>} : memref<2x256x128xf32, #tpu.memory_space<vmem>>, vector<1x1x16xf32>,
        %get3A_1001 = vector.shape_cast %get3A_1000 : vector<1x1x16xf32> to vector<16xf32>
        %mul3A_1002 = arith.mulf %get3A_285, %get3A_1001 : vector<16xf32>
        %gt3A = arith.cmpf ogt, %mul3A_1002, %scan3A_988 : vector<16xf32>
        %min3A = arith.minimumf %scan3A_988, %mul3A_1002 : vector<16xf32>
        %max3A = arith.maximumf %scan3A_989, %min3A : vector<16xf32>
        %max3A_1003 = arith.maximumf %scan3A_988, %mul3A_1002 : vector<16xf32>
        %select_n3A_1004 = arith.select %gt3A, %broadcast_in_dim3A_18, %scan3A_991 : vector<16xi1>, vector<16xi32>
        %mul3A_1005 = arith.constant 8 : i32
        %mul3A_1006 = arith.muli %scan3A_987, %mul3A_1005 : i32
        %add3A_1007 = arith.constant 1 : i32
        %add3A_1008 = arith.addi %mul3A_1006, %add3A_1007 : i32
        %get3A_1009 = arith.constant 0 : i32
        %get3A_1010 = arith.index_cast %get3A_1009 : i32 to index
        %get3A_1011 = arith.index_cast %add3A_1008 : i32 to index
        %get3A_1012 = arith.constant 64 : index
        %get3A_1013 = tpu.vector_load %arg6[%get3A_1010, %get3A_1011, %get3A_1012] {strides = array<i32>} : memref<2x256x128xf32, #tpu.memory_space<vmem>>, vector<1x1x16xf32>,
        %get3A_1014 = vector.shape_cast %get3A_1013 : vector<1x1x16xf32> to vector<16xf32>
        %mul3A_1015 = arith.mulf %get3A_285, %get3A_1014 : vector<16xf32>
        %gt3A_1016 = arith.cmpf ogt, %mul3A_1015, %max3A_1003 : vector<16xf32>
        %min3A_1017 = arith.minimumf %max3A_1003, %mul3A_1015 : vector<16xf32>
        %max3A_1018 = arith.maximumf %max3A, %min3A_1017 : vector<16xf32>
        %max3A_1019 = arith.maximumf %max3A_1003, %mul3A_1015 : vector<16xf32>
        %select_n3A_1020 = arith.select %gt3A_1016, %broadcast_in_dim3A_20, %select_n3A_1004 : vector<16xi1>, vector<16xi32>
        %mul3A_1021 = arith.constant 8 : i32
        %mul3A_1022 = arith.muli %scan3A_987, %mul3A_1021 : i32
        %add3A_1023 = arith.constant 2 : i32
        %add3A_1024 = arith.addi %mul3A_1022, %add3A_1023 : i32
        %get3A_1025 = arith.constant 0 : i32
        %get3A_1026 = arith.index_cast %get3A_1025 : i32 to index
        %get3A_1027 = arith.index_cast %add3A_1024 : i32 to index
        %get3A_1028 = arith.constant 64 : index
        %get3A_1029 = tpu.vector_load %arg6[%get3A_1026, %get3A_1027, %get3A_1028] {strides = array<i32>} : memref<2x256x128xf32, #tpu.memory_space<vmem>>, vector<1x1x16xf32>,
        %get3A_1030 = vector.shape_cast %get3A_1029 : vector<1x1x16xf32> to vector<16xf32>
        %mul3A_1031 = arith.mulf %get3A_285, %get3A_1030 : vector<16xf32>
        %gt3A_1032 = arith.cmpf ogt, %mul3A_1031, %max3A_1019 : vector<16xf32>
        %min3A_1033 = arith.minimumf %max3A_1019, %mul3A_1031 : vector<16xf32>
        %max3A_1034 = arith.maximumf %max3A_1018, %min3A_1033 : vector<16xf32>
        %max3A_1035 = arith.maximumf %max3A_1019, %mul3A_1031 : vector<16xf32>
        %select_n3A_1036 = arith.select %gt3A_1032, %broadcast_in_dim3A_22, %select_n3A_1020 : vector<16xi1>, vector<16xi32>
        %mul3A_1037 = arith.constant 8 : i32
        %mul3A_1038 = arith.muli %scan3A_987, %mul3A_1037 : i32
        %add3A_1039 = arith.constant 3 : i32
        %add3A_1040 = arith.addi %mul3A_1038, %add3A_1039 : i32
        %get3A_1041 = arith.constant 0 : i32
        %get3A_1042 = arith.index_cast %get3A_1041 : i32 to index
        %get3A_1043 = arith.index_cast %add3A_1040 : i32 to index
        %get3A_1044 = arith.constant 64 : index
        %get3A_1045 = tpu.vector_load %arg6[%get3A_1042, %get3A_1043, %get3A_1044] {strides = array<i32>} : memref<2x256x128xf32, #tpu.memory_space<vmem>>, vector<1x1x16xf32>,
        %get3A_1046 = vector.shape_cast %get3A_1045 : vector<1x1x16xf32> to vector<16xf32>
        %mul3A_1047 = arith.mulf %get3A_285, %get3A_1046 : vector<16xf32>
        %gt3A_1048 = arith.cmpf ogt, %mul3A_1047, %max3A_1035 : vector<16xf32>
        %min3A_1049 = arith.minimumf %max3A_1035, %mul3A_1047 : vector<16xf32>
        %max3A_1050 = arith.maximumf %max3A_1034, %min3A_1049 : vector<16xf32>
        %max3A_1051 = arith.maximumf %max3A_1035, %mul3A_1047 : vector<16xf32>
        %select_n3A_1052 = arith.select %gt3A_1048, %broadcast_in_dim3A_24, %select_n3A_1036 : vector<16xi1>, vector<16xi32>
        %mul3A_1053 = arith.constant 8 : i32
        %mul3A_1054 = arith.muli %scan3A_987, %mul3A_1053 : i32
        %add3A_1055 = arith.constant 4 : i32
        %add3A_1056 = arith.addi %mul3A_1054, %add3A_1055 : i32
        %get3A_1057 = arith.constant 0 : i32
        %get3A_1058 = arith.index_cast %get3A_1057 : i32 to index
        %get3A_1059 = arith.index_cast %add3A_1056 : i32 to index
        %get3A_1060 = arith.constant 64 : index
        %get3A_1061 = tpu.vector_load %arg6[%get3A_1058, %get3A_1059, %get3A_1060] {strides = array<i32>} : memref<2x256x128xf32, #tpu.memory_space<vmem>>, vector<1x1x16xf32>,
        %get3A_1062 = vector.shape_cast %get3A_1061 : vector<1x1x16xf32> to vector<16xf32>
        %mul3A_1063 = arith.mulf %get3A_285, %get3A_1062 : vector<16xf32>
        %gt3A_1064 = arith.cmpf ogt, %mul3A_1063, %max3A_1051 : vector<16xf32>
        %min3A_1065 = arith.minimumf %max3A_1051, %mul3A_1063 : vector<16xf32>
        %max3A_1066 = arith.maximumf %max3A_1050, %min3A_1065 : vector<16xf32>
        %max3A_1067 = arith.maximumf %max3A_1051, %mul3A_1063 : vector<16xf32>
        %select_n3A_1068 = arith.select %gt3A_1064, %broadcast_in_dim3A_26, %select_n3A_1052 : vector<16xi1>, vector<16xi32>
        %mul3A_1069 = arith.constant 8 : i32
        %mul3A_1070 = arith.muli %scan3A_987, %mul3A_1069 : i32
        %add3A_1071 = arith.constant 5 : i32
        %add3A_1072 = arith.addi %mul3A_1070, %add3A_1071 : i32
        %get3A_1073 = arith.constant 0 : i32
        %get3A_1074 = arith.index_cast %get3A_1073 : i32 to index
        %get3A_1075 = arith.index_cast %add3A_1072 : i32 to index
        %get3A_1076 = arith.constant 64 : index
        %get3A_1077 = tpu.vector_load %arg6[%get3A_1074, %get3A_1075, %get3A_1076] {strides = array<i32>} : memref<2x256x128xf32, #tpu.memory_space<vmem>>, vector<1x1x16xf32>,
        %get3A_1078 = vector.shape_cast %get3A_1077 : vector<1x1x16xf32> to vector<16xf32>
        %mul3A_1079 = arith.mulf %get3A_285, %get3A_1078 : vector<16xf32>
        %gt3A_1080 = arith.cmpf ogt, %mul3A_1079, %max3A_1067 : vector<16xf32>
        %min3A_1081 = arith.minimumf %max3A_1067, %mul3A_1079 : vector<16xf32>
        %max3A_1082 = arith.maximumf %max3A_1066, %min3A_1081 : vector<16xf32>
        %max3A_1083 = arith.maximumf %max3A_1067, %mul3A_1079 : vector<16xf32>
        %select_n3A_1084 = arith.select %gt3A_1080, %broadcast_in_dim3A_28, %select_n3A_1068 : vector<16xi1>, vector<16xi32>
        %mul3A_1085 = arith.constant 8 : i32
        %mul3A_1086 = arith.muli %scan3A_987, %mul3A_1085 : i32
        %add3A_1087 = arith.constant 6 : i32
        %add3A_1088 = arith.addi %mul3A_1086, %add3A_1087 : i32
        %get3A_1089 = arith.constant 0 : i32
        %get3A_1090 = arith.index_cast %get3A_1089 : i32 to index
        %get3A_1091 = arith.index_cast %add3A_1088 : i32 to index
        %get3A_1092 = arith.constant 64 : index
        %get3A_1093 = tpu.vector_load %arg6[%get3A_1090, %get3A_1091, %get3A_1092] {strides = array<i32>} : memref<2x256x128xf32, #tpu.memory_space<vmem>>, vector<1x1x16xf32>,
        %get3A_1094 = vector.shape_cast %get3A_1093 : vector<1x1x16xf32> to vector<16xf32>
        %mul3A_1095 = arith.mulf %get3A_285, %get3A_1094 : vector<16xf32>
        %gt3A_1096 = arith.cmpf ogt, %mul3A_1095, %max3A_1083 : vector<16xf32>
        %min3A_1097 = arith.minimumf %max3A_1083, %mul3A_1095 : vector<16xf32>
        %max3A_1098 = arith.maximumf %max3A_1082, %min3A_1097 : vector<16xf32>
        %max3A_1099 = arith.maximumf %max3A_1083, %mul3A_1095 : vector<16xf32>
        %select_n3A_1100 = arith.select %gt3A_1096, %broadcast_in_dim3A_30, %select_n3A_1084 : vector<16xi1>, vector<16xi32>
        %mul3A_1101 = arith.constant 8 : i32
        %mul3A_1102 = arith.muli %scan3A_987, %mul3A_1101 : i32
        %add3A_1103 = arith.constant 7 : i32
        %add3A_1104 = arith.addi %mul3A_1102, %add3A_1103 : i32
        %get3A_1105 = arith.constant 0 : i32
        %get3A_1106 = arith.index_cast %get3A_1105 : i32 to index
        %get3A_1107 = arith.index_cast %add3A_1104 : i32 to index
        %get3A_1108 = arith.constant 64 : index
        %get3A_1109 = tpu.vector_load %arg6[%get3A_1106, %get3A_1107, %get3A_1108] {strides = array<i32>} : memref<2x256x128xf32, #tpu.memory_space<vmem>>, vector<1x1x16xf32>,
        %get3A_1110 = vector.shape_cast %get3A_1109 : vector<1x1x16xf32> to vector<16xf32>
        %mul3A_1111 = arith.mulf %get3A_285, %get3A_1110 : vector<16xf32>
        %gt3A_1112 = arith.cmpf ogt, %mul3A_1111, %max3A_1099 : vector<16xf32>
        %min3A_1113 = arith.minimumf %max3A_1099, %mul3A_1111 : vector<16xf32>
        %max3A_1114 = arith.maximumf %max3A_1098, %min3A_1113 : vector<16xf32>
        %max3A_1115 = arith.maximumf %max3A_1099, %mul3A_1111 : vector<16xf32>
        %select_n3A_1116 = arith.select %gt3A_1112, %broadcast_in_dim3A_32, %select_n3A_1100 : vector<16xi1>, vector<16xi32>
        %add3A_1117 = arith.constant 0 : i32
        %add3A_1118 = arith.addi %add3A_1117, %scan3A_987 : i32
        %broadcast_in_dim3A_1119 = vector.broadcast %add3A_1118 : i32 to vector<16xi32>
        %ne3A_1120 = arith.cmpf one, %max3A_1115, %scan3A_988 : vector<16xf32>
        %select_n3A_1121 = arith.select %ne3A_1120, %broadcast_in_dim3A_1119, %scan3A_990 : vector<16xi1>, vector<16xi32>
        scf.yield %max3A_1115, %max3A_1114, %select_n3A_1121, %select_n3A_1116 : vector<16xf32>, vector<16xf32>, vector<16xi32>, vector<16xi32>
      }
      %scan3A_299 = arith.constant 32 : i32
      %swap3A_300 = arith.constant 0 : i32
      %swap3A_301 = arith.constant 4 : i32
      %swap3A_302 = arith.index_cast %swap3A_300 : i32 to index
      %swap3A_303 = arith.index_cast %swap3A_301 : i32 to index
      %swap3A_304 = arith.constant 0 : index
      %swap3A_305 = tpu.vector_load %arg8[%swap3A_302, %swap3A_303, %swap3A_304] {strides = array<i32>} : memref<2x8x16xf32, #tpu.memory_space<vmem>>, vector<1x1x16xf32>,
      %swap3A_306 = vector.shape_cast %swap3A_305 : vector<1x1x16xf32> to vector<16xf32>
      %swap3A_307 = vector.shape_cast %scan3A_298#0 : vector<16xf32> to vector<1x1x16xf32>
      tpu.vector_store %arg8[%swap3A_302, %swap3A_303, %swap3A_304], %swap3A_307 {strides = array<i32>} : memref<2x8x16xf32, #tpu.memory_space<vmem>>, vector<1x1x16xf32>,
      %swap3A_308 = arith.constant 1 : i32
      %swap3A_309 = arith.constant 4 : i32
      %swap3A_310 = arith.index_cast %swap3A_308 : i32 to index
      %swap3A_311 = arith.index_cast %swap3A_309 : i32 to index
      %swap3A_312 = arith.constant 0 : index
      %swap3A_313 = tpu.vector_load %arg8[%swap3A_310, %swap3A_311, %swap3A_312] {strides = array<i32>} : memref<2x8x16xf32, #tpu.memory_space<vmem>>, vector<1x1x16xf32>,
      %swap3A_314 = vector.shape_cast %swap3A_313 : vector<1x1x16xf32> to vector<16xf32>
      %swap3A_315 = vector.shape_cast %scan3A_298#1 : vector<16xf32> to vector<1x1x16xf32>
      tpu.vector_store %arg8[%swap3A_310, %swap3A_311, %swap3A_312], %swap3A_315 {strides = array<i32>} : memref<2x8x16xf32, #tpu.memory_space<vmem>>, vector<1x1x16xf32>,
      %swap3A_316 = arith.constant 0 : i32
      %swap3A_317 = arith.constant 4 : i32
      %swap3A_318 = arith.index_cast %swap3A_316 : i32 to index
      %swap3A_319 = arith.index_cast %swap3A_317 : i32 to index
      %swap3A_320 = arith.constant 0 : index
      %swap3A_321 = tpu.vector_load %arg9[%swap3A_318, %swap3A_319, %swap3A_320] {strides = array<i32>} : memref<2x8x16xi32, #tpu.memory_space<vmem>>, vector<1x1x16xi32>,
      %swap3A_322 = vector.shape_cast %swap3A_321 : vector<1x1x16xi32> to vector<16xi32>
      %swap3A_323 = vector.shape_cast %scan3A_298#2 : vector<16xi32> to vector<1x1x16xi32>
      tpu.vector_store %arg9[%swap3A_318, %swap3A_319, %swap3A_320], %swap3A_323 {strides = array<i32>} : memref<2x8x16xi32, #tpu.memory_space<vmem>>, vector<1x1x16xi32>,
      %swap3A_324 = arith.constant 1 : i32
      %swap3A_325 = arith.constant 4 : i32
      %swap3A_326 = arith.index_cast %swap3A_324 : i32 to index
      %swap3A_327 = arith.index_cast %swap3A_325 : i32 to index
      %swap3A_328 = arith.constant 0 : index
      %swap3A_329 = tpu.vector_load %arg9[%swap3A_326, %swap3A_327, %swap3A_328] {strides = array<i32>} : memref<2x8x16xi32, #tpu.memory_space<vmem>>, vector<1x1x16xi32>,
      %swap3A_330 = vector.shape_cast %swap3A_329 : vector<1x1x16xi32> to vector<16xi32>
      %swap3A_331 = vector.shape_cast %scan3A_298#3 : vector<16xi32> to vector<1x1x16xi32>
      tpu.vector_store %arg9[%swap3A_326, %swap3A_327, %swap3A_328], %swap3A_331 {strides = array<i32>} : memref<2x8x16xi32, #tpu.memory_space<vmem>>, vector<1x1x16xi32>,
      %get3A_332 = arith.index_cast %select_n3A : i32 to index
      %get3A_333 = arith.constant 80 : index
      %get3A_334 = tpu.vector_load %arg7[%get3A_332, %get3A_333] {strides = array<i32>} : memref<4x128xf32, #tpu.memory_space<vmem>>, vector<1x16xf32>,
      %get3A_335 = vector.shape_cast %get3A_334 : vector<1x16xf32> to vector<16xf32>
      %broadcast_in_dim3A_336 = arith.constant 0xFF800000 : f32
      %broadcast_in_dim3A_337 = vector.broadcast %broadcast_in_dim3A_336 : f32 to vector<16xf32>
      %broadcast_in_dim3A_338 = arith.constant 0xFF800000 : f32
      %broadcast_in_dim3A_339 = vector.broadcast %broadcast_in_dim3A_338 : f32 to vector<16xf32>
      %broadcast_in_dim3A_340 = arith.constant 0 : i32
      %broadcast_in_dim3A_341 = vector.broadcast %broadcast_in_dim3A_340 : i32 to vector<16xi32>
      %broadcast_in_dim3A_342 = arith.constant 0 : i32
      %broadcast_in_dim3A_343 = vector.broadcast %broadcast_in_dim3A_342 : i32 to vector<16xi32>
      %scan3A_344 = arith.constant 0 : i32
      %scan3A_345 = arith.constant 32 : i32
      %scan3A_346 = arith.addi %scan3A_344, %scan3A_345 : i32
      %scan3A_347 = arith.constant 1 : i32
      %scan3A_348:4 = scf.for %scan3A_987 = %scan3A_344 to %scan3A_346 step %scan3A_347 iter_args(%scan3A_988 = %broadcast_in_dim3A_337, %scan3A_989 = %broadcast_in_dim3A_339, %scan3A_990 = %broadcast_in_dim3A_341, %scan3A_991 = %broadcast_in_dim3A_343) -> (vector<16xf32>, vector<16xf32>, vector<16xi32>, vector<16xi32>)  : i32 {
        %mul3A_992 = arith.constant 8 : i32
        %mul3A_993 = arith.muli %scan3A_987, %mul3A_992 : i32
        %add3A_994 = arith.constant 0 : i32
        %add3A_995 = arith.addi %mul3A_993, %add3A_994 : i32
        %get3A_996 = arith.constant 0 : i32
        %get3A_997 = arith.index_cast %get3A_996 : i32 to index
        %get3A_998 = arith.index_cast %add3A_995 : i32 to index
        %get3A_999 = arith.constant 80 : index
        %get3A_1000 = tpu.vector_load %arg6[%get3A_997, %get3A_998, %get3A_999] {strides = array<i32>} : memref<2x256x128xf32, #tpu.memory_space<vmem>>, vector<1x1x16xf32>,
        %get3A_1001 = vector.shape_cast %get3A_1000 : vector<1x1x16xf32> to vector<16xf32>
        %mul3A_1002 = arith.mulf %get3A_335, %get3A_1001 : vector<16xf32>
        %gt3A = arith.cmpf ogt, %mul3A_1002, %scan3A_988 : vector<16xf32>
        %min3A = arith.minimumf %scan3A_988, %mul3A_1002 : vector<16xf32>
        %max3A = arith.maximumf %scan3A_989, %min3A : vector<16xf32>
        %max3A_1003 = arith.maximumf %scan3A_988, %mul3A_1002 : vector<16xf32>
        %select_n3A_1004 = arith.select %gt3A, %broadcast_in_dim3A_18, %scan3A_991 : vector<16xi1>, vector<16xi32>
        %mul3A_1005 = arith.constant 8 : i32
        %mul3A_1006 = arith.muli %scan3A_987, %mul3A_1005 : i32
        %add3A_1007 = arith.constant 1 : i32
        %add3A_1008 = arith.addi %mul3A_1006, %add3A_1007 : i32
        %get3A_1009 = arith.constant 0 : i32
        %get3A_1010 = arith.index_cast %get3A_1009 : i32 to index
        %get3A_1011 = arith.index_cast %add3A_1008 : i32 to index
        %get3A_1012 = arith.constant 80 : index
        %get3A_1013 = tpu.vector_load %arg6[%get3A_1010, %get3A_1011, %get3A_1012] {strides = array<i32>} : memref<2x256x128xf32, #tpu.memory_space<vmem>>, vector<1x1x16xf32>,
        %get3A_1014 = vector.shape_cast %get3A_1013 : vector<1x1x16xf32> to vector<16xf32>
        %mul3A_1015 = arith.mulf %get3A_335, %get3A_1014 : vector<16xf32>
        %gt3A_1016 = arith.cmpf ogt, %mul3A_1015, %max3A_1003 : vector<16xf32>
        %min3A_1017 = arith.minimumf %max3A_1003, %mul3A_1015 : vector<16xf32>
        %max3A_1018 = arith.maximumf %max3A, %min3A_1017 : vector<16xf32>
        %max3A_1019 = arith.maximumf %max3A_1003, %mul3A_1015 : vector<16xf32>
        %select_n3A_1020 = arith.select %gt3A_1016, %broadcast_in_dim3A_20, %select_n3A_1004 : vector<16xi1>, vector<16xi32>
        %mul3A_1021 = arith.constant 8 : i32
        %mul3A_1022 = arith.muli %scan3A_987, %mul3A_1021 : i32
        %add3A_1023 = arith.constant 2 : i32
        %add3A_1024 = arith.addi %mul3A_1022, %add3A_1023 : i32
        %get3A_1025 = arith.constant 0 : i32
        %get3A_1026 = arith.index_cast %get3A_1025 : i32 to index
        %get3A_1027 = arith.index_cast %add3A_1024 : i32 to index
        %get3A_1028 = arith.constant 80 : index
        %get3A_1029 = tpu.vector_load %arg6[%get3A_1026, %get3A_1027, %get3A_1028] {strides = array<i32>} : memref<2x256x128xf32, #tpu.memory_space<vmem>>, vector<1x1x16xf32>,
        %get3A_1030 = vector.shape_cast %get3A_1029 : vector<1x1x16xf32> to vector<16xf32>
        %mul3A_1031 = arith.mulf %get3A_335, %get3A_1030 : vector<16xf32>
        %gt3A_1032 = arith.cmpf ogt, %mul3A_1031, %max3A_1019 : vector<16xf32>
        %min3A_1033 = arith.minimumf %max3A_1019, %mul3A_1031 : vector<16xf32>
        %max3A_1034 = arith.maximumf %max3A_1018, %min3A_1033 : vector<16xf32>
        %max3A_1035 = arith.maximumf %max3A_1019, %mul3A_1031 : vector<16xf32>
        %select_n3A_1036 = arith.select %gt3A_1032, %broadcast_in_dim3A_22, %select_n3A_1020 : vector<16xi1>, vector<16xi32>
        %mul3A_1037 = arith.constant 8 : i32
        %mul3A_1038 = arith.muli %scan3A_987, %mul3A_1037 : i32
        %add3A_1039 = arith.constant 3 : i32
        %add3A_1040 = arith.addi %mul3A_1038, %add3A_1039 : i32
        %get3A_1041 = arith.constant 0 : i32
        %get3A_1042 = arith.index_cast %get3A_1041 : i32 to index
        %get3A_1043 = arith.index_cast %add3A_1040 : i32 to index
        %get3A_1044 = arith.constant 80 : index
        %get3A_1045 = tpu.vector_load %arg6[%get3A_1042, %get3A_1043, %get3A_1044] {strides = array<i32>} : memref<2x256x128xf32, #tpu.memory_space<vmem>>, vector<1x1x16xf32>,
        %get3A_1046 = vector.shape_cast %get3A_1045 : vector<1x1x16xf32> to vector<16xf32>
        %mul3A_1047 = arith.mulf %get3A_335, %get3A_1046 : vector<16xf32>
        %gt3A_1048 = arith.cmpf ogt, %mul3A_1047, %max3A_1035 : vector<16xf32>
        %min3A_1049 = arith.minimumf %max3A_1035, %mul3A_1047 : vector<16xf32>
        %max3A_1050 = arith.maximumf %max3A_1034, %min3A_1049 : vector<16xf32>
        %max3A_1051 = arith.maximumf %max3A_1035, %mul3A_1047 : vector<16xf32>
        %select_n3A_1052 = arith.select %gt3A_1048, %broadcast_in_dim3A_24, %select_n3A_1036 : vector<16xi1>, vector<16xi32>
        %mul3A_1053 = arith.constant 8 : i32
        %mul3A_1054 = arith.muli %scan3A_987, %mul3A_1053 : i32
        %add3A_1055 = arith.constant 4 : i32
        %add3A_1056 = arith.addi %mul3A_1054, %add3A_1055 : i32
        %get3A_1057 = arith.constant 0 : i32
        %get3A_1058 = arith.index_cast %get3A_1057 : i32 to index
        %get3A_1059 = arith.index_cast %add3A_1056 : i32 to index
        %get3A_1060 = arith.constant 80 : index
        %get3A_1061 = tpu.vector_load %arg6[%get3A_1058, %get3A_1059, %get3A_1060] {strides = array<i32>} : memref<2x256x128xf32, #tpu.memory_space<vmem>>, vector<1x1x16xf32>,
        %get3A_1062 = vector.shape_cast %get3A_1061 : vector<1x1x16xf32> to vector<16xf32>
        %mul3A_1063 = arith.mulf %get3A_335, %get3A_1062 : vector<16xf32>
        %gt3A_1064 = arith.cmpf ogt, %mul3A_1063, %max3A_1051 : vector<16xf32>
        %min3A_1065 = arith.minimumf %max3A_1051, %mul3A_1063 : vector<16xf32>
        %max3A_1066 = arith.maximumf %max3A_1050, %min3A_1065 : vector<16xf32>
        %max3A_1067 = arith.maximumf %max3A_1051, %mul3A_1063 : vector<16xf32>
        %select_n3A_1068 = arith.select %gt3A_1064, %broadcast_in_dim3A_26, %select_n3A_1052 : vector<16xi1>, vector<16xi32>
        %mul3A_1069 = arith.constant 8 : i32
        %mul3A_1070 = arith.muli %scan3A_987, %mul3A_1069 : i32
        %add3A_1071 = arith.constant 5 : i32
        %add3A_1072 = arith.addi %mul3A_1070, %add3A_1071 : i32
        %get3A_1073 = arith.constant 0 : i32
        %get3A_1074 = arith.index_cast %get3A_1073 : i32 to index
        %get3A_1075 = arith.index_cast %add3A_1072 : i32 to index
        %get3A_1076 = arith.constant 80 : index
        %get3A_1077 = tpu.vector_load %arg6[%get3A_1074, %get3A_1075, %get3A_1076] {strides = array<i32>} : memref<2x256x128xf32, #tpu.memory_space<vmem>>, vector<1x1x16xf32>,
        %get3A_1078 = vector.shape_cast %get3A_1077 : vector<1x1x16xf32> to vector<16xf32>
        %mul3A_1079 = arith.mulf %get3A_335, %get3A_1078 : vector<16xf32>
        %gt3A_1080 = arith.cmpf ogt, %mul3A_1079, %max3A_1067 : vector<16xf32>
        %min3A_1081 = arith.minimumf %max3A_1067, %mul3A_1079 : vector<16xf32>
        %max3A_1082 = arith.maximumf %max3A_1066, %min3A_1081 : vector<16xf32>
        %max3A_1083 = arith.maximumf %max3A_1067, %mul3A_1079 : vector<16xf32>
        %select_n3A_1084 = arith.select %gt3A_1080, %broadcast_in_dim3A_28, %select_n3A_1068 : vector<16xi1>, vector<16xi32>
        %mul3A_1085 = arith.constant 8 : i32
        %mul3A_1086 = arith.muli %scan3A_987, %mul3A_1085 : i32
        %add3A_1087 = arith.constant 6 : i32
        %add3A_1088 = arith.addi %mul3A_1086, %add3A_1087 : i32
        %get3A_1089 = arith.constant 0 : i32
        %get3A_1090 = arith.index_cast %get3A_1089 : i32 to index
        %get3A_1091 = arith.index_cast %add3A_1088 : i32 to index
        %get3A_1092 = arith.constant 80 : index
        %get3A_1093 = tpu.vector_load %arg6[%get3A_1090, %get3A_1091, %get3A_1092] {strides = array<i32>} : memref<2x256x128xf32, #tpu.memory_space<vmem>>, vector<1x1x16xf32>,
        %get3A_1094 = vector.shape_cast %get3A_1093 : vector<1x1x16xf32> to vector<16xf32>
        %mul3A_1095 = arith.mulf %get3A_335, %get3A_1094 : vector<16xf32>
        %gt3A_1096 = arith.cmpf ogt, %mul3A_1095, %max3A_1083 : vector<16xf32>
        %min3A_1097 = arith.minimumf %max3A_1083, %mul3A_1095 : vector<16xf32>
        %max3A_1098 = arith.maximumf %max3A_1082, %min3A_1097 : vector<16xf32>
        %max3A_1099 = arith.maximumf %max3A_1083, %mul3A_1095 : vector<16xf32>
        %select_n3A_1100 = arith.select %gt3A_1096, %broadcast_in_dim3A_30, %select_n3A_1084 : vector<16xi1>, vector<16xi32>
        %mul3A_1101 = arith.constant 8 : i32
        %mul3A_1102 = arith.muli %scan3A_987, %mul3A_1101 : i32
        %add3A_1103 = arith.constant 7 : i32
        %add3A_1104 = arith.addi %mul3A_1102, %add3A_1103 : i32
        %get3A_1105 = arith.constant 0 : i32
        %get3A_1106 = arith.index_cast %get3A_1105 : i32 to index
        %get3A_1107 = arith.index_cast %add3A_1104 : i32 to index
        %get3A_1108 = arith.constant 80 : index
        %get3A_1109 = tpu.vector_load %arg6[%get3A_1106, %get3A_1107, %get3A_1108] {strides = array<i32>} : memref<2x256x128xf32, #tpu.memory_space<vmem>>, vector<1x1x16xf32>,
        %get3A_1110 = vector.shape_cast %get3A_1109 : vector<1x1x16xf32> to vector<16xf32>
        %mul3A_1111 = arith.mulf %get3A_335, %get3A_1110 : vector<16xf32>
        %gt3A_1112 = arith.cmpf ogt, %mul3A_1111, %max3A_1099 : vector<16xf32>
        %min3A_1113 = arith.minimumf %max3A_1099, %mul3A_1111 : vector<16xf32>
        %max3A_1114 = arith.maximumf %max3A_1098, %min3A_1113 : vector<16xf32>
        %max3A_1115 = arith.maximumf %max3A_1099, %mul3A_1111 : vector<16xf32>
        %select_n3A_1116 = arith.select %gt3A_1112, %broadcast_in_dim3A_32, %select_n3A_1100 : vector<16xi1>, vector<16xi32>
        %add3A_1117 = arith.constant 0 : i32
        %add3A_1118 = arith.addi %add3A_1117, %scan3A_987 : i32
        %broadcast_in_dim3A_1119 = vector.broadcast %add3A_1118 : i32 to vector<16xi32>
        %ne3A_1120 = arith.cmpf one, %max3A_1115, %scan3A_988 : vector<16xf32>
        %select_n3A_1121 = arith.select %ne3A_1120, %broadcast_in_dim3A_1119, %scan3A_990 : vector<16xi1>, vector<16xi32>
        scf.yield %max3A_1115, %max3A_1114, %select_n3A_1121, %select_n3A_1116 : vector<16xf32>, vector<16xf32>, vector<16xi32>, vector<16xi32>
      }
      %scan3A_349 = arith.constant 32 : i32
      %swap3A_350 = arith.constant 0 : i32
      %swap3A_351 = arith.constant 5 : i32
      %swap3A_352 = arith.index_cast %swap3A_350 : i32 to index
      %swap3A_353 = arith.index_cast %swap3A_351 : i32 to index
      %swap3A_354 = arith.constant 0 : index
      %swap3A_355 = tpu.vector_load %arg8[%swap3A_352, %swap3A_353, %swap3A_354] {strides = array<i32>} : memref<2x8x16xf32, #tpu.memory_space<vmem>>, vector<1x1x16xf32>,
      %swap3A_356 = vector.shape_cast %swap3A_355 : vector<1x1x16xf32> to vector<16xf32>
      %swap3A_357 = vector.shape_cast %scan3A_348#0 : vector<16xf32> to vector<1x1x16xf32>
      tpu.vector_store %arg8[%swap3A_352, %swap3A_353, %swap3A_354], %swap3A_357 {strides = array<i32>} : memref<2x8x16xf32, #tpu.memory_space<vmem>>, vector<1x1x16xf32>,
      %swap3A_358 = arith.constant 1 : i32
      %swap3A_359 = arith.constant 5 : i32
      %swap3A_360 = arith.index_cast %swap3A_358 : i32 to index
      %swap3A_361 = arith.index_cast %swap3A_359 : i32 to index
      %swap3A_362 = arith.constant 0 : index
      %swap3A_363 = tpu.vector_load %arg8[%swap3A_360, %swap3A_361, %swap3A_362] {strides = array<i32>} : memref<2x8x16xf32, #tpu.memory_space<vmem>>, vector<1x1x16xf32>,
      %swap3A_364 = vector.shape_cast %swap3A_363 : vector<1x1x16xf32> to vector<16xf32>
      %swap3A_365 = vector.shape_cast %scan3A_348#1 : vector<16xf32> to vector<1x1x16xf32>
      tpu.vector_store %arg8[%swap3A_360, %swap3A_361, %swap3A_362], %swap3A_365 {strides = array<i32>} : memref<2x8x16xf32, #tpu.memory_space<vmem>>, vector<1x1x16xf32>,
      %swap3A_366 = arith.constant 0 : i32
      %swap3A_367 = arith.constant 5 : i32
      %swap3A_368 = arith.index_cast %swap3A_366 : i32 to index
      %swap3A_369 = arith.index_cast %swap3A_367 : i32 to index
      %swap3A_370 = arith.constant 0 : index
      %swap3A_371 = tpu.vector_load %arg9[%swap3A_368, %swap3A_369, %swap3A_370] {strides = array<i32>} : memref<2x8x16xi32, #tpu.memory_space<vmem>>, vector<1x1x16xi32>,
      %swap3A_372 = vector.shape_cast %swap3A_371 : vector<1x1x16xi32> to vector<16xi32>
      %swap3A_373 = vector.shape_cast %scan3A_348#2 : vector<16xi32> to vector<1x1x16xi32>
      tpu.vector_store %arg9[%swap3A_368, %swap3A_369, %swap3A_370], %swap3A_373 {strides = array<i32>} : memref<2x8x16xi32, #tpu.memory_space<vmem>>, vector<1x1x16xi32>,
      %swap3A_374 = arith.constant 1 : i32
      %swap3A_375 = arith.constant 5 : i32
      %swap3A_376 = arith.index_cast %swap3A_374 : i32 to index
      %swap3A_377 = arith.index_cast %swap3A_375 : i32 to index
      %swap3A_378 = arith.constant 0 : index
      %swap3A_379 = tpu.vector_load %arg9[%swap3A_376, %swap3A_377, %swap3A_378] {strides = array<i32>} : memref<2x8x16xi32, #tpu.memory_space<vmem>>, vector<1x1x16xi32>,
      %swap3A_380 = vector.shape_cast %swap3A_379 : vector<1x1x16xi32> to vector<16xi32>
      %swap3A_381 = vector.shape_cast %scan3A_348#3 : vector<16xi32> to vector<1x1x16xi32>
      tpu.vector_store %arg9[%swap3A_376, %swap3A_377, %swap3A_378], %swap3A_381 {strides = array<i32>} : memref<2x8x16xi32, #tpu.memory_space<vmem>>, vector<1x1x16xi32>,
      %get3A_382 = arith.index_cast %select_n3A : i32 to index
      %get3A_383 = arith.constant 96 : index
      %get3A_384 = tpu.vector_load %arg7[%get3A_382, %get3A_383] {strides = array<i32>} : memref<4x128xf32, #tpu.memory_space<vmem>>, vector<1x16xf32>,
      %get3A_385 = vector.shape_cast %get3A_384 : vector<1x16xf32> to vector<16xf32>
      %broadcast_in_dim3A_386 = arith.constant 0xFF800000 : f32
      %broadcast_in_dim3A_387 = vector.broadcast %broadcast_in_dim3A_386 : f32 to vector<16xf32>
      %broadcast_in_dim3A_388 = arith.constant 0xFF800000 : f32
      %broadcast_in_dim3A_389 = vector.broadcast %broadcast_in_dim3A_388 : f32 to vector<16xf32>
      %broadcast_in_dim3A_390 = arith.constant 0 : i32
      %broadcast_in_dim3A_391 = vector.broadcast %broadcast_in_dim3A_390 : i32 to vector<16xi32>
      %broadcast_in_dim3A_392 = arith.constant 0 : i32
      %broadcast_in_dim3A_393 = vector.broadcast %broadcast_in_dim3A_392 : i32 to vector<16xi32>
      %scan3A_394 = arith.constant 0 : i32
      %scan3A_395 = arith.constant 32 : i32
      %scan3A_396 = arith.addi %scan3A_394, %scan3A_395 : i32
      %scan3A_397 = arith.constant 1 : i32
      %scan3A_398:4 = scf.for %scan3A_987 = %scan3A_394 to %scan3A_396 step %scan3A_397 iter_args(%scan3A_988 = %broadcast_in_dim3A_387, %scan3A_989 = %broadcast_in_dim3A_389, %scan3A_990 = %broadcast_in_dim3A_391, %scan3A_991 = %broadcast_in_dim3A_393) -> (vector<16xf32>, vector<16xf32>, vector<16xi32>, vector<16xi32>)  : i32 {
        %mul3A_992 = arith.constant 8 : i32
        %mul3A_993 = arith.muli %scan3A_987, %mul3A_992 : i32
        %add3A_994 = arith.constant 0 : i32
        %add3A_995 = arith.addi %mul3A_993, %add3A_994 : i32
        %get3A_996 = arith.constant 0 : i32
        %get3A_997 = arith.index_cast %get3A_996 : i32 to index
        %get3A_998 = arith.index_cast %add3A_995 : i32 to index
        %get3A_999 = arith.constant 96 : index
        %get3A_1000 = tpu.vector_load %arg6[%get3A_997, %get3A_998, %get3A_999] {strides = array<i32>} : memref<2x256x128xf32, #tpu.memory_space<vmem>>, vector<1x1x16xf32>,
        %get3A_1001 = vector.shape_cast %get3A_1000 : vector<1x1x16xf32> to vector<16xf32>
        %mul3A_1002 = arith.mulf %get3A_385, %get3A_1001 : vector<16xf32>
        %gt3A = arith.cmpf ogt, %mul3A_1002, %scan3A_988 : vector<16xf32>
        %min3A = arith.minimumf %scan3A_988, %mul3A_1002 : vector<16xf32>
        %max3A = arith.maximumf %scan3A_989, %min3A : vector<16xf32>
        %max3A_1003 = arith.maximumf %scan3A_988, %mul3A_1002 : vector<16xf32>
        %select_n3A_1004 = arith.select %gt3A, %broadcast_in_dim3A_18, %scan3A_991 : vector<16xi1>, vector<16xi32>
        %mul3A_1005 = arith.constant 8 : i32
        %mul3A_1006 = arith.muli %scan3A_987, %mul3A_1005 : i32
        %add3A_1007 = arith.constant 1 : i32
        %add3A_1008 = arith.addi %mul3A_1006, %add3A_1007 : i32
        %get3A_1009 = arith.constant 0 : i32
        %get3A_1010 = arith.index_cast %get3A_1009 : i32 to index
        %get3A_1011 = arith.index_cast %add3A_1008 : i32 to index
        %get3A_1012 = arith.constant 96 : index
        %get3A_1013 = tpu.vector_load %arg6[%get3A_1010, %get3A_1011, %get3A_1012] {strides = array<i32>} : memref<2x256x128xf32, #tpu.memory_space<vmem>>, vector<1x1x16xf32>,
        %get3A_1014 = vector.shape_cast %get3A_1013 : vector<1x1x16xf32> to vector<16xf32>
        %mul3A_1015 = arith.mulf %get3A_385, %get3A_1014 : vector<16xf32>
        %gt3A_1016 = arith.cmpf ogt, %mul3A_1015, %max3A_1003 : vector<16xf32>
        %min3A_1017 = arith.minimumf %max3A_1003, %mul3A_1015 : vector<16xf32>
        %max3A_1018 = arith.maximumf %max3A, %min3A_1017 : vector<16xf32>
        %max3A_1019 = arith.maximumf %max3A_1003, %mul3A_1015 : vector<16xf32>
        %select_n3A_1020 = arith.select %gt3A_1016, %broadcast_in_dim3A_20, %select_n3A_1004 : vector<16xi1>, vector<16xi32>
        %mul3A_1021 = arith.constant 8 : i32
        %mul3A_1022 = arith.muli %scan3A_987, %mul3A_1021 : i32
        %add3A_1023 = arith.constant 2 : i32
        %add3A_1024 = arith.addi %mul3A_1022, %add3A_1023 : i32
        %get3A_1025 = arith.constant 0 : i32
        %get3A_1026 = arith.index_cast %get3A_1025 : i32 to index
        %get3A_1027 = arith.index_cast %add3A_1024 : i32 to index
        %get3A_1028 = arith.constant 96 : index
        %get3A_1029 = tpu.vector_load %arg6[%get3A_1026, %get3A_1027, %get3A_1028] {strides = array<i32>} : memref<2x256x128xf32, #tpu.memory_space<vmem>>, vector<1x1x16xf32>,
        %get3A_1030 = vector.shape_cast %get3A_1029 : vector<1x1x16xf32> to vector<16xf32>
        %mul3A_1031 = arith.mulf %get3A_385, %get3A_1030 : vector<16xf32>
        %gt3A_1032 = arith.cmpf ogt, %mul3A_1031, %max3A_1019 : vector<16xf32>
        %min3A_1033 = arith.minimumf %max3A_1019, %mul3A_1031 : vector<16xf32>
        %max3A_1034 = arith.maximumf %max3A_1018, %min3A_1033 : vector<16xf32>
        %max3A_1035 = arith.maximumf %max3A_1019, %mul3A_1031 : vector<16xf32>
        %select_n3A_1036 = arith.select %gt3A_1032, %broadcast_in_dim3A_22, %select_n3A_1020 : vector<16xi1>, vector<16xi32>
        %mul3A_1037 = arith.constant 8 : i32
        %mul3A_1038 = arith.muli %scan3A_987, %mul3A_1037 : i32
        %add3A_1039 = arith.constant 3 : i32
        %add3A_1040 = arith.addi %mul3A_1038, %add3A_1039 : i32
        %get3A_1041 = arith.constant 0 : i32
        %get3A_1042 = arith.index_cast %get3A_1041 : i32 to index
        %get3A_1043 = arith.index_cast %add3A_1040 : i32 to index
        %get3A_1044 = arith.constant 96 : index
        %get3A_1045 = tpu.vector_load %arg6[%get3A_1042, %get3A_1043, %get3A_1044] {strides = array<i32>} : memref<2x256x128xf32, #tpu.memory_space<vmem>>, vector<1x1x16xf32>,
        %get3A_1046 = vector.shape_cast %get3A_1045 : vector<1x1x16xf32> to vector<16xf32>
        %mul3A_1047 = arith.mulf %get3A_385, %get3A_1046 : vector<16xf32>
        %gt3A_1048 = arith.cmpf ogt, %mul3A_1047, %max3A_1035 : vector<16xf32>
        %min3A_1049 = arith.minimumf %max3A_1035, %mul3A_1047 : vector<16xf32>
        %max3A_1050 = arith.maximumf %max3A_1034, %min3A_1049 : vector<16xf32>
        %max3A_1051 = arith.maximumf %max3A_1035, %mul3A_1047 : vector<16xf32>
        %select_n3A_1052 = arith.select %gt3A_1048, %broadcast_in_dim3A_24, %select_n3A_1036 : vector<16xi1>, vector<16xi32>
        %mul3A_1053 = arith.constant 8 : i32
        %mul3A_1054 = arith.muli %scan3A_987, %mul3A_1053 : i32
        %add3A_1055 = arith.constant 4 : i32
        %add3A_1056 = arith.addi %mul3A_1054, %add3A_1055 : i32
        %get3A_1057 = arith.constant 0 : i32
        %get3A_1058 = arith.index_cast %get3A_1057 : i32 to index
        %get3A_1059 = arith.index_cast %add3A_1056 : i32 to index
        %get3A_1060 = arith.constant 96 : index
        %get3A_1061 = tpu.vector_load %arg6[%get3A_1058, %get3A_1059, %get3A_1060] {strides = array<i32>} : memref<2x256x128xf32, #tpu.memory_space<vmem>>, vector<1x1x16xf32>,
        %get3A_1062 = vector.shape_cast %get3A_1061 : vector<1x1x16xf32> to vector<16xf32>
        %mul3A_1063 = arith.mulf %get3A_385, %get3A_1062 : vector<16xf32>
        %gt3A_1064 = arith.cmpf ogt, %mul3A_1063, %max3A_1051 : vector<16xf32>
        %min3A_1065 = arith.minimumf %max3A_1051, %mul3A_1063 : vector<16xf32>
        %max3A_1066 = arith.maximumf %max3A_1050, %min3A_1065 : vector<16xf32>
        %max3A_1067 = arith.maximumf %max3A_1051, %mul3A_1063 : vector<16xf32>
        %select_n3A_1068 = arith.select %gt3A_1064, %broadcast_in_dim3A_26, %select_n3A_1052 : vector<16xi1>, vector<16xi32>
        %mul3A_1069 = arith.constant 8 : i32
        %mul3A_1070 = arith.muli %scan3A_987, %mul3A_1069 : i32
        %add3A_1071 = arith.constant 5 : i32
        %add3A_1072 = arith.addi %mul3A_1070, %add3A_1071 : i32
        %get3A_1073 = arith.constant 0 : i32
        %get3A_1074 = arith.index_cast %get3A_1073 : i32 to index
        %get3A_1075 = arith.index_cast %add3A_1072 : i32 to index
        %get3A_1076 = arith.constant 96 : index
        %get3A_1077 = tpu.vector_load %arg6[%get3A_1074, %get3A_1075, %get3A_1076] {strides = array<i32>} : memref<2x256x128xf32, #tpu.memory_space<vmem>>, vector<1x1x16xf32>,
        %get3A_1078 = vector.shape_cast %get3A_1077 : vector<1x1x16xf32> to vector<16xf32>
        %mul3A_1079 = arith.mulf %get3A_385, %get3A_1078 : vector<16xf32>
        %gt3A_1080 = arith.cmpf ogt, %mul3A_1079, %max3A_1067 : vector<16xf32>
        %min3A_1081 = arith.minimumf %max3A_1067, %mul3A_1079 : vector<16xf32>
        %max3A_1082 = arith.maximumf %max3A_1066, %min3A_1081 : vector<16xf32>
        %max3A_1083 = arith.maximumf %max3A_1067, %mul3A_1079 : vector<16xf32>
        %select_n3A_1084 = arith.select %gt3A_1080, %broadcast_in_dim3A_28, %select_n3A_1068 : vector<16xi1>, vector<16xi32>
        %mul3A_1085 = arith.constant 8 : i32
        %mul3A_1086 = arith.muli %scan3A_987, %mul3A_1085 : i32
        %add3A_1087 = arith.constant 6 : i32
        %add3A_1088 = arith.addi %mul3A_1086, %add3A_1087 : i32
        %get3A_1089 = arith.constant 0 : i32
        %get3A_1090 = arith.index_cast %get3A_1089 : i32 to index
        %get3A_1091 = arith.index_cast %add3A_1088 : i32 to index
        %get3A_1092 = arith.constant 96 : index
        %get3A_1093 = tpu.vector_load %arg6[%get3A_1090, %get3A_1091, %get3A_1092] {strides = array<i32>} : memref<2x256x128xf32, #tpu.memory_space<vmem>>, vector<1x1x16xf32>,
        %get3A_1094 = vector.shape_cast %get3A_1093 : vector<1x1x16xf32> to vector<16xf32>
        %mul3A_1095 = arith.mulf %get3A_385, %get3A_1094 : vector<16xf32>
        %gt3A_1096 = arith.cmpf ogt, %mul3A_1095, %max3A_1083 : vector<16xf32>
        %min3A_1097 = arith.minimumf %max3A_1083, %mul3A_1095 : vector<16xf32>
        %max3A_1098 = arith.maximumf %max3A_1082, %min3A_1097 : vector<16xf32>
        %max3A_1099 = arith.maximumf %max3A_1083, %mul3A_1095 : vector<16xf32>
        %select_n3A_1100 = arith.select %gt3A_1096, %broadcast_in_dim3A_30, %select_n3A_1084 : vector<16xi1>, vector<16xi32>
        %mul3A_1101 = arith.constant 8 : i32
        %mul3A_1102 = arith.muli %scan3A_987, %mul3A_1101 : i32
        %add3A_1103 = arith.constant 7 : i32
        %add3A_1104 = arith.addi %mul3A_1102, %add3A_1103 : i32
        %get3A_1105 = arith.constant 0 : i32
        %get3A_1106 = arith.index_cast %get3A_1105 : i32 to index
        %get3A_1107 = arith.index_cast %add3A_1104 : i32 to index
        %get3A_1108 = arith.constant 96 : index
        %get3A_1109 = tpu.vector_load %arg6[%get3A_1106, %get3A_1107, %get3A_1108] {strides = array<i32>} : memref<2x256x128xf32, #tpu.memory_space<vmem>>, vector<1x1x16xf32>,
        %get3A_1110 = vector.shape_cast %get3A_1109 : vector<1x1x16xf32> to vector<16xf32>
        %mul3A_1111 = arith.mulf %get3A_385, %get3A_1110 : vector<16xf32>
        %gt3A_1112 = arith.cmpf ogt, %mul3A_1111, %max3A_1099 : vector<16xf32>
        %min3A_1113 = arith.minimumf %max3A_1099, %mul3A_1111 : vector<16xf32>
        %max3A_1114 = arith.maximumf %max3A_1098, %min3A_1113 : vector<16xf32>
        %max3A_1115 = arith.maximumf %max3A_1099, %mul3A_1111 : vector<16xf32>
        %select_n3A_1116 = arith.select %gt3A_1112, %broadcast_in_dim3A_32, %select_n3A_1100 : vector<16xi1>, vector<16xi32>
        %add3A_1117 = arith.constant 0 : i32
        %add3A_1118 = arith.addi %add3A_1117, %scan3A_987 : i32
        %broadcast_in_dim3A_1119 = vector.broadcast %add3A_1118 : i32 to vector<16xi32>
        %ne3A_1120 = arith.cmpf one, %max3A_1115, %scan3A_988 : vector<16xf32>
        %select_n3A_1121 = arith.select %ne3A_1120, %broadcast_in_dim3A_1119, %scan3A_990 : vector<16xi1>, vector<16xi32>
        scf.yield %max3A_1115, %max3A_1114, %select_n3A_1121, %select_n3A_1116 : vector<16xf32>, vector<16xf32>, vector<16xi32>, vector<16xi32>
      }
      %scan3A_399 = arith.constant 32 : i32
      %swap3A_400 = arith.constant 0 : i32
      %swap3A_401 = arith.constant 6 : i32
      %swap3A_402 = arith.index_cast %swap3A_400 : i32 to index
      %swap3A_403 = arith.index_cast %swap3A_401 : i32 to index
      %swap3A_404 = arith.constant 0 : index
      %swap3A_405 = tpu.vector_load %arg8[%swap3A_402, %swap3A_403, %swap3A_404] {strides = array<i32>} : memref<2x8x16xf32, #tpu.memory_space<vmem>>, vector<1x1x16xf32>,
      %swap3A_406 = vector.shape_cast %swap3A_405 : vector<1x1x16xf32> to vector<16xf32>
      %swap3A_407 = vector.shape_cast %scan3A_398#0 : vector<16xf32> to vector<1x1x16xf32>
      tpu.vector_store %arg8[%swap3A_402, %swap3A_403, %swap3A_404], %swap3A_407 {strides = array<i32>} : memref<2x8x16xf32, #tpu.memory_space<vmem>>, vector<1x1x16xf32>,
      %swap3A_408 = arith.constant 1 : i32
      %swap3A_409 = arith.constant 6 : i32
      %swap3A_410 = arith.index_cast %swap3A_408 : i32 to index
      %swap3A_411 = arith.index_cast %swap3A_409 : i32 to index
      %swap3A_412 = arith.constant 0 : index
      %swap3A_413 = tpu.vector_load %arg8[%swap3A_410, %swap3A_411, %swap3A_412] {strides = array<i32>} : memref<2x8x16xf32, #tpu.memory_space<vmem>>, vector<1x1x16xf32>,
      %swap3A_414 = vector.shape_cast %swap3A_413 : vector<1x1x16xf32> to vector<16xf32>
      %swap3A_415 = vector.shape_cast %scan3A_398#1 : vector<16xf32> to vector<1x1x16xf32>
      tpu.vector_store %arg8[%swap3A_410, %swap3A_411, %swap3A_412], %swap3A_415 {strides = array<i32>} : memref<2x8x16xf32, #tpu.memory_space<vmem>>, vector<1x1x16xf32>,
      %swap3A_416 = arith.constant 0 : i32
      %swap3A_417 = arith.constant 6 : i32
      %swap3A_418 = arith.index_cast %swap3A_416 : i32 to index
      %swap3A_419 = arith.index_cast %swap3A_417 : i32 to index
      %swap3A_420 = arith.constant 0 : index
      %swap3A_421 = tpu.vector_load %arg9[%swap3A_418, %swap3A_419, %swap3A_420] {strides = array<i32>} : memref<2x8x16xi32, #tpu.memory_space<vmem>>, vector<1x1x16xi32>,
      %swap3A_422 = vector.shape_cast %swap3A_421 : vector<1x1x16xi32> to vector<16xi32>
      %swap3A_423 = vector.shape_cast %scan3A_398#2 : vector<16xi32> to vector<1x1x16xi32>
      tpu.vector_store %arg9[%swap3A_418, %swap3A_419, %swap3A_420], %swap3A_423 {strides = array<i32>} : memref<2x8x16xi32, #tpu.memory_space<vmem>>, vector<1x1x16xi32>,
      %swap3A_424 = arith.constant 1 : i32
      %swap3A_425 = arith.constant 6 : i32
      %swap3A_426 = arith.index_cast %swap3A_424 : i32 to index
      %swap3A_427 = arith.index_cast %swap3A_425 : i32 to index
      %swap3A_428 = arith.constant 0 : index
      %swap3A_429 = tpu.vector_load %arg9[%swap3A_426, %swap3A_427, %swap3A_428] {strides = array<i32>} : memref<2x8x16xi32, #tpu.memory_space<vmem>>, vector<1x1x16xi32>,
      %swap3A_430 = vector.shape_cast %swap3A_429 : vector<1x1x16xi32> to vector<16xi32>
      %swap3A_431 = vector.shape_cast %scan3A_398#3 : vector<16xi32> to vector<1x1x16xi32>
      tpu.vector_store %arg9[%swap3A_426, %swap3A_427, %swap3A_428], %swap3A_431 {strides = array<i32>} : memref<2x8x16xi32, #tpu.memory_space<vmem>>, vector<1x1x16xi32>,
      %get3A_432 = arith.index_cast %select_n3A : i32 to index
      %get3A_433 = arith.constant 112 : index
      %get3A_434 = tpu.vector_load %arg7[%get3A_432, %get3A_433] {strides = array<i32>} : memref<4x128xf32, #tpu.memory_space<vmem>>, vector<1x16xf32>,
      %get3A_435 = vector.shape_cast %get3A_434 : vector<1x16xf32> to vector<16xf32>
      %broadcast_in_dim3A_436 = arith.constant 0xFF800000 : f32
      %broadcast_in_dim3A_437 = vector.broadcast %broadcast_in_dim3A_436 : f32 to vector<16xf32>
      %broadcast_in_dim3A_438 = arith.constant 0xFF800000 : f32
      %broadcast_in_dim3A_439 = vector.broadcast %broadcast_in_dim3A_438 : f32 to vector<16xf32>
      %broadcast_in_dim3A_440 = arith.constant 0 : i32
      %broadcast_in_dim3A_441 = vector.broadcast %broadcast_in_dim3A_440 : i32 to vector<16xi32>
      %broadcast_in_dim3A_442 = arith.constant 0 : i32
      %broadcast_in_dim3A_443 = vector.broadcast %broadcast_in_dim3A_442 : i32 to vector<16xi32>
      %scan3A_444 = arith.constant 0 : i32
      %scan3A_445 = arith.constant 32 : i32
      %scan3A_446 = arith.addi %scan3A_444, %scan3A_445 : i32
      %scan3A_447 = arith.constant 1 : i32
      %scan3A_448:4 = scf.for %scan3A_987 = %scan3A_444 to %scan3A_446 step %scan3A_447 iter_args(%scan3A_988 = %broadcast_in_dim3A_437, %scan3A_989 = %broadcast_in_dim3A_439, %scan3A_990 = %broadcast_in_dim3A_441, %scan3A_991 = %broadcast_in_dim3A_443) -> (vector<16xf32>, vector<16xf32>, vector<16xi32>, vector<16xi32>)  : i32 {
        %mul3A_992 = arith.constant 8 : i32
        %mul3A_993 = arith.muli %scan3A_987, %mul3A_992 : i32
        %add3A_994 = arith.constant 0 : i32
        %add3A_995 = arith.addi %mul3A_993, %add3A_994 : i32
        %get3A_996 = arith.constant 0 : i32
        %get3A_997 = arith.index_cast %get3A_996 : i32 to index
        %get3A_998 = arith.index_cast %add3A_995 : i32 to index
        %get3A_999 = arith.constant 112 : index
        %get3A_1000 = tpu.vector_load %arg6[%get3A_997, %get3A_998, %get3A_999] {strides = array<i32>} : memref<2x256x128xf32, #tpu.memory_space<vmem>>, vector<1x1x16xf32>,
        %get3A_1001 = vector.shape_cast %get3A_1000 : vector<1x1x16xf32> to vector<16xf32>
        %mul3A_1002 = arith.mulf %get3A_435, %get3A_1001 : vector<16xf32>
        %gt3A = arith.cmpf ogt, %mul3A_1002, %scan3A_988 : vector<16xf32>
        %min3A = arith.minimumf %scan3A_988, %mul3A_1002 : vector<16xf32>
        %max3A = arith.maximumf %scan3A_989, %min3A : vector<16xf32>
        %max3A_1003 = arith.maximumf %scan3A_988, %mul3A_1002 : vector<16xf32>
        %select_n3A_1004 = arith.select %gt3A, %broadcast_in_dim3A_18, %scan3A_991 : vector<16xi1>, vector<16xi32>
        %mul3A_1005 = arith.constant 8 : i32
        %mul3A_1006 = arith.muli %scan3A_987, %mul3A_1005 : i32
        %add3A_1007 = arith.constant 1 : i32
        %add3A_1008 = arith.addi %mul3A_1006, %add3A_1007 : i32
        %get3A_1009 = arith.constant 0 : i32
        %get3A_1010 = arith.index_cast %get3A_1009 : i32 to index
        %get3A_1011 = arith.index_cast %add3A_1008 : i32 to index
        %get3A_1012 = arith.constant 112 : index
        %get3A_1013 = tpu.vector_load %arg6[%get3A_1010, %get3A_1011, %get3A_1012] {strides = array<i32>} : memref<2x256x128xf32, #tpu.memory_space<vmem>>, vector<1x1x16xf32>,
        %get3A_1014 = vector.shape_cast %get3A_1013 : vector<1x1x16xf32> to vector<16xf32>
        %mul3A_1015 = arith.mulf %get3A_435, %get3A_1014 : vector<16xf32>
        %gt3A_1016 = arith.cmpf ogt, %mul3A_1015, %max3A_1003 : vector<16xf32>
        %min3A_1017 = arith.minimumf %max3A_1003, %mul3A_1015 : vector<16xf32>
        %max3A_1018 = arith.maximumf %max3A, %min3A_1017 : vector<16xf32>
        %max3A_1019 = arith.maximumf %max3A_1003, %mul3A_1015 : vector<16xf32>
        %select_n3A_1020 = arith.select %gt3A_1016, %broadcast_in_dim3A_20, %select_n3A_1004 : vector<16xi1>, vector<16xi32>
        %mul3A_1021 = arith.constant 8 : i32
        %mul3A_1022 = arith.muli %scan3A_987, %mul3A_1021 : i32
        %add3A_1023 = arith.constant 2 : i32
        %add3A_1024 = arith.addi %mul3A_1022, %add3A_1023 : i32
        %get3A_1025 = arith.constant 0 : i32
        %get3A_1026 = arith.index_cast %get3A_1025 : i32 to index
        %get3A_1027 = arith.index_cast %add3A_1024 : i32 to index
        %get3A_1028 = arith.constant 112 : index
        %get3A_1029 = tpu.vector_load %arg6[%get3A_1026, %get3A_1027, %get3A_1028] {strides = array<i32>} : memref<2x256x128xf32, #tpu.memory_space<vmem>>, vector<1x1x16xf32>,
        %get3A_1030 = vector.shape_cast %get3A_1029 : vector<1x1x16xf32> to vector<16xf32>
        %mul3A_1031 = arith.mulf %get3A_435, %get3A_1030 : vector<16xf32>
        %gt3A_1032 = arith.cmpf ogt, %mul3A_1031, %max3A_1019 : vector<16xf32>
        %min3A_1033 = arith.minimumf %max3A_1019, %mul3A_1031 : vector<16xf32>
        %max3A_1034 = arith.maximumf %max3A_1018, %min3A_1033 : vector<16xf32>
        %max3A_1035 = arith.maximumf %max3A_1019, %mul3A_1031 : vector<16xf32>
        %select_n3A_1036 = arith.select %gt3A_1032, %broadcast_in_dim3A_22, %select_n3A_1020 : vector<16xi1>, vector<16xi32>
        %mul3A_1037 = arith.constant 8 : i32
        %mul3A_1038 = arith.muli %scan3A_987, %mul3A_1037 : i32
        %add3A_1039 = arith.constant 3 : i32
        %add3A_1040 = arith.addi %mul3A_1038, %add3A_1039 : i32
        %get3A_1041 = arith.constant 0 : i32
        %get3A_1042 = arith.index_cast %get3A_1041 : i32 to index
        %get3A_1043 = arith.index_cast %add3A_1040 : i32 to index
        %get3A_1044 = arith.constant 112 : index
        %get3A_1045 = tpu.vector_load %arg6[%get3A_1042, %get3A_1043, %get3A_1044] {strides = array<i32>} : memref<2x256x128xf32, #tpu.memory_space<vmem>>, vector<1x1x16xf32>,
        %get3A_1046 = vector.shape_cast %get3A_1045 : vector<1x1x16xf32> to vector<16xf32>
        %mul3A_1047 = arith.mulf %get3A_435, %get3A_1046 : vector<16xf32>
        %gt3A_1048 = arith.cmpf ogt, %mul3A_1047, %max3A_1035 : vector<16xf32>
        %min3A_1049 = arith.minimumf %max3A_1035, %mul3A_1047 : vector<16xf32>
        %max3A_1050 = arith.maximumf %max3A_1034, %min3A_1049 : vector<16xf32>
        %max3A_1051 = arith.maximumf %max3A_1035, %mul3A_1047 : vector<16xf32>
        %select_n3A_1052 = arith.select %gt3A_1048, %broadcast_in_dim3A_24, %select_n3A_1036 : vector<16xi1>, vector<16xi32>
        %mul3A_1053 = arith.constant 8 : i32
        %mul3A_1054 = arith.muli %scan3A_987, %mul3A_1053 : i32
        %add3A_1055 = arith.constant 4 : i32
        %add3A_1056 = arith.addi %mul3A_1054, %add3A_1055 : i32
        %get3A_1057 = arith.constant 0 : i32
        %get3A_1058 = arith.index_cast %get3A_1057 : i32 to index
        %get3A_1059 = arith.index_cast %add3A_1056 : i32 to index
        %get3A_1060 = arith.constant 112 : index
        %get3A_1061 = tpu.vector_load %arg6[%get3A_1058, %get3A_1059, %get3A_1060] {strides = array<i32>} : memref<2x256x128xf32, #tpu.memory_space<vmem>>, vector<1x1x16xf32>,
        %get3A_1062 = vector.shape_cast %get3A_1061 : vector<1x1x16xf32> to vector<16xf32>
        %mul3A_1063 = arith.mulf %get3A_435, %get3A_1062 : vector<16xf32>
        %gt3A_1064 = arith.cmpf ogt, %mul3A_1063, %max3A_1051 : vector<16xf32>
        %min3A_1065 = arith.minimumf %max3A_1051, %mul3A_1063 : vector<16xf32>
        %max3A_1066 = arith.maximumf %max3A_1050, %min3A_1065 : vector<16xf32>
        %max3A_1067 = arith.maximumf %max3A_1051, %mul3A_1063 : vector<16xf32>
        %select_n3A_1068 = arith.select %gt3A_1064, %broadcast_in_dim3A_26, %select_n3A_1052 : vector<16xi1>, vector<16xi32>
        %mul3A_1069 = arith.constant 8 : i32
        %mul3A_1070 = arith.muli %scan3A_987, %mul3A_1069 : i32
        %add3A_1071 = arith.constant 5 : i32
        %add3A_1072 = arith.addi %mul3A_1070, %add3A_1071 : i32
        %get3A_1073 = arith.constant 0 : i32
        %get3A_1074 = arith.index_cast %get3A_1073 : i32 to index
        %get3A_1075 = arith.index_cast %add3A_1072 : i32 to index
        %get3A_1076 = arith.constant 112 : index
        %get3A_1077 = tpu.vector_load %arg6[%get3A_1074, %get3A_1075, %get3A_1076] {strides = array<i32>} : memref<2x256x128xf32, #tpu.memory_space<vmem>>, vector<1x1x16xf32>,
        %get3A_1078 = vector.shape_cast %get3A_1077 : vector<1x1x16xf32> to vector<16xf32>
        %mul3A_1079 = arith.mulf %get3A_435, %get3A_1078 : vector<16xf32>
        %gt3A_1080 = arith.cmpf ogt, %mul3A_1079, %max3A_1067 : vector<16xf32>
        %min3A_1081 = arith.minimumf %max3A_1067, %mul3A_1079 : vector<16xf32>
        %max3A_1082 = arith.maximumf %max3A_1066, %min3A_1081 : vector<16xf32>
        %max3A_1083 = arith.maximumf %max3A_1067, %mul3A_1079 : vector<16xf32>
        %select_n3A_1084 = arith.select %gt3A_1080, %broadcast_in_dim3A_28, %select_n3A_1068 : vector<16xi1>, vector<16xi32>
        %mul3A_1085 = arith.constant 8 : i32
        %mul3A_1086 = arith.muli %scan3A_987, %mul3A_1085 : i32
        %add3A_1087 = arith.constant 6 : i32
        %add3A_1088 = arith.addi %mul3A_1086, %add3A_1087 : i32
        %get3A_1089 = arith.constant 0 : i32
        %get3A_1090 = arith.index_cast %get3A_1089 : i32 to index
        %get3A_1091 = arith.index_cast %add3A_1088 : i32 to index
        %get3A_1092 = arith.constant 112 : index
        %get3A_1093 = tpu.vector_load %arg6[%get3A_1090, %get3A_1091, %get3A_1092] {strides = array<i32>} : memref<2x256x128xf32, #tpu.memory_space<vmem>>, vector<1x1x16xf32>,
        %get3A_1094 = vector.shape_cast %get3A_1093 : vector<1x1x16xf32> to vector<16xf32>
        %mul3A_1095 = arith.mulf %get3A_435, %get3A_1094 : vector<16xf32>
        %gt3A_1096 = arith.cmpf ogt, %mul3A_1095, %max3A_1083 : vector<16xf32>
        %min3A_1097 = arith.minimumf %max3A_1083, %mul3A_1095 : vector<16xf32>
        %max3A_1098 = arith.maximumf %max3A_1082, %min3A_1097 : vector<16xf32>
        %max3A_1099 = arith.maximumf %max3A_1083, %mul3A_1095 : vector<16xf32>
        %select_n3A_1100 = arith.select %gt3A_1096, %broadcast_in_dim3A_30, %select_n3A_1084 : vector<16xi1>, vector<16xi32>
        %mul3A_1101 = arith.constant 8 : i32
        %mul3A_1102 = arith.muli %scan3A_987, %mul3A_1101 : i32
        %add3A_1103 = arith.constant 7 : i32
        %add3A_1104 = arith.addi %mul3A_1102, %add3A_1103 : i32
        %get3A_1105 = arith.constant 0 : i32
        %get3A_1106 = arith.index_cast %get3A_1105 : i32 to index
        %get3A_1107 = arith.index_cast %add3A_1104 : i32 to index
        %get3A_1108 = arith.constant 112 : index
        %get3A_1109 = tpu.vector_load %arg6[%get3A_1106, %get3A_1107, %get3A_1108] {strides = array<i32>} : memref<2x256x128xf32, #tpu.memory_space<vmem>>, vector<1x1x16xf32>,
        %get3A_1110 = vector.shape_cast %get3A_1109 : vector<1x1x16xf32> to vector<16xf32>
        %mul3A_1111 = arith.mulf %get3A_435, %get3A_1110 : vector<16xf32>
        %gt3A_1112 = arith.cmpf ogt, %mul3A_1111, %max3A_1099 : vector<16xf32>
        %min3A_1113 = arith.minimumf %max3A_1099, %mul3A_1111 : vector<16xf32>
        %max3A_1114 = arith.maximumf %max3A_1098, %min3A_1113 : vector<16xf32>
        %max3A_1115 = arith.maximumf %max3A_1099, %mul3A_1111 : vector<16xf32>
        %select_n3A_1116 = arith.select %gt3A_1112, %broadcast_in_dim3A_32, %select_n3A_1100 : vector<16xi1>, vector<16xi32>
        %add3A_1117 = arith.constant 0 : i32
        %add3A_1118 = arith.addi %add3A_1117, %scan3A_987 : i32
        %broadcast_in_dim3A_1119 = vector.broadcast %add3A_1118 : i32 to vector<16xi32>
        %ne3A_1120 = arith.cmpf one, %max3A_1115, %scan3A_988 : vector<16xf32>
        %select_n3A_1121 = arith.select %ne3A_1120, %broadcast_in_dim3A_1119, %scan3A_990 : vector<16xi1>, vector<16xi32>
        scf.yield %max3A_1115, %max3A_1114, %select_n3A_1121, %select_n3A_1116 : vector<16xf32>, vector<16xf32>, vector<16xi32>, vector<16xi32>
      }
      %scan3A_449 = arith.constant 32 : i32
      %swap3A_450 = arith.constant 0 : i32
      %swap3A_451 = arith.constant 7 : i32
      %swap3A_452 = arith.index_cast %swap3A_450 : i32 to index
      %swap3A_453 = arith.index_cast %swap3A_451 : i32 to index
      %swap3A_454 = arith.constant 0 : index
      %swap3A_455 = tpu.vector_load %arg8[%swap3A_452, %swap3A_453, %swap3A_454] {strides = array<i32>} : memref<2x8x16xf32, #tpu.memory_space<vmem>>, vector<1x1x16xf32>,
      %swap3A_456 = vector.shape_cast %swap3A_455 : vector<1x1x16xf32> to vector<16xf32>
      %swap3A_457 = vector.shape_cast %scan3A_448#0 : vector<16xf32> to vector<1x1x16xf32>
      tpu.vector_store %arg8[%swap3A_452, %swap3A_453, %swap3A_454], %swap3A_457 {strides = array<i32>} : memref<2x8x16xf32, #tpu.memory_space<vmem>>, vector<1x1x16xf32>,
      %swap3A_458 = arith.constant 1 : i32
      %swap3A_459 = arith.constant 7 : i32
      %swap3A_460 = arith.index_cast %swap3A_458 : i32 to index
      %swap3A_461 = arith.index_cast %swap3A_459 : i32 to index
      %swap3A_462 = arith.constant 0 : index
      %swap3A_463 = tpu.vector_load %arg8[%swap3A_460, %swap3A_461, %swap3A_462] {strides = array<i32>} : memref<2x8x16xf32, #tpu.memory_space<vmem>>, vector<1x1x16xf32>,
      %swap3A_464 = vector.shape_cast %swap3A_463 : vector<1x1x16xf32> to vector<16xf32>
      %swap3A_465 = vector.shape_cast %scan3A_448#1 : vector<16xf32> to vector<1x1x16xf32>
      tpu.vector_store %arg8[%swap3A_460, %swap3A_461, %swap3A_462], %swap3A_465 {strides = array<i32>} : memref<2x8x16xf32, #tpu.memory_space<vmem>>, vector<1x1x16xf32>,
      %swap3A_466 = arith.constant 0 : i32
      %swap3A_467 = arith.constant 7 : i32
      %swap3A_468 = arith.index_cast %swap3A_466 : i32 to index
      %swap3A_469 = arith.index_cast %swap3A_467 : i32 to index
      %swap3A_470 = arith.constant 0 : index
      %swap3A_471 = tpu.vector_load %arg9[%swap3A_468, %swap3A_469, %swap3A_470] {strides = array<i32>} : memref<2x8x16xi32, #tpu.memory_space<vmem>>, vector<1x1x16xi32>,
      %swap3A_472 = vector.shape_cast %swap3A_471 : vector<1x1x16xi32> to vector<16xi32>
      %swap3A_473 = vector.shape_cast %scan3A_448#2 : vector<16xi32> to vector<1x1x16xi32>
      tpu.vector_store %arg9[%swap3A_468, %swap3A_469, %swap3A_470], %swap3A_473 {strides = array<i32>} : memref<2x8x16xi32, #tpu.memory_space<vmem>>, vector<1x1x16xi32>,
      %swap3A_474 = arith.constant 1 : i32
      %swap3A_475 = arith.constant 7 : i32
      %swap3A_476 = arith.index_cast %swap3A_474 : i32 to index
      %swap3A_477 = arith.index_cast %swap3A_475 : i32 to index
      %swap3A_478 = arith.constant 0 : index
      %swap3A_479 = tpu.vector_load %arg9[%swap3A_476, %swap3A_477, %swap3A_478] {strides = array<i32>} : memref<2x8x16xi32, #tpu.memory_space<vmem>>, vector<1x1x16xi32>,
      %swap3A_480 = vector.shape_cast %swap3A_479 : vector<1x1x16xi32> to vector<16xi32>
      %swap3A_481 = vector.shape_cast %scan3A_448#3 : vector<16xi32> to vector<1x1x16xi32>
      tpu.vector_store %arg9[%swap3A_476, %swap3A_477, %swap3A_478], %swap3A_481 {strides = array<i32>} : memref<2x8x16xi32, #tpu.memory_space<vmem>>, vector<1x1x16xi32>,
      %dma_wait3A_482 = arith.constant 1 : i32
      %dma_wait3A_483 = arith.constant 0 : i32
      %dma_wait3A_484 = arith.constant 0 : i32
      %dma_wait3A_485 = tpu.memref_slice %arg6[%dma_wait3A_482, %dma_wait3A_483, %dma_wait3A_484] : memref<2x256x128xf32, #tpu.memory_space<vmem>> -> memref<1x256x128xf32, #tpu.memory_space<vmem>>
      %dma_wait3A_486 = tpu.memref_squeeze %dma_wait3A_485 : memref<1x256x128xf32, #tpu.memory_space<vmem>> -> memref<256x128xf32, #tpu.memory_space<vmem>>
      %dma_wait3A_487 = arith.constant 256 : i32
      %dma_wait3A_488 = tpu.memref_slice %arg3[%scan3A_38, %dma_wait3A_487, %mul3A_2] : memref<12x512x4096xf32, #tpu.memory_space<hbm>> -> memref<1x256x128xf32, #tpu.memory_space<hbm>>
      %dma_wait3A_489 = tpu.memref_squeeze %dma_wait3A_488 : memref<1x256x128xf32, #tpu.memory_space<hbm>> -> memref<256x128xf32, #tpu.memory_space<hbm>>
      %dma_wait3A_490 = arith.constant 0 : i32
      %dma_wait3A_491 = arith.constant 0 : i32
      %dma_wait3A_492 = tpu.memref_slice %arg6[%dma_wait3A_482, %dma_wait3A_490, %dma_wait3A_491] : memref<2x256x128xf32, #tpu.memory_space<vmem>> -> memref<1x256x128xf32, #tpu.memory_space<vmem>>
      %dma_wait3A_493 = tpu.memref_squeeze %dma_wait3A_492 : memref<1x256x128xf32, #tpu.memory_space<vmem>> -> memref<256x128xf32, #tpu.memory_space<vmem>>
      %dma_wait3A_494 = arith.constant 256 : i32
      %dma_wait3A_495 = tpu.memref_slice %arg3[%scan3A_38, %dma_wait3A_494, %mul3A_2] : memref<12x512x4096xf32, #tpu.memory_space<hbm>> -> memref<1x256x128xf32, #tpu.memory_space<hbm>>
      %dma_wait3A_496 = tpu.memref_squeeze %dma_wait3A_495 : memref<1x256x128xf32, #tpu.memory_space<hbm>> -> memref<256x128xf32, #tpu.memory_space<hbm>>
      tpu.wait_dma2 semaphore(%arg13 : memref<!tpu.dma_semaphore, #tpu.memory_space<semaphore_mem>>) src(%dma_wait3A_496 : memref<256x128xf32, #tpu.memory_space<hbm>>) dst(%dma_wait3A_493 : memref<256x128xf32, #tpu.memory_space<vmem>>)
      %lt3A = arith.constant 11 : i32
      %lt3A_497 = arith.cmpi slt, %scan3A_38, %lt3A : i32
      %convert_element_type3A = arith.extui %lt3A_497 : i1 to i32
      %cond3A = arith.constant 0 : i32
      %cond3A_498 = arith.cmpi ne, %convert_element_type3A, %cond3A : i32
      scf.if %cond3A_498 {
        %add3A_987 = arith.constant 1 : i32
        %add3A_988 = arith.addi %scan3A_38, %add3A_987 : i32
        %dma_start3A_989 = arith.constant 0 : i32
        %dma_start3A_990 = arith.constant 0 : i32
        %dma_start3A_991 = arith.constant 0 : i32
        %dma_start3A_992 = tpu.memref_slice %arg6[%dma_start3A_989, %dma_start3A_990, %dma_start3A_991] : memref<2x256x128xf32, #tpu.memory_space<vmem>> -> memref<1x256x128xf32, #tpu.memory_space<vmem>>
        %dma_start3A_993 = tpu.memref_squeeze %dma_start3A_992 : memref<1x256x128xf32, #tpu.memory_space<vmem>> -> memref<256x128xf32, #tpu.memory_space<vmem>>
        %dma_start3A_994 = arith.constant 0 : i32
        %dma_start3A_995 = tpu.memref_slice %arg3[%add3A_988, %dma_start3A_994, %mul3A_2] : memref<12x512x4096xf32, #tpu.memory_space<hbm>> -> memref<1x256x128xf32, #tpu.memory_space<hbm>>
        %dma_start3A_996 = tpu.memref_squeeze %dma_start3A_995 : memref<1x256x128xf32, #tpu.memory_space<hbm>> -> memref<256x128xf32, #tpu.memory_space<hbm>>
        %dma_start3A_997 = arith.constant 0 : i32
        %dma_start3A_998 = arith.constant 0 : i32
        %dma_start3A_999 = tpu.memref_slice %arg6[%dma_start3A_989, %dma_start3A_997, %dma_start3A_998] : memref<2x256x128xf32, #tpu.memory_space<vmem>> -> memref<1x256x128xf32, #tpu.memory_space<vmem>>
        %dma_start3A_1000 = tpu.memref_squeeze %dma_start3A_999 : memref<1x256x128xf32, #tpu.memory_space<vmem>> -> memref<256x128xf32, #tpu.memory_space<vmem>>
        %dma_start3A_1001 = arith.constant 0 : i32
        %dma_start3A_1002 = tpu.memref_slice %arg3[%add3A_988, %dma_start3A_1001, %mul3A_2] : memref<12x512x4096xf32, #tpu.memory_space<hbm>> -> memref<1x256x128xf32, #tpu.memory_space<hbm>>
        %dma_start3A_1003 = tpu.memref_squeeze %dma_start3A_1002 : memref<1x256x128xf32, #tpu.memory_space<hbm>> -> memref<256x128xf32, #tpu.memory_space<hbm>>
        tpu.enqueue_dma source(%dma_start3A_1003 : memref<256x128xf32, #tpu.memory_space<hbm>>) target(%dma_start3A_1000 : memref<256x128xf32, #tpu.memory_space<vmem>>) target_semaphore(%arg12 : memref<!tpu.dma_semaphore, #tpu.memory_space<semaphore_mem>>)
      } else {
      }
      %get3A_499 = arith.index_cast %select_n3A : i32 to index
      %get3A_500 = arith.constant 0 : index
      %get3A_501 = tpu.vector_load %arg7[%get3A_499, %get3A_500] {strides = array<i32>} : memref<4x128xf32, #tpu.memory_space<vmem>>, vector<1x16xf32>,
      %get3A_502 = vector.shape_cast %get3A_501 : vector<1x16xf32> to vector<16xf32>
      %get3A_503 = arith.constant 0 : i32
      %get3A_504 = arith.constant 0 : i32
      %get3A_505 = arith.index_cast %get3A_503 : i32 to index
      %get3A_506 = arith.index_cast %get3A_504 : i32 to index
      %get3A_507 = arith.constant 0 : index
      %get3A_508 = tpu.vector_load %arg8[%get3A_505, %get3A_506, %get3A_507] {strides = array<i32>} : memref<2x8x16xf32, #tpu.memory_space<vmem>>, vector<1x1x16xf32>,
      %get3A_509 = vector.shape_cast %get3A_508 : vector<1x1x16xf32> to vector<16xf32>
      %get3A_510 = arith.constant 1 : i32
      %get3A_511 = arith.constant 0 : i32
      %get3A_512 = arith.index_cast %get3A_510 : i32 to index
      %get3A_513 = arith.index_cast %get3A_511 : i32 to index
      %get3A_514 = arith.constant 0 : index
      %get3A_515 = tpu.vector_load %arg8[%get3A_512, %get3A_513, %get3A_514] {strides = array<i32>} : memref<2x8x16xf32, #tpu.memory_space<vmem>>, vector<1x1x16xf32>,
      %get3A_516 = vector.shape_cast %get3A_515 : vector<1x1x16xf32> to vector<16xf32>
      %get3A_517 = arith.constant 0 : i32
      %get3A_518 = arith.constant 0 : i32
      %get3A_519 = arith.index_cast %get3A_517 : i32 to index
      %get3A_520 = arith.index_cast %get3A_518 : i32 to index
      %get3A_521 = arith.constant 0 : index
      %get3A_522 = tpu.vector_load %arg9[%get3A_519, %get3A_520, %get3A_521] {strides = array<i32>} : memref<2x8x16xi32, #tpu.memory_space<vmem>>, vector<1x1x16xi32>,
      %get3A_523 = vector.shape_cast %get3A_522 : vector<1x1x16xi32> to vector<16xi32>
      %get3A_524 = arith.constant 1 : i32
      %get3A_525 = arith.constant 0 : i32
      %get3A_526 = arith.index_cast %get3A_524 : i32 to index
      %get3A_527 = arith.index_cast %get3A_525 : i32 to index
      %get3A_528 = arith.constant 0 : index
      %get3A_529 = tpu.vector_load %arg9[%get3A_526, %get3A_527, %get3A_528] {strides = array<i32>} : memref<2x8x16xi32, #tpu.memory_space<vmem>>, vector<1x1x16xi32>,
      %get3A_530 = vector.shape_cast %get3A_529 : vector<1x1x16xi32> to vector<16xi32>
      %scan3A_531 = arith.constant 0 : i32
      %scan3A_532 = arith.constant 32 : i32
      %scan3A_533 = arith.addi %scan3A_531, %scan3A_532 : i32
      %scan3A_534 = arith.constant 1 : i32
      %scan3A_535:4 = scf.for %scan3A_987 = %scan3A_531 to %scan3A_533 step %scan3A_534 iter_args(%scan3A_988 = %get3A_509, %scan3A_989 = %get3A_516, %scan3A_990 = %get3A_523, %scan3A_991 = %get3A_530) -> (vector<16xf32>, vector<16xf32>, vector<16xi32>, vector<16xi32>)  : i32 {
        %mul3A_992 = arith.constant 8 : i32
        %mul3A_993 = arith.muli %scan3A_987, %mul3A_992 : i32
        %add3A_994 = arith.constant 0 : i32
        %add3A_995 = arith.addi %mul3A_993, %add3A_994 : i32
        %get3A_996 = arith.constant 1 : i32
        %get3A_997 = arith.index_cast %get3A_996 : i32 to index
        %get3A_998 = arith.index_cast %add3A_995 : i32 to index
        %get3A_999 = arith.constant 0 : index
        %get3A_1000 = tpu.vector_load %arg6[%get3A_997, %get3A_998, %get3A_999] {strides = array<i32>} : memref<2x256x128xf32, #tpu.memory_space<vmem>>, vector<1x1x16xf32>,
        %get3A_1001 = vector.shape_cast %get3A_1000 : vector<1x1x16xf32> to vector<16xf32>
        %mul3A_1002 = arith.mulf %get3A_502, %get3A_1001 : vector<16xf32>
        %gt3A = arith.cmpf ogt, %mul3A_1002, %scan3A_988 : vector<16xf32>
        %min3A = arith.minimumf %scan3A_988, %mul3A_1002 : vector<16xf32>
        %max3A = arith.maximumf %scan3A_989, %min3A : vector<16xf32>
        %max3A_1003 = arith.maximumf %scan3A_988, %mul3A_1002 : vector<16xf32>
        %select_n3A_1004 = arith.select %gt3A, %broadcast_in_dim3A_18, %scan3A_991 : vector<16xi1>, vector<16xi32>
        %mul3A_1005 = arith.constant 8 : i32
        %mul3A_1006 = arith.muli %scan3A_987, %mul3A_1005 : i32
        %add3A_1007 = arith.constant 1 : i32
        %add3A_1008 = arith.addi %mul3A_1006, %add3A_1007 : i32
        %get3A_1009 = arith.constant 1 : i32
        %get3A_1010 = arith.index_cast %get3A_1009 : i32 to index
        %get3A_1011 = arith.index_cast %add3A_1008 : i32 to index
        %get3A_1012 = arith.constant 0 : index
        %get3A_1013 = tpu.vector_load %arg6[%get3A_1010, %get3A_1011, %get3A_1012] {strides = array<i32>} : memref<2x256x128xf32, #tpu.memory_space<vmem>>, vector<1x1x16xf32>,
        %get3A_1014 = vector.shape_cast %get3A_1013 : vector<1x1x16xf32> to vector<16xf32>
        %mul3A_1015 = arith.mulf %get3A_502, %get3A_1014 : vector<16xf32>
        %gt3A_1016 = arith.cmpf ogt, %mul3A_1015, %max3A_1003 : vector<16xf32>
        %min3A_1017 = arith.minimumf %max3A_1003, %mul3A_1015 : vector<16xf32>
        %max3A_1018 = arith.maximumf %max3A, %min3A_1017 : vector<16xf32>
        %max3A_1019 = arith.maximumf %max3A_1003, %mul3A_1015 : vector<16xf32>
        %select_n3A_1020 = arith.select %gt3A_1016, %broadcast_in_dim3A_20, %select_n3A_1004 : vector<16xi1>, vector<16xi32>
        %mul3A_1021 = arith.constant 8 : i32
        %mul3A_1022 = arith.muli %scan3A_987, %mul3A_1021 : i32
        %add3A_1023 = arith.constant 2 : i32
        %add3A_1024 = arith.addi %mul3A_1022, %add3A_1023 : i32
        %get3A_1025 = arith.constant 1 : i32
        %get3A_1026 = arith.index_cast %get3A_1025 : i32 to index
        %get3A_1027 = arith.index_cast %add3A_1024 : i32 to index
        %get3A_1028 = arith.constant 0 : index
        %get3A_1029 = tpu.vector_load %arg6[%get3A_1026, %get3A_1027, %get3A_1028] {strides = array<i32>} : memref<2x256x128xf32, #tpu.memory_space<vmem>>, vector<1x1x16xf32>,
        %get3A_1030 = vector.shape_cast %get3A_1029 : vector<1x1x16xf32> to vector<16xf32>
        %mul3A_1031 = arith.mulf %get3A_502, %get3A_1030 : vector<16xf32>
        %gt3A_1032 = arith.cmpf ogt, %mul3A_1031, %max3A_1019 : vector<16xf32>
        %min3A_1033 = arith.minimumf %max3A_1019, %mul3A_1031 : vector<16xf32>
        %max3A_1034 = arith.maximumf %max3A_1018, %min3A_1033 : vector<16xf32>
        %max3A_1035 = arith.maximumf %max3A_1019, %mul3A_1031 : vector<16xf32>
        %select_n3A_1036 = arith.select %gt3A_1032, %broadcast_in_dim3A_22, %select_n3A_1020 : vector<16xi1>, vector<16xi32>
        %mul3A_1037 = arith.constant 8 : i32
        %mul3A_1038 = arith.muli %scan3A_987, %mul3A_1037 : i32
        %add3A_1039 = arith.constant 3 : i32
        %add3A_1040 = arith.addi %mul3A_1038, %add3A_1039 : i32
        %get3A_1041 = arith.constant 1 : i32
        %get3A_1042 = arith.index_cast %get3A_1041 : i32 to index
        %get3A_1043 = arith.index_cast %add3A_1040 : i32 to index
        %get3A_1044 = arith.constant 0 : index
        %get3A_1045 = tpu.vector_load %arg6[%get3A_1042, %get3A_1043, %get3A_1044] {strides = array<i32>} : memref<2x256x128xf32, #tpu.memory_space<vmem>>, vector<1x1x16xf32>,
        %get3A_1046 = vector.shape_cast %get3A_1045 : vector<1x1x16xf32> to vector<16xf32>
        %mul3A_1047 = arith.mulf %get3A_502, %get3A_1046 : vector<16xf32>
        %gt3A_1048 = arith.cmpf ogt, %mul3A_1047, %max3A_1035 : vector<16xf32>
        %min3A_1049 = arith.minimumf %max3A_1035, %mul3A_1047 : vector<16xf32>
        %max3A_1050 = arith.maximumf %max3A_1034, %min3A_1049 : vector<16xf32>
        %max3A_1051 = arith.maximumf %max3A_1035, %mul3A_1047 : vector<16xf32>
        %select_n3A_1052 = arith.select %gt3A_1048, %broadcast_in_dim3A_24, %select_n3A_1036 : vector<16xi1>, vector<16xi32>
        %mul3A_1053 = arith.constant 8 : i32
        %mul3A_1054 = arith.muli %scan3A_987, %mul3A_1053 : i32
        %add3A_1055 = arith.constant 4 : i32
        %add3A_1056 = arith.addi %mul3A_1054, %add3A_1055 : i32
        %get3A_1057 = arith.constant 1 : i32
        %get3A_1058 = arith.index_cast %get3A_1057 : i32 to index
        %get3A_1059 = arith.index_cast %add3A_1056 : i32 to index
        %get3A_1060 = arith.constant 0 : index
        %get3A_1061 = tpu.vector_load %arg6[%get3A_1058, %get3A_1059, %get3A_1060] {strides = array<i32>} : memref<2x256x128xf32, #tpu.memory_space<vmem>>, vector<1x1x16xf32>,
        %get3A_1062 = vector.shape_cast %get3A_1061 : vector<1x1x16xf32> to vector<16xf32>
        %mul3A_1063 = arith.mulf %get3A_502, %get3A_1062 : vector<16xf32>
        %gt3A_1064 = arith.cmpf ogt, %mul3A_1063, %max3A_1051 : vector<16xf32>
        %min3A_1065 = arith.minimumf %max3A_1051, %mul3A_1063 : vector<16xf32>
        %max3A_1066 = arith.maximumf %max3A_1050, %min3A_1065 : vector<16xf32>
        %max3A_1067 = arith.maximumf %max3A_1051, %mul3A_1063 : vector<16xf32>
        %select_n3A_1068 = arith.select %gt3A_1064, %broadcast_in_dim3A_26, %select_n3A_1052 : vector<16xi1>, vector<16xi32>
        %mul3A_1069 = arith.constant 8 : i32
        %mul3A_1070 = arith.muli %scan3A_987, %mul3A_1069 : i32
        %add3A_1071 = arith.constant 5 : i32
        %add3A_1072 = arith.addi %mul3A_1070, %add3A_1071 : i32
        %get3A_1073 = arith.constant 1 : i32
        %get3A_1074 = arith.index_cast %get3A_1073 : i32 to index
        %get3A_1075 = arith.index_cast %add3A_1072 : i32 to index
        %get3A_1076 = arith.constant 0 : index
        %get3A_1077 = tpu.vector_load %arg6[%get3A_1074, %get3A_1075, %get3A_1076] {strides = array<i32>} : memref<2x256x128xf32, #tpu.memory_space<vmem>>, vector<1x1x16xf32>,
        %get3A_1078 = vector.shape_cast %get3A_1077 : vector<1x1x16xf32> to vector<16xf32>
        %mul3A_1079 = arith.mulf %get3A_502, %get3A_1078 : vector<16xf32>
        %gt3A_1080 = arith.cmpf ogt, %mul3A_1079, %max3A_1067 : vector<16xf32>
        %min3A_1081 = arith.minimumf %max3A_1067, %mul3A_1079 : vector<16xf32>
        %max3A_1082 = arith.maximumf %max3A_1066, %min3A_1081 : vector<16xf32>
        %max3A_1083 = arith.maximumf %max3A_1067, %mul3A_1079 : vector<16xf32>
        %select_n3A_1084 = arith.select %gt3A_1080, %broadcast_in_dim3A_28, %select_n3A_1068 : vector<16xi1>, vector<16xi32>
        %mul3A_1085 = arith.constant 8 : i32
        %mul3A_1086 = arith.muli %scan3A_987, %mul3A_1085 : i32
        %add3A_1087 = arith.constant 6 : i32
        %add3A_1088 = arith.addi %mul3A_1086, %add3A_1087 : i32
        %get3A_1089 = arith.constant 1 : i32
        %get3A_1090 = arith.index_cast %get3A_1089 : i32 to index
        %get3A_1091 = arith.index_cast %add3A_1088 : i32 to index
        %get3A_1092 = arith.constant 0 : index
        %get3A_1093 = tpu.vector_load %arg6[%get3A_1090, %get3A_1091, %get3A_1092] {strides = array<i32>} : memref<2x256x128xf32, #tpu.memory_space<vmem>>, vector<1x1x16xf32>,
        %get3A_1094 = vector.shape_cast %get3A_1093 : vector<1x1x16xf32> to vector<16xf32>
        %mul3A_1095 = arith.mulf %get3A_502, %get3A_1094 : vector<16xf32>
        %gt3A_1096 = arith.cmpf ogt, %mul3A_1095, %max3A_1083 : vector<16xf32>
        %min3A_1097 = arith.minimumf %max3A_1083, %mul3A_1095 : vector<16xf32>
        %max3A_1098 = arith.maximumf %max3A_1082, %min3A_1097 : vector<16xf32>
        %max3A_1099 = arith.maximumf %max3A_1083, %mul3A_1095 : vector<16xf32>
        %select_n3A_1100 = arith.select %gt3A_1096, %broadcast_in_dim3A_30, %select_n3A_1084 : vector<16xi1>, vector<16xi32>
        %mul3A_1101 = arith.constant 8 : i32
        %mul3A_1102 = arith.muli %scan3A_987, %mul3A_1101 : i32
        %add3A_1103 = arith.constant 7 : i32
        %add3A_1104 = arith.addi %mul3A_1102, %add3A_1103 : i32
        %get3A_1105 = arith.constant 1 : i32
        %get3A_1106 = arith.index_cast %get3A_1105 : i32 to index
        %get3A_1107 = arith.index_cast %add3A_1104 : i32 to index
        %get3A_1108 = arith.constant 0 : index
        %get3A_1109 = tpu.vector_load %arg6[%get3A_1106, %get3A_1107, %get3A_1108] {strides = array<i32>} : memref<2x256x128xf32, #tpu.memory_space<vmem>>, vector<1x1x16xf32>,
        %get3A_1110 = vector.shape_cast %get3A_1109 : vector<1x1x16xf32> to vector<16xf32>
        %mul3A_1111 = arith.mulf %get3A_502, %get3A_1110 : vector<16xf32>
        %gt3A_1112 = arith.cmpf ogt, %mul3A_1111, %max3A_1099 : vector<16xf32>
        %min3A_1113 = arith.minimumf %max3A_1099, %mul3A_1111 : vector<16xf32>
        %max3A_1114 = arith.maximumf %max3A_1098, %min3A_1113 : vector<16xf32>
        %max3A_1115 = arith.maximumf %max3A_1099, %mul3A_1111 : vector<16xf32>
        %select_n3A_1116 = arith.select %gt3A_1112, %broadcast_in_dim3A_32, %select_n3A_1100 : vector<16xi1>, vector<16xi32>
        %add3A_1117 = arith.constant 32 : i32
        %add3A_1118 = arith.addi %add3A_1117, %scan3A_987 : i32
        %broadcast_in_dim3A_1119 = vector.broadcast %add3A_1118 : i32 to vector<16xi32>
        %ne3A_1120 = arith.cmpf one, %max3A_1115, %scan3A_988 : vector<16xf32>
        %select_n3A_1121 = arith.select %ne3A_1120, %broadcast_in_dim3A_1119, %scan3A_990 : vector<16xi1>, vector<16xi32>
        scf.yield %max3A_1115, %max3A_1114, %select_n3A_1121, %select_n3A_1116 : vector<16xf32>, vector<16xf32>, vector<16xi32>, vector<16xi32>
      }
      %scan3A_536 = arith.constant 32 : i32
      %swap3A_537 = arith.constant 0 : i32
      %swap3A_538 = arith.index_cast %scan3A_38 : i32 to index
      %swap3A_539 = arith.index_cast %swap3A_537 : i32 to index
      %swap3A_540 = arith.constant 0 : index
      %swap3A_541 = tpu.vector_load %arg10[%swap3A_538, %swap3A_539, %swap3A_540] {strides = array<i32>} : memref<12x2x128xf32, #tpu.memory_space<vmem>>, vector<1x1x16xf32>,
      %swap3A_542 = vector.shape_cast %swap3A_541 : vector<1x1x16xf32> to vector<16xf32>
      %swap3A_543 = vector.shape_cast %scan3A_535#0 : vector<16xf32> to vector<1x1x16xf32>
      tpu.vector_store %arg10[%swap3A_538, %swap3A_539, %swap3A_540], %swap3A_543 {strides = array<i32>} : memref<12x2x128xf32, #tpu.memory_space<vmem>>, vector<1x1x16xf32>,
      %swap3A_544 = arith.constant 1 : i32
      %swap3A_545 = arith.index_cast %scan3A_38 : i32 to index
      %swap3A_546 = arith.index_cast %swap3A_544 : i32 to index
      %swap3A_547 = arith.constant 0 : index
      %swap3A_548 = tpu.vector_load %arg10[%swap3A_545, %swap3A_546, %swap3A_547] {strides = array<i32>} : memref<12x2x128xf32, #tpu.memory_space<vmem>>, vector<1x1x16xf32>,
      %swap3A_549 = vector.shape_cast %swap3A_548 : vector<1x1x16xf32> to vector<16xf32>
      %swap3A_550 = vector.shape_cast %scan3A_535#1 : vector<16xf32> to vector<1x1x16xf32>
      tpu.vector_store %arg10[%swap3A_545, %swap3A_546, %swap3A_547], %swap3A_550 {strides = array<i32>} : memref<12x2x128xf32, #tpu.memory_space<vmem>>, vector<1x1x16xf32>,
      %mul3A_551 = arith.constant 8 : i32
      %mul3A_552 = vector.broadcast %mul3A_551 : i32 to vector<16xi32>
      %mul3A_553 = arith.muli %scan3A_535#2, %mul3A_552 : vector<16xi32>
      %add3A_554 = arith.addi %mul3A_553, %scan3A_535#3 : vector<16xi32>
      %swap3A_555 = arith.index_cast %scan3A_38 : i32 to index
      %swap3A_556 = arith.constant 0 : index
      %swap3A_557 = tpu.vector_load %arg11[%swap3A_555, %swap3A_556] {strides = array<i32>} : memref<12x128xi32, #tpu.memory_space<vmem>>, vector<1x16xi32>,
      %swap3A_558 = vector.shape_cast %swap3A_557 : vector<1x16xi32> to vector<16xi32>
      %swap3A_559 = vector.shape_cast %add3A_554 : vector<16xi32> to vector<1x16xi32>
      tpu.vector_store %arg11[%swap3A_555, %swap3A_556], %swap3A_559 {strides = array<i32>} : memref<12x128xi32, #tpu.memory_space<vmem>>, vector<1x16xi32>,
      %get3A_560 = arith.index_cast %select_n3A : i32 to index
      %get3A_561 = arith.constant 16 : index
      %get3A_562 = tpu.vector_load %arg7[%get3A_560, %get3A_561] {strides = array<i32>} : memref<4x128xf32, #tpu.memory_space<vmem>>, vector<1x16xf32>,
      %get3A_563 = vector.shape_cast %get3A_562 : vector<1x16xf32> to vector<16xf32>
      %get3A_564 = arith.constant 0 : i32
      %get3A_565 = arith.constant 1 : i32
      %get3A_566 = arith.index_cast %get3A_564 : i32 to index
      %get3A_567 = arith.index_cast %get3A_565 : i32 to index
      %get3A_568 = arith.constant 0 : index
      %get3A_569 = tpu.vector_load %arg8[%get3A_566, %get3A_567, %get3A_568] {strides = array<i32>} : memref<2x8x16xf32, #tpu.memory_space<vmem>>, vector<1x1x16xf32>,
      %get3A_570 = vector.shape_cast %get3A_569 : vector<1x1x16xf32> to vector<16xf32>
      %get3A_571 = arith.constant 1 : i32
      %get3A_572 = arith.constant 1 : i32
      %get3A_573 = arith.index_cast %get3A_571 : i32 to index
      %get3A_574 = arith.index_cast %get3A_572 : i32 to index
      %get3A_575 = arith.constant 0 : index
      %get3A_576 = tpu.vector_load %arg8[%get3A_573, %get3A_574, %get3A_575] {strides = array<i32>} : memref<2x8x16xf32, #tpu.memory_space<vmem>>, vector<1x1x16xf32>,
      %get3A_577 = vector.shape_cast %get3A_576 : vector<1x1x16xf32> to vector<16xf32>
      %get3A_578 = arith.constant 0 : i32
      %get3A_579 = arith.constant 1 : i32
      %get3A_580 = arith.index_cast %get3A_578 : i32 to index
      %get3A_581 = arith.index_cast %get3A_579 : i32 to index
      %get3A_582 = arith.constant 0 : index
      %get3A_583 = tpu.vector_load %arg9[%get3A_580, %get3A_581, %get3A_582] {strides = array<i32>} : memref<2x8x16xi32, #tpu.memory_space<vmem>>, vector<1x1x16xi32>,
      %get3A_584 = vector.shape_cast %get3A_583 : vector<1x1x16xi32> to vector<16xi32>
      %get3A_585 = arith.constant 1 : i32
      %get3A_586 = arith.constant 1 : i32
      %get3A_587 = arith.index_cast %get3A_585 : i32 to index
      %get3A_588 = arith.index_cast %get3A_586 : i32 to index
      %get3A_589 = arith.constant 0 : index
      %get3A_590 = tpu.vector_load %arg9[%get3A_587, %get3A_588, %get3A_589] {strides = array<i32>} : memref<2x8x16xi32, #tpu.memory_space<vmem>>, vector<1x1x16xi32>,
      %get3A_591 = vector.shape_cast %get3A_590 : vector<1x1x16xi32> to vector<16xi32>
      %scan3A_592 = arith.constant 0 : i32
      %scan3A_593 = arith.constant 32 : i32
      %scan3A_594 = arith.addi %scan3A_592, %scan3A_593 : i32
      %scan3A_595 = arith.constant 1 : i32
      %scan3A_596:4 = scf.for %scan3A_987 = %scan3A_592 to %scan3A_594 step %scan3A_595 iter_args(%scan3A_988 = %get3A_570, %scan3A_989 = %get3A_577, %scan3A_990 = %get3A_584, %scan3A_991 = %get3A_591) -> (vector<16xf32>, vector<16xf32>, vector<16xi32>, vector<16xi32>)  : i32 {
        %mul3A_992 = arith.constant 8 : i32
        %mul3A_993 = arith.muli %scan3A_987, %mul3A_992 : i32
        %add3A_994 = arith.constant 0 : i32
        %add3A_995 = arith.addi %mul3A_993, %add3A_994 : i32
        %get3A_996 = arith.constant 1 : i32
        %get3A_997 = arith.index_cast %get3A_996 : i32 to index
        %get3A_998 = arith.index_cast %add3A_995 : i32 to index
        %get3A_999 = arith.constant 16 : index
        %get3A_1000 = tpu.vector_load %arg6[%get3A_997, %get3A_998, %get3A_999] {strides = array<i32>} : memref<2x256x128xf32, #tpu.memory_space<vmem>>, vector<1x1x16xf32>,
        %get3A_1001 = vector.shape_cast %get3A_1000 : vector<1x1x16xf32> to vector<16xf32>
        %mul3A_1002 = arith.mulf %get3A_563, %get3A_1001 : vector<16xf32>
        %gt3A = arith.cmpf ogt, %mul3A_1002, %scan3A_988 : vector<16xf32>
        %min3A = arith.minimumf %scan3A_988, %mul3A_1002 : vector<16xf32>
        %max3A = arith.maximumf %scan3A_989, %min3A : vector<16xf32>
        %max3A_1003 = arith.maximumf %scan3A_988, %mul3A_1002 : vector<16xf32>
        %select_n3A_1004 = arith.select %gt3A, %broadcast_in_dim3A_18, %scan3A_991 : vector<16xi1>, vector<16xi32>
        %mul3A_1005 = arith.constant 8 : i32
        %mul3A_1006 = arith.muli %scan3A_987, %mul3A_1005 : i32
        %add3A_1007 = arith.constant 1 : i32
        %add3A_1008 = arith.addi %mul3A_1006, %add3A_1007 : i32
        %get3A_1009 = arith.constant 1 : i32
        %get3A_1010 = arith.index_cast %get3A_1009 : i32 to index
        %get3A_1011 = arith.index_cast %add3A_1008 : i32 to index
        %get3A_1012 = arith.constant 16 : index
        %get3A_1013 = tpu.vector_load %arg6[%get3A_1010, %get3A_1011, %get3A_1012] {strides = array<i32>} : memref<2x256x128xf32, #tpu.memory_space<vmem>>, vector<1x1x16xf32>,
        %get3A_1014 = vector.shape_cast %get3A_1013 : vector<1x1x16xf32> to vector<16xf32>
        %mul3A_1015 = arith.mulf %get3A_563, %get3A_1014 : vector<16xf32>
        %gt3A_1016 = arith.cmpf ogt, %mul3A_1015, %max3A_1003 : vector<16xf32>
        %min3A_1017 = arith.minimumf %max3A_1003, %mul3A_1015 : vector<16xf32>
        %max3A_1018 = arith.maximumf %max3A, %min3A_1017 : vector<16xf32>
        %max3A_1019 = arith.maximumf %max3A_1003, %mul3A_1015 : vector<16xf32>
        %select_n3A_1020 = arith.select %gt3A_1016, %broadcast_in_dim3A_20, %select_n3A_1004 : vector<16xi1>, vector<16xi32>
        %mul3A_1021 = arith.constant 8 : i32
        %mul3A_1022 = arith.muli %scan3A_987, %mul3A_1021 : i32
        %add3A_1023 = arith.constant 2 : i32
        %add3A_1024 = arith.addi %mul3A_1022, %add3A_1023 : i32
        %get3A_1025 = arith.constant 1 : i32
        %get3A_1026 = arith.index_cast %get3A_1025 : i32 to index
        %get3A_1027 = arith.index_cast %add3A_1024 : i32 to index
        %get3A_1028 = arith.constant 16 : index
        %get3A_1029 = tpu.vector_load %arg6[%get3A_1026, %get3A_1027, %get3A_1028] {strides = array<i32>} : memref<2x256x128xf32, #tpu.memory_space<vmem>>, vector<1x1x16xf32>,
        %get3A_1030 = vector.shape_cast %get3A_1029 : vector<1x1x16xf32> to vector<16xf32>
        %mul3A_1031 = arith.mulf %get3A_563, %get3A_1030 : vector<16xf32>
        %gt3A_1032 = arith.cmpf ogt, %mul3A_1031, %max3A_1019 : vector<16xf32>
        %min3A_1033 = arith.minimumf %max3A_1019, %mul3A_1031 : vector<16xf32>
        %max3A_1034 = arith.maximumf %max3A_1018, %min3A_1033 : vector<16xf32>
        %max3A_1035 = arith.maximumf %max3A_1019, %mul3A_1031 : vector<16xf32>
        %select_n3A_1036 = arith.select %gt3A_1032, %broadcast_in_dim3A_22, %select_n3A_1020 : vector<16xi1>, vector<16xi32>
        %mul3A_1037 = arith.constant 8 : i32
        %mul3A_1038 = arith.muli %scan3A_987, %mul3A_1037 : i32
        %add3A_1039 = arith.constant 3 : i32
        %add3A_1040 = arith.addi %mul3A_1038, %add3A_1039 : i32
        %get3A_1041 = arith.constant 1 : i32
        %get3A_1042 = arith.index_cast %get3A_1041 : i32 to index
        %get3A_1043 = arith.index_cast %add3A_1040 : i32 to index
        %get3A_1044 = arith.constant 16 : index
        %get3A_1045 = tpu.vector_load %arg6[%get3A_1042, %get3A_1043, %get3A_1044] {strides = array<i32>} : memref<2x256x128xf32, #tpu.memory_space<vmem>>, vector<1x1x16xf32>,
        %get3A_1046 = vector.shape_cast %get3A_1045 : vector<1x1x16xf32> to vector<16xf32>
        %mul3A_1047 = arith.mulf %get3A_563, %get3A_1046 : vector<16xf32>
        %gt3A_1048 = arith.cmpf ogt, %mul3A_1047, %max3A_1035 : vector<16xf32>
        %min3A_1049 = arith.minimumf %max3A_1035, %mul3A_1047 : vector<16xf32>
        %max3A_1050 = arith.maximumf %max3A_1034, %min3A_1049 : vector<16xf32>
        %max3A_1051 = arith.maximumf %max3A_1035, %mul3A_1047 : vector<16xf32>
        %select_n3A_1052 = arith.select %gt3A_1048, %broadcast_in_dim3A_24, %select_n3A_1036 : vector<16xi1>, vector<16xi32>
        %mul3A_1053 = arith.constant 8 : i32
        %mul3A_1054 = arith.muli %scan3A_987, %mul3A_1053 : i32
        %add3A_1055 = arith.constant 4 : i32
        %add3A_1056 = arith.addi %mul3A_1054, %add3A_1055 : i32
        %get3A_1057 = arith.constant 1 : i32
        %get3A_1058 = arith.index_cast %get3A_1057 : i32 to index
        %get3A_1059 = arith.index_cast %add3A_1056 : i32 to index
        %get3A_1060 = arith.constant 16 : index
        %get3A_1061 = tpu.vector_load %arg6[%get3A_1058, %get3A_1059, %get3A_1060] {strides = array<i32>} : memref<2x256x128xf32, #tpu.memory_space<vmem>>, vector<1x1x16xf32>,
        %get3A_1062 = vector.shape_cast %get3A_1061 : vector<1x1x16xf32> to vector<16xf32>
        %mul3A_1063 = arith.mulf %get3A_563, %get3A_1062 : vector<16xf32>
        %gt3A_1064 = arith.cmpf ogt, %mul3A_1063, %max3A_1051 : vector<16xf32>
        %min3A_1065 = arith.minimumf %max3A_1051, %mul3A_1063 : vector<16xf32>
        %max3A_1066 = arith.maximumf %max3A_1050, %min3A_1065 : vector<16xf32>
        %max3A_1067 = arith.maximumf %max3A_1051, %mul3A_1063 : vector<16xf32>
        %select_n3A_1068 = arith.select %gt3A_1064, %broadcast_in_dim3A_26, %select_n3A_1052 : vector<16xi1>, vector<16xi32>
        %mul3A_1069 = arith.constant 8 : i32
        %mul3A_1070 = arith.muli %scan3A_987, %mul3A_1069 : i32
        %add3A_1071 = arith.constant 5 : i32
        %add3A_1072 = arith.addi %mul3A_1070, %add3A_1071 : i32
        %get3A_1073 = arith.constant 1 : i32
        %get3A_1074 = arith.index_cast %get3A_1073 : i32 to index
        %get3A_1075 = arith.index_cast %add3A_1072 : i32 to index
        %get3A_1076 = arith.constant 16 : index
        %get3A_1077 = tpu.vector_load %arg6[%get3A_1074, %get3A_1075, %get3A_1076] {strides = array<i32>} : memref<2x256x128xf32, #tpu.memory_space<vmem>>, vector<1x1x16xf32>,
        %get3A_1078 = vector.shape_cast %get3A_1077 : vector<1x1x16xf32> to vector<16xf32>
        %mul3A_1079 = arith.mulf %get3A_563, %get3A_1078 : vector<16xf32>
        %gt3A_1080 = arith.cmpf ogt, %mul3A_1079, %max3A_1067 : vector<16xf32>
        %min3A_1081 = arith.minimumf %max3A_1067, %mul3A_1079 : vector<16xf32>
        %max3A_1082 = arith.maximumf %max3A_1066, %min3A_1081 : vector<16xf32>
        %max3A_1083 = arith.maximumf %max3A_1067, %mul3A_1079 : vector<16xf32>
        %select_n3A_1084 = arith.select %gt3A_1080, %broadcast_in_dim3A_28, %select_n3A_1068 : vector<16xi1>, vector<16xi32>
        %mul3A_1085 = arith.constant 8 : i32
        %mul3A_1086 = arith.muli %scan3A_987, %mul3A_1085 : i32
        %add3A_1087 = arith.constant 6 : i32
        %add3A_1088 = arith.addi %mul3A_1086, %add3A_1087 : i32
        %get3A_1089 = arith.constant 1 : i32
        %get3A_1090 = arith.index_cast %get3A_1089 : i32 to index
        %get3A_1091 = arith.index_cast %add3A_1088 : i32 to index
        %get3A_1092 = arith.constant 16 : index
        %get3A_1093 = tpu.vector_load %arg6[%get3A_1090, %get3A_1091, %get3A_1092] {strides = array<i32>} : memref<2x256x128xf32, #tpu.memory_space<vmem>>, vector<1x1x16xf32>,
        %get3A_1094 = vector.shape_cast %get3A_1093 : vector<1x1x16xf32> to vector<16xf32>
        %mul3A_1095 = arith.mulf %get3A_563, %get3A_1094 : vector<16xf32>
        %gt3A_1096 = arith.cmpf ogt, %mul3A_1095, %max3A_1083 : vector<16xf32>
        %min3A_1097 = arith.minimumf %max3A_1083, %mul3A_1095 : vector<16xf32>
        %max3A_1098 = arith.maximumf %max3A_1082, %min3A_1097 : vector<16xf32>
        %max3A_1099 = arith.maximumf %max3A_1083, %mul3A_1095 : vector<16xf32>
        %select_n3A_1100 = arith.select %gt3A_1096, %broadcast_in_dim3A_30, %select_n3A_1084 : vector<16xi1>, vector<16xi32>
        %mul3A_1101 = arith.constant 8 : i32
        %mul3A_1102 = arith.muli %scan3A_987, %mul3A_1101 : i32
        %add3A_1103 = arith.constant 7 : i32
        %add3A_1104 = arith.addi %mul3A_1102, %add3A_1103 : i32
        %get3A_1105 = arith.constant 1 : i32
        %get3A_1106 = arith.index_cast %get3A_1105 : i32 to index
        %get3A_1107 = arith.index_cast %add3A_1104 : i32 to index
        %get3A_1108 = arith.constant 16 : index
        %get3A_1109 = tpu.vector_load %arg6[%get3A_1106, %get3A_1107, %get3A_1108] {strides = array<i32>} : memref<2x256x128xf32, #tpu.memory_space<vmem>>, vector<1x1x16xf32>,
        %get3A_1110 = vector.shape_cast %get3A_1109 : vector<1x1x16xf32> to vector<16xf32>
        %mul3A_1111 = arith.mulf %get3A_563, %get3A_1110 : vector<16xf32>
        %gt3A_1112 = arith.cmpf ogt, %mul3A_1111, %max3A_1099 : vector<16xf32>
        %min3A_1113 = arith.minimumf %max3A_1099, %mul3A_1111 : vector<16xf32>
        %max3A_1114 = arith.maximumf %max3A_1098, %min3A_1113 : vector<16xf32>
        %max3A_1115 = arith.maximumf %max3A_1099, %mul3A_1111 : vector<16xf32>
        %select_n3A_1116 = arith.select %gt3A_1112, %broadcast_in_dim3A_32, %select_n3A_1100 : vector<16xi1>, vector<16xi32>
        %add3A_1117 = arith.constant 32 : i32
        %add3A_1118 = arith.addi %add3A_1117, %scan3A_987 : i32
        %broadcast_in_dim3A_1119 = vector.broadcast %add3A_1118 : i32 to vector<16xi32>
        %ne3A_1120 = arith.cmpf one, %max3A_1115, %scan3A_988 : vector<16xf32>
        %select_n3A_1121 = arith.select %ne3A_1120, %broadcast_in_dim3A_1119, %scan3A_990 : vector<16xi1>, vector<16xi32>
        scf.yield %max3A_1115, %max3A_1114, %select_n3A_1121, %select_n3A_1116 : vector<16xf32>, vector<16xf32>, vector<16xi32>, vector<16xi32>
      }
      %scan3A_597 = arith.constant 32 : i32
      %swap3A_598 = arith.constant 0 : i32
      %swap3A_599 = arith.index_cast %scan3A_38 : i32 to index
      %swap3A_600 = arith.index_cast %swap3A_598 : i32 to index
      %swap3A_601 = arith.constant 16 : index
      %swap3A_602 = tpu.vector_load %arg10[%swap3A_599, %swap3A_600, %swap3A_601] {strides = array<i32>} : memref<12x2x128xf32, #tpu.memory_space<vmem>>, vector<1x1x16xf32>,
      %swap3A_603 = vector.shape_cast %swap3A_602 : vector<1x1x16xf32> to vector<16xf32>
      %swap3A_604 = vector.shape_cast %scan3A_596#0 : vector<16xf32> to vector<1x1x16xf32>
      tpu.vector_store %arg10[%swap3A_599, %swap3A_600, %swap3A_601], %swap3A_604 {strides = array<i32>} : memref<12x2x128xf32, #tpu.memory_space<vmem>>, vector<1x1x16xf32>,
      %swap3A_605 = arith.constant 1 : i32
      %swap3A_606 = arith.index_cast %scan3A_38 : i32 to index
      %swap3A_607 = arith.index_cast %swap3A_605 : i32 to index
      %swap3A_608 = arith.constant 16 : index
      %swap3A_609 = tpu.vector_load %arg10[%swap3A_606, %swap3A_607, %swap3A_608] {strides = array<i32>} : memref<12x2x128xf32, #tpu.memory_space<vmem>>, vector<1x1x16xf32>,
      %swap3A_610 = vector.shape_cast %swap3A_609 : vector<1x1x16xf32> to vector<16xf32>
      %swap3A_611 = vector.shape_cast %scan3A_596#1 : vector<16xf32> to vector<1x1x16xf32>
      tpu.vector_store %arg10[%swap3A_606, %swap3A_607, %swap3A_608], %swap3A_611 {strides = array<i32>} : memref<12x2x128xf32, #tpu.memory_space<vmem>>, vector<1x1x16xf32>,
      %mul3A_612 = arith.constant 8 : i32
      %mul3A_613 = vector.broadcast %mul3A_612 : i32 to vector<16xi32>
      %mul3A_614 = arith.muli %scan3A_596#2, %mul3A_613 : vector<16xi32>
      %add3A_615 = arith.addi %mul3A_614, %scan3A_596#3 : vector<16xi32>
      %swap3A_616 = arith.index_cast %scan3A_38 : i32 to index
      %swap3A_617 = arith.constant 16 : index
      %swap3A_618 = tpu.vector_load %arg11[%swap3A_616, %swap3A_617] {strides = array<i32>} : memref<12x128xi32, #tpu.memory_space<vmem>>, vector<1x16xi32>,
      %swap3A_619 = vector.shape_cast %swap3A_618 : vector<1x16xi32> to vector<16xi32>
      %swap3A_620 = vector.shape_cast %add3A_615 : vector<16xi32> to vector<1x16xi32>
      tpu.vector_store %arg11[%swap3A_616, %swap3A_617], %swap3A_620 {strides = array<i32>} : memref<12x128xi32, #tpu.memory_space<vmem>>, vector<1x16xi32>,
      %get3A_621 = arith.index_cast %select_n3A : i32 to index
      %get3A_622 = arith.constant 32 : index
      %get3A_623 = tpu.vector_load %arg7[%get3A_621, %get3A_622] {strides = array<i32>} : memref<4x128xf32, #tpu.memory_space<vmem>>, vector<1x16xf32>,
      %get3A_624 = vector.shape_cast %get3A_623 : vector<1x16xf32> to vector<16xf32>
      %get3A_625 = arith.constant 0 : i32
      %get3A_626 = arith.constant 2 : i32
      %get3A_627 = arith.index_cast %get3A_625 : i32 to index
      %get3A_628 = arith.index_cast %get3A_626 : i32 to index
      %get3A_629 = arith.constant 0 : index
      %get3A_630 = tpu.vector_load %arg8[%get3A_627, %get3A_628, %get3A_629] {strides = array<i32>} : memref<2x8x16xf32, #tpu.memory_space<vmem>>, vector<1x1x16xf32>,
      %get3A_631 = vector.shape_cast %get3A_630 : vector<1x1x16xf32> to vector<16xf32>
      %get3A_632 = arith.constant 1 : i32
      %get3A_633 = arith.constant 2 : i32
      %get3A_634 = arith.index_cast %get3A_632 : i32 to index
      %get3A_635 = arith.index_cast %get3A_633 : i32 to index
      %get3A_636 = arith.constant 0 : index
      %get3A_637 = tpu.vector_load %arg8[%get3A_634, %get3A_635, %get3A_636] {strides = array<i32>} : memref<2x8x16xf32, #tpu.memory_space<vmem>>, vector<1x1x16xf32>,
      %get3A_638 = vector.shape_cast %get3A_637 : vector<1x1x16xf32> to vector<16xf32>
      %get3A_639 = arith.constant 0 : i32
      %get3A_640 = arith.constant 2 : i32
      %get3A_641 = arith.index_cast %get3A_639 : i32 to index
      %get3A_642 = arith.index_cast %get3A_640 : i32 to index
      %get3A_643 = arith.constant 0 : index
      %get3A_644 = tpu.vector_load %arg9[%get3A_641, %get3A_642, %get3A_643] {strides = array<i32>} : memref<2x8x16xi32, #tpu.memory_space<vmem>>, vector<1x1x16xi32>,
      %get3A_645 = vector.shape_cast %get3A_644 : vector<1x1x16xi32> to vector<16xi32>
      %get3A_646 = arith.constant 1 : i32
      %get3A_647 = arith.constant 2 : i32
      %get3A_648 = arith.index_cast %get3A_646 : i32 to index
      %get3A_649 = arith.index_cast %get3A_647 : i32 to index
      %get3A_650 = arith.constant 0 : index
      %get3A_651 = tpu.vector_load %arg9[%get3A_648, %get3A_649, %get3A_650] {strides = array<i32>} : memref<2x8x16xi32, #tpu.memory_space<vmem>>, vector<1x1x16xi32>,
      %get3A_652 = vector.shape_cast %get3A_651 : vector<1x1x16xi32> to vector<16xi32>
      %scan3A_653 = arith.constant 0 : i32
      %scan3A_654 = arith.constant 32 : i32
      %scan3A_655 = arith.addi %scan3A_653, %scan3A_654 : i32
      %scan3A_656 = arith.constant 1 : i32
      %scan3A_657:4 = scf.for %scan3A_987 = %scan3A_653 to %scan3A_655 step %scan3A_656 iter_args(%scan3A_988 = %get3A_631, %scan3A_989 = %get3A_638, %scan3A_990 = %get3A_645, %scan3A_991 = %get3A_652) -> (vector<16xf32>, vector<16xf32>, vector<16xi32>, vector<16xi32>)  : i32 {
        %mul3A_992 = arith.constant 8 : i32
        %mul3A_993 = arith.muli %scan3A_987, %mul3A_992 : i32
        %add3A_994 = arith.constant 0 : i32
        %add3A_995 = arith.addi %mul3A_993, %add3A_994 : i32
        %get3A_996 = arith.constant 1 : i32
        %get3A_997 = arith.index_cast %get3A_996 : i32 to index
        %get3A_998 = arith.index_cast %add3A_995 : i32 to index
        %get3A_999 = arith.constant 32 : index
        %get3A_1000 = tpu.vector_load %arg6[%get3A_997, %get3A_998, %get3A_999] {strides = array<i32>} : memref<2x256x128xf32, #tpu.memory_space<vmem>>, vector<1x1x16xf32>,
        %get3A_1001 = vector.shape_cast %get3A_1000 : vector<1x1x16xf32> to vector<16xf32>
        %mul3A_1002 = arith.mulf %get3A_624, %get3A_1001 : vector<16xf32>
        %gt3A = arith.cmpf ogt, %mul3A_1002, %scan3A_988 : vector<16xf32>
        %min3A = arith.minimumf %scan3A_988, %mul3A_1002 : vector<16xf32>
        %max3A = arith.maximumf %scan3A_989, %min3A : vector<16xf32>
        %max3A_1003 = arith.maximumf %scan3A_988, %mul3A_1002 : vector<16xf32>
        %select_n3A_1004 = arith.select %gt3A, %broadcast_in_dim3A_18, %scan3A_991 : vector<16xi1>, vector<16xi32>
        %mul3A_1005 = arith.constant 8 : i32
        %mul3A_1006 = arith.muli %scan3A_987, %mul3A_1005 : i32
        %add3A_1007 = arith.constant 1 : i32
        %add3A_1008 = arith.addi %mul3A_1006, %add3A_1007 : i32
        %get3A_1009 = arith.constant 1 : i32
        %get3A_1010 = arith.index_cast %get3A_1009 : i32 to index
        %get3A_1011 = arith.index_cast %add3A_1008 : i32 to index
        %get3A_1012 = arith.constant 32 : index
        %get3A_1013 = tpu.vector_load %arg6[%get3A_1010, %get3A_1011, %get3A_1012] {strides = array<i32>} : memref<2x256x128xf32, #tpu.memory_space<vmem>>, vector<1x1x16xf32>,
        %get3A_1014 = vector.shape_cast %get3A_1013 : vector<1x1x16xf32> to vector<16xf32>
        %mul3A_1015 = arith.mulf %get3A_624, %get3A_1014 : vector<16xf32>
        %gt3A_1016 = arith.cmpf ogt, %mul3A_1015, %max3A_1003 : vector<16xf32>
        %min3A_1017 = arith.minimumf %max3A_1003, %mul3A_1015 : vector<16xf32>
        %max3A_1018 = arith.maximumf %max3A, %min3A_1017 : vector<16xf32>
        %max3A_1019 = arith.maximumf %max3A_1003, %mul3A_1015 : vector<16xf32>
        %select_n3A_1020 = arith.select %gt3A_1016, %broadcast_in_dim3A_20, %select_n3A_1004 : vector<16xi1>, vector<16xi32>
        %mul3A_1021 = arith.constant 8 : i32
        %mul3A_1022 = arith.muli %scan3A_987, %mul3A_1021 : i32
        %add3A_1023 = arith.constant 2 : i32
        %add3A_1024 = arith.addi %mul3A_1022, %add3A_1023 : i32
        %get3A_1025 = arith.constant 1 : i32
        %get3A_1026 = arith.index_cast %get3A_1025 : i32 to index
        %get3A_1027 = arith.index_cast %add3A_1024 : i32 to index
        %get3A_1028 = arith.constant 32 : index
        %get3A_1029 = tpu.vector_load %arg6[%get3A_1026, %get3A_1027, %get3A_1028] {strides = array<i32>} : memref<2x256x128xf32, #tpu.memory_space<vmem>>, vector<1x1x16xf32>,
        %get3A_1030 = vector.shape_cast %get3A_1029 : vector<1x1x16xf32> to vector<16xf32>
        %mul3A_1031 = arith.mulf %get3A_624, %get3A_1030 : vector<16xf32>
        %gt3A_1032 = arith.cmpf ogt, %mul3A_1031, %max3A_1019 : vector<16xf32>
        %min3A_1033 = arith.minimumf %max3A_1019, %mul3A_1031 : vector<16xf32>
        %max3A_1034 = arith.maximumf %max3A_1018, %min3A_1033 : vector<16xf32>
        %max3A_1035 = arith.maximumf %max3A_1019, %mul3A_1031 : vector<16xf32>
        %select_n3A_1036 = arith.select %gt3A_1032, %broadcast_in_dim3A_22, %select_n3A_1020 : vector<16xi1>, vector<16xi32>
        %mul3A_1037 = arith.constant 8 : i32
        %mul3A_1038 = arith.muli %scan3A_987, %mul3A_1037 : i32
        %add3A_1039 = arith.constant 3 : i32
        %add3A_1040 = arith.addi %mul3A_1038, %add3A_1039 : i32
        %get3A_1041 = arith.constant 1 : i32
        %get3A_1042 = arith.index_cast %get3A_1041 : i32 to index
        %get3A_1043 = arith.index_cast %add3A_1040 : i32 to index
        %get3A_1044 = arith.constant 32 : index
        %get3A_1045 = tpu.vector_load %arg6[%get3A_1042, %get3A_1043, %get3A_1044] {strides = array<i32>} : memref<2x256x128xf32, #tpu.memory_space<vmem>>, vector<1x1x16xf32>,
        %get3A_1046 = vector.shape_cast %get3A_1045 : vector<1x1x16xf32> to vector<16xf32>
        %mul3A_1047 = arith.mulf %get3A_624, %get3A_1046 : vector<16xf32>
        %gt3A_1048 = arith.cmpf ogt, %mul3A_1047, %max3A_1035 : vector<16xf32>
        %min3A_1049 = arith.minimumf %max3A_1035, %mul3A_1047 : vector<16xf32>
        %max3A_1050 = arith.maximumf %max3A_1034, %min3A_1049 : vector<16xf32>
        %max3A_1051 = arith.maximumf %max3A_1035, %mul3A_1047 : vector<16xf32>
        %select_n3A_1052 = arith.select %gt3A_1048, %broadcast_in_dim3A_24, %select_n3A_1036 : vector<16xi1>, vector<16xi32>
        %mul3A_1053 = arith.constant 8 : i32
        %mul3A_1054 = arith.muli %scan3A_987, %mul3A_1053 : i32
        %add3A_1055 = arith.constant 4 : i32
        %add3A_1056 = arith.addi %mul3A_1054, %add3A_1055 : i32
        %get3A_1057 = arith.constant 1 : i32
        %get3A_1058 = arith.index_cast %get3A_1057 : i32 to index
        %get3A_1059 = arith.index_cast %add3A_1056 : i32 to index
        %get3A_1060 = arith.constant 32 : index
        %get3A_1061 = tpu.vector_load %arg6[%get3A_1058, %get3A_1059, %get3A_1060] {strides = array<i32>} : memref<2x256x128xf32, #tpu.memory_space<vmem>>, vector<1x1x16xf32>,
        %get3A_1062 = vector.shape_cast %get3A_1061 : vector<1x1x16xf32> to vector<16xf32>
        %mul3A_1063 = arith.mulf %get3A_624, %get3A_1062 : vector<16xf32>
        %gt3A_1064 = arith.cmpf ogt, %mul3A_1063, %max3A_1051 : vector<16xf32>
        %min3A_1065 = arith.minimumf %max3A_1051, %mul3A_1063 : vector<16xf32>
        %max3A_1066 = arith.maximumf %max3A_1050, %min3A_1065 : vector<16xf32>
        %max3A_1067 = arith.maximumf %max3A_1051, %mul3A_1063 : vector<16xf32>
        %select_n3A_1068 = arith.select %gt3A_1064, %broadcast_in_dim3A_26, %select_n3A_1052 : vector<16xi1>, vector<16xi32>
        %mul3A_1069 = arith.constant 8 : i32
        %mul3A_1070 = arith.muli %scan3A_987, %mul3A_1069 : i32
        %add3A_1071 = arith.constant 5 : i32
        %add3A_1072 = arith.addi %mul3A_1070, %add3A_1071 : i32
        %get3A_1073 = arith.constant 1 : i32
        %get3A_1074 = arith.index_cast %get3A_1073 : i32 to index
        %get3A_1075 = arith.index_cast %add3A_1072 : i32 to index
        %get3A_1076 = arith.constant 32 : index
        %get3A_1077 = tpu.vector_load %arg6[%get3A_1074, %get3A_1075, %get3A_1076] {strides = array<i32>} : memref<2x256x128xf32, #tpu.memory_space<vmem>>, vector<1x1x16xf32>,
        %get3A_1078 = vector.shape_cast %get3A_1077 : vector<1x1x16xf32> to vector<16xf32>
        %mul3A_1079 = arith.mulf %get3A_624, %get3A_1078 : vector<16xf32>
        %gt3A_1080 = arith.cmpf ogt, %mul3A_1079, %max3A_1067 : vector<16xf32>
        %min3A_1081 = arith.minimumf %max3A_1067, %mul3A_1079 : vector<16xf32>
        %max3A_1082 = arith.maximumf %max3A_1066, %min3A_1081 : vector<16xf32>
        %max3A_1083 = arith.maximumf %max3A_1067, %mul3A_1079 : vector<16xf32>
        %select_n3A_1084 = arith.select %gt3A_1080, %broadcast_in_dim3A_28, %select_n3A_1068 : vector<16xi1>, vector<16xi32>
        %mul3A_1085 = arith.constant 8 : i32
        %mul3A_1086 = arith.muli %scan3A_987, %mul3A_1085 : i32
        %add3A_1087 = arith.constant 6 : i32
        %add3A_1088 = arith.addi %mul3A_1086, %add3A_1087 : i32
        %get3A_1089 = arith.constant 1 : i32
        %get3A_1090 = arith.index_cast %get3A_1089 : i32 to index
        %get3A_1091 = arith.index_cast %add3A_1088 : i32 to index
        %get3A_1092 = arith.constant 32 : index
        %get3A_1093 = tpu.vector_load %arg6[%get3A_1090, %get3A_1091, %get3A_1092] {strides = array<i32>} : memref<2x256x128xf32, #tpu.memory_space<vmem>>, vector<1x1x16xf32>,
        %get3A_1094 = vector.shape_cast %get3A_1093 : vector<1x1x16xf32> to vector<16xf32>
        %mul3A_1095 = arith.mulf %get3A_624, %get3A_1094 : vector<16xf32>
        %gt3A_1096 = arith.cmpf ogt, %mul3A_1095, %max3A_1083 : vector<16xf32>
        %min3A_1097 = arith.minimumf %max3A_1083, %mul3A_1095 : vector<16xf32>
        %max3A_1098 = arith.maximumf %max3A_1082, %min3A_1097 : vector<16xf32>
        %max3A_1099 = arith.maximumf %max3A_1083, %mul3A_1095 : vector<16xf32>
        %select_n3A_1100 = arith.select %gt3A_1096, %broadcast_in_dim3A_30, %select_n3A_1084 : vector<16xi1>, vector<16xi32>
        %mul3A_1101 = arith.constant 8 : i32
        %mul3A_1102 = arith.muli %scan3A_987, %mul3A_1101 : i32
        %add3A_1103 = arith.constant 7 : i32
        %add3A_1104 = arith.addi %mul3A_1102, %add3A_1103 : i32
        %get3A_1105 = arith.constant 1 : i32
        %get3A_1106 = arith.index_cast %get3A_1105 : i32 to index
        %get3A_1107 = arith.index_cast %add3A_1104 : i32 to index
        %get3A_1108 = arith.constant 32 : index
        %get3A_1109 = tpu.vector_load %arg6[%get3A_1106, %get3A_1107, %get3A_1108] {strides = array<i32>} : memref<2x256x128xf32, #tpu.memory_space<vmem>>, vector<1x1x16xf32>,
        %get3A_1110 = vector.shape_cast %get3A_1109 : vector<1x1x16xf32> to vector<16xf32>
        %mul3A_1111 = arith.mulf %get3A_624, %get3A_1110 : vector<16xf32>
        %gt3A_1112 = arith.cmpf ogt, %mul3A_1111, %max3A_1099 : vector<16xf32>
        %min3A_1113 = arith.minimumf %max3A_1099, %mul3A_1111 : vector<16xf32>
        %max3A_1114 = arith.maximumf %max3A_1098, %min3A_1113 : vector<16xf32>
        %max3A_1115 = arith.maximumf %max3A_1099, %mul3A_1111 : vector<16xf32>
        %select_n3A_1116 = arith.select %gt3A_1112, %broadcast_in_dim3A_32, %select_n3A_1100 : vector<16xi1>, vector<16xi32>
        %add3A_1117 = arith.constant 32 : i32
        %add3A_1118 = arith.addi %add3A_1117, %scan3A_987 : i32
        %broadcast_in_dim3A_1119 = vector.broadcast %add3A_1118 : i32 to vector<16xi32>
        %ne3A_1120 = arith.cmpf one, %max3A_1115, %scan3A_988 : vector<16xf32>
        %select_n3A_1121 = arith.select %ne3A_1120, %broadcast_in_dim3A_1119, %scan3A_990 : vector<16xi1>, vector<16xi32>
        scf.yield %max3A_1115, %max3A_1114, %select_n3A_1121, %select_n3A_1116 : vector<16xf32>, vector<16xf32>, vector<16xi32>, vector<16xi32>
      }
      %scan3A_658 = arith.constant 32 : i32
      %swap3A_659 = arith.constant 0 : i32
      %swap3A_660 = arith.index_cast %scan3A_38 : i32 to index
      %swap3A_661 = arith.index_cast %swap3A_659 : i32 to index
      %swap3A_662 = arith.constant 32 : index
      %swap3A_663 = tpu.vector_load %arg10[%swap3A_660, %swap3A_661, %swap3A_662] {strides = array<i32>} : memref<12x2x128xf32, #tpu.memory_space<vmem>>, vector<1x1x16xf32>,
      %swap3A_664 = vector.shape_cast %swap3A_663 : vector<1x1x16xf32> to vector<16xf32>
      %swap3A_665 = vector.shape_cast %scan3A_657#0 : vector<16xf32> to vector<1x1x16xf32>
      tpu.vector_store %arg10[%swap3A_660, %swap3A_661, %swap3A_662], %swap3A_665 {strides = array<i32>} : memref<12x2x128xf32, #tpu.memory_space<vmem>>, vector<1x1x16xf32>,
      %swap3A_666 = arith.constant 1 : i32
      %swap3A_667 = arith.index_cast %scan3A_38 : i32 to index
      %swap3A_668 = arith.index_cast %swap3A_666 : i32 to index
      %swap3A_669 = arith.constant 32 : index
      %swap3A_670 = tpu.vector_load %arg10[%swap3A_667, %swap3A_668, %swap3A_669] {strides = array<i32>} : memref<12x2x128xf32, #tpu.memory_space<vmem>>, vector<1x1x16xf32>,
      %swap3A_671 = vector.shape_cast %swap3A_670 : vector<1x1x16xf32> to vector<16xf32>
      %swap3A_672 = vector.shape_cast %scan3A_657#1 : vector<16xf32> to vector<1x1x16xf32>
      tpu.vector_store %arg10[%swap3A_667, %swap3A_668, %swap3A_669], %swap3A_672 {strides = array<i32>} : memref<12x2x128xf32, #tpu.memory_space<vmem>>, vector<1x1x16xf32>,
      %mul3A_673 = arith.constant 8 : i32
      %mul3A_674 = vector.broadcast %mul3A_673 : i32 to vector<16xi32>
      %mul3A_675 = arith.muli %scan3A_657#2, %mul3A_674 : vector<16xi32>
      %add3A_676 = arith.addi %mul3A_675, %scan3A_657#3 : vector<16xi32>
      %swap3A_677 = arith.index_cast %scan3A_38 : i32 to index
      %swap3A_678 = arith.constant 32 : index
      %swap3A_679 = tpu.vector_load %arg11[%swap3A_677, %swap3A_678] {strides = array<i32>} : memref<12x128xi32, #tpu.memory_space<vmem>>, vector<1x16xi32>,
      %swap3A_680 = vector.shape_cast %swap3A_679 : vector<1x16xi32> to vector<16xi32>
      %swap3A_681 = vector.shape_cast %add3A_676 : vector<16xi32> to vector<1x16xi32>
      tpu.vector_store %arg11[%swap3A_677, %swap3A_678], %swap3A_681 {strides = array<i32>} : memref<12x128xi32, #tpu.memory_space<vmem>>, vector<1x16xi32>,
      %get3A_682 = arith.index_cast %select_n3A : i32 to index
      %get3A_683 = arith.constant 48 : index
      %get3A_684 = tpu.vector_load %arg7[%get3A_682, %get3A_683] {strides = array<i32>} : memref<4x128xf32, #tpu.memory_space<vmem>>, vector<1x16xf32>,
      %get3A_685 = vector.shape_cast %get3A_684 : vector<1x16xf32> to vector<16xf32>
      %get3A_686 = arith.constant 0 : i32
      %get3A_687 = arith.constant 3 : i32
      %get3A_688 = arith.index_cast %get3A_686 : i32 to index
      %get3A_689 = arith.index_cast %get3A_687 : i32 to index
      %get3A_690 = arith.constant 0 : index
      %get3A_691 = tpu.vector_load %arg8[%get3A_688, %get3A_689, %get3A_690] {strides = array<i32>} : memref<2x8x16xf32, #tpu.memory_space<vmem>>, vector<1x1x16xf32>,
      %get3A_692 = vector.shape_cast %get3A_691 : vector<1x1x16xf32> to vector<16xf32>
      %get3A_693 = arith.constant 1 : i32
      %get3A_694 = arith.constant 3 : i32
      %get3A_695 = arith.index_cast %get3A_693 : i32 to index
      %get3A_696 = arith.index_cast %get3A_694 : i32 to index
      %get3A_697 = arith.constant 0 : index
      %get3A_698 = tpu.vector_load %arg8[%get3A_695, %get3A_696, %get3A_697] {strides = array<i32>} : memref<2x8x16xf32, #tpu.memory_space<vmem>>, vector<1x1x16xf32>,
      %get3A_699 = vector.shape_cast %get3A_698 : vector<1x1x16xf32> to vector<16xf32>
      %get3A_700 = arith.constant 0 : i32
      %get3A_701 = arith.constant 3 : i32
      %get3A_702 = arith.index_cast %get3A_700 : i32 to index
      %get3A_703 = arith.index_cast %get3A_701 : i32 to index
      %get3A_704 = arith.constant 0 : index
      %get3A_705 = tpu.vector_load %arg9[%get3A_702, %get3A_703, %get3A_704] {strides = array<i32>} : memref<2x8x16xi32, #tpu.memory_space<vmem>>, vector<1x1x16xi32>,
      %get3A_706 = vector.shape_cast %get3A_705 : vector<1x1x16xi32> to vector<16xi32>
      %get3A_707 = arith.constant 1 : i32
      %get3A_708 = arith.constant 3 : i32
      %get3A_709 = arith.index_cast %get3A_707 : i32 to index
      %get3A_710 = arith.index_cast %get3A_708 : i32 to index
      %get3A_711 = arith.constant 0 : index
      %get3A_712 = tpu.vector_load %arg9[%get3A_709, %get3A_710, %get3A_711] {strides = array<i32>} : memref<2x8x16xi32, #tpu.memory_space<vmem>>, vector<1x1x16xi32>,
      %get3A_713 = vector.shape_cast %get3A_712 : vector<1x1x16xi32> to vector<16xi32>
      %scan3A_714 = arith.constant 0 : i32
      %scan3A_715 = arith.constant 32 : i32
      %scan3A_716 = arith.addi %scan3A_714, %scan3A_715 : i32
      %scan3A_717 = arith.constant 1 : i32
      %scan3A_718:4 = scf.for %scan3A_987 = %scan3A_714 to %scan3A_716 step %scan3A_717 iter_args(%scan3A_988 = %get3A_692, %scan3A_989 = %get3A_699, %scan3A_990 = %get3A_706, %scan3A_991 = %get3A_713) -> (vector<16xf32>, vector<16xf32>, vector<16xi32>, vector<16xi32>)  : i32 {
        %mul3A_992 = arith.constant 8 : i32
        %mul3A_993 = arith.muli %scan3A_987, %mul3A_992 : i32
        %add3A_994 = arith.constant 0 : i32
        %add3A_995 = arith.addi %mul3A_993, %add3A_994 : i32
        %get3A_996 = arith.constant 1 : i32
        %get3A_997 = arith.index_cast %get3A_996 : i32 to index
        %get3A_998 = arith.index_cast %add3A_995 : i32 to index
        %get3A_999 = arith.constant 48 : index
        %get3A_1000 = tpu.vector_load %arg6[%get3A_997, %get3A_998, %get3A_999] {strides = array<i32>} : memref<2x256x128xf32, #tpu.memory_space<vmem>>, vector<1x1x16xf32>,
        %get3A_1001 = vector.shape_cast %get3A_1000 : vector<1x1x16xf32> to vector<16xf32>
        %mul3A_1002 = arith.mulf %get3A_685, %get3A_1001 : vector<16xf32>
        %gt3A = arith.cmpf ogt, %mul3A_1002, %scan3A_988 : vector<16xf32>
        %min3A = arith.minimumf %scan3A_988, %mul3A_1002 : vector<16xf32>
        %max3A = arith.maximumf %scan3A_989, %min3A : vector<16xf32>
        %max3A_1003 = arith.maximumf %scan3A_988, %mul3A_1002 : vector<16xf32>
        %select_n3A_1004 = arith.select %gt3A, %broadcast_in_dim3A_18, %scan3A_991 : vector<16xi1>, vector<16xi32>
        %mul3A_1005 = arith.constant 8 : i32
        %mul3A_1006 = arith.muli %scan3A_987, %mul3A_1005 : i32
        %add3A_1007 = arith.constant 1 : i32
        %add3A_1008 = arith.addi %mul3A_1006, %add3A_1007 : i32
        %get3A_1009 = arith.constant 1 : i32
        %get3A_1010 = arith.index_cast %get3A_1009 : i32 to index
        %get3A_1011 = arith.index_cast %add3A_1008 : i32 to index
        %get3A_1012 = arith.constant 48 : index
        %get3A_1013 = tpu.vector_load %arg6[%get3A_1010, %get3A_1011, %get3A_1012] {strides = array<i32>} : memref<2x256x128xf32, #tpu.memory_space<vmem>>, vector<1x1x16xf32>,
        %get3A_1014 = vector.shape_cast %get3A_1013 : vector<1x1x16xf32> to vector<16xf32>
        %mul3A_1015 = arith.mulf %get3A_685, %get3A_1014 : vector<16xf32>
        %gt3A_1016 = arith.cmpf ogt, %mul3A_1015, %max3A_1003 : vector<16xf32>
        %min3A_1017 = arith.minimumf %max3A_1003, %mul3A_1015 : vector<16xf32>
        %max3A_1018 = arith.maximumf %max3A, %min3A_1017 : vector<16xf32>
        %max3A_1019 = arith.maximumf %max3A_1003, %mul3A_1015 : vector<16xf32>
        %select_n3A_1020 = arith.select %gt3A_1016, %broadcast_in_dim3A_20, %select_n3A_1004 : vector<16xi1>, vector<16xi32>
        %mul3A_1021 = arith.constant 8 : i32
        %mul3A_1022 = arith.muli %scan3A_987, %mul3A_1021 : i32
        %add3A_1023 = arith.constant 2 : i32
        %add3A_1024 = arith.addi %mul3A_1022, %add3A_1023 : i32
        %get3A_1025 = arith.constant 1 : i32
        %get3A_1026 = arith.index_cast %get3A_1025 : i32 to index
        %get3A_1027 = arith.index_cast %add3A_1024 : i32 to index
        %get3A_1028 = arith.constant 48 : index
        %get3A_1029 = tpu.vector_load %arg6[%get3A_1026, %get3A_1027, %get3A_1028] {strides = array<i32>} : memref<2x256x128xf32, #tpu.memory_space<vmem>>, vector<1x1x16xf32>,
        %get3A_1030 = vector.shape_cast %get3A_1029 : vector<1x1x16xf32> to vector<16xf32>
        %mul3A_1031 = arith.mulf %get3A_685, %get3A_1030 : vector<16xf32>
        %gt3A_1032 = arith.cmpf ogt, %mul3A_1031, %max3A_1019 : vector<16xf32>
        %min3A_1033 = arith.minimumf %max3A_1019, %mul3A_1031 : vector<16xf32>
        %max3A_1034 = arith.maximumf %max3A_1018, %min3A_1033 : vector<16xf32>
        %max3A_1035 = arith.maximumf %max3A_1019, %mul3A_1031 : vector<16xf32>
        %select_n3A_1036 = arith.select %gt3A_1032, %broadcast_in_dim3A_22, %select_n3A_1020 : vector<16xi1>, vector<16xi32>
        %mul3A_1037 = arith.constant 8 : i32
        %mul3A_1038 = arith.muli %scan3A_987, %mul3A_1037 : i32
        %add3A_1039 = arith.constant 3 : i32
        %add3A_1040 = arith.addi %mul3A_1038, %add3A_1039 : i32
        %get3A_1041 = arith.constant 1 : i32
        %get3A_1042 = arith.index_cast %get3A_1041 : i32 to index
        %get3A_1043 = arith.index_cast %add3A_1040 : i32 to index
        %get3A_1044 = arith.constant 48 : index
        %get3A_1045 = tpu.vector_load %arg6[%get3A_1042, %get3A_1043, %get3A_1044] {strides = array<i32>} : memref<2x256x128xf32, #tpu.memory_space<vmem>>, vector<1x1x16xf32>,
        %get3A_1046 = vector.shape_cast %get3A_1045 : vector<1x1x16xf32> to vector<16xf32>
        %mul3A_1047 = arith.mulf %get3A_685, %get3A_1046 : vector<16xf32>
        %gt3A_1048 = arith.cmpf ogt, %mul3A_1047, %max3A_1035 : vector<16xf32>
        %min3A_1049 = arith.minimumf %max3A_1035, %mul3A_1047 : vector<16xf32>
        %max3A_1050 = arith.maximumf %max3A_1034, %min3A_1049 : vector<16xf32>
        %max3A_1051 = arith.maximumf %max3A_1035, %mul3A_1047 : vector<16xf32>
        %select_n3A_1052 = arith.select %gt3A_1048, %broadcast_in_dim3A_24, %select_n3A_1036 : vector<16xi1>, vector<16xi32>
        %mul3A_1053 = arith.constant 8 : i32
        %mul3A_1054 = arith.muli %scan3A_987, %mul3A_1053 : i32
        %add3A_1055 = arith.constant 4 : i32
        %add3A_1056 = arith.addi %mul3A_1054, %add3A_1055 : i32
        %get3A_1057 = arith.constant 1 : i32
        %get3A_1058 = arith.index_cast %get3A_1057 : i32 to index
        %get3A_1059 = arith.index_cast %add3A_1056 : i32 to index
        %get3A_1060 = arith.constant 48 : index
        %get3A_1061 = tpu.vector_load %arg6[%get3A_1058, %get3A_1059, %get3A_1060] {strides = array<i32>} : memref<2x256x128xf32, #tpu.memory_space<vmem>>, vector<1x1x16xf32>,
        %get3A_1062 = vector.shape_cast %get3A_1061 : vector<1x1x16xf32> to vector<16xf32>
        %mul3A_1063 = arith.mulf %get3A_685, %get3A_1062 : vector<16xf32>
        %gt3A_1064 = arith.cmpf ogt, %mul3A_1063, %max3A_1051 : vector<16xf32>
        %min3A_1065 = arith.minimumf %max3A_1051, %mul3A_1063 : vector<16xf32>
        %max3A_1066 = arith.maximumf %max3A_1050, %min3A_1065 : vector<16xf32>
        %max3A_1067 = arith.maximumf %max3A_1051, %mul3A_1063 : vector<16xf32>
        %select_n3A_1068 = arith.select %gt3A_1064, %broadcast_in_dim3A_26, %select_n3A_1052 : vector<16xi1>, vector<16xi32>
        %mul3A_1069 = arith.constant 8 : i32
        %mul3A_1070 = arith.muli %scan3A_987, %mul3A_1069 : i32
        %add3A_1071 = arith.constant 5 : i32
        %add3A_1072 = arith.addi %mul3A_1070, %add3A_1071 : i32
        %get3A_1073 = arith.constant 1 : i32
        %get3A_1074 = arith.index_cast %get3A_1073 : i32 to index
        %get3A_1075 = arith.index_cast %add3A_1072 : i32 to index
        %get3A_1076 = arith.constant 48 : index
        %get3A_1077 = tpu.vector_load %arg6[%get3A_1074, %get3A_1075, %get3A_1076] {strides = array<i32>} : memref<2x256x128xf32, #tpu.memory_space<vmem>>, vector<1x1x16xf32>,
        %get3A_1078 = vector.shape_cast %get3A_1077 : vector<1x1x16xf32> to vector<16xf32>
        %mul3A_1079 = arith.mulf %get3A_685, %get3A_1078 : vector<16xf32>
        %gt3A_1080 = arith.cmpf ogt, %mul3A_1079, %max3A_1067 : vector<16xf32>
        %min3A_1081 = arith.minimumf %max3A_1067, %mul3A_1079 : vector<16xf32>
        %max3A_1082 = arith.maximumf %max3A_1066, %min3A_1081 : vector<16xf32>
        %max3A_1083 = arith.maximumf %max3A_1067, %mul3A_1079 : vector<16xf32>
        %select_n3A_1084 = arith.select %gt3A_1080, %broadcast_in_dim3A_28, %select_n3A_1068 : vector<16xi1>, vector<16xi32>
        %mul3A_1085 = arith.constant 8 : i32
        %mul3A_1086 = arith.muli %scan3A_987, %mul3A_1085 : i32
        %add3A_1087 = arith.constant 6 : i32
        %add3A_1088 = arith.addi %mul3A_1086, %add3A_1087 : i32
        %get3A_1089 = arith.constant 1 : i32
        %get3A_1090 = arith.index_cast %get3A_1089 : i32 to index
        %get3A_1091 = arith.index_cast %add3A_1088 : i32 to index
        %get3A_1092 = arith.constant 48 : index
        %get3A_1093 = tpu.vector_load %arg6[%get3A_1090, %get3A_1091, %get3A_1092] {strides = array<i32>} : memref<2x256x128xf32, #tpu.memory_space<vmem>>, vector<1x1x16xf32>,
        %get3A_1094 = vector.shape_cast %get3A_1093 : vector<1x1x16xf32> to vector<16xf32>
        %mul3A_1095 = arith.mulf %get3A_685, %get3A_1094 : vector<16xf32>
        %gt3A_1096 = arith.cmpf ogt, %mul3A_1095, %max3A_1083 : vector<16xf32>
        %min3A_1097 = arith.minimumf %max3A_1083, %mul3A_1095 : vector<16xf32>
        %max3A_1098 = arith.maximumf %max3A_1082, %min3A_1097 : vector<16xf32>
        %max3A_1099 = arith.maximumf %max3A_1083, %mul3A_1095 : vector<16xf32>
        %select_n3A_1100 = arith.select %gt3A_1096, %broadcast_in_dim3A_30, %select_n3A_1084 : vector<16xi1>, vector<16xi32>
        %mul3A_1101 = arith.constant 8 : i32
        %mul3A_1102 = arith.muli %scan3A_987, %mul3A_1101 : i32
        %add3A_1103 = arith.constant 7 : i32
        %add3A_1104 = arith.addi %mul3A_1102, %add3A_1103 : i32
        %get3A_1105 = arith.constant 1 : i32
        %get3A_1106 = arith.index_cast %get3A_1105 : i32 to index
        %get3A_1107 = arith.index_cast %add3A_1104 : i32 to index
        %get3A_1108 = arith.constant 48 : index
        %get3A_1109 = tpu.vector_load %arg6[%get3A_1106, %get3A_1107, %get3A_1108] {strides = array<i32>} : memref<2x256x128xf32, #tpu.memory_space<vmem>>, vector<1x1x16xf32>,
        %get3A_1110 = vector.shape_cast %get3A_1109 : vector<1x1x16xf32> to vector<16xf32>
        %mul3A_1111 = arith.mulf %get3A_685, %get3A_1110 : vector<16xf32>
        %gt3A_1112 = arith.cmpf ogt, %mul3A_1111, %max3A_1099 : vector<16xf32>
        %min3A_1113 = arith.minimumf %max3A_1099, %mul3A_1111 : vector<16xf32>
        %max3A_1114 = arith.maximumf %max3A_1098, %min3A_1113 : vector<16xf32>
        %max3A_1115 = arith.maximumf %max3A_1099, %mul3A_1111 : vector<16xf32>
        %select_n3A_1116 = arith.select %gt3A_1112, %broadcast_in_dim3A_32, %select_n3A_1100 : vector<16xi1>, vector<16xi32>
        %add3A_1117 = arith.constant 32 : i32
        %add3A_1118 = arith.addi %add3A_1117, %scan3A_987 : i32
        %broadcast_in_dim3A_1119 = vector.broadcast %add3A_1118 : i32 to vector<16xi32>
        %ne3A_1120 = arith.cmpf one, %max3A_1115, %scan3A_988 : vector<16xf32>
        %select_n3A_1121 = arith.select %ne3A_1120, %broadcast_in_dim3A_1119, %scan3A_990 : vector<16xi1>, vector<16xi32>
        scf.yield %max3A_1115, %max3A_1114, %select_n3A_1121, %select_n3A_1116 : vector<16xf32>, vector<16xf32>, vector<16xi32>, vector<16xi32>
      }
      %scan3A_719 = arith.constant 32 : i32
      %swap3A_720 = arith.constant 0 : i32
      %swap3A_721 = arith.index_cast %scan3A_38 : i32 to index
      %swap3A_722 = arith.index_cast %swap3A_720 : i32 to index
      %swap3A_723 = arith.constant 48 : index
      %swap3A_724 = tpu.vector_load %arg10[%swap3A_721, %swap3A_722, %swap3A_723] {strides = array<i32>} : memref<12x2x128xf32, #tpu.memory_space<vmem>>, vector<1x1x16xf32>,
      %swap3A_725 = vector.shape_cast %swap3A_724 : vector<1x1x16xf32> to vector<16xf32>
      %swap3A_726 = vector.shape_cast %scan3A_718#0 : vector<16xf32> to vector<1x1x16xf32>
      tpu.vector_store %arg10[%swap3A_721, %swap3A_722, %swap3A_723], %swap3A_726 {strides = array<i32>} : memref<12x2x128xf32, #tpu.memory_space<vmem>>, vector<1x1x16xf32>,
      %swap3A_727 = arith.constant 1 : i32
      %swap3A_728 = arith.index_cast %scan3A_38 : i32 to index
      %swap3A_729 = arith.index_cast %swap3A_727 : i32 to index
      %swap3A_730 = arith.constant 48 : index
      %swap3A_731 = tpu.vector_load %arg10[%swap3A_728, %swap3A_729, %swap3A_730] {strides = array<i32>} : memref<12x2x128xf32, #tpu.memory_space<vmem>>, vector<1x1x16xf32>,
      %swap3A_732 = vector.shape_cast %swap3A_731 : vector<1x1x16xf32> to vector<16xf32>
      %swap3A_733 = vector.shape_cast %scan3A_718#1 : vector<16xf32> to vector<1x1x16xf32>
      tpu.vector_store %arg10[%swap3A_728, %swap3A_729, %swap3A_730], %swap3A_733 {strides = array<i32>} : memref<12x2x128xf32, #tpu.memory_space<vmem>>, vector<1x1x16xf32>,
      %mul3A_734 = arith.constant 8 : i32
      %mul3A_735 = vector.broadcast %mul3A_734 : i32 to vector<16xi32>
      %mul3A_736 = arith.muli %scan3A_718#2, %mul3A_735 : vector<16xi32>
      %add3A_737 = arith.addi %mul3A_736, %scan3A_718#3 : vector<16xi32>
      %swap3A_738 = arith.index_cast %scan3A_38 : i32 to index
      %swap3A_739 = arith.constant 48 : index
      %swap3A_740 = tpu.vector_load %arg11[%swap3A_738, %swap3A_739] {strides = array<i32>} : memref<12x128xi32, #tpu.memory_space<vmem>>, vector<1x16xi32>,
      %swap3A_741 = vector.shape_cast %swap3A_740 : vector<1x16xi32> to vector<16xi32>
      %swap3A_742 = vector.shape_cast %add3A_737 : vector<16xi32> to vector<1x16xi32>
      tpu.vector_store %arg11[%swap3A_738, %swap3A_739], %swap3A_742 {strides = array<i32>} : memref<12x128xi32, #tpu.memory_space<vmem>>, vector<1x16xi32>,
      %get3A_743 = arith.index_cast %select_n3A : i32 to index
      %get3A_744 = arith.constant 64 : index
      %get3A_745 = tpu.vector_load %arg7[%get3A_743, %get3A_744] {strides = array<i32>} : memref<4x128xf32, #tpu.memory_space<vmem>>, vector<1x16xf32>,
      %get3A_746 = vector.shape_cast %get3A_745 : vector<1x16xf32> to vector<16xf32>
      %get3A_747 = arith.constant 0 : i32
      %get3A_748 = arith.constant 4 : i32
      %get3A_749 = arith.index_cast %get3A_747 : i32 to index
      %get3A_750 = arith.index_cast %get3A_748 : i32 to index
      %get3A_751 = arith.constant 0 : index
      %get3A_752 = tpu.vector_load %arg8[%get3A_749, %get3A_750, %get3A_751] {strides = array<i32>} : memref<2x8x16xf32, #tpu.memory_space<vmem>>, vector<1x1x16xf32>,
      %get3A_753 = vector.shape_cast %get3A_752 : vector<1x1x16xf32> to vector<16xf32>
      %get3A_754 = arith.constant 1 : i32
      %get3A_755 = arith.constant 4 : i32
      %get3A_756 = arith.index_cast %get3A_754 : i32 to index
      %get3A_757 = arith.index_cast %get3A_755 : i32 to index
      %get3A_758 = arith.constant 0 : index
      %get3A_759 = tpu.vector_load %arg8[%get3A_756, %get3A_757, %get3A_758] {strides = array<i32>} : memref<2x8x16xf32, #tpu.memory_space<vmem>>, vector<1x1x16xf32>,
      %get3A_760 = vector.shape_cast %get3A_759 : vector<1x1x16xf32> to vector<16xf32>
      %get3A_761 = arith.constant 0 : i32
      %get3A_762 = arith.constant 4 : i32
      %get3A_763 = arith.index_cast %get3A_761 : i32 to index
      %get3A_764 = arith.index_cast %get3A_762 : i32 to index
      %get3A_765 = arith.constant 0 : index
      %get3A_766 = tpu.vector_load %arg9[%get3A_763, %get3A_764, %get3A_765] {strides = array<i32>} : memref<2x8x16xi32, #tpu.memory_space<vmem>>, vector<1x1x16xi32>,
      %get3A_767 = vector.shape_cast %get3A_766 : vector<1x1x16xi32> to vector<16xi32>
      %get3A_768 = arith.constant 1 : i32
      %get3A_769 = arith.constant 4 : i32
      %get3A_770 = arith.index_cast %get3A_768 : i32 to index
      %get3A_771 = arith.index_cast %get3A_769 : i32 to index
      %get3A_772 = arith.constant 0 : index
      %get3A_773 = tpu.vector_load %arg9[%get3A_770, %get3A_771, %get3A_772] {strides = array<i32>} : memref<2x8x16xi32, #tpu.memory_space<vmem>>, vector<1x1x16xi32>,
      %get3A_774 = vector.shape_cast %get3A_773 : vector<1x1x16xi32> to vector<16xi32>
      %scan3A_775 = arith.constant 0 : i32
      %scan3A_776 = arith.constant 32 : i32
      %scan3A_777 = arith.addi %scan3A_775, %scan3A_776 : i32
      %scan3A_778 = arith.constant 1 : i32
      %scan3A_779:4 = scf.for %scan3A_987 = %scan3A_775 to %scan3A_777 step %scan3A_778 iter_args(%scan3A_988 = %get3A_753, %scan3A_989 = %get3A_760, %scan3A_990 = %get3A_767, %scan3A_991 = %get3A_774) -> (vector<16xf32>, vector<16xf32>, vector<16xi32>, vector<16xi32>)  : i32 {
        %mul3A_992 = arith.constant 8 : i32
        %mul3A_993 = arith.muli %scan3A_987, %mul3A_992 : i32
        %add3A_994 = arith.constant 0 : i32
        %add3A_995 = arith.addi %mul3A_993, %add3A_994 : i32
        %get3A_996 = arith.constant 1 : i32
        %get3A_997 = arith.index_cast %get3A_996 : i32 to index
        %get3A_998 = arith.index_cast %add3A_995 : i32 to index
        %get3A_999 = arith.constant 64 : index
        %get3A_1000 = tpu.vector_load %arg6[%get3A_997, %get3A_998, %get3A_999] {strides = array<i32>} : memref<2x256x128xf32, #tpu.memory_space<vmem>>, vector<1x1x16xf32>,
        %get3A_1001 = vector.shape_cast %get3A_1000 : vector<1x1x16xf32> to vector<16xf32>
        %mul3A_1002 = arith.mulf %get3A_746, %get3A_1001 : vector<16xf32>
        %gt3A = arith.cmpf ogt, %mul3A_1002, %scan3A_988 : vector<16xf32>
        %min3A = arith.minimumf %scan3A_988, %mul3A_1002 : vector<16xf32>
        %max3A = arith.maximumf %scan3A_989, %min3A : vector<16xf32>
        %max3A_1003 = arith.maximumf %scan3A_988, %mul3A_1002 : vector<16xf32>
        %select_n3A_1004 = arith.select %gt3A, %broadcast_in_dim3A_18, %scan3A_991 : vector<16xi1>, vector<16xi32>
        %mul3A_1005 = arith.constant 8 : i32
        %mul3A_1006 = arith.muli %scan3A_987, %mul3A_1005 : i32
        %add3A_1007 = arith.constant 1 : i32
        %add3A_1008 = arith.addi %mul3A_1006, %add3A_1007 : i32
        %get3A_1009 = arith.constant 1 : i32
        %get3A_1010 = arith.index_cast %get3A_1009 : i32 to index
        %get3A_1011 = arith.index_cast %add3A_1008 : i32 to index
        %get3A_1012 = arith.constant 64 : index
        %get3A_1013 = tpu.vector_load %arg6[%get3A_1010, %get3A_1011, %get3A_1012] {strides = array<i32>} : memref<2x256x128xf32, #tpu.memory_space<vmem>>, vector<1x1x16xf32>,
        %get3A_1014 = vector.shape_cast %get3A_1013 : vector<1x1x16xf32> to vector<16xf32>
        %mul3A_1015 = arith.mulf %get3A_746, %get3A_1014 : vector<16xf32>
        %gt3A_1016 = arith.cmpf ogt, %mul3A_1015, %max3A_1003 : vector<16xf32>
        %min3A_1017 = arith.minimumf %max3A_1003, %mul3A_1015 : vector<16xf32>
        %max3A_1018 = arith.maximumf %max3A, %min3A_1017 : vector<16xf32>
        %max3A_1019 = arith.maximumf %max3A_1003, %mul3A_1015 : vector<16xf32>
        %select_n3A_1020 = arith.select %gt3A_1016, %broadcast_in_dim3A_20, %select_n3A_1004 : vector<16xi1>, vector<16xi32>
        %mul3A_1021 = arith.constant 8 : i32
        %mul3A_1022 = arith.muli %scan3A_987, %mul3A_1021 : i32
        %add3A_1023 = arith.constant 2 : i32
        %add3A_1024 = arith.addi %mul3A_1022, %add3A_1023 : i32
        %get3A_1025 = arith.constant 1 : i32
        %get3A_1026 = arith.index_cast %get3A_1025 : i32 to index
        %get3A_1027 = arith.index_cast %add3A_1024 : i32 to index
        %get3A_1028 = arith.constant 64 : index
        %get3A_1029 = tpu.vector_load %arg6[%get3A_1026, %get3A_1027, %get3A_1028] {strides = array<i32>} : memref<2x256x128xf32, #tpu.memory_space<vmem>>, vector<1x1x16xf32>,
        %get3A_1030 = vector.shape_cast %get3A_1029 : vector<1x1x16xf32> to vector<16xf32>
        %mul3A_1031 = arith.mulf %get3A_746, %get3A_1030 : vector<16xf32>
        %gt3A_1032 = arith.cmpf ogt, %mul3A_1031, %max3A_1019 : vector<16xf32>
        %min3A_1033 = arith.minimumf %max3A_1019, %mul3A_1031 : vector<16xf32>
        %max3A_1034 = arith.maximumf %max3A_1018, %min3A_1033 : vector<16xf32>
        %max3A_1035 = arith.maximumf %max3A_1019, %mul3A_1031 : vector<16xf32>
        %select_n3A_1036 = arith.select %gt3A_1032, %broadcast_in_dim3A_22, %select_n3A_1020 : vector<16xi1>, vector<16xi32>
        %mul3A_1037 = arith.constant 8 : i32
        %mul3A_1038 = arith.muli %scan3A_987, %mul3A_1037 : i32
        %add3A_1039 = arith.constant 3 : i32
        %add3A_1040 = arith.addi %mul3A_1038, %add3A_1039 : i32
        %get3A_1041 = arith.constant 1 : i32
        %get3A_1042 = arith.index_cast %get3A_1041 : i32 to index
        %get3A_1043 = arith.index_cast %add3A_1040 : i32 to index
        %get3A_1044 = arith.constant 64 : index
        %get3A_1045 = tpu.vector_load %arg6[%get3A_1042, %get3A_1043, %get3A_1044] {strides = array<i32>} : memref<2x256x128xf32, #tpu.memory_space<vmem>>, vector<1x1x16xf32>,
        %get3A_1046 = vector.shape_cast %get3A_1045 : vector<1x1x16xf32> to vector<16xf32>
        %mul3A_1047 = arith.mulf %get3A_746, %get3A_1046 : vector<16xf32>
        %gt3A_1048 = arith.cmpf ogt, %mul3A_1047, %max3A_1035 : vector<16xf32>
        %min3A_1049 = arith.minimumf %max3A_1035, %mul3A_1047 : vector<16xf32>
        %max3A_1050 = arith.maximumf %max3A_1034, %min3A_1049 : vector<16xf32>
        %max3A_1051 = arith.maximumf %max3A_1035, %mul3A_1047 : vector<16xf32>
        %select_n3A_1052 = arith.select %gt3A_1048, %broadcast_in_dim3A_24, %select_n3A_1036 : vector<16xi1>, vector<16xi32>
        %mul3A_1053 = arith.constant 8 : i32
        %mul3A_1054 = arith.muli %scan3A_987, %mul3A_1053 : i32
        %add3A_1055 = arith.constant 4 : i32
        %add3A_1056 = arith.addi %mul3A_1054, %add3A_1055 : i32
        %get3A_1057 = arith.constant 1 : i32
        %get3A_1058 = arith.index_cast %get3A_1057 : i32 to index
        %get3A_1059 = arith.index_cast %add3A_1056 : i32 to index
        %get3A_1060 = arith.constant 64 : index
        %get3A_1061 = tpu.vector_load %arg6[%get3A_1058, %get3A_1059, %get3A_1060] {strides = array<i32>} : memref<2x256x128xf32, #tpu.memory_space<vmem>>, vector<1x1x16xf32>,
        %get3A_1062 = vector.shape_cast %get3A_1061 : vector<1x1x16xf32> to vector<16xf32>
        %mul3A_1063 = arith.mulf %get3A_746, %get3A_1062 : vector<16xf32>
        %gt3A_1064 = arith.cmpf ogt, %mul3A_1063, %max3A_1051 : vector<16xf32>
        %min3A_1065 = arith.minimumf %max3A_1051, %mul3A_1063 : vector<16xf32>
        %max3A_1066 = arith.maximumf %max3A_1050, %min3A_1065 : vector<16xf32>
        %max3A_1067 = arith.maximumf %max3A_1051, %mul3A_1063 : vector<16xf32>
        %select_n3A_1068 = arith.select %gt3A_1064, %broadcast_in_dim3A_26, %select_n3A_1052 : vector<16xi1>, vector<16xi32>
        %mul3A_1069 = arith.constant 8 : i32
        %mul3A_1070 = arith.muli %scan3A_987, %mul3A_1069 : i32
        %add3A_1071 = arith.constant 5 : i32
        %add3A_1072 = arith.addi %mul3A_1070, %add3A_1071 : i32
        %get3A_1073 = arith.constant 1 : i32
        %get3A_1074 = arith.index_cast %get3A_1073 : i32 to index
        %get3A_1075 = arith.index_cast %add3A_1072 : i32 to index
        %get3A_1076 = arith.constant 64 : index
        %get3A_1077 = tpu.vector_load %arg6[%get3A_1074, %get3A_1075, %get3A_1076] {strides = array<i32>} : memref<2x256x128xf32, #tpu.memory_space<vmem>>, vector<1x1x16xf32>,
        %get3A_1078 = vector.shape_cast %get3A_1077 : vector<1x1x16xf32> to vector<16xf32>
        %mul3A_1079 = arith.mulf %get3A_746, %get3A_1078 : vector<16xf32>
        %gt3A_1080 = arith.cmpf ogt, %mul3A_1079, %max3A_1067 : vector<16xf32>
        %min3A_1081 = arith.minimumf %max3A_1067, %mul3A_1079 : vector<16xf32>
        %max3A_1082 = arith.maximumf %max3A_1066, %min3A_1081 : vector<16xf32>
        %max3A_1083 = arith.maximumf %max3A_1067, %mul3A_1079 : vector<16xf32>
        %select_n3A_1084 = arith.select %gt3A_1080, %broadcast_in_dim3A_28, %select_n3A_1068 : vector<16xi1>, vector<16xi32>
        %mul3A_1085 = arith.constant 8 : i32
        %mul3A_1086 = arith.muli %scan3A_987, %mul3A_1085 : i32
        %add3A_1087 = arith.constant 6 : i32
        %add3A_1088 = arith.addi %mul3A_1086, %add3A_1087 : i32
        %get3A_1089 = arith.constant 1 : i32
        %get3A_1090 = arith.index_cast %get3A_1089 : i32 to index
        %get3A_1091 = arith.index_cast %add3A_1088 : i32 to index
        %get3A_1092 = arith.constant 64 : index
        %get3A_1093 = tpu.vector_load %arg6[%get3A_1090, %get3A_1091, %get3A_1092] {strides = array<i32>} : memref<2x256x128xf32, #tpu.memory_space<vmem>>, vector<1x1x16xf32>,
        %get3A_1094 = vector.shape_cast %get3A_1093 : vector<1x1x16xf32> to vector<16xf32>
        %mul3A_1095 = arith.mulf %get3A_746, %get3A_1094 : vector<16xf32>
        %gt3A_1096 = arith.cmpf ogt, %mul3A_1095, %max3A_1083 : vector<16xf32>
        %min3A_1097 = arith.minimumf %max3A_1083, %mul3A_1095 : vector<16xf32>
        %max3A_1098 = arith.maximumf %max3A_1082, %min3A_1097 : vector<16xf32>
        %max3A_1099 = arith.maximumf %max3A_1083, %mul3A_1095 : vector<16xf32>
        %select_n3A_1100 = arith.select %gt3A_1096, %broadcast_in_dim3A_30, %select_n3A_1084 : vector<16xi1>, vector<16xi32>
        %mul3A_1101 = arith.constant 8 : i32
        %mul3A_1102 = arith.muli %scan3A_987, %mul3A_1101 : i32
        %add3A_1103 = arith.constant 7 : i32
        %add3A_1104 = arith.addi %mul3A_1102, %add3A_1103 : i32
        %get3A_1105 = arith.constant 1 : i32
        %get3A_1106 = arith.index_cast %get3A_1105 : i32 to index
        %get3A_1107 = arith.index_cast %add3A_1104 : i32 to index
        %get3A_1108 = arith.constant 64 : index
        %get3A_1109 = tpu.vector_load %arg6[%get3A_1106, %get3A_1107, %get3A_1108] {strides = array<i32>} : memref<2x256x128xf32, #tpu.memory_space<vmem>>, vector<1x1x16xf32>,
        %get3A_1110 = vector.shape_cast %get3A_1109 : vector<1x1x16xf32> to vector<16xf32>
        %mul3A_1111 = arith.mulf %get3A_746, %get3A_1110 : vector<16xf32>
        %gt3A_1112 = arith.cmpf ogt, %mul3A_1111, %max3A_1099 : vector<16xf32>
        %min3A_1113 = arith.minimumf %max3A_1099, %mul3A_1111 : vector<16xf32>
        %max3A_1114 = arith.maximumf %max3A_1098, %min3A_1113 : vector<16xf32>
        %max3A_1115 = arith.maximumf %max3A_1099, %mul3A_1111 : vector<16xf32>
        %select_n3A_1116 = arith.select %gt3A_1112, %broadcast_in_dim3A_32, %select_n3A_1100 : vector<16xi1>, vector<16xi32>
        %add3A_1117 = arith.constant 32 : i32
        %add3A_1118 = arith.addi %add3A_1117, %scan3A_987 : i32
        %broadcast_in_dim3A_1119 = vector.broadcast %add3A_1118 : i32 to vector<16xi32>
        %ne3A_1120 = arith.cmpf one, %max3A_1115, %scan3A_988 : vector<16xf32>
        %select_n3A_1121 = arith.select %ne3A_1120, %broadcast_in_dim3A_1119, %scan3A_990 : vector<16xi1>, vector<16xi32>
        scf.yield %max3A_1115, %max3A_1114, %select_n3A_1121, %select_n3A_1116 : vector<16xf32>, vector<16xf32>, vector<16xi32>, vector<16xi32>
      }
      %scan3A_780 = arith.constant 32 : i32
      %swap3A_781 = arith.constant 0 : i32
      %swap3A_782 = arith.index_cast %scan3A_38 : i32 to index
      %swap3A_783 = arith.index_cast %swap3A_781 : i32 to index
      %swap3A_784 = arith.constant 64 : index
      %swap3A_785 = tpu.vector_load %arg10[%swap3A_782, %swap3A_783, %swap3A_784] {strides = array<i32>} : memref<12x2x128xf32, #tpu.memory_space<vmem>>, vector<1x1x16xf32>,
      %swap3A_786 = vector.shape_cast %swap3A_785 : vector<1x1x16xf32> to vector<16xf32>
      %swap3A_787 = vector.shape_cast %scan3A_779#0 : vector<16xf32> to vector<1x1x16xf32>
      tpu.vector_store %arg10[%swap3A_782, %swap3A_783, %swap3A_784], %swap3A_787 {strides = array<i32>} : memref<12x2x128xf32, #tpu.memory_space<vmem>>, vector<1x1x16xf32>,
      %swap3A_788 = arith.constant 1 : i32
      %swap3A_789 = arith.index_cast %scan3A_38 : i32 to index
      %swap3A_790 = arith.index_cast %swap3A_788 : i32 to index
      %swap3A_791 = arith.constant 64 : index
      %swap3A_792 = tpu.vector_load %arg10[%swap3A_789, %swap3A_790, %swap3A_791] {strides = array<i32>} : memref<12x2x128xf32, #tpu.memory_space<vmem>>, vector<1x1x16xf32>,
      %swap3A_793 = vector.shape_cast %swap3A_792 : vector<1x1x16xf32> to vector<16xf32>
      %swap3A_794 = vector.shape_cast %scan3A_779#1 : vector<16xf32> to vector<1x1x16xf32>
      tpu.vector_store %arg10[%swap3A_789, %swap3A_790, %swap3A_791], %swap3A_794 {strides = array<i32>} : memref<12x2x128xf32, #tpu.memory_space<vmem>>, vector<1x1x16xf32>,
      %mul3A_795 = arith.constant 8 : i32
      %mul3A_796 = vector.broadcast %mul3A_795 : i32 to vector<16xi32>
      %mul3A_797 = arith.muli %scan3A_779#2, %mul3A_796 : vector<16xi32>
      %add3A_798 = arith.addi %mul3A_797, %scan3A_779#3 : vector<16xi32>
      %swap3A_799 = arith.index_cast %scan3A_38 : i32 to index
      %swap3A_800 = arith.constant 64 : index
      %swap3A_801 = tpu.vector_load %arg11[%swap3A_799, %swap3A_800] {strides = array<i32>} : memref<12x128xi32, #tpu.memory_space<vmem>>, vector<1x16xi32>,
      %swap3A_802 = vector.shape_cast %swap3A_801 : vector<1x16xi32> to vector<16xi32>
      %swap3A_803 = vector.shape_cast %add3A_798 : vector<16xi32> to vector<1x16xi32>
      tpu.vector_store %arg11[%swap3A_799, %swap3A_800], %swap3A_803 {strides = array<i32>} : memref<12x128xi32, #tpu.memory_space<vmem>>, vector<1x16xi32>,
      %get3A_804 = arith.index_cast %select_n3A : i32 to index
      %get3A_805 = arith.constant 80 : index
      %get3A_806 = tpu.vector_load %arg7[%get3A_804, %get3A_805] {strides = array<i32>} : memref<4x128xf32, #tpu.memory_space<vmem>>, vector<1x16xf32>,
      %get3A_807 = vector.shape_cast %get3A_806 : vector<1x16xf32> to vector<16xf32>
      %get3A_808 = arith.constant 0 : i32
      %get3A_809 = arith.constant 5 : i32
      %get3A_810 = arith.index_cast %get3A_808 : i32 to index
      %get3A_811 = arith.index_cast %get3A_809 : i32 to index
      %get3A_812 = arith.constant 0 : index
      %get3A_813 = tpu.vector_load %arg8[%get3A_810, %get3A_811, %get3A_812] {strides = array<i32>} : memref<2x8x16xf32, #tpu.memory_space<vmem>>, vector<1x1x16xf32>,
      %get3A_814 = vector.shape_cast %get3A_813 : vector<1x1x16xf32> to vector<16xf32>
      %get3A_815 = arith.constant 1 : i32
      %get3A_816 = arith.constant 5 : i32
      %get3A_817 = arith.index_cast %get3A_815 : i32 to index
      %get3A_818 = arith.index_cast %get3A_816 : i32 to index
      %get3A_819 = arith.constant 0 : index
      %get3A_820 = tpu.vector_load %arg8[%get3A_817, %get3A_818, %get3A_819] {strides = array<i32>} : memref<2x8x16xf32, #tpu.memory_space<vmem>>, vector<1x1x16xf32>,
      %get3A_821 = vector.shape_cast %get3A_820 : vector<1x1x16xf32> to vector<16xf32>
      %get3A_822 = arith.constant 0 : i32
      %get3A_823 = arith.constant 5 : i32
      %get3A_824 = arith.index_cast %get3A_822 : i32 to index
      %get3A_825 = arith.index_cast %get3A_823 : i32 to index
      %get3A_826 = arith.constant 0 : index
      %get3A_827 = tpu.vector_load %arg9[%get3A_824, %get3A_825, %get3A_826] {strides = array<i32>} : memref<2x8x16xi32, #tpu.memory_space<vmem>>, vector<1x1x16xi32>,
      %get3A_828 = vector.shape_cast %get3A_827 : vector<1x1x16xi32> to vector<16xi32>
      %get3A_829 = arith.constant 1 : i32
      %get3A_830 = arith.constant 5 : i32
      %get3A_831 = arith.index_cast %get3A_829 : i32 to index
      %get3A_832 = arith.index_cast %get3A_830 : i32 to index
      %get3A_833 = arith.constant 0 : index
      %get3A_834 = tpu.vector_load %arg9[%get3A_831, %get3A_832, %get3A_833] {strides = array<i32>} : memref<2x8x16xi32, #tpu.memory_space<vmem>>, vector<1x1x16xi32>,
      %get3A_835 = vector.shape_cast %get3A_834 : vector<1x1x16xi32> to vector<16xi32>
      %scan3A_836 = arith.constant 0 : i32
      %scan3A_837 = arith.constant 32 : i32
      %scan3A_838 = arith.addi %scan3A_836, %scan3A_837 : i32
      %scan3A_839 = arith.constant 1 : i32
      %scan3A_840:4 = scf.for %scan3A_987 = %scan3A_836 to %scan3A_838 step %scan3A_839 iter_args(%scan3A_988 = %get3A_814, %scan3A_989 = %get3A_821, %scan3A_990 = %get3A_828, %scan3A_991 = %get3A_835) -> (vector<16xf32>, vector<16xf32>, vector<16xi32>, vector<16xi32>)  : i32 {
        %mul3A_992 = arith.constant 8 : i32
        %mul3A_993 = arith.muli %scan3A_987, %mul3A_992 : i32
        %add3A_994 = arith.constant 0 : i32
        %add3A_995 = arith.addi %mul3A_993, %add3A_994 : i32
        %get3A_996 = arith.constant 1 : i32
        %get3A_997 = arith.index_cast %get3A_996 : i32 to index
        %get3A_998 = arith.index_cast %add3A_995 : i32 to index
        %get3A_999 = arith.constant 80 : index
        %get3A_1000 = tpu.vector_load %arg6[%get3A_997, %get3A_998, %get3A_999] {strides = array<i32>} : memref<2x256x128xf32, #tpu.memory_space<vmem>>, vector<1x1x16xf32>,
        %get3A_1001 = vector.shape_cast %get3A_1000 : vector<1x1x16xf32> to vector<16xf32>
        %mul3A_1002 = arith.mulf %get3A_807, %get3A_1001 : vector<16xf32>
        %gt3A = arith.cmpf ogt, %mul3A_1002, %scan3A_988 : vector<16xf32>
        %min3A = arith.minimumf %scan3A_988, %mul3A_1002 : vector<16xf32>
        %max3A = arith.maximumf %scan3A_989, %min3A : vector<16xf32>
        %max3A_1003 = arith.maximumf %scan3A_988, %mul3A_1002 : vector<16xf32>
        %select_n3A_1004 = arith.select %gt3A, %broadcast_in_dim3A_18, %scan3A_991 : vector<16xi1>, vector<16xi32>
        %mul3A_1005 = arith.constant 8 : i32
        %mul3A_1006 = arith.muli %scan3A_987, %mul3A_1005 : i32
        %add3A_1007 = arith.constant 1 : i32
        %add3A_1008 = arith.addi %mul3A_1006, %add3A_1007 : i32
        %get3A_1009 = arith.constant 1 : i32
        %get3A_1010 = arith.index_cast %get3A_1009 : i32 to index
        %get3A_1011 = arith.index_cast %add3A_1008 : i32 to index
        %get3A_1012 = arith.constant 80 : index
        %get3A_1013 = tpu.vector_load %arg6[%get3A_1010, %get3A_1011, %get3A_1012] {strides = array<i32>} : memref<2x256x128xf32, #tpu.memory_space<vmem>>, vector<1x1x16xf32>,
        %get3A_1014 = vector.shape_cast %get3A_1013 : vector<1x1x16xf32> to vector<16xf32>
        %mul3A_1015 = arith.mulf %get3A_807, %get3A_1014 : vector<16xf32>
        %gt3A_1016 = arith.cmpf ogt, %mul3A_1015, %max3A_1003 : vector<16xf32>
        %min3A_1017 = arith.minimumf %max3A_1003, %mul3A_1015 : vector<16xf32>
        %max3A_1018 = arith.maximumf %max3A, %min3A_1017 : vector<16xf32>
        %max3A_1019 = arith.maximumf %max3A_1003, %mul3A_1015 : vector<16xf32>
        %select_n3A_1020 = arith.select %gt3A_1016, %broadcast_in_dim3A_20, %select_n3A_1004 : vector<16xi1>, vector<16xi32>
        %mul3A_1021 = arith.constant 8 : i32
        %mul3A_1022 = arith.muli %scan3A_987, %mul3A_1021 : i32
        %add3A_1023 = arith.constant 2 : i32
        %add3A_1024 = arith.addi %mul3A_1022, %add3A_1023 : i32
        %get3A_1025 = arith.constant 1 : i32
        %get3A_1026 = arith.index_cast %get3A_1025 : i32 to index
        %get3A_1027 = arith.index_cast %add3A_1024 : i32 to index
        %get3A_1028 = arith.constant 80 : index
        %get3A_1029 = tpu.vector_load %arg6[%get3A_1026, %get3A_1027, %get3A_1028] {strides = array<i32>} : memref<2x256x128xf32, #tpu.memory_space<vmem>>, vector<1x1x16xf32>,
        %get3A_1030 = vector.shape_cast %get3A_1029 : vector<1x1x16xf32> to vector<16xf32>
        %mul3A_1031 = arith.mulf %get3A_807, %get3A_1030 : vector<16xf32>
        %gt3A_1032 = arith.cmpf ogt, %mul3A_1031, %max3A_1019 : vector<16xf32>
        %min3A_1033 = arith.minimumf %max3A_1019, %mul3A_1031 : vector<16xf32>
        %max3A_1034 = arith.maximumf %max3A_1018, %min3A_1033 : vector<16xf32>
        %max3A_1035 = arith.maximumf %max3A_1019, %mul3A_1031 : vector<16xf32>
        %select_n3A_1036 = arith.select %gt3A_1032, %broadcast_in_dim3A_22, %select_n3A_1020 : vector<16xi1>, vector<16xi32>
        %mul3A_1037 = arith.constant 8 : i32
        %mul3A_1038 = arith.muli %scan3A_987, %mul3A_1037 : i32
        %add3A_1039 = arith.constant 3 : i32
        %add3A_1040 = arith.addi %mul3A_1038, %add3A_1039 : i32
        %get3A_1041 = arith.constant 1 : i32
        %get3A_1042 = arith.index_cast %get3A_1041 : i32 to index
        %get3A_1043 = arith.index_cast %add3A_1040 : i32 to index
        %get3A_1044 = arith.constant 80 : index
        %get3A_1045 = tpu.vector_load %arg6[%get3A_1042, %get3A_1043, %get3A_1044] {strides = array<i32>} : memref<2x256x128xf32, #tpu.memory_space<vmem>>, vector<1x1x16xf32>,
        %get3A_1046 = vector.shape_cast %get3A_1045 : vector<1x1x16xf32> to vector<16xf32>
        %mul3A_1047 = arith.mulf %get3A_807, %get3A_1046 : vector<16xf32>
        %gt3A_1048 = arith.cmpf ogt, %mul3A_1047, %max3A_1035 : vector<16xf32>
        %min3A_1049 = arith.minimumf %max3A_1035, %mul3A_1047 : vector<16xf32>
        %max3A_1050 = arith.maximumf %max3A_1034, %min3A_1049 : vector<16xf32>
        %max3A_1051 = arith.maximumf %max3A_1035, %mul3A_1047 : vector<16xf32>
        %select_n3A_1052 = arith.select %gt3A_1048, %broadcast_in_dim3A_24, %select_n3A_1036 : vector<16xi1>, vector<16xi32>
        %mul3A_1053 = arith.constant 8 : i32
        %mul3A_1054 = arith.muli %scan3A_987, %mul3A_1053 : i32
        %add3A_1055 = arith.constant 4 : i32
        %add3A_1056 = arith.addi %mul3A_1054, %add3A_1055 : i32
        %get3A_1057 = arith.constant 1 : i32
        %get3A_1058 = arith.index_cast %get3A_1057 : i32 to index
        %get3A_1059 = arith.index_cast %add3A_1056 : i32 to index
        %get3A_1060 = arith.constant 80 : index
        %get3A_1061 = tpu.vector_load %arg6[%get3A_1058, %get3A_1059, %get3A_1060] {strides = array<i32>} : memref<2x256x128xf32, #tpu.memory_space<vmem>>, vector<1x1x16xf32>,
        %get3A_1062 = vector.shape_cast %get3A_1061 : vector<1x1x16xf32> to vector<16xf32>
        %mul3A_1063 = arith.mulf %get3A_807, %get3A_1062 : vector<16xf32>
        %gt3A_1064 = arith.cmpf ogt, %mul3A_1063, %max3A_1051 : vector<16xf32>
        %min3A_1065 = arith.minimumf %max3A_1051, %mul3A_1063 : vector<16xf32>
        %max3A_1066 = arith.maximumf %max3A_1050, %min3A_1065 : vector<16xf32>
        %max3A_1067 = arith.maximumf %max3A_1051, %mul3A_1063 : vector<16xf32>
        %select_n3A_1068 = arith.select %gt3A_1064, %broadcast_in_dim3A_26, %select_n3A_1052 : vector<16xi1>, vector<16xi32>
        %mul3A_1069 = arith.constant 8 : i32
        %mul3A_1070 = arith.muli %scan3A_987, %mul3A_1069 : i32
        %add3A_1071 = arith.constant 5 : i32
        %add3A_1072 = arith.addi %mul3A_1070, %add3A_1071 : i32
        %get3A_1073 = arith.constant 1 : i32
        %get3A_1074 = arith.index_cast %get3A_1073 : i32 to index
        %get3A_1075 = arith.index_cast %add3A_1072 : i32 to index
        %get3A_1076 = arith.constant 80 : index
        %get3A_1077 = tpu.vector_load %arg6[%get3A_1074, %get3A_1075, %get3A_1076] {strides = array<i32>} : memref<2x256x128xf32, #tpu.memory_space<vmem>>, vector<1x1x16xf32>,
        %get3A_1078 = vector.shape_cast %get3A_1077 : vector<1x1x16xf32> to vector<16xf32>
        %mul3A_1079 = arith.mulf %get3A_807, %get3A_1078 : vector<16xf32>
        %gt3A_1080 = arith.cmpf ogt, %mul3A_1079, %max3A_1067 : vector<16xf32>
        %min3A_1081 = arith.minimumf %max3A_1067, %mul3A_1079 : vector<16xf32>
        %max3A_1082 = arith.maximumf %max3A_1066, %min3A_1081 : vector<16xf32>
        %max3A_1083 = arith.maximumf %max3A_1067, %mul3A_1079 : vector<16xf32>
        %select_n3A_1084 = arith.select %gt3A_1080, %broadcast_in_dim3A_28, %select_n3A_1068 : vector<16xi1>, vector<16xi32>
        %mul3A_1085 = arith.constant 8 : i32
        %mul3A_1086 = arith.muli %scan3A_987, %mul3A_1085 : i32
        %add3A_1087 = arith.constant 6 : i32
        %add3A_1088 = arith.addi %mul3A_1086, %add3A_1087 : i32
        %get3A_1089 = arith.constant 1 : i32
        %get3A_1090 = arith.index_cast %get3A_1089 : i32 to index
        %get3A_1091 = arith.index_cast %add3A_1088 : i32 to index
        %get3A_1092 = arith.constant 80 : index
        %get3A_1093 = tpu.vector_load %arg6[%get3A_1090, %get3A_1091, %get3A_1092] {strides = array<i32>} : memref<2x256x128xf32, #tpu.memory_space<vmem>>, vector<1x1x16xf32>,
        %get3A_1094 = vector.shape_cast %get3A_1093 : vector<1x1x16xf32> to vector<16xf32>
        %mul3A_1095 = arith.mulf %get3A_807, %get3A_1094 : vector<16xf32>
        %gt3A_1096 = arith.cmpf ogt, %mul3A_1095, %max3A_1083 : vector<16xf32>
        %min3A_1097 = arith.minimumf %max3A_1083, %mul3A_1095 : vector<16xf32>
        %max3A_1098 = arith.maximumf %max3A_1082, %min3A_1097 : vector<16xf32>
        %max3A_1099 = arith.maximumf %max3A_1083, %mul3A_1095 : vector<16xf32>
        %select_n3A_1100 = arith.select %gt3A_1096, %broadcast_in_dim3A_30, %select_n3A_1084 : vector<16xi1>, vector<16xi32>
        %mul3A_1101 = arith.constant 8 : i32
        %mul3A_1102 = arith.muli %scan3A_987, %mul3A_1101 : i32
        %add3A_1103 = arith.constant 7 : i32
        %add3A_1104 = arith.addi %mul3A_1102, %add3A_1103 : i32
        %get3A_1105 = arith.constant 1 : i32
        %get3A_1106 = arith.index_cast %get3A_1105 : i32 to index
        %get3A_1107 = arith.index_cast %add3A_1104 : i32 to index
        %get3A_1108 = arith.constant 80 : index
        %get3A_1109 = tpu.vector_load %arg6[%get3A_1106, %get3A_1107, %get3A_1108] {strides = array<i32>} : memref<2x256x128xf32, #tpu.memory_space<vmem>>, vector<1x1x16xf32>,
        %get3A_1110 = vector.shape_cast %get3A_1109 : vector<1x1x16xf32> to vector<16xf32>
        %mul3A_1111 = arith.mulf %get3A_807, %get3A_1110 : vector<16xf32>
        %gt3A_1112 = arith.cmpf ogt, %mul3A_1111, %max3A_1099 : vector<16xf32>
        %min3A_1113 = arith.minimumf %max3A_1099, %mul3A_1111 : vector<16xf32>
        %max3A_1114 = arith.maximumf %max3A_1098, %min3A_1113 : vector<16xf32>
        %max3A_1115 = arith.maximumf %max3A_1099, %mul3A_1111 : vector<16xf32>
        %select_n3A_1116 = arith.select %gt3A_1112, %broadcast_in_dim3A_32, %select_n3A_1100 : vector<16xi1>, vector<16xi32>
        %add3A_1117 = arith.constant 32 : i32
        %add3A_1118 = arith.addi %add3A_1117, %scan3A_987 : i32
        %broadcast_in_dim3A_1119 = vector.broadcast %add3A_1118 : i32 to vector<16xi32>
        %ne3A_1120 = arith.cmpf one, %max3A_1115, %scan3A_988 : vector<16xf32>
        %select_n3A_1121 = arith.select %ne3A_1120, %broadcast_in_dim3A_1119, %scan3A_990 : vector<16xi1>, vector<16xi32>
        scf.yield %max3A_1115, %max3A_1114, %select_n3A_1121, %select_n3A_1116 : vector<16xf32>, vector<16xf32>, vector<16xi32>, vector<16xi32>
      }
      %scan3A_841 = arith.constant 32 : i32
      %swap3A_842 = arith.constant 0 : i32
      %swap3A_843 = arith.index_cast %scan3A_38 : i32 to index
      %swap3A_844 = arith.index_cast %swap3A_842 : i32 to index
      %swap3A_845 = arith.constant 80 : index
      %swap3A_846 = tpu.vector_load %arg10[%swap3A_843, %swap3A_844, %swap3A_845] {strides = array<i32>} : memref<12x2x128xf32, #tpu.memory_space<vmem>>, vector<1x1x16xf32>,
      %swap3A_847 = vector.shape_cast %swap3A_846 : vector<1x1x16xf32> to vector<16xf32>
      %swap3A_848 = vector.shape_cast %scan3A_840#0 : vector<16xf32> to vector<1x1x16xf32>
      tpu.vector_store %arg10[%swap3A_843, %swap3A_844, %swap3A_845], %swap3A_848 {strides = array<i32>} : memref<12x2x128xf32, #tpu.memory_space<vmem>>, vector<1x1x16xf32>,
      %swap3A_849 = arith.constant 1 : i32
      %swap3A_850 = arith.index_cast %scan3A_38 : i32 to index
      %swap3A_851 = arith.index_cast %swap3A_849 : i32 to index
      %swap3A_852 = arith.constant 80 : index
      %swap3A_853 = tpu.vector_load %arg10[%swap3A_850, %swap3A_851, %swap3A_852] {strides = array<i32>} : memref<12x2x128xf32, #tpu.memory_space<vmem>>, vector<1x1x16xf32>,
      %swap3A_854 = vector.shape_cast %swap3A_853 : vector<1x1x16xf32> to vector<16xf32>
      %swap3A_855 = vector.shape_cast %scan3A_840#1 : vector<16xf32> to vector<1x1x16xf32>
      tpu.vector_store %arg10[%swap3A_850, %swap3A_851, %swap3A_852], %swap3A_855 {strides = array<i32>} : memref<12x2x128xf32, #tpu.memory_space<vmem>>, vector<1x1x16xf32>,
      %mul3A_856 = arith.constant 8 : i32
      %mul3A_857 = vector.broadcast %mul3A_856 : i32 to vector<16xi32>
      %mul3A_858 = arith.muli %scan3A_840#2, %mul3A_857 : vector<16xi32>
      %add3A_859 = arith.addi %mul3A_858, %scan3A_840#3 : vector<16xi32>
      %swap3A_860 = arith.index_cast %scan3A_38 : i32 to index
      %swap3A_861 = arith.constant 80 : index
      %swap3A_862 = tpu.vector_load %arg11[%swap3A_860, %swap3A_861] {strides = array<i32>} : memref<12x128xi32, #tpu.memory_space<vmem>>, vector<1x16xi32>,
      %swap3A_863 = vector.shape_cast %swap3A_862 : vector<1x16xi32> to vector<16xi32>
      %swap3A_864 = vector.shape_cast %add3A_859 : vector<16xi32> to vector<1x16xi32>
      tpu.vector_store %arg11[%swap3A_860, %swap3A_861], %swap3A_864 {strides = array<i32>} : memref<12x128xi32, #tpu.memory_space<vmem>>, vector<1x16xi32>,
      %get3A_865 = arith.index_cast %select_n3A : i32 to index
      %get3A_866 = arith.constant 96 : index
      %get3A_867 = tpu.vector_load %arg7[%get3A_865, %get3A_866] {strides = array<i32>} : memref<4x128xf32, #tpu.memory_space<vmem>>, vector<1x16xf32>,
      %get3A_868 = vector.shape_cast %get3A_867 : vector<1x16xf32> to vector<16xf32>
      %get3A_869 = arith.constant 0 : i32
      %get3A_870 = arith.constant 6 : i32
      %get3A_871 = arith.index_cast %get3A_869 : i32 to index
      %get3A_872 = arith.index_cast %get3A_870 : i32 to index
      %get3A_873 = arith.constant 0 : index
      %get3A_874 = tpu.vector_load %arg8[%get3A_871, %get3A_872, %get3A_873] {strides = array<i32>} : memref<2x8x16xf32, #tpu.memory_space<vmem>>, vector<1x1x16xf32>,
      %get3A_875 = vector.shape_cast %get3A_874 : vector<1x1x16xf32> to vector<16xf32>
      %get3A_876 = arith.constant 1 : i32
      %get3A_877 = arith.constant 6 : i32
      %get3A_878 = arith.index_cast %get3A_876 : i32 to index
      %get3A_879 = arith.index_cast %get3A_877 : i32 to index
      %get3A_880 = arith.constant 0 : index
      %get3A_881 = tpu.vector_load %arg8[%get3A_878, %get3A_879, %get3A_880] {strides = array<i32>} : memref<2x8x16xf32, #tpu.memory_space<vmem>>, vector<1x1x16xf32>,
      %get3A_882 = vector.shape_cast %get3A_881 : vector<1x1x16xf32> to vector<16xf32>
      %get3A_883 = arith.constant 0 : i32
      %get3A_884 = arith.constant 6 : i32
      %get3A_885 = arith.index_cast %get3A_883 : i32 to index
      %get3A_886 = arith.index_cast %get3A_884 : i32 to index
      %get3A_887 = arith.constant 0 : index
      %get3A_888 = tpu.vector_load %arg9[%get3A_885, %get3A_886, %get3A_887] {strides = array<i32>} : memref<2x8x16xi32, #tpu.memory_space<vmem>>, vector<1x1x16xi32>,
      %get3A_889 = vector.shape_cast %get3A_888 : vector<1x1x16xi32> to vector<16xi32>
      %get3A_890 = arith.constant 1 : i32
      %get3A_891 = arith.constant 6 : i32
      %get3A_892 = arith.index_cast %get3A_890 : i32 to index
      %get3A_893 = arith.index_cast %get3A_891 : i32 to index
      %get3A_894 = arith.constant 0 : index
      %get3A_895 = tpu.vector_load %arg9[%get3A_892, %get3A_893, %get3A_894] {strides = array<i32>} : memref<2x8x16xi32, #tpu.memory_space<vmem>>, vector<1x1x16xi32>,
      %get3A_896 = vector.shape_cast %get3A_895 : vector<1x1x16xi32> to vector<16xi32>
      %scan3A_897 = arith.constant 0 : i32
      %scan3A_898 = arith.constant 32 : i32
      %scan3A_899 = arith.addi %scan3A_897, %scan3A_898 : i32
      %scan3A_900 = arith.constant 1 : i32
      %scan3A_901:4 = scf.for %scan3A_987 = %scan3A_897 to %scan3A_899 step %scan3A_900 iter_args(%scan3A_988 = %get3A_875, %scan3A_989 = %get3A_882, %scan3A_990 = %get3A_889, %scan3A_991 = %get3A_896) -> (vector<16xf32>, vector<16xf32>, vector<16xi32>, vector<16xi32>)  : i32 {
        %mul3A_992 = arith.constant 8 : i32
        %mul3A_993 = arith.muli %scan3A_987, %mul3A_992 : i32
        %add3A_994 = arith.constant 0 : i32
        %add3A_995 = arith.addi %mul3A_993, %add3A_994 : i32
        %get3A_996 = arith.constant 1 : i32
        %get3A_997 = arith.index_cast %get3A_996 : i32 to index
        %get3A_998 = arith.index_cast %add3A_995 : i32 to index
        %get3A_999 = arith.constant 96 : index
        %get3A_1000 = tpu.vector_load %arg6[%get3A_997, %get3A_998, %get3A_999] {strides = array<i32>} : memref<2x256x128xf32, #tpu.memory_space<vmem>>, vector<1x1x16xf32>,
        %get3A_1001 = vector.shape_cast %get3A_1000 : vector<1x1x16xf32> to vector<16xf32>
        %mul3A_1002 = arith.mulf %get3A_868, %get3A_1001 : vector<16xf32>
        %gt3A = arith.cmpf ogt, %mul3A_1002, %scan3A_988 : vector<16xf32>
        %min3A = arith.minimumf %scan3A_988, %mul3A_1002 : vector<16xf32>
        %max3A = arith.maximumf %scan3A_989, %min3A : vector<16xf32>
        %max3A_1003 = arith.maximumf %scan3A_988, %mul3A_1002 : vector<16xf32>
        %select_n3A_1004 = arith.select %gt3A, %broadcast_in_dim3A_18, %scan3A_991 : vector<16xi1>, vector<16xi32>
        %mul3A_1005 = arith.constant 8 : i32
        %mul3A_1006 = arith.muli %scan3A_987, %mul3A_1005 : i32
        %add3A_1007 = arith.constant 1 : i32
        %add3A_1008 = arith.addi %mul3A_1006, %add3A_1007 : i32
        %get3A_1009 = arith.constant 1 : i32
        %get3A_1010 = arith.index_cast %get3A_1009 : i32 to index
        %get3A_1011 = arith.index_cast %add3A_1008 : i32 to index
        %get3A_1012 = arith.constant 96 : index
        %get3A_1013 = tpu.vector_load %arg6[%get3A_1010, %get3A_1011, %get3A_1012] {strides = array<i32>} : memref<2x256x128xf32, #tpu.memory_space<vmem>>, vector<1x1x16xf32>,
        %get3A_1014 = vector.shape_cast %get3A_1013 : vector<1x1x16xf32> to vector<16xf32>
        %mul3A_1015 = arith.mulf %get3A_868, %get3A_1014 : vector<16xf32>
        %gt3A_1016 = arith.cmpf ogt, %mul3A_1015, %max3A_1003 : vector<16xf32>
        %min3A_1017 = arith.minimumf %max3A_1003, %mul3A_1015 : vector<16xf32>
        %max3A_1018 = arith.maximumf %max3A, %min3A_1017 : vector<16xf32>
        %max3A_1019 = arith.maximumf %max3A_1003, %mul3A_1015 : vector<16xf32>
        %select_n3A_1020 = arith.select %gt3A_1016, %broadcast_in_dim3A_20, %select_n3A_1004 : vector<16xi1>, vector<16xi32>
        %mul3A_1021 = arith.constant 8 : i32
        %mul3A_1022 = arith.muli %scan3A_987, %mul3A_1021 : i32
        %add3A_1023 = arith.constant 2 : i32
        %add3A_1024 = arith.addi %mul3A_1022, %add3A_1023 : i32
        %get3A_1025 = arith.constant 1 : i32
        %get3A_1026 = arith.index_cast %get3A_1025 : i32 to index
        %get3A_1027 = arith.index_cast %add3A_1024 : i32 to index
        %get3A_1028 = arith.constant 96 : index
        %get3A_1029 = tpu.vector_load %arg6[%get3A_1026, %get3A_1027, %get3A_1028] {strides = array<i32>} : memref<2x256x128xf32, #tpu.memory_space<vmem>>, vector<1x1x16xf32>,
        %get3A_1030 = vector.shape_cast %get3A_1029 : vector<1x1x16xf32> to vector<16xf32>
        %mul3A_1031 = arith.mulf %get3A_868, %get3A_1030 : vector<16xf32>
        %gt3A_1032 = arith.cmpf ogt, %mul3A_1031, %max3A_1019 : vector<16xf32>
        %min3A_1033 = arith.minimumf %max3A_1019, %mul3A_1031 : vector<16xf32>
        %max3A_1034 = arith.maximumf %max3A_1018, %min3A_1033 : vector<16xf32>
        %max3A_1035 = arith.maximumf %max3A_1019, %mul3A_1031 : vector<16xf32>
        %select_n3A_1036 = arith.select %gt3A_1032, %broadcast_in_dim3A_22, %select_n3A_1020 : vector<16xi1>, vector<16xi32>
        %mul3A_1037 = arith.constant 8 : i32
        %mul3A_1038 = arith.muli %scan3A_987, %mul3A_1037 : i32
        %add3A_1039 = arith.constant 3 : i32
        %add3A_1040 = arith.addi %mul3A_1038, %add3A_1039 : i32
        %get3A_1041 = arith.constant 1 : i32
        %get3A_1042 = arith.index_cast %get3A_1041 : i32 to index
        %get3A_1043 = arith.index_cast %add3A_1040 : i32 to index
        %get3A_1044 = arith.constant 96 : index
        %get3A_1045 = tpu.vector_load %arg6[%get3A_1042, %get3A_1043, %get3A_1044] {strides = array<i32>} : memref<2x256x128xf32, #tpu.memory_space<vmem>>, vector<1x1x16xf32>,
        %get3A_1046 = vector.shape_cast %get3A_1045 : vector<1x1x16xf32> to vector<16xf32>
        %mul3A_1047 = arith.mulf %get3A_868, %get3A_1046 : vector<16xf32>
        %gt3A_1048 = arith.cmpf ogt, %mul3A_1047, %max3A_1035 : vector<16xf32>
        %min3A_1049 = arith.minimumf %max3A_1035, %mul3A_1047 : vector<16xf32>
        %max3A_1050 = arith.maximumf %max3A_1034, %min3A_1049 : vector<16xf32>
        %max3A_1051 = arith.maximumf %max3A_1035, %mul3A_1047 : vector<16xf32>
        %select_n3A_1052 = arith.select %gt3A_1048, %broadcast_in_dim3A_24, %select_n3A_1036 : vector<16xi1>, vector<16xi32>
        %mul3A_1053 = arith.constant 8 : i32
        %mul3A_1054 = arith.muli %scan3A_987, %mul3A_1053 : i32
        %add3A_1055 = arith.constant 4 : i32
        %add3A_1056 = arith.addi %mul3A_1054, %add3A_1055 : i32
        %get3A_1057 = arith.constant 1 : i32
        %get3A_1058 = arith.index_cast %get3A_1057 : i32 to index
        %get3A_1059 = arith.index_cast %add3A_1056 : i32 to index
        %get3A_1060 = arith.constant 96 : index
        %get3A_1061 = tpu.vector_load %arg6[%get3A_1058, %get3A_1059, %get3A_1060] {strides = array<i32>} : memref<2x256x128xf32, #tpu.memory_space<vmem>>, vector<1x1x16xf32>,
        %get3A_1062 = vector.shape_cast %get3A_1061 : vector<1x1x16xf32> to vector<16xf32>
        %mul3A_1063 = arith.mulf %get3A_868, %get3A_1062 : vector<16xf32>
        %gt3A_1064 = arith.cmpf ogt, %mul3A_1063, %max3A_1051 : vector<16xf32>
        %min3A_1065 = arith.minimumf %max3A_1051, %mul3A_1063 : vector<16xf32>
        %max3A_1066 = arith.maximumf %max3A_1050, %min3A_1065 : vector<16xf32>
        %max3A_1067 = arith.maximumf %max3A_1051, %mul3A_1063 : vector<16xf32>
        %select_n3A_1068 = arith.select %gt3A_1064, %broadcast_in_dim3A_26, %select_n3A_1052 : vector<16xi1>, vector<16xi32>
        %mul3A_1069 = arith.constant 8 : i32
        %mul3A_1070 = arith.muli %scan3A_987, %mul3A_1069 : i32
        %add3A_1071 = arith.constant 5 : i32
        %add3A_1072 = arith.addi %mul3A_1070, %add3A_1071 : i32
        %get3A_1073 = arith.constant 1 : i32
        %get3A_1074 = arith.index_cast %get3A_1073 : i32 to index
        %get3A_1075 = arith.index_cast %add3A_1072 : i32 to index
        %get3A_1076 = arith.constant 96 : index
        %get3A_1077 = tpu.vector_load %arg6[%get3A_1074, %get3A_1075, %get3A_1076] {strides = array<i32>} : memref<2x256x128xf32, #tpu.memory_space<vmem>>, vector<1x1x16xf32>,
        %get3A_1078 = vector.shape_cast %get3A_1077 : vector<1x1x16xf32> to vector<16xf32>
        %mul3A_1079 = arith.mulf %get3A_868, %get3A_1078 : vector<16xf32>
        %gt3A_1080 = arith.cmpf ogt, %mul3A_1079, %max3A_1067 : vector<16xf32>
        %min3A_1081 = arith.minimumf %max3A_1067, %mul3A_1079 : vector<16xf32>
        %max3A_1082 = arith.maximumf %max3A_1066, %min3A_1081 : vector<16xf32>
        %max3A_1083 = arith.maximumf %max3A_1067, %mul3A_1079 : vector<16xf32>
        %select_n3A_1084 = arith.select %gt3A_1080, %broadcast_in_dim3A_28, %select_n3A_1068 : vector<16xi1>, vector<16xi32>
        %mul3A_1085 = arith.constant 8 : i32
        %mul3A_1086 = arith.muli %scan3A_987, %mul3A_1085 : i32
        %add3A_1087 = arith.constant 6 : i32
        %add3A_1088 = arith.addi %mul3A_1086, %add3A_1087 : i32
        %get3A_1089 = arith.constant 1 : i32
        %get3A_1090 = arith.index_cast %get3A_1089 : i32 to index
        %get3A_1091 = arith.index_cast %add3A_1088 : i32 to index
        %get3A_1092 = arith.constant 96 : index
        %get3A_1093 = tpu.vector_load %arg6[%get3A_1090, %get3A_1091, %get3A_1092] {strides = array<i32>} : memref<2x256x128xf32, #tpu.memory_space<vmem>>, vector<1x1x16xf32>,
        %get3A_1094 = vector.shape_cast %get3A_1093 : vector<1x1x16xf32> to vector<16xf32>
        %mul3A_1095 = arith.mulf %get3A_868, %get3A_1094 : vector<16xf32>
        %gt3A_1096 = arith.cmpf ogt, %mul3A_1095, %max3A_1083 : vector<16xf32>
        %min3A_1097 = arith.minimumf %max3A_1083, %mul3A_1095 : vector<16xf32>
        %max3A_1098 = arith.maximumf %max3A_1082, %min3A_1097 : vector<16xf32>
        %max3A_1099 = arith.maximumf %max3A_1083, %mul3A_1095 : vector<16xf32>
        %select_n3A_1100 = arith.select %gt3A_1096, %broadcast_in_dim3A_30, %select_n3A_1084 : vector<16xi1>, vector<16xi32>
        %mul3A_1101 = arith.constant 8 : i32
        %mul3A_1102 = arith.muli %scan3A_987, %mul3A_1101 : i32
        %add3A_1103 = arith.constant 7 : i32
        %add3A_1104 = arith.addi %mul3A_1102, %add3A_1103 : i32
        %get3A_1105 = arith.constant 1 : i32
        %get3A_1106 = arith.index_cast %get3A_1105 : i32 to index
        %get3A_1107 = arith.index_cast %add3A_1104 : i32 to index
        %get3A_1108 = arith.constant 96 : index
        %get3A_1109 = tpu.vector_load %arg6[%get3A_1106, %get3A_1107, %get3A_1108] {strides = array<i32>} : memref<2x256x128xf32, #tpu.memory_space<vmem>>, vector<1x1x16xf32>,
        %get3A_1110 = vector.shape_cast %get3A_1109 : vector<1x1x16xf32> to vector<16xf32>
        %mul3A_1111 = arith.mulf %get3A_868, %get3A_1110 : vector<16xf32>
        %gt3A_1112 = arith.cmpf ogt, %mul3A_1111, %max3A_1099 : vector<16xf32>
        %min3A_1113 = arith.minimumf %max3A_1099, %mul3A_1111 : vector<16xf32>
        %max3A_1114 = arith.maximumf %max3A_1098, %min3A_1113 : vector<16xf32>
        %max3A_1115 = arith.maximumf %max3A_1099, %mul3A_1111 : vector<16xf32>
        %select_n3A_1116 = arith.select %gt3A_1112, %broadcast_in_dim3A_32, %select_n3A_1100 : vector<16xi1>, vector<16xi32>
        %add3A_1117 = arith.constant 32 : i32
        %add3A_1118 = arith.addi %add3A_1117, %scan3A_987 : i32
        %broadcast_in_dim3A_1119 = vector.broadcast %add3A_1118 : i32 to vector<16xi32>
        %ne3A_1120 = arith.cmpf one, %max3A_1115, %scan3A_988 : vector<16xf32>
        %select_n3A_1121 = arith.select %ne3A_1120, %broadcast_in_dim3A_1119, %scan3A_990 : vector<16xi1>, vector<16xi32>
        scf.yield %max3A_1115, %max3A_1114, %select_n3A_1121, %select_n3A_1116 : vector<16xf32>, vector<16xf32>, vector<16xi32>, vector<16xi32>
      }
      %scan3A_902 = arith.constant 32 : i32
      %swap3A_903 = arith.constant 0 : i32
      %swap3A_904 = arith.index_cast %scan3A_38 : i32 to index
      %swap3A_905 = arith.index_cast %swap3A_903 : i32 to index
      %swap3A_906 = arith.constant 96 : index
      %swap3A_907 = tpu.vector_load %arg10[%swap3A_904, %swap3A_905, %swap3A_906] {strides = array<i32>} : memref<12x2x128xf32, #tpu.memory_space<vmem>>, vector<1x1x16xf32>,
      %swap3A_908 = vector.shape_cast %swap3A_907 : vector<1x1x16xf32> to vector<16xf32>
      %swap3A_909 = vector.shape_cast %scan3A_901#0 : vector<16xf32> to vector<1x1x16xf32>
      tpu.vector_store %arg10[%swap3A_904, %swap3A_905, %swap3A_906], %swap3A_909 {strides = array<i32>} : memref<12x2x128xf32, #tpu.memory_space<vmem>>, vector<1x1x16xf32>,
      %swap3A_910 = arith.constant 1 : i32
      %swap3A_911 = arith.index_cast %scan3A_38 : i32 to index
      %swap3A_912 = arith.index_cast %swap3A_910 : i32 to index
      %swap3A_913 = arith.constant 96 : index
      %swap3A_914 = tpu.vector_load %arg10[%swap3A_911, %swap3A_912, %swap3A_913] {strides = array<i32>} : memref<12x2x128xf32, #tpu.memory_space<vmem>>, vector<1x1x16xf32>,
      %swap3A_915 = vector.shape_cast %swap3A_914 : vector<1x1x16xf32> to vector<16xf32>
      %swap3A_916 = vector.shape_cast %scan3A_901#1 : vector<16xf32> to vector<1x1x16xf32>
      tpu.vector_store %arg10[%swap3A_911, %swap3A_912, %swap3A_913], %swap3A_916 {strides = array<i32>} : memref<12x2x128xf32, #tpu.memory_space<vmem>>, vector<1x1x16xf32>,
      %mul3A_917 = arith.constant 8 : i32
      %mul3A_918 = vector.broadcast %mul3A_917 : i32 to vector<16xi32>
      %mul3A_919 = arith.muli %scan3A_901#2, %mul3A_918 : vector<16xi32>
      %add3A_920 = arith.addi %mul3A_919, %scan3A_901#3 : vector<16xi32>
      %swap3A_921 = arith.index_cast %scan3A_38 : i32 to index
      %swap3A_922 = arith.constant 96 : index
      %swap3A_923 = tpu.vector_load %arg11[%swap3A_921, %swap3A_922] {strides = array<i32>} : memref<12x128xi32, #tpu.memory_space<vmem>>, vector<1x16xi32>,
      %swap3A_924 = vector.shape_cast %swap3A_923 : vector<1x16xi32> to vector<16xi32>
      %swap3A_925 = vector.shape_cast %add3A_920 : vector<16xi32> to vector<1x16xi32>
      tpu.vector_store %arg11[%swap3A_921, %swap3A_922], %swap3A_925 {strides = array<i32>} : memref<12x128xi32, #tpu.memory_space<vmem>>, vector<1x16xi32>,
      %get3A_926 = arith.index_cast %select_n3A : i32 to index
      %get3A_927 = arith.constant 112 : index
      %get3A_928 = tpu.vector_load %arg7[%get3A_926, %get3A_927] {strides = array<i32>} : memref<4x128xf32, #tpu.memory_space<vmem>>, vector<1x16xf32>,
      %get3A_929 = vector.shape_cast %get3A_928 : vector<1x16xf32> to vector<16xf32>
      %get3A_930 = arith.constant 0 : i32
      %get3A_931 = arith.constant 7 : i32
      %get3A_932 = arith.index_cast %get3A_930 : i32 to index
      %get3A_933 = arith.index_cast %get3A_931 : i32 to index
      %get3A_934 = arith.constant 0 : index
      %get3A_935 = tpu.vector_load %arg8[%get3A_932, %get3A_933, %get3A_934] {strides = array<i32>} : memref<2x8x16xf32, #tpu.memory_space<vmem>>, vector<1x1x16xf32>,
      %get3A_936 = vector.shape_cast %get3A_935 : vector<1x1x16xf32> to vector<16xf32>
      %get3A_937 = arith.constant 1 : i32
      %get3A_938 = arith.constant 7 : i32
      %get3A_939 = arith.index_cast %get3A_937 : i32 to index
      %get3A_940 = arith.index_cast %get3A_938 : i32 to index
      %get3A_941 = arith.constant 0 : index
      %get3A_942 = tpu.vector_load %arg8[%get3A_939, %get3A_940, %get3A_941] {strides = array<i32>} : memref<2x8x16xf32, #tpu.memory_space<vmem>>, vector<1x1x16xf32>,
      %get3A_943 = vector.shape_cast %get3A_942 : vector<1x1x16xf32> to vector<16xf32>
      %get3A_944 = arith.constant 0 : i32
      %get3A_945 = arith.constant 7 : i32
      %get3A_946 = arith.index_cast %get3A_944 : i32 to index
      %get3A_947 = arith.index_cast %get3A_945 : i32 to index
      %get3A_948 = arith.constant 0 : index
      %get3A_949 = tpu.vector_load %arg9[%get3A_946, %get3A_947, %get3A_948] {strides = array<i32>} : memref<2x8x16xi32, #tpu.memory_space<vmem>>, vector<1x1x16xi32>,
      %get3A_950 = vector.shape_cast %get3A_949 : vector<1x1x16xi32> to vector<16xi32>
      %get3A_951 = arith.constant 1 : i32
      %get3A_952 = arith.constant 7 : i32
      %get3A_953 = arith.index_cast %get3A_951 : i32 to index
      %get3A_954 = arith.index_cast %get3A_952 : i32 to index
      %get3A_955 = arith.constant 0 : index
      %get3A_956 = tpu.vector_load %arg9[%get3A_953, %get3A_954, %get3A_955] {strides = array<i32>} : memref<2x8x16xi32, #tpu.memory_space<vmem>>, vector<1x1x16xi32>,
      %get3A_957 = vector.shape_cast %get3A_956 : vector<1x1x16xi32> to vector<16xi32>
      %scan3A_958 = arith.constant 0 : i32
      %scan3A_959 = arith.constant 32 : i32
      %scan3A_960 = arith.addi %scan3A_958, %scan3A_959 : i32
      %scan3A_961 = arith.constant 1 : i32
      %scan3A_962:4 = scf.for %scan3A_987 = %scan3A_958 to %scan3A_960 step %scan3A_961 iter_args(%scan3A_988 = %get3A_936, %scan3A_989 = %get3A_943, %scan3A_990 = %get3A_950, %scan3A_991 = %get3A_957) -> (vector<16xf32>, vector<16xf32>, vector<16xi32>, vector<16xi32>)  : i32 {
        %mul3A_992 = arith.constant 8 : i32
        %mul3A_993 = arith.muli %scan3A_987, %mul3A_992 : i32
        %add3A_994 = arith.constant 0 : i32
        %add3A_995 = arith.addi %mul3A_993, %add3A_994 : i32
        %get3A_996 = arith.constant 1 : i32
        %get3A_997 = arith.index_cast %get3A_996 : i32 to index
        %get3A_998 = arith.index_cast %add3A_995 : i32 to index
        %get3A_999 = arith.constant 112 : index
        %get3A_1000 = tpu.vector_load %arg6[%get3A_997, %get3A_998, %get3A_999] {strides = array<i32>} : memref<2x256x128xf32, #tpu.memory_space<vmem>>, vector<1x1x16xf32>,
        %get3A_1001 = vector.shape_cast %get3A_1000 : vector<1x1x16xf32> to vector<16xf32>
        %mul3A_1002 = arith.mulf %get3A_929, %get3A_1001 : vector<16xf32>
        %gt3A = arith.cmpf ogt, %mul3A_1002, %scan3A_988 : vector<16xf32>
        %min3A = arith.minimumf %scan3A_988, %mul3A_1002 : vector<16xf32>
        %max3A = arith.maximumf %scan3A_989, %min3A : vector<16xf32>
        %max3A_1003 = arith.maximumf %scan3A_988, %mul3A_1002 : vector<16xf32>
        %select_n3A_1004 = arith.select %gt3A, %broadcast_in_dim3A_18, %scan3A_991 : vector<16xi1>, vector<16xi32>
        %mul3A_1005 = arith.constant 8 : i32
        %mul3A_1006 = arith.muli %scan3A_987, %mul3A_1005 : i32
        %add3A_1007 = arith.constant 1 : i32
        %add3A_1008 = arith.addi %mul3A_1006, %add3A_1007 : i32
        %get3A_1009 = arith.constant 1 : i32
        %get3A_1010 = arith.index_cast %get3A_1009 : i32 to index
        %get3A_1011 = arith.index_cast %add3A_1008 : i32 to index
        %get3A_1012 = arith.constant 112 : index
        %get3A_1013 = tpu.vector_load %arg6[%get3A_1010, %get3A_1011, %get3A_1012] {strides = array<i32>} : memref<2x256x128xf32, #tpu.memory_space<vmem>>, vector<1x1x16xf32>,
        %get3A_1014 = vector.shape_cast %get3A_1013 : vector<1x1x16xf32> to vector<16xf32>
        %mul3A_1015 = arith.mulf %get3A_929, %get3A_1014 : vector<16xf32>
        %gt3A_1016 = arith.cmpf ogt, %mul3A_1015, %max3A_1003 : vector<16xf32>
        %min3A_1017 = arith.minimumf %max3A_1003, %mul3A_1015 : vector<16xf32>
        %max3A_1018 = arith.maximumf %max3A, %min3A_1017 : vector<16xf32>
        %max3A_1019 = arith.maximumf %max3A_1003, %mul3A_1015 : vector<16xf32>
        %select_n3A_1020 = arith.select %gt3A_1016, %broadcast_in_dim3A_20, %select_n3A_1004 : vector<16xi1>, vector<16xi32>
        %mul3A_1021 = arith.constant 8 : i32
        %mul3A_1022 = arith.muli %scan3A_987, %mul3A_1021 : i32
        %add3A_1023 = arith.constant 2 : i32
        %add3A_1024 = arith.addi %mul3A_1022, %add3A_1023 : i32
        %get3A_1025 = arith.constant 1 : i32
        %get3A_1026 = arith.index_cast %get3A_1025 : i32 to index
        %get3A_1027 = arith.index_cast %add3A_1024 : i32 to index
        %get3A_1028 = arith.constant 112 : index
        %get3A_1029 = tpu.vector_load %arg6[%get3A_1026, %get3A_1027, %get3A_1028] {strides = array<i32>} : memref<2x256x128xf32, #tpu.memory_space<vmem>>, vector<1x1x16xf32>,
        %get3A_1030 = vector.shape_cast %get3A_1029 : vector<1x1x16xf32> to vector<16xf32>
        %mul3A_1031 = arith.mulf %get3A_929, %get3A_1030 : vector<16xf32>
        %gt3A_1032 = arith.cmpf ogt, %mul3A_1031, %max3A_1019 : vector<16xf32>
        %min3A_1033 = arith.minimumf %max3A_1019, %mul3A_1031 : vector<16xf32>
        %max3A_1034 = arith.maximumf %max3A_1018, %min3A_1033 : vector<16xf32>
        %max3A_1035 = arith.maximumf %max3A_1019, %mul3A_1031 : vector<16xf32>
        %select_n3A_1036 = arith.select %gt3A_1032, %broadcast_in_dim3A_22, %select_n3A_1020 : vector<16xi1>, vector<16xi32>
        %mul3A_1037 = arith.constant 8 : i32
        %mul3A_1038 = arith.muli %scan3A_987, %mul3A_1037 : i32
        %add3A_1039 = arith.constant 3 : i32
        %add3A_1040 = arith.addi %mul3A_1038, %add3A_1039 : i32
        %get3A_1041 = arith.constant 1 : i32
        %get3A_1042 = arith.index_cast %get3A_1041 : i32 to index
        %get3A_1043 = arith.index_cast %add3A_1040 : i32 to index
        %get3A_1044 = arith.constant 112 : index
        %get3A_1045 = tpu.vector_load %arg6[%get3A_1042, %get3A_1043, %get3A_1044] {strides = array<i32>} : memref<2x256x128xf32, #tpu.memory_space<vmem>>, vector<1x1x16xf32>,
        %get3A_1046 = vector.shape_cast %get3A_1045 : vector<1x1x16xf32> to vector<16xf32>
        %mul3A_1047 = arith.mulf %get3A_929, %get3A_1046 : vector<16xf32>
        %gt3A_1048 = arith.cmpf ogt, %mul3A_1047, %max3A_1035 : vector<16xf32>
        %min3A_1049 = arith.minimumf %max3A_1035, %mul3A_1047 : vector<16xf32>
        %max3A_1050 = arith.maximumf %max3A_1034, %min3A_1049 : vector<16xf32>
        %max3A_1051 = arith.maximumf %max3A_1035, %mul3A_1047 : vector<16xf32>
        %select_n3A_1052 = arith.select %gt3A_1048, %broadcast_in_dim3A_24, %select_n3A_1036 : vector<16xi1>, vector<16xi32>
        %mul3A_1053 = arith.constant 8 : i32
        %mul3A_1054 = arith.muli %scan3A_987, %mul3A_1053 : i32
        %add3A_1055 = arith.constant 4 : i32
        %add3A_1056 = arith.addi %mul3A_1054, %add3A_1055 : i32
        %get3A_1057 = arith.constant 1 : i32
        %get3A_1058 = arith.index_cast %get3A_1057 : i32 to index
        %get3A_1059 = arith.index_cast %add3A_1056 : i32 to index
        %get3A_1060 = arith.constant 112 : index
        %get3A_1061 = tpu.vector_load %arg6[%get3A_1058, %get3A_1059, %get3A_1060] {strides = array<i32>} : memref<2x256x128xf32, #tpu.memory_space<vmem>>, vector<1x1x16xf32>,
        %get3A_1062 = vector.shape_cast %get3A_1061 : vector<1x1x16xf32> to vector<16xf32>
        %mul3A_1063 = arith.mulf %get3A_929, %get3A_1062 : vector<16xf32>
        %gt3A_1064 = arith.cmpf ogt, %mul3A_1063, %max3A_1051 : vector<16xf32>
        %min3A_1065 = arith.minimumf %max3A_1051, %mul3A_1063 : vector<16xf32>
        %max3A_1066 = arith.maximumf %max3A_1050, %min3A_1065 : vector<16xf32>
        %max3A_1067 = arith.maximumf %max3A_1051, %mul3A_1063 : vector<16xf32>
        %select_n3A_1068 = arith.select %gt3A_1064, %broadcast_in_dim3A_26, %select_n3A_1052 : vector<16xi1>, vector<16xi32>
        %mul3A_1069 = arith.constant 8 : i32
        %mul3A_1070 = arith.muli %scan3A_987, %mul3A_1069 : i32
        %add3A_1071 = arith.constant 5 : i32
        %add3A_1072 = arith.addi %mul3A_1070, %add3A_1071 : i32
        %get3A_1073 = arith.constant 1 : i32
        %get3A_1074 = arith.index_cast %get3A_1073 : i32 to index
        %get3A_1075 = arith.index_cast %add3A_1072 : i32 to index
        %get3A_1076 = arith.constant 112 : index
        %get3A_1077 = tpu.vector_load %arg6[%get3A_1074, %get3A_1075, %get3A_1076] {strides = array<i32>} : memref<2x256x128xf32, #tpu.memory_space<vmem>>, vector<1x1x16xf32>,
        %get3A_1078 = vector.shape_cast %get3A_1077 : vector<1x1x16xf32> to vector<16xf32>
        %mul3A_1079 = arith.mulf %get3A_929, %get3A_1078 : vector<16xf32>
        %gt3A_1080 = arith.cmpf ogt, %mul3A_1079, %max3A_1067 : vector<16xf32>
        %min3A_1081 = arith.minimumf %max3A_1067, %mul3A_1079 : vector<16xf32>
        %max3A_1082 = arith.maximumf %max3A_1066, %min3A_1081 : vector<16xf32>
        %max3A_1083 = arith.maximumf %max3A_1067, %mul3A_1079 : vector<16xf32>
        %select_n3A_1084 = arith.select %gt3A_1080, %broadcast_in_dim3A_28, %select_n3A_1068 : vector<16xi1>, vector<16xi32>
        %mul3A_1085 = arith.constant 8 : i32
        %mul3A_1086 = arith.muli %scan3A_987, %mul3A_1085 : i32
        %add3A_1087 = arith.constant 6 : i32
        %add3A_1088 = arith.addi %mul3A_1086, %add3A_1087 : i32
        %get3A_1089 = arith.constant 1 : i32
        %get3A_1090 = arith.index_cast %get3A_1089 : i32 to index
        %get3A_1091 = arith.index_cast %add3A_1088 : i32 to index
        %get3A_1092 = arith.constant 112 : index
        %get3A_1093 = tpu.vector_load %arg6[%get3A_1090, %get3A_1091, %get3A_1092] {strides = array<i32>} : memref<2x256x128xf32, #tpu.memory_space<vmem>>, vector<1x1x16xf32>,
        %get3A_1094 = vector.shape_cast %get3A_1093 : vector<1x1x16xf32> to vector<16xf32>
        %mul3A_1095 = arith.mulf %get3A_929, %get3A_1094 : vector<16xf32>
        %gt3A_1096 = arith.cmpf ogt, %mul3A_1095, %max3A_1083 : vector<16xf32>
        %min3A_1097 = arith.minimumf %max3A_1083, %mul3A_1095 : vector<16xf32>
        %max3A_1098 = arith.maximumf %max3A_1082, %min3A_1097 : vector<16xf32>
        %max3A_1099 = arith.maximumf %max3A_1083, %mul3A_1095 : vector<16xf32>
        %select_n3A_1100 = arith.select %gt3A_1096, %broadcast_in_dim3A_30, %select_n3A_1084 : vector<16xi1>, vector<16xi32>
        %mul3A_1101 = arith.constant 8 : i32
        %mul3A_1102 = arith.muli %scan3A_987, %mul3A_1101 : i32
        %add3A_1103 = arith.constant 7 : i32
        %add3A_1104 = arith.addi %mul3A_1102, %add3A_1103 : i32
        %get3A_1105 = arith.constant 1 : i32
        %get3A_1106 = arith.index_cast %get3A_1105 : i32 to index
        %get3A_1107 = arith.index_cast %add3A_1104 : i32 to index
        %get3A_1108 = arith.constant 112 : index
        %get3A_1109 = tpu.vector_load %arg6[%get3A_1106, %get3A_1107, %get3A_1108] {strides = array<i32>} : memref<2x256x128xf32, #tpu.memory_space<vmem>>, vector<1x1x16xf32>,
        %get3A_1110 = vector.shape_cast %get3A_1109 : vector<1x1x16xf32> to vector<16xf32>
        %mul3A_1111 = arith.mulf %get3A_929, %get3A_1110 : vector<16xf32>
        %gt3A_1112 = arith.cmpf ogt, %mul3A_1111, %max3A_1099 : vector<16xf32>
        %min3A_1113 = arith.minimumf %max3A_1099, %mul3A_1111 : vector<16xf32>
        %max3A_1114 = arith.maximumf %max3A_1098, %min3A_1113 : vector<16xf32>
        %max3A_1115 = arith.maximumf %max3A_1099, %mul3A_1111 : vector<16xf32>
        %select_n3A_1116 = arith.select %gt3A_1112, %broadcast_in_dim3A_32, %select_n3A_1100 : vector<16xi1>, vector<16xi32>
        %add3A_1117 = arith.constant 32 : i32
        %add3A_1118 = arith.addi %add3A_1117, %scan3A_987 : i32
        %broadcast_in_dim3A_1119 = vector.broadcast %add3A_1118 : i32 to vector<16xi32>
        %ne3A_1120 = arith.cmpf one, %max3A_1115, %scan3A_988 : vector<16xf32>
        %select_n3A_1121 = arith.select %ne3A_1120, %broadcast_in_dim3A_1119, %scan3A_990 : vector<16xi1>, vector<16xi32>
        scf.yield %max3A_1115, %max3A_1114, %select_n3A_1121, %select_n3A_1116 : vector<16xf32>, vector<16xf32>, vector<16xi32>, vector<16xi32>
      }
      %scan3A_963 = arith.constant 32 : i32
      %swap3A_964 = arith.constant 0 : i32
      %swap3A_965 = arith.index_cast %scan3A_38 : i32 to index
      %swap3A_966 = arith.index_cast %swap3A_964 : i32 to index
      %swap3A_967 = arith.constant 112 : index
      %swap3A_968 = tpu.vector_load %arg10[%swap3A_965, %swap3A_966, %swap3A_967] {strides = array<i32>} : memref<12x2x128xf32, #tpu.memory_space<vmem>>, vector<1x1x16xf32>,
      %swap3A_969 = vector.shape_cast %swap3A_968 : vector<1x1x16xf32> to vector<16xf32>
      %swap3A_970 = vector.shape_cast %scan3A_962#0 : vector<16xf32> to vector<1x1x16xf32>
      tpu.vector_store %arg10[%swap3A_965, %swap3A_966, %swap3A_967], %swap3A_970 {strides = array<i32>} : memref<12x2x128xf32, #tpu.memory_space<vmem>>, vector<1x1x16xf32>,
      %swap3A_971 = arith.constant 1 : i32
      %swap3A_972 = arith.index_cast %scan3A_38 : i32 to index
      %swap3A_973 = arith.index_cast %swap3A_971 : i32 to index
      %swap3A_974 = arith.constant 112 : index
      %swap3A_975 = tpu.vector_load %arg10[%swap3A_972, %swap3A_973, %swap3A_974] {strides = array<i32>} : memref<12x2x128xf32, #tpu.memory_space<vmem>>, vector<1x1x16xf32>,
      %swap3A_976 = vector.shape_cast %swap3A_975 : vector<1x1x16xf32> to vector<16xf32>
      %swap3A_977 = vector.shape_cast %scan3A_962#1 : vector<16xf32> to vector<1x1x16xf32>
      tpu.vector_store %arg10[%swap3A_972, %swap3A_973, %swap3A_974], %swap3A_977 {strides = array<i32>} : memref<12x2x128xf32, #tpu.memory_space<vmem>>, vector<1x1x16xf32>,
      %mul3A_978 = arith.constant 8 : i32
      %mul3A_979 = vector.broadcast %mul3A_978 : i32 to vector<16xi32>
      %mul3A_980 = arith.muli %scan3A_962#2, %mul3A_979 : vector<16xi32>
      %add3A_981 = arith.addi %mul3A_980, %scan3A_962#3 : vector<16xi32>
      %swap3A_982 = arith.index_cast %scan3A_38 : i32 to index
      %swap3A_983 = arith.constant 112 : index
      %swap3A_984 = tpu.vector_load %arg11[%swap3A_982, %swap3A_983] {strides = array<i32>} : memref<12x128xi32, #tpu.memory_space<vmem>>, vector<1x16xi32>,
      %swap3A_985 = vector.shape_cast %swap3A_984 : vector<1x16xi32> to vector<16xi32>
      %swap3A_986 = vector.shape_cast %add3A_981 : vector<16xi32> to vector<1x16xi32>
      tpu.vector_store %arg11[%swap3A_982, %swap3A_983], %swap3A_986 {strides = array<i32>} : memref<12x128xi32, #tpu.memory_space<vmem>>, vector<1x16xi32>,
    }
    %scan3A_37 = arith.constant 12 : i32
    "tpu.region"() ({
      %run_scoped3A = tpu.sem_alloc : memref<!tpu.dma_semaphore, #tpu.memory_space<semaphore_mem>>
      %dma_start3A_38 = arith.constant 0 : i32
      %dma_start3A_39 = arith.constant 0 : i32
      %dma_start3A_40 = tpu.memref_slice %arg4[%dma_start3A_38, %dma_start3A_39, %mul3A_2] : memref<12x2x4096xf32, #tpu.memory_space<hbm>> -> memref<12x2x128xf32, #tpu.memory_space<hbm>>
      %dma_start3A_41 = arith.constant 0 : i32
      %dma_start3A_42 = arith.constant 0 : i32
      %dma_start3A_43 = tpu.memref_slice %arg4[%dma_start3A_41, %dma_start3A_42, %mul3A_2] : memref<12x2x4096xf32, #tpu.memory_space<hbm>> -> memref<12x2x128xf32, #tpu.memory_space<hbm>>
      tpu.enqueue_dma source(%arg10 : memref<12x2x128xf32, #tpu.memory_space<vmem>>) target(%dma_start3A_43 : memref<12x2x128xf32, #tpu.memory_space<hbm>>) target_semaphore(%run_scoped3A : memref<!tpu.dma_semaphore, #tpu.memory_space<semaphore_mem>>)
      %dma_wait3A = arith.constant 0 : i32
      %dma_wait3A_44 = arith.constant 0 : i32
      %dma_wait3A_45 = tpu.memref_slice %arg4[%dma_wait3A, %dma_wait3A_44, %mul3A_2] : memref<12x2x4096xf32, #tpu.memory_space<hbm>> -> memref<12x2x128xf32, #tpu.memory_space<hbm>>
      %dma_wait3A_46 = arith.constant 0 : i32
      %dma_wait3A_47 = arith.constant 0 : i32
      %dma_wait3A_48 = tpu.memref_slice %arg4[%dma_wait3A_46, %dma_wait3A_47, %mul3A_2] : memref<12x2x4096xf32, #tpu.memory_space<hbm>> -> memref<12x2x128xf32, #tpu.memory_space<hbm>>
      tpu.wait_dma2 semaphore(%run_scoped3A : memref<!tpu.dma_semaphore, #tpu.memory_space<semaphore_mem>>) src(%arg10 : memref<12x2x128xf32, #tpu.memory_space<vmem>>) dst(%dma_wait3A_48 : memref<12x2x128xf32, #tpu.memory_space<hbm>>)
      tpu.yield
    }) : () -> ()
    "tpu.region"() ({
      %run_scoped3A = tpu.sem_alloc : memref<!tpu.dma_semaphore, #tpu.memory_space<semaphore_mem>>
      %dma_start3A_38 = arith.constant 0 : i32
      %dma_start3A_39 = tpu.memref_slice %arg5[%dma_start3A_38, %mul3A_2] : memref<12x4096xi32, #tpu.memory_space<hbm>> -> memref<12x128xi32, #tpu.memory_space<hbm>>
      %dma_start3A_40 = arith.constant 0 : i32
      %dma_start3A_41 = tpu.memref_slice %arg5[%dma_start3A_40, %mul3A_2] : memref<12x4096xi32, #tpu.memory_space<hbm>> -> memref<12x128xi32, #tpu.memory_space<hbm>>
      tpu.enqueue_dma source(%arg11 : memref<12x128xi32, #tpu.memory_space<vmem>>) target(%dma_start3A_41 : memref<12x128xi32, #tpu.memory_space<hbm>>) target_semaphore(%run_scoped3A : memref<!tpu.dma_semaphore, #tpu.memory_space<semaphore_mem>>)
      %dma_wait3A = arith.constant 0 : i32
      %dma_wait3A_42 = tpu.memref_slice %arg5[%dma_wait3A, %mul3A_2] : memref<12x4096xi32, #tpu.memory_space<hbm>> -> memref<12x128xi32, #tpu.memory_space<hbm>>
      %dma_wait3A_43 = arith.constant 0 : i32
      %dma_wait3A_44 = tpu.memref_slice %arg5[%dma_wait3A_43, %mul3A_2] : memref<12x4096xi32, #tpu.memory_space<hbm>> -> memref<12x128xi32, #tpu.memory_space<hbm>>
      tpu.wait_dma2 semaphore(%run_scoped3A : memref<!tpu.dma_semaphore, #tpu.memory_space<semaphore_mem>>) src(%arg11 : memref<12x128xi32, #tpu.memory_space<vmem>>) dst(%dma_wait3A_44 : memref<12x128xi32, #tpu.memory_space<hbm>>)
      tpu.yield
    }) : () -> ()
    return
  }
}

</mosaic_0001>

<sc_bundles>
// kernel: kernel.3.cloned.1.call-start
scs
__scs_entry_jumppad:
0x0: {  	(pc) =	sbr.rel $0x88, $3  }
0x1: {  	(tag) =	ssettag $0x0;
	lr =	simm.s32 $0x1  }
0x2: {  	[smem:$0x3F9F] =	sst lr;
	_ =	strace $0xD0000000  }
0x3: {  	_ = 	snop  }
0x4: {  	_ = 	snop  }
0x5: {  	_ = 	snop  }
0x6: {  	_ = 	snop  }
0x7: {  	_ = 	snop  }
__scs_overlays_trampoline_lowered:
0x8: {  	[smem:$0x3FAE] =	sst s0  }
0x9: {  	[smem:$0x3FAF] =	sst s1  }
0xa: {  	[smem:$0x3FB0] =	sst s2  }
0xb: {  	[smem:$0x3FB1] =	sst s3  }
0xc: {  	[smem:$0x3FB2] =	sst s4  }
0xd: {  	[smem:$0x3FB3] =	sst s5  }
0xe: {  	[smem:$0x3FB4] =	sst s6  }
0xf: {  	[smem:$0x3FB5] =	sst s7  }
0x10: {  	[smem:$0x3FB6] =	sst s8  }
0x11: {  	[smem:$0x3FB7] =	sst s9;
	s0 =	simm.s32 @!p0 $0x0  }
0x12: {  	s1 =	sld [smem:$0x3F9D];
	s0 =	simm.s32 @p0 $0x1  }
0x13: {  	[smem:$0x3FB8] =	sst s0;
	s0 =	simm.s32 @!p1 $0x0  }
0x14: {  	s2 =	sld [smem:$0x3F9C];
	s0 =	simm.s32 @p1 $0x1  }
0x15: {  	[smem:$0x3FB9] =	sst s0;
	s0 =	simm.s32 @!p2 $0x0  }
0x16: {  	s3 =	sld [smem:$0x3FDB];
	s0 =	simm.s32 @p2 $0x1  }
0x17: {  	s4 =	simm.s32 $0x1BF5;
	[smem:$0x3FBB] =	sst s0  }
0x18: {  	s0 =	sld [smem:$0x3F9E];
	_ =	swait.ge [sflag:s4], $0x0  }
0x19: {  	s7 =	sld [smem:$0x3F9F]  }
0x1a: {  	s8 =	sadd.s32 $0xFFFFE003, lr  }
0x1b: {  	s9 =	sadd.s32 $0xFFFFFEF7, lr;
	s5 =	simm.s32 $0xFFFFFFFF;
	p2 =	slt.u32 s8, $0xFFFFF086  }
0x1c: {  	p1 =	slt.u32 s9, $0xF7A;
	s5 =	simm.s32 @!p2 $0x0  }
0x1d: {  	s5 =	simm.s32 @p1 $0x1;
	p0 =	seq.s32 s7, s2  }
0x1e: {  	s7 =	smul.u32 @!p0 $0xF7A, s2;
	p2 =	seq.s32 @!p0 s5, $0x0  }
0x1f: {  	s9 =	smul.u32 $0xF7A, s1;
	s8 =	simm.s32 @!p0 $0x1BF5;
	p2 =	por !p2, p0  }
0x20: {  	[sflag:s8] =	ssyncset.s32 @!p0 $0xFFFFF086;
	s6 =	sadd.s32 @!p0 s3, s7;
	s7 =	simm.s32 @!p0 $0x108  }
0x21: {  	s3 =	sadd.s32 s3, s9;
	s6 =	sadd.s32 @!p0 $0x88, s6;
	s7 =	simm.s32 @p2 $0x1082  }
0x22: {  	[simem:s7], [sflag:s8] =	dma.local @!p0 [hbm:s6], $0xF7A  }
0x23: {  	s9 =	sor.u32 $0xD0000000, s2;
	s6 =	simm.s32 $0x108;
	_ =	swait.ge @!p0 [sflag:s8], $0x0  }
0x24: {  	s3 =	sadd.s32 $0x88, s3;
	s6 =	simm.s32 @!p1 $0x1082;
	[sflag:s4] =	ssyncset.s32 $0xFFFFF086  }
0x25: {  	[simem:s6], [sflag:s4] =	dma.local [hbm:s3], $0xF7A  }
0x26: {  	[smem:$0x3F9F] =	sst s1;
	(tag) =	ssettag s2;
	_ =	strace s9  }
0x27: {  	s1 =	sld [smem:$0x3FAF]  }
0x28: {  	s2 =	sld [smem:$0x3FB0]  }
0x29: {  	s4 =	sld [smem:$0x3FB2]  }
0x2a: {  	p0 =	seq.s32 s5, $0x0;
	s5 =	sld [smem:$0x3FB3]  }
0x2b: {  	s6 =	sld [smem:$0x3FB4]  }
0x2c: {  	s7 =	sld [smem:$0x3FB5]  }
0x2d: {  	s3 =	simm.s32 $0x108;
	s8 =	sld [smem:$0x3FB6]  }
0x2e: {  	s3 =	simm.s32 @!p0 $0x1082;
	s9 =	sld [smem:$0x3FB7]  }
0x2f: {  	lr =	sadd.s32 s0, s3;
	s0 =	sld [smem:$0x3FAE]  }
0x30: {  	s3 =	sld [smem:$0x3FB1]  }
0x31: {  	[smem:$0x3FBA] =	sst s10  }
0x32: {  	s10 =	sld [smem:$0x3FB8];
	_ =	sdelay $0x3  }
0x33: {  	p0 =	seq.s32 s10, $0x1;
	s10 =	sld [smem:$0x3FBA];
	_ =	sdelay $0x3  }
0x34: {  	[smem:$0x3FBA] =	sst s10  }
0x35: {  	s10 =	sld [smem:$0x3FB9];
	_ =	sdelay $0x3  }
0x36: {  	p1 =	seq.s32 s10, $0x1;
	s10 =	sld [smem:$0x3FBA];
	_ =	sdelay $0x3  }
0x37: {  	[smem:$0x3FBA] =	sst s10  }
0x38: {  	s10 =	sld [smem:$0x3FBB]  }
0x39: {  	_ = 	snop;
	(pc) =	sbr.ind lr, $3  }
0x3a: {  	_ = 	snop  }
0x3b: {  	_ = 	snop  }
0x3c: {  	p2 =	seq.s32 s10, $0x1;
	s10 =	sld [smem:$0x3FBA]  }
0x3d: {  	_ =	shalt  }
0x3e: {  	_ =	shalt  }
0x3f: {  	_ =	shalt  }
0x40: {  	_ =	shalt  }
0x41: {  	_ =	shalt  }
0x42: {  	_ =	shalt  }
0x43: {  	_ =	shalt  }
0x44: {  	_ =	shalt  }
0x45: {  	_ =	shalt  }
0x46: {  	_ =	shalt  }
0x47: {  	_ =	shalt  }
0x48: {  	_ =	shalt  }
0x49: {  	_ =	shalt  }
0x4a: {  	_ =	shalt  }
0x4b: {  	_ =	shalt  }
0x4c: {  	_ =	shalt  }
0x4d: {  	_ =	shalt  }
0x4e: {  	_ =	shalt  }
0x4f: {  	_ =	shalt  }
0x50: {  	_ =	shalt  }
0x51: {  	_ =	shalt  }
0x52: {  	_ =	shalt  }
0x53: {  	_ =	shalt  }
0x54: {  	_ =	shalt  }
0x55: {  	_ =	shalt  }
0x56: {  	_ =	shalt  }
0x57: {  	_ =	shalt  }
0x58: {  	_ =	shalt  }
0x59: {  	_ =	shalt  }
0x5a: {  	_ =	shalt  }
0x5b: {  	_ =	shalt  }
0x5c: {  	_ =	shalt  }
0x5d: {  	_ =	shalt  }
0x5e: {  	_ =	shalt  }
0x5f: {  	_ =	shalt  }
0x60: {  	_ =	shalt  }
0x61: {  	_ =	shalt  }
0x62: {  	_ =	shalt  }
0x63: {  	_ =	shalt  }
0x64: {  	_ =	shalt  }
0x65: {  	_ =	shalt  }
0x66: {  	_ =	shalt  }
0x67: {  	_ =	shalt  }
0x68: {  	_ =	shalt  }
0x69: {  	_ =	shalt  }
0x6a: {  	_ =	shalt  }
0x6b: {  	_ =	shalt  }
0x6c: {  	_ =	shalt  }
0x6d: {  	_ =	shalt  }
0x6e: {  	_ =	shalt  }
0x6f: {  	_ =	shalt  }
0x70: {  	_ =	shalt  }
0x71: {  	_ =	shalt  }
0x72: {  	_ =	shalt  }
0x73: {  	_ =	shalt  }
0x74: {  	_ =	shalt  }
0x75: {  	_ =	shalt  }
0x76: {  	_ =	shalt  }
0x77: {  	_ =	shalt  }
0x78: {  	_ =	shalt  }
0x79: {  	_ =	shalt  }
0x7a: {  	_ =	shalt  }
0x7b: {  	_ =	shalt  }
0x7c: {  	_ =	shalt  }
0x7d: {  	_ =	shalt  }
0x7e: {  	_ =	shalt  }
0x7f: {  	_ =	shalt  }
0x80: {  	_ =	shalt  }
0x81: {  	_ =	shalt  }
0x82: {  	_ =	shalt  }
0x83: {  	_ =	shalt  }
0x84: {  	_ =	shalt  }
0x85: {  	_ =	shalt  }
0x86: {  	_ =	shalt  }
0x87: {  	_ =	shalt  }
.Lfunc_end0:
.L_simem_size_0:
called_computation_lowered:
.L_overlay_start_0:
0x88: {  	s2 =	sld [smem:$0x3FD9]  }
0x89: {  	s3 =	sld [smem:$0x3FFE];
	_ =	sdelay $0x1  }
0x8a: {  	s1 =	srdreg.scid  }
0x8b: {  	s0 =	sand.u32 $0x1, s1  }
0x8c: {  	s14 =	sshll.u32 s0, $0xA;
	s2 =	sadd.s32 s3, s2  }
0x8d: {  	s2 =	sadd.s32 s2, s14  }
0x8e: {  	[smem:$0x3FC6] =	sst s2  }
0x8f: {  	_ = 	snop  }
0x90: {  	s2 =	sld [smem:$0x3FD0];
	_ =	sdelay $0x1  }
0x91: {  	s15 =	sld [smem:$0x3FC9]  }
0x92: {  	s5 =	simm.s32 $0xA;
	s6 =	simm.s32 $0x10;
	s4 =	sld [smem:$0x3FC8]  }
0x93: {  	[smem:s6], [sflag:s5] =	dma.local [hbm:s2], $0x1  }
0x94: {  	_ =	swait.eq [sflag:s5], $0x1  }
0x95: {  	[sflag:s5] =	ssyncset.done $0x0  }
0x96: {  	[sflag:s5] =	ssyncadd.s32 $0xFFFFFFFF  }
0x97: {  	s16 =	sld [smem:$0x10];
	(tm) =	ssettm $0x1  }
0x98: {  	s17 =	sld [smem:$0x3FFB];
	_ =	sdelay $0x3  }
0x99: {  	_ =	strace s17  }
0x9a: {  	s5 =	sld [smem:$0x3FFC];
	_ =	sdelay $0x3  }
0x9b: {  	_ =	strace s5  }
0x9c: {  	s5 =	sld [smem:$0x3FFD];
	_ =	sdelay $0x3  }
0x9d: {  	_ =	strace s5  }
0x9e: {  	_ =	strace $0x8FFFFFFF  }
0x9f: {  	s18 =	sld [smem:$0x3FDB];
	_ =	sdelay $0x1  }
0xa0: {  	s19 =	simm.s32 $_scs_section_size  }
0xa1: {  	s7 =	simm.s32 $_size__tile_overlayer_lowered;
	s8 =	simm.s32 $_tile_overlayer_lowered  }
0xa2: {  	s22 =	simm.s32 $0x1BFF;
	s21 =	sshll.u32 s8, $0x1;
	s5 =	sadd.s32 s19, s18  }
0xa3: {  	s9 =	simm.s32 $0x0;
	s20 =	sshll.u32 s7, $0x1;
	s7 =	sadd.s32 s21, s5  }
0xa4: {  	[timem:s9], [sflag:s22] =	dma.local [hbm:s7], s20  }
0xa5: {  	_ =	swait.ge [sflag:s22], s20  }
0xa6: {  	s6 =	ssub.s32 $0x0, s20;
	[sflag:s22] =	ssyncset.done $0x0  }
0xa7: {  	[sflag:s22] =	ssyncadd.s32 s6;
	_ =	sdelay $0x1  }
0xa8: {  	s23 =	simm.s32 $0x1B8B  }
0xa9: {  	_ =	swait.ge [sflag:s23], $0x1  }
0xaa: {  	[sflag:s23] =	ssyncset.done $0x0  }
0xab: {  	s25 =	simm.s32 $0x1B8E;
	s24 =	sld [smem:$0x3FFE];
	[sflag:s23] =	ssyncadd.s32 $0xFFFFFFFF  }
0xac: {  	s26 =	simm.s32 $execute0_lowered;
	[smem:$0x3FD2] =	sst s25  }
0xad: {  	s7 =	sshll.u32 s26, $0x1;
	_ =	strace $0x80000046;
	[dreg:$0x1] =	wrdreg $0xFFFFFFFF  }
0xae: {  	s28 =	simm.s32 $_size_execute0_lowered;
	s5 =	sadd.s32 s5, s7;
	[dreg:$0x0] =	wrdreg $0x0  }
0xaf: {  	s7 =	sshll.u32 s28, $0x1;
	[dreg:$0x2] =	wrdreg s5  }
0xb0: {  	[dreg:$0x3] =	wrdreg s7  }
0xb1: {  	[dreg:$0x4] =	wrdreg $0xC0  }
0xb2: {  	_ =	task [dreg:s9], $0x5FFFF  }
0xb3: {  	[dreg:$0x1] =	wrdreg $0xFFFFFFFF  }
0xb4: {  	[dreg:$0x0] =	wrdreg $0x60  }
0xb5: {  	[dreg:$0x2] =	wrdreg s15  }
0xb6: {  	[dreg:$0x3] =	wrdreg s4  }
0xb7: {  	[dreg:$0x4] =	wrdreg s16  }
0xb8: {  	[dreg:$0x5] =	wrdreg s24  }
0xb9: {  	[dreg:$0x6] =	wrdreg $0x9  }
0xba: {  	_ =	task.clear_ibuf [dreg:s9], $0x7FFFF;
	_ =	strace $0x90000046  }
0xbb: {  	s29 =	simm.s32 $0x9;
	_ =	strace $0x80000048  }
0xbc: {  	_ =	swait.ge [sflag:s29], $0x1  }
0xbd: {  	[sflag:s29] =	ssyncadd.s32 $0xFFFFFFFF  }
0xbe: {  	_ =	strace $0x90000048  }
0xbf: {  	_ =	sfence  }
0xc0: {  	s30 =	sld [smem:$0x0];
	_ =	sdelay $0x2  }
0xc1: {  	s31 =	sshll.u32 s1, $0xD;
	s1 =	sshrl.u32 s1, $0x2  }
0xc2: {  	s3 =	sand.u32 $0x4000, s31;
	s1 =	sadd.s32 s1, s30  }
0xc3: {  	s0 =	sor.u32 s3, s0;
	s1 =	sshll.u32 s1, $0x11  }
0xc4: {  	s0 =	sor.u32 s1, s0  }
0xc5: {  	s0 =	sadd.s32 $0x8F2B, s0  }
0xc6: {  	[sflag:s0] =	ssyncadd.remote.s32 $0x1  }
0xc7: {  	_ =	sfence.sel $0xFFFF  }
0xc8: {  	[dreg:$0x0] =	wrdreg $0xFFFFFFFF;
	(pc) =	sbr.abs _section_cstart, $3  }
0xc9: {  	[dreg:$0x1] =	wrdreg $0xFFFFFFFF  }
0xca: {  	_ =	task.clear_ibuf [dreg:s9], $0x2FFFF;
	_ =	strace $0x9FFFFFFF  }
0xcb: {  	(tm) =	ssettm $0x7FFFFFFF  }
tec
execute0_lowered:
.L_overlay_start_1:
0x0: {  	(tag) =	ssettag $0x1  }
0x1: {  	s0 =	rddreg [dreg:$0x0]  }
0x2: {  	s1 =	rddreg [dreg:$0x1]  }
0x3: {  	s9 =	rddreg [dreg:$0x2]  }
0x4: {  	s4 =	rddreg [dreg:$0x3]  }
0x5: {  	s5 =	srdreg.scid;
	s2 =	stileid.u32  }
0x6: {  	s3 =	simm.s32 $0x0;
	s13 =	simm.s32 $0x3;
	s14 =	simm.s32 $0x400  }
0x7: {  	s15 =	simm.s32 $0x8000;
	s16 =	simm.s32 $0x1;
	s17 =	simm.s32 $0x2  }
0x8: {  	s18 =	simm.s32 $0x100;
	s19 =	simm.s32 $0x2000;
	s20 =	simm.s32 $0x11200  }
0x9: {  	s21 =	simm.s32 $0x11E00;
	s22 =	simm.s32 $0x12200;
	s23 =	simm.s32 $0x0  }
0xa: {  	s5 =	sand.u32 $0x1, s5;
	s6 =	sshll.u32 s2, $0x1;
	[smem:$0x7FF] =	sst s3  }
0xb: {  	s8 =	sadd.s32 $0x20000, s1;
	s10 =	sor.u32 s5, s6;
	s5 =	ssub.s32 $0x2, s5  }
0xc: {  	_ =	strace $0x80000047;
	s6 =	sshll.u32 s10, $0x7;
	s7 =	sshrl.u32 s5, $0x1  }
0xd: {  	s30 =	sshll.u32 s10, $0x6;
	s31 =	sshll.u32 s10, $0x5;
	s11 =	sadd.s32 s6, s4  }
0xe: {  	s12 =	ssub.s32 s5, s7;
	s4 =	sadd.s32 s0, s30;
	s5 =	sshll.u32 s10, $0xA  }
0xf: {  	s6 =	sadd.s32 s1, s6;
	s9 =	sadd.s32 s9, s31;
	s7 =	sor.u32 $0x200000, s5  }
0x10: {  	s10 =	sadd.s32 $0x800, s11;
	s11 =	smax.u32 s12, $0x1;
	s12 =	simm.s32 $0x10000  }
.LBB2_1:
0x11: {  	[tilespmem:s12], [sflag:$0x3] =	stream.linear.gather [hbm4b:s4+s3], $0x200, $0x38;
	[tilespmem:$0x12600] =	vst v63  }
0x12: {  	_ =	swait.ge [sflag:s13], $0x200  }
0x13: {  	[sflag:s13] =	ssyncset.done $0x0  }
0x14: {  	s24 =	simm.s32 $0x0;
	[sflag:s13] =	ssyncadd.s32 $0xFFFFFE00  }
0x15: {  	[tilespmem:s3], [sflag:$0x1] =	stream.strided.gather [hbm4b:s6+s14], $0x8000, s15, s14, $0x38;
	[tilespmem:$0x12600] =	vst v63  }
.LBB2_2:
0x16: {  	s26 =	sshll.u32 s24, $0x15;
	s25 =	smul.u32 $0xAB, s24  }
0x17: {  	_ =	swait.ge [sflag:s16], $0x8000;
	s0 =	sor.u32 s5, s26  }
0x18: {  	[sflag:s16] =	ssyncset.done $0x0;
	s0 =	sshrl.u32 s0, $0x3;
	s25 =	sshrl.u32 s25, $0x2  }
0x19: {  	[sflag:s16] =	ssyncadd.s32 $0xFFFF8000;
	s0 =	sadd.s32 s0, s8;
	s25 =	sand.u32 $0x3F80, s25  }
0x1a: {  	[tilespmem:s15], [sflag:$0x2] =	stream.strided.gather [hbm4b:s0+s14], $0x8000, s15, s14, $0x38;
	[tilespmem:$0x12600] =	vst v63  }
0x1b: {  	s2 =	simm.s32 $0x200;
	v0 =	vld [tilespmem:s25+$0x10000]  }
0x1c: {  	v1 =	vld [tilespmem:s2+$0xFFFFFE00]  }
0x1d: {  	v2 =	vld [tilespmem:s2+$0xFFFFFF00]  }
0x1e: {  	v3 =	vld [tilespmem:s2+$0x80]  }
0x1f: {  	v4 =	vld [tilespmem:s2+$0xFFFFFE80]  }
0x20: {  	v5 =	vld [tilespmem:s2+$0xFFFFFF80]  }
0x21: {  	v6 =	vld [tilespmem:s2+$0x0];
	_ =	sdelay $0x1  }
0x22: {  	v7 =	vmul.f32 v1, v0  }
0x23: {  	v8 =	vimm.f32 $-Inf;
	v3 =	vmul.f32 v3, v0;
	v4 =	vmul.f32 v4, v0  }
0x24: {  	v1 =	vimm.s32 $0x0;
	v5 =	vmul.f32 v5, v0;
	v2 =	vmul.f32 v2, v0  }
0x25: {  	v6 =	vmul.f32 v6, v0;
	v9 =	vmax.f32 v8, v7;
	vm0 =	vgt.f32 v7, v8  }
0x26: {  	v10 =	vld [tilespmem:s2+$0x100];
	v7 =	vmin.f32 v8, v7;
	v11 =	vsel vm0, $0x0, v1;
	v12 =	vmax.f32 v9, v4  }
0x27: {  	v14 =	vld [tilespmem:s2+$0x180];
	s2 =	simm.s32 $0x600;
	vm0 =	vgt.f32 v4, v9;
	v7 =	vmax.f32 v8, v7;
	v4 =	vmin.f32 v9, v4  }
0x28: {  	v15 =	vld [tilespmem:s2+$0xFFFFFE00];
	v13 =	vmax.f32 v12, v2;
	vm1 =	vgt.f32 v2, v12;
	v11 =	vsel vm0, $0x1, v11  }
0x29: {  	v2 =	vmin.f32 v12, v2;
	v4 =	vmax.f32 v7, v4;
	v9 =	vmax.f32 v13, v5  }
0x2a: {  	vm0 =	vgt.f32 v5, v13;
	v5 =	vmin.f32 v13, v5;
	v2 =	vmax.f32 v4, v2  }
0x2b: {  	v4 =	vmul.f32 v10, v0;
	v12 =	vmax.f32 v9, v6;
	v7 =	vmin.f32 v9, v6  }
0x2c: {  	vm2 =	vgt.f32 v6, v9;
	v6 =	vmul.f32 v14, v0;
	v9 =	vsel vm1, $0x2, v11  }
0x2d: {  	v16 =	vld [tilespmem:s2+$0xFFFFFE80];
	v2 =	vmax.f32 v2, v5;
	v11 =	vmul.f32 v15, v0;
	vm1 =	vgt.f32 v3, v12  }
0x2e: {  	v13 =	vld [tilespmem:s2+$0xFFFFFF80];
	v10 =	vmax.f32 v12, v3;
	v9 =	vsel vm0, $0x3, v9;
	v7 =	vmax.f32 v2, v7  }
0x2f: {  	v5 =	vld [tilespmem:s2+$0x80];
	v12 =	vmin.f32 v12, v3;
	v14 =	vmax.f32 v10, v4;
	v3 =	vsel vm2, $0x4, v9  }
0x30: {  	v15 =	vld [tilespmem:s2+$0x0];
	v7 =	vmax.f32 v7, v12;
	v2 =	vmax.f32 v14, v6;
	vm0 =	vgt.f32 v6, v14  }
0x31: {  	v9 =	vld [tilespmem:s2+$0xFFFFFF00];
	v3 =	vsel vm1, $0x5, v3;
	vm1 =	vgt.f32 v4, v10;
	v4 =	vmin.f32 v10, v4  }
0x32: {  	v17 =	vmax.f32 v2, v11;
	vm2 =	vgt.f32 v11, v2;
	v11 =	vmin.f32 v2, v11  }
0x33: {  	v18 =	vsel vm1, $0x6, v3;
	vm1 =	vgt.f32 v2, v8;
	v4 =	vmax.f32 v7, v4  }
0x34: {  	v7 =	vmin.f32 v14, v6;
	v3 =	vmul.f32 v5, v0;
	v18 =	vsel vm0, $0x7, v18  }
0x35: {  	vm0 =	vlt.f32 v2, v8;
	v5 =	vmul.f32 v13, v0;
	v8 =	vmul.f32 v16, v0  }
0x36: {  	v6 =	vmul.f32 v15, v0;
	v4 =	vmax.f32 v4, v7;
	v14 =	vmul.f32 v9, v0  }
0x37: {  	v7 =	vsel vm2, $0x0, v18;
	v15 =	vmax.f32 v17, v8;
	v9 =	vmax.f32 v4, v11;
	v4 =	vld [tilespmem:s2+$0x100]  }
0x38: {  	vm2 =	vgt.f32 v8, v17;
	v12 =	vmin.f32 v17, v8;
	v8 =	vld [tilespmem:s2+$0x180];
	v11 =	vmax.f32 v15, v14  }
0x39: {  	s29 =	simm.s32 $0x0;
	vm1 =	vmor vm1, vm0;
	v10 =	vsel vm2, $0x1, v7;
	v13 =	vmax.f32 v11, v5  }
0x3a: {  	s28 =	simm.s32 $0x1;
	s30 =	simm.s32 $0x2;
	s31 =	simm.s32 $0xA00;
	vm0 =	vgt.f32 v14, v15;
	v14 =	vmin.f32 v15, v14;
	v7 =	vmax.f32 v13, v6  }
.LBB2_3:
0x3b: {  	v15 =	vld [tilespmem:s31+$0xFFFFFE00];
	p0 =	sne.s32 s30, $0x1F;
	vm2 =	vgt.f32 v5, v11;
	v5 =	vmin.f32 v11, v5;
	v11 =	vmin.f32 v13, v6;
	s0 =	smov.u32 s30;
	s30 =	sadd.s32 $0x1, s30  }
0x3c: {  	v9 =	vmax.f32 v9, v12;
	vm3 =	vgt.f32 v6, v13;
	v1 =	vsel vm1, s29, v1;
	s29 =	smov.u32 s28;
	v16 =	vld [tilespmem:s31+$0x0];
	s28 =	smov.u32 s0  }
0x3d: {  	v6 =	vmax.f32 v9, v14;
	v9 =	vmul.f32 v4, v0;
	v4 =	vld [tilespmem:s31+$0x100];
	v8 =	vmul.f32 v8, v0  }
0x3e: {  	v10 =	vsel vm0, $0x2, v10;
	vm0 =	vgt.f32 v3, v7;
	v5 =	vmax.f32 v6, v5;
	v12 =	vld [tilespmem:s31+$0xFFFFFF00]  }
0x3f: {  	v13 =	vmax.f32 v7, v3;
	v10 =	vsel vm2, $0x3, v10;
	v11 =	vmax.f32 v5, v11;
	v6 =	vld [tilespmem:s31+$0x80]  }
0x40: {  	v7 =	vmin.f32 v7, v3;
	v5 =	vmul.f32 v15, v0;
	v14 =	vld [tilespmem:s31+$0xFFFFFF80];
	v15 =	vmax.f32 v13, v9  }
0x41: {  	v3 =	vsel vm3, $0x4, v10;
	v17 =	vld [tilespmem:s31+$0xFFFFFE80];
	vm1 =	vgt.f32 v8, v15;
	v10 =	vmax.f32 v15, v8  }
0x42: {  	v3 =	vsel vm0, $0x5, v3;
	vm0 =	vgt.f32 v9, v13;
	v18 =	vmax.f32 v10, v5  }
0x43: {  	vm2 =	vgt.f32 v5, v10;
	v19 =	vmin.f32 v10, v5;
	v5 =	vsel vm0, $0x6, v3  }
0x44: {  	vm0 =	vlt.f32 v10, v2;
	v20 =	vsel vm1, $0x7, v5;
	v3 =	vmul.f32 v6, v0  }
0x45: {  	v9 =	vmin.f32 v13, v9;
	vm1 =	vgt.f32 v10, v2;
	v2 =	vmovc v10;
	v5 =	vmul.f32 v14, v0  }
0x46: {  	v7 =	vmax.f32 v11, v7;
	v6 =	vmul.f32 v16, v0;
	v14 =	vmul.f32 v12, v0  }
0x47: {  	v7 =	vmax.f32 v7, v9;
	v8 =	vmin.f32 v15, v8;
	v10 =	vmul.f32 v17, v0  }
.Ltmp0:
0x48: {  	v7 =	vmax.f32 v7, v8;
	(pc) =	sbr.rel @p0 .LBB2_3-.Ltmp0, $4  }
0x49: {  	v15 =	vsel vm2, $0x0, v20;
	vm2 =	vgt.f32 v10, v18;
	v16 =	vmax.f32 v18, v10  }
0x4a: {  	v9 =	vmax.f32 v7, v19;
	vm1 =	vmor vm1, vm0;
	v11 =	vmax.f32 v16, v14;
	v8 =	vld [tilespmem:s31+$0x180]  }
0x4b: {  	v12 =	vmin.f32 v18, v10;
	vm0 =	vgt.f32 v14, v16;
	v13 =	vmax.f32 v11, v5  }
0x4c: {  	v10 =	vsel vm2, $0x1, v15;
	v14 =	vmin.f32 v16, v14;
	s31 =	sadd.s32 $0x400, s31;
	v7 =	vmax.f32 v13, v6  }
0x4d: {  	vm2 =	vgt.f32 v5, v11;
	v5 =	vmin.f32 v11, v5  }
0x4e: {  	v11 =	vmin.f32 v13, v6;
	v9 =	vmax.f32 v9, v12;
	vm3 =	vgt.f32 v6, v13  }
0x4f: {  	v1 =	vsel vm1, s29, v1;
	v4 =	vmul.f32 v4, v0;
	v6 =	vmax.f32 v9, v14  }
0x50: {  	v0 =	vmul.f32 v8, v0;
	v8 =	vsel vm0, $0x2, v10;
	v5 =	vmax.f32 v6, v5  }
0x51: {  	vm0 =	vgt.f32 v3, v7;
	v6 =	vsel vm2, $0x3, v8;
	v8 =	vmax.f32 v7, v3  }
0x52: {  	v5 =	vmax.f32 v5, v11;
	v3 =	vmin.f32 v7, v3;
	v9 =	vmax.f32 v8, v4  }
0x53: {  	v6 =	vsel vm3, $0x4, v6;
	v10 =	vmin.f32 v8, v4;
	v7 =	vmax.f32 v9, v0  }
0x54: {  	v3 =	vmax.f32 v5, v3;
	v6 =	vsel vm0, $0x5, v6;
	vm0 =	vlt.f32 v7, v2  }
0x55: {  	vm1 =	vgt.f32 v7, v2;
	v2 =	vmax.f32 v3, v10;
	v3 =	vmin.f32 v9, v0  }
0x56: {  	vm2 =	vgt.f32 v4, v8;
	[tilespmem:$0x10200] =	vst v7;
	v2 =	vmax.f32 v2, v3;
	vm0 =	vmor vm1, vm0  }
0x57: {  	vm1 =	vgt.f32 v0, v9;
	v0 =	vsel vm2, $0x6, v6;
	v1 =	vsel vm0, s28, v1;
	[tilespmem:$0x10600] =	vst v2  }
0x58: {  	v0 =	vsel vm1, $0x7, v0;
	[tilespmem:$0x10A00] =	vst v1  }
0x59: {  	[tilespmem:$0x10E00] =	vst v0  }
0x5a: {  	s0 =	simm.s32 $0x210;
	v0 =	vld [tilespmem:s25+$0x10010]  }
0x5b: {  	v1 =	vld [tilespmem:s0+$0xFFFFFE00]  }
0x5c: {  	v2 =	vld [tilespmem:s0+$0xFFFFFF00]  }
0x5d: {  	v3 =	vld [tilespmem:s0+$0x80]  }
0x5e: {  	v4 =	vld [tilespmem:s0+$0xFFFFFE80]  }
0x5f: {  	v5 =	vld [tilespmem:s0+$0xFFFFFF80]  }
0x60: {  	v6 =	vld [tilespmem:s0+$0x0];
	_ =	sdelay $0x1  }
0x61: {  	v7 =	vmul.f32 v1, v0  }
0x62: {  	v8 =	vimm.f32 $-Inf;
	v3 =	vmul.f32 v3, v0;
	v4 =	vmul.f32 v4, v0  }
0x63: {  	v1 =	vimm.s32 $0x0;
	v5 =	vmul.f32 v5, v0;
	v2 =	vmul.f32 v2, v0  }
0x64: {  	v6 =	vmul.f32 v6, v0;
	v9 =	vmax.f32 v8, v7;
	vm0 =	vgt.f32 v7, v8  }
0x65: {  	v10 =	vld [tilespmem:s0+$0x100];
	v7 =	vmin.f32 v8, v7;
	v11 =	vsel vm0, $0x0, v1;
	v12 =	vmax.f32 v9, v4  }
0x66: {  	s2 =	simm.s32 $0x610;
	v14 =	vld [tilespmem:s0+$0x180];
	vm0 =	vgt.f32 v4, v9;
	v7 =	vmax.f32 v8, v7;
	v4 =	vmin.f32 v9, v4  }
0x67: {  	v15 =	vld [tilespmem:s2+$0xFFFFFE00];
	v13 =	vmax.f32 v12, v2;
	vm1 =	vgt.f32 v2, v12;
	v11 =	vsel vm0, $0x1, v11  }
0x68: {  	v2 =	vmin.f32 v12, v2;
	v4 =	vmax.f32 v7, v4;
	v9 =	vmax.f32 v13, v5  }
0x69: {  	vm0 =	vgt.f32 v5, v13;
	v5 =	vmin.f32 v13, v5;
	v2 =	vmax.f32 v4, v2  }
0x6a: {  	v4 =	vmul.f32 v10, v0;
	v12 =	vmax.f32 v9, v6;
	v7 =	vmin.f32 v9, v6  }
0x6b: {  	vm2 =	vgt.f32 v6, v9;
	v6 =	vmul.f32 v14, v0;
	v9 =	vsel vm1, $0x2, v11  }
0x6c: {  	v16 =	vld [tilespmem:s2+$0xFFFFFE80];
	v2 =	vmax.f32 v2, v5;
	v11 =	vmul.f32 v15, v0;
	vm1 =	vgt.f32 v3, v12  }
0x6d: {  	v13 =	vld [tilespmem:s2+$0xFFFFFF80];
	v10 =	vmax.f32 v12, v3;
	v9 =	vsel vm0, $0x3, v9;
	v7 =	vmax.f32 v2, v7  }
0x6e: {  	v5 =	vld [tilespmem:s2+$0x80];
	v12 =	vmin.f32 v12, v3;
	v14 =	vmax.f32 v10, v4;
	v3 =	vsel vm2, $0x4, v9  }
0x6f: {  	v15 =	vld [tilespmem:s2+$0x0];
	v7 =	vmax.f32 v7, v12;
	v2 =	vmax.f32 v14, v6;
	vm0 =	vgt.f32 v6, v14  }
0x70: {  	v9 =	vld [tilespmem:s2+$0xFFFFFF00];
	v3 =	vsel vm1, $0x5, v3;
	vm1 =	vgt.f32 v4, v10;
	v4 =	vmin.f32 v10, v4  }
0x71: {  	v17 =	vmax.f32 v2, v11;
	vm2 =	vgt.f32 v11, v2;
	v11 =	vmin.f32 v2, v11  }
0x72: {  	v18 =	vsel vm1, $0x6, v3;
	vm1 =	vgt.f32 v2, v8;
	v4 =	vmax.f32 v7, v4  }
0x73: {  	v7 =	vmin.f32 v14, v6;
	v3 =	vmul.f32 v5, v0;
	v18 =	vsel vm0, $0x7, v18  }
0x74: {  	vm0 =	vlt.f32 v2, v8;
	v5 =	vmul.f32 v13, v0;
	v8 =	vmul.f32 v16, v0  }
0x75: {  	v6 =	vmul.f32 v15, v0;
	v4 =	vmax.f32 v4, v7;
	v14 =	vmul.f32 v9, v0  }
0x76: {  	v7 =	vsel vm2, $0x0, v18;
	v15 =	vmax.f32 v17, v8;
	v9 =	vmax.f32 v4, v11;
	v4 =	vld [tilespmem:s2+$0x100]  }
0x77: {  	vm2 =	vgt.f32 v8, v17;
	v12 =	vmin.f32 v17, v8;
	v8 =	vld [tilespmem:s2+$0x180];
	v11 =	vmax.f32 v15, v14  }
0x78: {  	s29 =	simm.s32 $0x0;
	vm1 =	vmor vm1, vm0;
	v10 =	vsel vm2, $0x1, v7;
	v13 =	vmax.f32 v11, v5  }
0x79: {  	s30 =	simm.s32 $0x2;
	s31 =	simm.s32 $0xA10;
	s28 =	simm.s32 $0x1;
	vm0 =	vgt.f32 v14, v15;
	v14 =	vmin.f32 v15, v14;
	v7 =	vmax.f32 v13, v6  }
.LBB2_5:
0x7a: {  	v15 =	vld [tilespmem:s31+$0xFFFFFE00];
	p0 =	sne.s32 s30, $0x1F;
	vm2 =	vgt.f32 v5, v11;
	v5 =	vmin.f32 v11, v5;
	v11 =	vmin.f32 v13, v6;
	s0 =	smov.u32 s30;
	s30 =	sadd.s32 $0x1, s30  }
0x7b: {  	v9 =	vmax.f32 v9, v12;
	vm3 =	vgt.f32 v6, v13;
	v1 =	vsel vm1, s29, v1;
	s29 =	smov.u32 s28;
	v16 =	vld [tilespmem:s31+$0x0];
	s28 =	smov.u32 s0  }
0x7c: {  	v6 =	vmax.f32 v9, v14;
	v9 =	vmul.f32 v4, v0;
	v4 =	vld [tilespmem:s31+$0x100];
	v8 =	vmul.f32 v8, v0  }
0x7d: {  	v10 =	vsel vm0, $0x2, v10;
	vm0 =	vgt.f32 v3, v7;
	v5 =	vmax.f32 v6, v5;
	v12 =	vld [tilespmem:s31+$0xFFFFFF00]  }
0x7e: {  	v13 =	vmax.f32 v7, v3;
	v10 =	vsel vm2, $0x3, v10;
	v11 =	vmax.f32 v5, v11;
	v6 =	vld [tilespmem:s31+$0x80]  }
0x7f: {  	v7 =	vmin.f32 v7, v3;
	v5 =	vmul.f32 v15, v0;
	v14 =	vld [tilespmem:s31+$0xFFFFFF80];
	v15 =	vmax.f32 v13, v9  }
0x80: {  	v3 =	vsel vm3, $0x4, v10;
	v17 =	vld [tilespmem:s31+$0xFFFFFE80];
	vm1 =	vgt.f32 v8, v15;
	v10 =	vmax.f32 v15, v8  }
0x81: {  	v3 =	vsel vm0, $0x5, v3;
	vm0 =	vgt.f32 v9, v13;
	v18 =	vmax.f32 v10, v5  }
0x82: {  	vm2 =	vgt.f32 v5, v10;
	v19 =	vmin.f32 v10, v5;
	v5 =	vsel vm0, $0x6, v3  }
0x83: {  	vm0 =	vlt.f32 v10, v2;
	v20 =	vsel vm1, $0x7, v5;
	v3 =	vmul.f32 v6, v0  }
0x84: {  	v9 =	vmin.f32 v13, v9;
	vm1 =	vgt.f32 v10, v2;
	v2 =	vmovc v10;
	v5 =	vmul.f32 v14, v0  }
0x85: {  	v7 =	vmax.f32 v11, v7;
	v6 =	vmul.f32 v16, v0;
	v14 =	vmul.f32 v12, v0  }
0x86: {  	v7 =	vmax.f32 v7, v9;
	v8 =	vmin.f32 v15, v8;
	v10 =	vmul.f32 v17, v0  }
.Ltmp1:
0x87: {  	v7 =	vmax.f32 v7, v8;
	(pc) =	sbr.rel @p0 .LBB2_5-.Ltmp1, $4  }
0x88: {  	v15 =	vsel vm2, $0x0, v20;
	vm2 =	vgt.f32 v10, v18;
	v16 =	vmax.f32 v18, v10  }
0x89: {  	v9 =	vmax.f32 v7, v19;
	vm1 =	vmor vm1, vm0;
	v11 =	vmax.f32 v16, v14;
	v8 =	vld [tilespmem:s31+$0x180]  }
0x8a: {  	v12 =	vmin.f32 v18, v10;
	vm0 =	vgt.f32 v14, v16;
	v13 =	vmax.f32 v11, v5  }
0x8b: {  	v10 =	vsel vm2, $0x1, v15;
	v14 =	vmin.f32 v16, v14;
	s31 =	sadd.s32 $0x400, s31;
	v7 =	vmax.f32 v13, v6  }
0x8c: {  	vm2 =	vgt.f32 v5, v11;
	v5 =	vmin.f32 v11, v5  }
0x8d: {  	v11 =	vmin.f32 v13, v6;
	v9 =	vmax.f32 v9, v12;
	vm3 =	vgt.f32 v6, v13  }
0x8e: {  	v1 =	vsel vm1, s29, v1;
	v4 =	vmul.f32 v4, v0;
	v6 =	vmax.f32 v9, v14  }
0x8f: {  	v0 =	vmul.f32 v8, v0;
	v8 =	vsel vm0, $0x2, v10;
	v5 =	vmax.f32 v6, v5  }
0x90: {  	vm0 =	vgt.f32 v3, v7;
	v6 =	vsel vm2, $0x3, v8;
	v8 =	vmax.f32 v7, v3  }
0x91: {  	v5 =	vmax.f32 v5, v11;
	v3 =	vmin.f32 v7, v3;
	v9 =	vmax.f32 v8, v4  }
0x92: {  	v6 =	vsel vm3, $0x4, v6;
	v10 =	vmin.f32 v8, v4;
	v7 =	vmax.f32 v9, v0  }
0x93: {  	v3 =	vmax.f32 v5, v3;
	v6 =	vsel vm0, $0x5, v6;
	vm0 =	vlt.f32 v7, v2  }
0x94: {  	vm1 =	vgt.f32 v7, v2;
	v2 =	vmax.f32 v3, v10;
	v3 =	vmin.f32 v9, v0  }
0x95: {  	vm2 =	vgt.f32 v4, v8;
	[tilespmem:$0x10280] =	vst v7;
	v2 =	vmax.f32 v2, v3;
	vm0 =	vmor vm1, vm0  }
0x96: {  	vm1 =	vgt.f32 v0, v9;
	v0 =	vsel vm2, $0x6, v6;
	v1 =	vsel vm0, s28, v1;
	[tilespmem:$0x10680] =	vst v2  }
0x97: {  	v0 =	vsel vm1, $0x7, v0;
	[tilespmem:$0x10A80] =	vst v1  }
0x98: {  	[tilespmem:$0x10E80] =	vst v0  }
0x99: {  	s0 =	simm.s32 $0x220;
	v0 =	vld [tilespmem:s25+$0x10020]  }
0x9a: {  	v1 =	vld [tilespmem:s0+$0xFFFFFE00]  }
0x9b: {  	v2 =	vld [tilespmem:s0+$0xFFFFFF00]  }
0x9c: {  	v3 =	vld [tilespmem:s0+$0x80]  }
0x9d: {  	v4 =	vld [tilespmem:s0+$0xFFFFFE80]  }
0x9e: {  	v5 =	vld [tilespmem:s0+$0xFFFFFF80]  }
0x9f: {  	v6 =	vld [tilespmem:s0+$0x0];
	_ =	sdelay $0x1  }
0xa0: {  	v7 =	vmul.f32 v1, v0  }
0xa1: {  	v8 =	vimm.f32 $-Inf;
	v3 =	vmul.f32 v3, v0;
	v4 =	vmul.f32 v4, v0  }
0xa2: {  	v1 =	vimm.s32 $0x0;
	v5 =	vmul.f32 v5, v0;
	v2 =	vmul.f32 v2, v0  }
0xa3: {  	v6 =	vmul.f32 v6, v0;
	v9 =	vmax.f32 v8, v7;
	vm0 =	vgt.f32 v7, v8  }
0xa4: {  	v10 =	vld [tilespmem:s0+$0x100];
	v7 =	vmin.f32 v8, v7;
	v11 =	vsel vm0, $0x0, v1;
	v12 =	vmax.f32 v9, v4  }
0xa5: {  	s2 =	simm.s32 $0x620;
	v14 =	vld [tilespmem:s0+$0x180];
	vm0 =	vgt.f32 v4, v9;
	v7 =	vmax.f32 v8, v7;
	v4 =	vmin.f32 v9, v4  }
0xa6: {  	v15 =	vld [tilespmem:s2+$0xFFFFFE00];
	v13 =	vmax.f32 v12, v2;
	vm1 =	vgt.f32 v2, v12;
	v11 =	vsel vm0, $0x1, v11  }
0xa7: {  	v2 =	vmin.f32 v12, v2;
	v4 =	vmax.f32 v7, v4;
	v9 =	vmax.f32 v13, v5  }
0xa8: {  	vm0 =	vgt.f32 v5, v13;
	v5 =	vmin.f32 v13, v5;
	v2 =	vmax.f32 v4, v2  }
0xa9: {  	v4 =	vmul.f32 v10, v0;
	v12 =	vmax.f32 v9, v6;
	v7 =	vmin.f32 v9, v6  }
0xaa: {  	vm2 =	vgt.f32 v6, v9;
	v6 =	vmul.f32 v14, v0;
	v9 =	vsel vm1, $0x2, v11  }
0xab: {  	v16 =	vld [tilespmem:s2+$0xFFFFFE80];
	v2 =	vmax.f32 v2, v5;
	v11 =	vmul.f32 v15, v0;
	vm1 =	vgt.f32 v3, v12  }
0xac: {  	v13 =	vld [tilespmem:s2+$0xFFFFFF80];
	v10 =	vmax.f32 v12, v3;
	v9 =	vsel vm0, $0x3, v9;
	v7 =	vmax.f32 v2, v7  }
0xad: {  	v5 =	vld [tilespmem:s2+$0x80];
	v12 =	vmin.f32 v12, v3;
	v14 =	vmax.f32 v10, v4;
	v3 =	vsel vm2, $0x4, v9  }
0xae: {  	v15 =	vld [tilespmem:s2+$0x0];
	v7 =	vmax.f32 v7, v12;
	v2 =	vmax.f32 v14, v6;
	vm0 =	vgt.f32 v6, v14  }
0xaf: {  	v9 =	vld [tilespmem:s2+$0xFFFFFF00];
	v3 =	vsel vm1, $0x5, v3;
	vm1 =	vgt.f32 v4, v10;
	v4 =	vmin.f32 v10, v4  }
0xb0: {  	v17 =	vmax.f32 v2, v11;
	vm2 =	vgt.f32 v11, v2;
	v11 =	vmin.f32 v2, v11  }
0xb1: {  	v18 =	vsel vm1, $0x6, v3;
	vm1 =	vgt.f32 v2, v8;
	v4 =	vmax.f32 v7, v4  }
0xb2: {  	v7 =	vmin.f32 v14, v6;
	v3 =	vmul.f32 v5, v0;
	v18 =	vsel vm0, $0x7, v18  }
0xb3: {  	vm0 =	vlt.f32 v2, v8;
	v5 =	vmul.f32 v13, v0;
	v8 =	vmul.f32 v16, v0  }
0xb4: {  	v6 =	vmul.f32 v15, v0;
	v4 =	vmax.f32 v4, v7;
	v14 =	vmul.f32 v9, v0  }
0xb5: {  	v7 =	vsel vm2, $0x0, v18;
	v15 =	vmax.f32 v17, v8;
	v9 =	vmax.f32 v4, v11;
	v4 =	vld [tilespmem:s2+$0x100]  }
0xb6: {  	vm2 =	vgt.f32 v8, v17;
	v12 =	vmin.f32 v17, v8;
	v8 =	vld [tilespmem:s2+$0x180];
	v11 =	vmax.f32 v15, v14  }
0xb7: {  	s29 =	simm.s32 $0x0;
	vm1 =	vmor vm1, vm0;
	v10 =	vsel vm2, $0x1, v7;
	v13 =	vmax.f32 v11, v5  }
0xb8: {  	s30 =	simm.s32 $0x2;
	s31 =	simm.s32 $0xA20;
	s28 =	simm.s32 $0x1;
	vm0 =	vgt.f32 v14, v15;
	v14 =	vmin.f32 v15, v14;
	v7 =	vmax.f32 v13, v6  }
.LBB2_7:
0xb9: {  	v15 =	vld [tilespmem:s31+$0xFFFFFE00];
	p0 =	sne.s32 s30, $0x1F;
	vm2 =	vgt.f32 v5, v11;
	v5 =	vmin.f32 v11, v5;
	v11 =	vmin.f32 v13, v6;
	s0 =	smov.u32 s30;
	s30 =	sadd.s32 $0x1, s30  }
0xba: {  	v9 =	vmax.f32 v9, v12;
	vm3 =	vgt.f32 v6, v13;
	v1 =	vsel vm1, s29, v1;
	s29 =	smov.u32 s28;
	v16 =	vld [tilespmem:s31+$0x0];
	s28 =	smov.u32 s0  }
0xbb: {  	v6 =	vmax.f32 v9, v14;
	v9 =	vmul.f32 v4, v0;
	v4 =	vld [tilespmem:s31+$0x100];
	v8 =	vmul.f32 v8, v0  }
0xbc: {  	v10 =	vsel vm0, $0x2, v10;
	vm0 =	vgt.f32 v3, v7;
	v5 =	vmax.f32 v6, v5;
	v12 =	vld [tilespmem:s31+$0xFFFFFF00]  }
0xbd: {  	v13 =	vmax.f32 v7, v3;
	v10 =	vsel vm2, $0x3, v10;
	v11 =	vmax.f32 v5, v11;
	v6 =	vld [tilespmem:s31+$0x80]  }
0xbe: {  	v7 =	vmin.f32 v7, v3;
	v5 =	vmul.f32 v15, v0;
	v14 =	vld [tilespmem:s31+$0xFFFFFF80];
	v15 =	vmax.f32 v13, v9  }
0xbf: {  	v3 =	vsel vm3, $0x4, v10;
	v17 =	vld [tilespmem:s31+$0xFFFFFE80];
	vm1 =	vgt.f32 v8, v15;
	v10 =	vmax.f32 v15, v8  }
0xc0: {  	v3 =	vsel vm0, $0x5, v3;
	vm0 =	vgt.f32 v9, v13;
	v18 =	vmax.f32 v10, v5  }
0xc1: {  	vm2 =	vgt.f32 v5, v10;
	v19 =	vmin.f32 v10, v5;
	v5 =	vsel vm0, $0x6, v3  }
0xc2: {  	vm0 =	vlt.f32 v10, v2;
	v20 =	vsel vm1, $0x7, v5;
	v3 =	vmul.f32 v6, v0  }
0xc3: {  	v9 =	vmin.f32 v13, v9;
	vm1 =	vgt.f32 v10, v2;
	v2 =	vmovc v10;
	v5 =	vmul.f32 v14, v0  }
0xc4: {  	v7 =	vmax.f32 v11, v7;
	v6 =	vmul.f32 v16, v0;
	v14 =	vmul.f32 v12, v0  }
0xc5: {  	v7 =	vmax.f32 v7, v9;
	v8 =	vmin.f32 v15, v8;
	v10 =	vmul.f32 v17, v0  }
.Ltmp2:
0xc6: {  	v7 =	vmax.f32 v7, v8;
	(pc) =	sbr.rel @p0 .LBB2_7-.Ltmp2, $4  }
0xc7: {  	v15 =	vsel vm2, $0x0, v20;
	vm2 =	vgt.f32 v10, v18;
	v16 =	vmax.f32 v18, v10  }
0xc8: {  	v9 =	vmax.f32 v7, v19;
	vm1 =	vmor vm1, vm0;
	v11 =	vmax.f32 v16, v14;
	v8 =	vld [tilespmem:s31+$0x180]  }
0xc9: {  	v12 =	vmin.f32 v18, v10;
	vm0 =	vgt.f32 v14, v16;
	v13 =	vmax.f32 v11, v5  }
0xca: {  	v10 =	vsel vm2, $0x1, v15;
	v14 =	vmin.f32 v16, v14;
	s31 =	sadd.s32 $0x400, s31;
	v7 =	vmax.f32 v13, v6  }
0xcb: {  	vm2 =	vgt.f32 v5, v11;
	v5 =	vmin.f32 v11, v5  }
0xcc: {  	v11 =	vmin.f32 v13, v6;
	v9 =	vmax.f32 v9, v12;
	vm3 =	vgt.f32 v6, v13  }
0xcd: {  	v1 =	vsel vm1, s29, v1;
	v4 =	vmul.f32 v4, v0;
	v6 =	vmax.f32 v9, v14  }
0xce: {  	v0 =	vmul.f32 v8, v0;
	v8 =	vsel vm0, $0x2, v10;
	v5 =	vmax.f32 v6, v5  }
0xcf: {  	vm0 =	vgt.f32 v3, v7;
	v6 =	vsel vm2, $0x3, v8;
	v8 =	vmax.f32 v7, v3  }
0xd0: {  	v5 =	vmax.f32 v5, v11;
	v3 =	vmin.f32 v7, v3;
	v9 =	vmax.f32 v8, v4  }
0xd1: {  	v6 =	vsel vm3, $0x4, v6;
	v10 =	vmin.f32 v8, v4;
	v7 =	vmax.f32 v9, v0  }
0xd2: {  	v3 =	vmax.f32 v5, v3;
	v6 =	vsel vm0, $0x5, v6;
	vm0 =	vlt.f32 v7, v2  }
0xd3: {  	vm1 =	vgt.f32 v7, v2;
	v2 =	vmax.f32 v3, v10;
	v3 =	vmin.f32 v9, v0  }
0xd4: {  	vm2 =	vgt.f32 v4, v8;
	[tilespmem:$0x10300] =	vst v7;
	v2 =	vmax.f32 v2, v3;
	vm0 =	vmor vm1, vm0  }
0xd5: {  	vm1 =	vgt.f32 v0, v9;
	v0 =	vsel vm2, $0x6, v6;
	v1 =	vsel vm0, s28, v1;
	[tilespmem:$0x10700] =	vst v2  }
0xd6: {  	v0 =	vsel vm1, $0x7, v0;
	[tilespmem:$0x10B00] =	vst v1  }
0xd7: {  	[tilespmem:$0x10F00] =	vst v0  }
0xd8: {  	s0 =	simm.s32 $0x230;
	v0 =	vld [tilespmem:s25+$0x10030]  }
0xd9: {  	v1 =	vld [tilespmem:s0+$0xFFFFFE00]  }
0xda: {  	v2 =	vld [tilespmem:s0+$0xFFFFFF00]  }
0xdb: {  	v3 =	vld [tilespmem:s0+$0x80]  }
0xdc: {  	v4 =	vld [tilespmem:s0+$0xFFFFFE80]  }
0xdd: {  	v5 =	vld [tilespmem:s0+$0xFFFFFF80]  }
0xde: {  	v6 =	vld [tilespmem:s0+$0x0];
	_ =	sdelay $0x1  }
0xdf: {  	v7 =	vmul.f32 v1, v0  }
0xe0: {  	v8 =	vimm.f32 $-Inf;
	v3 =	vmul.f32 v3, v0;
	v4 =	vmul.f32 v4, v0  }
0xe1: {  	v1 =	vimm.s32 $0x0;
	v5 =	vmul.f32 v5, v0;
	v2 =	vmul.f32 v2, v0  }
0xe2: {  	v6 =	vmul.f32 v6, v0;
	v9 =	vmax.f32 v8, v7;
	vm0 =	vgt.f32 v7, v8  }
0xe3: {  	v10 =	vld [tilespmem:s0+$0x100];
	v7 =	vmin.f32 v8, v7;
	v11 =	vsel vm0, $0x0, v1;
	v12 =	vmax.f32 v9, v4  }
0xe4: {  	s2 =	simm.s32 $0x630;
	v14 =	vld [tilespmem:s0+$0x180];
	vm0 =	vgt.f32 v4, v9;
	v7 =	vmax.f32 v8, v7;
	v4 =	vmin.f32 v9, v4  }
0xe5: {  	v15 =	vld [tilespmem:s2+$0xFFFFFE00];
	v13 =	vmax.f32 v12, v2;
	vm1 =	vgt.f32 v2, v12;
	v11 =	vsel vm0, $0x1, v11  }
0xe6: {  	v2 =	vmin.f32 v12, v2;
	v4 =	vmax.f32 v7, v4;
	v9 =	vmax.f32 v13, v5  }
0xe7: {  	vm0 =	vgt.f32 v5, v13;
	v5 =	vmin.f32 v13, v5;
	v2 =	vmax.f32 v4, v2  }
0xe8: {  	v4 =	vmul.f32 v10, v0;
	v12 =	vmax.f32 v9, v6;
	v7 =	vmin.f32 v9, v6  }
0xe9: {  	vm2 =	vgt.f32 v6, v9;
	v6 =	vmul.f32 v14, v0;
	v9 =	vsel vm1, $0x2, v11  }
0xea: {  	v16 =	vld [tilespmem:s2+$0xFFFFFE80];
	v2 =	vmax.f32 v2, v5;
	v11 =	vmul.f32 v15, v0;
	vm1 =	vgt.f32 v3, v12  }
0xeb: {  	v13 =	vld [tilespmem:s2+$0xFFFFFF80];
	v10 =	vmax.f32 v12, v3;
	v9 =	vsel vm0, $0x3, v9;
	v7 =	vmax.f32 v2, v7  }
0xec: {  	v5 =	vld [tilespmem:s2+$0x80];
	v12 =	vmin.f32 v12, v3;
	v14 =	vmax.f32 v10, v4;
	v3 =	vsel vm2, $0x4, v9  }
0xed: {  	v15 =	vld [tilespmem:s2+$0x0];
	v7 =	vmax.f32 v7, v12;
	v2 =	vmax.f32 v14, v6;
	vm0 =	vgt.f32 v6, v14  }
0xee: {  	v9 =	vld [tilespmem:s2+$0xFFFFFF00];
	v3 =	vsel vm1, $0x5, v3;
	vm1 =	vgt.f32 v4, v10;
	v4 =	vmin.f32 v10, v4  }
0xef: {  	v17 =	vmax.f32 v2, v11;
	vm2 =	vgt.f32 v11, v2;
	v11 =	vmin.f32 v2, v11  }
0xf0: {  	v18 =	vsel vm1, $0x6, v3;
	vm1 =	vgt.f32 v2, v8;
	v4 =	vmax.f32 v7, v4  }
0xf1: {  	v7 =	vmin.f32 v14, v6;
	v3 =	vmul.f32 v5, v0;
	v18 =	vsel vm0, $0x7, v18  }
0xf2: {  	vm0 =	vlt.f32 v2, v8;
	v5 =	vmul.f32 v13, v0;
	v8 =	vmul.f32 v16, v0  }
0xf3: {  	v6 =	vmul.f32 v15, v0;
	v4 =	vmax.f32 v4, v7;
	v14 =	vmul.f32 v9, v0  }
0xf4: {  	v7 =	vsel vm2, $0x0, v18;
	v15 =	vmax.f32 v17, v8;
	v9 =	vmax.f32 v4, v11;
	v4 =	vld [tilespmem:s2+$0x100]  }
0xf5: {  	vm2 =	vgt.f32 v8, v17;
	v12 =	vmin.f32 v17, v8;
	v8 =	vld [tilespmem:s2+$0x180];
	v11 =	vmax.f32 v15, v14  }
0xf6: {  	s29 =	simm.s32 $0x0;
	vm1 =	vmor vm1, vm0;
	v10 =	vsel vm2, $0x1, v7;
	v13 =	vmax.f32 v11, v5  }
0xf7: {  	s30 =	simm.s32 $0x2;
	s31 =	simm.s32 $0xA30;
	s28 =	simm.s32 $0x1;
	vm0 =	vgt.f32 v14, v15;
	v14 =	vmin.f32 v15, v14;
	v7 =	vmax.f32 v13, v6  }
.LBB2_9:
0xf8: {  	v15 =	vld [tilespmem:s31+$0xFFFFFE00];
	p0 =	sne.s32 s30, $0x1F;
	vm2 =	vgt.f32 v5, v11;
	v5 =	vmin.f32 v11, v5;
	v11 =	vmin.f32 v13, v6;
	s0 =	smov.u32 s30;
	s30 =	sadd.s32 $0x1, s30  }
0xf9: {  	v9 =	vmax.f32 v9, v12;
	vm3 =	vgt.f32 v6, v13;
	v1 =	vsel vm1, s29, v1;
	s29 =	smov.u32 s28;
	v16 =	vld [tilespmem:s31+$0x0];
	s28 =	smov.u32 s0  }
0xfa: {  	v6 =	vmax.f32 v9, v14;
	v9 =	vmul.f32 v4, v0;
	v4 =	vld [tilespmem:s31+$0x100];
	v8 =	vmul.f32 v8, v0  }
0xfb: {  	v10 =	vsel vm0, $0x2, v10;
	vm0 =	vgt.f32 v3, v7;
	v5 =	vmax.f32 v6, v5;
	v12 =	vld [tilespmem:s31+$0xFFFFFF00]  }
0xfc: {  	v13 =	vmax.f32 v7, v3;
	v10 =	vsel vm2, $0x3, v10;
	v11 =	vmax.f32 v5, v11;
	v6 =	vld [tilespmem:s31+$0x80]  }
0xfd: {  	v7 =	vmin.f32 v7, v3;
	v5 =	vmul.f32 v15, v0;
	v14 =	vld [tilespmem:s31+$0xFFFFFF80];
	v15 =	vmax.f32 v13, v9  }
0xfe: {  	v3 =	vsel vm3, $0x4, v10;
	v17 =	vld [tilespmem:s31+$0xFFFFFE80];
	vm1 =	vgt.f32 v8, v15;
	v10 =	vmax.f32 v15, v8  }
0xff: {  	v3 =	vsel vm0, $0x5, v3;
	vm0 =	vgt.f32 v9, v13;
	v18 =	vmax.f32 v10, v5  }
0x100: {  	vm2 =	vgt.f32 v5, v10;
	v19 =	vmin.f32 v10, v5;
	v5 =	vsel vm0, $0x6, v3  }
0x101: {  	vm0 =	vlt.f32 v10, v2;
	v20 =	vsel vm1, $0x7, v5;
	v3 =	vmul.f32 v6, v0  }
0x102: {  	v9 =	vmin.f32 v13, v9;
	vm1 =	vgt.f32 v10, v2;
	v2 =	vmovc v10;
	v5 =	vmul.f32 v14, v0  }
0x103: {  	v7 =	vmax.f32 v11, v7;
	v6 =	vmul.f32 v16, v0;
	v14 =	vmul.f32 v12, v0  }
0x104: {  	v7 =	vmax.f32 v7, v9;
	v8 =	vmin.f32 v15, v8;
	v10 =	vmul.f32 v17, v0  }
.Ltmp3:
0x105: {  	v7 =	vmax.f32 v7, v8;
	(pc) =	sbr.rel @p0 .LBB2_9-.Ltmp3, $4  }
0x106: {  	v15 =	vsel vm2, $0x0, v20;
	vm2 =	vgt.f32 v10, v18;
	v16 =	vmax.f32 v18, v10  }
0x107: {  	v9 =	vmax.f32 v7, v19;
	vm1 =	vmor vm1, vm0;
	v11 =	vmax.f32 v16, v14;
	v8 =	vld [tilespmem:s31+$0x180]  }
0x108: {  	v12 =	vmin.f32 v18, v10;
	vm0 =	vgt.f32 v14, v16;
	v13 =	vmax.f32 v11, v5  }
0x109: {  	v10 =	vsel vm2, $0x1, v15;
	v14 =	vmin.f32 v16, v14;
	s31 =	sadd.s32 $0x400, s31;
	v7 =	vmax.f32 v13, v6  }
0x10a: {  	vm2 =	vgt.f32 v5, v11;
	v5 =	vmin.f32 v11, v5  }
0x10b: {  	v11 =	vmin.f32 v13, v6;
	v9 =	vmax.f32 v9, v12;
	vm3 =	vgt.f32 v6, v13  }
0x10c: {  	v1 =	vsel vm1, s29, v1;
	v4 =	vmul.f32 v4, v0;
	v6 =	vmax.f32 v9, v14  }
0x10d: {  	v0 =	vmul.f32 v8, v0;
	v8 =	vsel vm0, $0x2, v10;
	v5 =	vmax.f32 v6, v5  }
0x10e: {  	vm0 =	vgt.f32 v3, v7;
	v6 =	vsel vm2, $0x3, v8;
	v8 =	vmax.f32 v7, v3  }
0x10f: {  	v5 =	vmax.f32 v5, v11;
	v3 =	vmin.f32 v7, v3;
	v9 =	vmax.f32 v8, v4  }
0x110: {  	v6 =	vsel vm3, $0x4, v6;
	v10 =	vmin.f32 v8, v4;
	v7 =	vmax.f32 v9, v0  }
0x111: {  	v3 =	vmax.f32 v5, v3;
	v6 =	vsel vm0, $0x5, v6;
	vm0 =	vlt.f32 v7, v2  }
0x112: {  	vm1 =	vgt.f32 v7, v2;
	v2 =	vmax.f32 v3, v10;
	v3 =	vmin.f32 v9, v0  }
0x113: {  	vm2 =	vgt.f32 v4, v8;
	[tilespmem:$0x10380] =	vst v7;
	v2 =	vmax.f32 v2, v3;
	vm0 =	vmor vm1, vm0  }
0x114: {  	vm1 =	vgt.f32 v0, v9;
	v0 =	vsel vm2, $0x6, v6;
	v1 =	vsel vm0, s28, v1;
	[tilespmem:$0x10780] =	vst v2  }
0x115: {  	v0 =	vsel vm1, $0x7, v0;
	[tilespmem:$0x10B80] =	vst v1  }
0x116: {  	[tilespmem:$0x10F80] =	vst v0  }
0x117: {  	s0 =	simm.s32 $0x240;
	v0 =	vld [tilespmem:s25+$0x10040]  }
0x118: {  	v1 =	vld [tilespmem:s0+$0xFFFFFE00]  }
0x119: {  	v2 =	vld [tilespmem:s0+$0xFFFFFF00]  }
0x11a: {  	v3 =	vld [tilespmem:s0+$0x80]  }
0x11b: {  	v4 =	vld [tilespmem:s0+$0xFFFFFE80]  }
0x11c: {  	v5 =	vld [tilespmem:s0+$0xFFFFFF80]  }
0x11d: {  	v6 =	vld [tilespmem:s0+$0x0];
	_ =	sdelay $0x1  }
0x11e: {  	v7 =	vmul.f32 v1, v0  }
0x11f: {  	v8 =	vimm.f32 $-Inf;
	v3 =	vmul.f32 v3, v0;
	v4 =	vmul.f32 v4, v0  }
0x120: {  	v1 =	vimm.s32 $0x0;
	v5 =	vmul.f32 v5, v0;
	v2 =	vmul.f32 v2, v0  }
0x121: {  	v6 =	vmul.f32 v6, v0;
	v9 =	vmax.f32 v8, v7;
	vm0 =	vgt.f32 v7, v8  }
0x122: {  	v10 =	vld [tilespmem:s0+$0x100];
	v7 =	vmin.f32 v8, v7;
	v11 =	vsel vm0, $0x0, v1;
	v12 =	vmax.f32 v9, v4  }
0x123: {  	s2 =	simm.s32 $0x640;
	v14 =	vld [tilespmem:s0+$0x180];
	vm0 =	vgt.f32 v4, v9;
	v7 =	vmax.f32 v8, v7;
	v4 =	vmin.f32 v9, v4  }
0x124: {  	v15 =	vld [tilespmem:s2+$0xFFFFFE00];
	v13 =	vmax.f32 v12, v2;
	vm1 =	vgt.f32 v2, v12;
	v11 =	vsel vm0, $0x1, v11  }
0x125: {  	v2 =	vmin.f32 v12, v2;
	v4 =	vmax.f32 v7, v4;
	v9 =	vmax.f32 v13, v5  }
0x126: {  	vm0 =	vgt.f32 v5, v13;
	v5 =	vmin.f32 v13, v5;
	v2 =	vmax.f32 v4, v2  }
0x127: {  	v4 =	vmul.f32 v10, v0;
	v12 =	vmax.f32 v9, v6;
	v7 =	vmin.f32 v9, v6  }
0x128: {  	vm2 =	vgt.f32 v6, v9;
	v6 =	vmul.f32 v14, v0;
	v9 =	vsel vm1, $0x2, v11  }
0x129: {  	v16 =	vld [tilespmem:s2+$0xFFFFFE80];
	v2 =	vmax.f32 v2, v5;
	v11 =	vmul.f32 v15, v0;
	vm1 =	vgt.f32 v3, v12  }
0x12a: {  	v13 =	vld [tilespmem:s2+$0xFFFFFF80];
	v10 =	vmax.f32 v12, v3;
	v9 =	vsel vm0, $0x3, v9;
	v7 =	vmax.f32 v2, v7  }
0x12b: {  	v5 =	vld [tilespmem:s2+$0x80];
	v12 =	vmin.f32 v12, v3;
	v14 =	vmax.f32 v10, v4;
	v3 =	vsel vm2, $0x4, v9  }
0x12c: {  	v15 =	vld [tilespmem:s2+$0x0];
	v7 =	vmax.f32 v7, v12;
	v2 =	vmax.f32 v14, v6;
	vm0 =	vgt.f32 v6, v14  }
0x12d: {  	v9 =	vld [tilespmem:s2+$0xFFFFFF00];
	v3 =	vsel vm1, $0x5, v3;
	vm1 =	vgt.f32 v4, v10;
	v4 =	vmin.f32 v10, v4  }
0x12e: {  	v17 =	vmax.f32 v2, v11;
	vm2 =	vgt.f32 v11, v2;
	v11 =	vmin.f32 v2, v11  }
0x12f: {  	v18 =	vsel vm1, $0x6, v3;
	vm1 =	vgt.f32 v2, v8;
	v4 =	vmax.f32 v7, v4  }
0x130: {  	v7 =	vmin.f32 v14, v6;
	v3 =	vmul.f32 v5, v0;
	v18 =	vsel vm0, $0x7, v18  }
0x131: {  	vm0 =	vlt.f32 v2, v8;
	v5 =	vmul.f32 v13, v0;
	v8 =	vmul.f32 v16, v0  }
0x132: {  	v6 =	vmul.f32 v15, v0;
	v4 =	vmax.f32 v4, v7;
	v14 =	vmul.f32 v9, v0  }
0x133: {  	v7 =	vsel vm2, $0x0, v18;
	v15 =	vmax.f32 v17, v8;
	v9 =	vmax.f32 v4, v11;
	v4 =	vld [tilespmem:s2+$0x100]  }
0x134: {  	vm2 =	vgt.f32 v8, v17;
	v12 =	vmin.f32 v17, v8;
	v8 =	vld [tilespmem:s2+$0x180];
	v11 =	vmax.f32 v15, v14  }
0x135: {  	s29 =	simm.s32 $0x0;
	vm1 =	vmor vm1, vm0;
	v10 =	vsel vm2, $0x1, v7;
	v13 =	vmax.f32 v11, v5  }
0x136: {  	s30 =	simm.s32 $0x2;
	s31 =	simm.s32 $0xA40;
	s28 =	simm.s32 $0x1;
	vm0 =	vgt.f32 v14, v15;
	v14 =	vmin.f32 v15, v14;
	v7 =	vmax.f32 v13, v6  }
.LBB2_11:
0x137: {  	v15 =	vld [tilespmem:s31+$0xFFFFFE00];
	p0 =	sne.s32 s30, $0x1F;
	vm2 =	vgt.f32 v5, v11;
	v5 =	vmin.f32 v11, v5;
	v11 =	vmin.f32 v13, v6;
	s0 =	smov.u32 s30;
	s30 =	sadd.s32 $0x1, s30  }
0x138: {  	v9 =	vmax.f32 v9, v12;
	vm3 =	vgt.f32 v6, v13;
	v1 =	vsel vm1, s29, v1;
	s29 =	smov.u32 s28;
	v16 =	vld [tilespmem:s31+$0x0];
	s28 =	smov.u32 s0  }
0x139: {  	v6 =	vmax.f32 v9, v14;
	v9 =	vmul.f32 v4, v0;
	v4 =	vld [tilespmem:s31+$0x100];
	v8 =	vmul.f32 v8, v0  }
0x13a: {  	v10 =	vsel vm0, $0x2, v10;
	vm0 =	vgt.f32 v3, v7;
	v5 =	vmax.f32 v6, v5;
	v12 =	vld [tilespmem:s31+$0xFFFFFF00]  }
0x13b: {  	v13 =	vmax.f32 v7, v3;
	v10 =	vsel vm2, $0x3, v10;
	v11 =	vmax.f32 v5, v11;
	v6 =	vld [tilespmem:s31+$0x80]  }
0x13c: {  	v7 =	vmin.f32 v7, v3;
	v5 =	vmul.f32 v15, v0;
	v14 =	vld [tilespmem:s31+$0xFFFFFF80];
	v15 =	vmax.f32 v13, v9  }
0x13d: {  	v3 =	vsel vm3, $0x4, v10;
	v17 =	vld [tilespmem:s31+$0xFFFFFE80];
	vm1 =	vgt.f32 v8, v15;
	v10 =	vmax.f32 v15, v8  }
0x13e: {  	v3 =	vsel vm0, $0x5, v3;
	vm0 =	vgt.f32 v9, v13;
	v18 =	vmax.f32 v10, v5  }
0x13f: {  	vm2 =	vgt.f32 v5, v10;
	v19 =	vmin.f32 v10, v5;
	v5 =	vsel vm0, $0x6, v3  }
0x140: {  	vm0 =	vlt.f32 v10, v2;
	v20 =	vsel vm1, $0x7, v5;
	v3 =	vmul.f32 v6, v0  }
0x141: {  	v9 =	vmin.f32 v13, v9;
	vm1 =	vgt.f32 v10, v2;
	v2 =	vmovc v10;
	v5 =	vmul.f32 v14, v0  }
0x142: {  	v7 =	vmax.f32 v11, v7;
	v6 =	vmul.f32 v16, v0;
	v14 =	vmul.f32 v12, v0  }
0x143: {  	v7 =	vmax.f32 v7, v9;
	v8 =	vmin.f32 v15, v8;
	v10 =	vmul.f32 v17, v0  }
.Ltmp4:
0x144: {  	v7 =	vmax.f32 v7, v8;
	(pc) =	sbr.rel @p0 .LBB2_11-.Ltmp4, $4  }
0x145: {  	v15 =	vsel vm2, $0x0, v20;
	vm2 =	vgt.f32 v10, v18;
	v16 =	vmax.f32 v18, v10  }
0x146: {  	v9 =	vmax.f32 v7, v19;
	vm1 =	vmor vm1, vm0;
	v11 =	vmax.f32 v16, v14;
	v8 =	vld [tilespmem:s31+$0x180]  }
0x147: {  	v12 =	vmin.f32 v18, v10;
	vm0 =	vgt.f32 v14, v16;
	v13 =	vmax.f32 v11, v5  }
0x148: {  	v10 =	vsel vm2, $0x1, v15;
	v14 =	vmin.f32 v16, v14;
	s31 =	sadd.s32 $0x400, s31;
	v7 =	vmax.f32 v13, v6  }
0x149: {  	vm2 =	vgt.f32 v5, v11;
	v5 =	vmin.f32 v11, v5  }
0x14a: {  	v11 =	vmin.f32 v13, v6;
	v9 =	vmax.f32 v9, v12;
	vm3 =	vgt.f32 v6, v13  }
0x14b: {  	v1 =	vsel vm1, s29, v1;
	v4 =	vmul.f32 v4, v0;
	v6 =	vmax.f32 v9, v14  }
0x14c: {  	v0 =	vmul.f32 v8, v0;
	v8 =	vsel vm0, $0x2, v10;
	v5 =	vmax.f32 v6, v5  }
0x14d: {  	vm0 =	vgt.f32 v3, v7;
	v6 =	vsel vm2, $0x3, v8;
	v8 =	vmax.f32 v7, v3  }
0x14e: {  	v5 =	vmax.f32 v5, v11;
	v3 =	vmin.f32 v7, v3;
	v9 =	vmax.f32 v8, v4  }
0x14f: {  	v6 =	vsel vm3, $0x4, v6;
	v10 =	vmin.f32 v8, v4;
	v7 =	vmax.f32 v9, v0  }
0x150: {  	v3 =	vmax.f32 v5, v3;
	v6 =	vsel vm0, $0x5, v6;
	vm0 =	vlt.f32 v7, v2  }
0x151: {  	vm1 =	vgt.f32 v7, v2;
	v2 =	vmax.f32 v3, v10;
	v3 =	vmin.f32 v9, v0  }
0x152: {  	vm2 =	vgt.f32 v4, v8;
	[tilespmem:$0x10400] =	vst v7;
	v2 =	vmax.f32 v2, v3;
	vm0 =	vmor vm1, vm0  }
0x153: {  	vm1 =	vgt.f32 v0, v9;
	v0 =	vsel vm2, $0x6, v6;
	v1 =	vsel vm0, s28, v1;
	[tilespmem:$0x10800] =	vst v2  }
0x154: {  	v0 =	vsel vm1, $0x7, v0;
	[tilespmem:$0x10C00] =	vst v1  }
0x155: {  	[tilespmem:$0x11000] =	vst v0  }
0x156: {  	s0 =	simm.s32 $0x250;
	v0 =	vld [tilespmem:s25+$0x10050]  }
0x157: {  	v1 =	vld [tilespmem:s0+$0xFFFFFE00]  }
0x158: {  	v2 =	vld [tilespmem:s0+$0xFFFFFF00]  }
0x159: {  	v3 =	vld [tilespmem:s0+$0x80]  }
0x15a: {  	v4 =	vld [tilespmem:s0+$0xFFFFFE80]  }
0x15b: {  	v5 =	vld [tilespmem:s0+$0xFFFFFF80]  }
0x15c: {  	v6 =	vld [tilespmem:s0+$0x0];
	_ =	sdelay $0x1  }
0x15d: {  	v7 =	vmul.f32 v1, v0  }
0x15e: {  	v8 =	vimm.f32 $-Inf;
	v3 =	vmul.f32 v3, v0;
	v4 =	vmul.f32 v4, v0  }
0x15f: {  	v1 =	vimm.s32 $0x0;
	v5 =	vmul.f32 v5, v0;
	v2 =	vmul.f32 v2, v0  }
0x160: {  	v6 =	vmul.f32 v6, v0;
	v9 =	vmax.f32 v8, v7;
	vm0 =	vgt.f32 v7, v8  }
0x161: {  	v10 =	vld [tilespmem:s0+$0x100];
	v7 =	vmin.f32 v8, v7;
	v11 =	vsel vm0, $0x0, v1;
	v12 =	vmax.f32 v9, v4  }
0x162: {  	s2 =	simm.s32 $0x650;
	v14 =	vld [tilespmem:s0+$0x180];
	vm0 =	vgt.f32 v4, v9;
	v7 =	vmax.f32 v8, v7;
	v4 =	vmin.f32 v9, v4  }
0x163: {  	v15 =	vld [tilespmem:s2+$0xFFFFFE00];
	v13 =	vmax.f32 v12, v2;
	vm1 =	vgt.f32 v2, v12;
	v11 =	vsel vm0, $0x1, v11  }
0x164: {  	v2 =	vmin.f32 v12, v2;
	v4 =	vmax.f32 v7, v4;
	v9 =	vmax.f32 v13, v5  }
0x165: {  	vm0 =	vgt.f32 v5, v13;
	v5 =	vmin.f32 v13, v5;
	v2 =	vmax.f32 v4, v2  }
0x166: {  	v4 =	vmul.f32 v10, v0;
	v12 =	vmax.f32 v9, v6;
	v7 =	vmin.f32 v9, v6  }
0x167: {  	vm2 =	vgt.f32 v6, v9;
	v6 =	vmul.f32 v14, v0;
	v9 =	vsel vm1, $0x2, v11  }
0x168: {  	v16 =	vld [tilespmem:s2+$0xFFFFFE80];
	v2 =	vmax.f32 v2, v5;
	v11 =	vmul.f32 v15, v0;
	vm1 =	vgt.f32 v3, v12  }
0x169: {  	v13 =	vld [tilespmem:s2+$0xFFFFFF80];
	v10 =	vmax.f32 v12, v3;
	v9 =	vsel vm0, $0x3, v9;
	v7 =	vmax.f32 v2, v7  }
0x16a: {  	v5 =	vld [tilespmem:s2+$0x80];
	v12 =	vmin.f32 v12, v3;
	v14 =	vmax.f32 v10, v4;
	v3 =	vsel vm2, $0x4, v9  }
0x16b: {  	v15 =	vld [tilespmem:s2+$0x0];
	v7 =	vmax.f32 v7, v12;
	v2 =	vmax.f32 v14, v6;
	vm0 =	vgt.f32 v6, v14  }
0x16c: {  	v9 =	vld [tilespmem:s2+$0xFFFFFF00];
	v3 =	vsel vm1, $0x5, v3;
	vm1 =	vgt.f32 v4, v10;
	v4 =	vmin.f32 v10, v4  }
0x16d: {  	v17 =	vmax.f32 v2, v11;
	vm2 =	vgt.f32 v11, v2;
	v11 =	vmin.f32 v2, v11  }
0x16e: {  	v18 =	vsel vm1, $0x6, v3;
	vm1 =	vgt.f32 v2, v8;
	v4 =	vmax.f32 v7, v4  }
0x16f: {  	v7 =	vmin.f32 v14, v6;
	v3 =	vmul.f32 v5, v0;
	v18 =	vsel vm0, $0x7, v18  }
0x170: {  	vm0 =	vlt.f32 v2, v8;
	v5 =	vmul.f32 v13, v0;
	v8 =	vmul.f32 v16, v0  }
0x171: {  	v6 =	vmul.f32 v15, v0;
	v4 =	vmax.f32 v4, v7;
	v14 =	vmul.f32 v9, v0  }
0x172: {  	v7 =	vsel vm2, $0x0, v18;
	v15 =	vmax.f32 v17, v8;
	v9 =	vmax.f32 v4, v11;
	v4 =	vld [tilespmem:s2+$0x100]  }
0x173: {  	vm2 =	vgt.f32 v8, v17;
	v12 =	vmin.f32 v17, v8;
	v8 =	vld [tilespmem:s2+$0x180];
	v11 =	vmax.f32 v15, v14  }
0x174: {  	s29 =	simm.s32 $0x0;
	vm1 =	vmor vm1, vm0;
	v10 =	vsel vm2, $0x1, v7;
	v13 =	vmax.f32 v11, v5  }
0x175: {  	s30 =	simm.s32 $0x2;
	s31 =	simm.s32 $0xA50;
	s28 =	simm.s32 $0x1;
	vm0 =	vgt.f32 v14, v15;
	v14 =	vmin.f32 v15, v14;
	v7 =	vmax.f32 v13, v6  }
.LBB2_13:
0x176: {  	v15 =	vld [tilespmem:s31+$0xFFFFFE00];
	p0 =	sne.s32 s30, $0x1F;
	vm2 =	vgt.f32 v5, v11;
	v5 =	vmin.f32 v11, v5;
	v11 =	vmin.f32 v13, v6;
	s0 =	smov.u32 s30;
	s30 =	sadd.s32 $0x1, s30  }
0x177: {  	v9 =	vmax.f32 v9, v12;
	vm3 =	vgt.f32 v6, v13;
	v1 =	vsel vm1, s29, v1;
	s29 =	smov.u32 s28;
	v16 =	vld [tilespmem:s31+$0x0];
	s28 =	smov.u32 s0  }
0x178: {  	v6 =	vmax.f32 v9, v14;
	v9 =	vmul.f32 v4, v0;
	v4 =	vld [tilespmem:s31+$0x100];
	v8 =	vmul.f32 v8, v0  }
0x179: {  	v10 =	vsel vm0, $0x2, v10;
	vm0 =	vgt.f32 v3, v7;
	v5 =	vmax.f32 v6, v5;
	v12 =	vld [tilespmem:s31+$0xFFFFFF00]  }
0x17a: {  	v13 =	vmax.f32 v7, v3;
	v10 =	vsel vm2, $0x3, v10;
	v11 =	vmax.f32 v5, v11;
	v6 =	vld [tilespmem:s31+$0x80]  }
0x17b: {  	v7 =	vmin.f32 v7, v3;
	v5 =	vmul.f32 v15, v0;
	v14 =	vld [tilespmem:s31+$0xFFFFFF80];
	v15 =	vmax.f32 v13, v9  }
0x17c: {  	v3 =	vsel vm3, $0x4, v10;
	v17 =	vld [tilespmem:s31+$0xFFFFFE80];
	vm1 =	vgt.f32 v8, v15;
	v10 =	vmax.f32 v15, v8  }
0x17d: {  	v3 =	vsel vm0, $0x5, v3;
	vm0 =	vgt.f32 v9, v13;
	v18 =	vmax.f32 v10, v5  }
0x17e: {  	vm2 =	vgt.f32 v5, v10;
	v19 =	vmin.f32 v10, v5;
	v5 =	vsel vm0, $0x6, v3  }
0x17f: {  	vm0 =	vlt.f32 v10, v2;
	v20 =	vsel vm1, $0x7, v5;
	v3 =	vmul.f32 v6, v0  }
0x180: {  	v9 =	vmin.f32 v13, v9;
	vm1 =	vgt.f32 v10, v2;
	v2 =	vmovc v10;
	v5 =	vmul.f32 v14, v0  }
0x181: {  	v7 =	vmax.f32 v11, v7;
	v6 =	vmul.f32 v16, v0;
	v14 =	vmul.f32 v12, v0  }
0x182: {  	v7 =	vmax.f32 v7, v9;
	v8 =	vmin.f32 v15, v8;
	v10 =	vmul.f32 v17, v0  }
.Ltmp5:
0x183: {  	v7 =	vmax.f32 v7, v8;
	(pc) =	sbr.rel @p0 .LBB2_13-.Ltmp5, $4  }
0x184: {  	v15 =	vsel vm2, $0x0, v20;
	vm2 =	vgt.f32 v10, v18;
	v16 =	vmax.f32 v18, v10  }
0x185: {  	v9 =	vmax.f32 v7, v19;
	vm1 =	vmor vm1, vm0;
	v11 =	vmax.f32 v16, v14;
	v8 =	vld [tilespmem:s31+$0x180]  }
0x186: {  	v12 =	vmin.f32 v18, v10;
	vm0 =	vgt.f32 v14, v16;
	v13 =	vmax.f32 v11, v5  }
0x187: {  	v10 =	vsel vm2, $0x1, v15;
	v14 =	vmin.f32 v16, v14;
	s31 =	sadd.s32 $0x400, s31;
	v7 =	vmax.f32 v13, v6  }
0x188: {  	vm2 =	vgt.f32 v5, v11;
	v5 =	vmin.f32 v11, v5  }
0x189: {  	v11 =	vmin.f32 v13, v6;
	v9 =	vmax.f32 v9, v12;
	vm3 =	vgt.f32 v6, v13  }
0x18a: {  	v1 =	vsel vm1, s29, v1;
	v4 =	vmul.f32 v4, v0;
	v6 =	vmax.f32 v9, v14  }
0x18b: {  	v0 =	vmul.f32 v8, v0;
	v8 =	vsel vm0, $0x2, v10;
	v5 =	vmax.f32 v6, v5  }
0x18c: {  	vm0 =	vgt.f32 v3, v7;
	v6 =	vsel vm2, $0x3, v8;
	v8 =	vmax.f32 v7, v3  }
0x18d: {  	v5 =	vmax.f32 v5, v11;
	v3 =	vmin.f32 v7, v3;
	v9 =	vmax.f32 v8, v4  }
0x18e: {  	v6 =	vsel vm3, $0x4, v6;
	v10 =	vmin.f32 v8, v4;
	v7 =	vmax.f32 v9, v0  }
0x18f: {  	v3 =	vmax.f32 v5, v3;
	v6 =	vsel vm0, $0x5, v6;
	vm0 =	vlt.f32 v7, v2  }
0x190: {  	vm1 =	vgt.f32 v7, v2;
	v2 =	vmax.f32 v3, v10;
	v3 =	vmin.f32 v9, v0  }
0x191: {  	vm2 =	vgt.f32 v4, v8;
	[tilespmem:$0x10480] =	vst v7;
	v2 =	vmax.f32 v2, v3;
	vm0 =	vmor vm1, vm0  }
0x192: {  	vm1 =	vgt.f32 v0, v9;
	v0 =	vsel vm2, $0x6, v6;
	v1 =	vsel vm0, s28, v1;
	[tilespmem:$0x10880] =	vst v2  }
0x193: {  	v0 =	vsel vm1, $0x7, v0;
	[tilespmem:$0x10C80] =	vst v1  }
0x194: {  	[tilespmem:$0x11080] =	vst v0  }
0x195: {  	s0 =	simm.s32 $0x260;
	v0 =	vld [tilespmem:s25+$0x10060]  }
0x196: {  	v1 =	vld [tilespmem:s0+$0xFFFFFE00]  }
0x197: {  	v2 =	vld [tilespmem:s0+$0xFFFFFF00]  }
0x198: {  	v3 =	vld [tilespmem:s0+$0x80]  }
0x199: {  	v4 =	vld [tilespmem:s0+$0xFFFFFE80]  }
0x19a: {  	v5 =	vld [tilespmem:s0+$0xFFFFFF80]  }
0x19b: {  	v6 =	vld [tilespmem:s0+$0x0];
	_ =	sdelay $0x1  }
0x19c: {  	v7 =	vmul.f32 v1, v0  }
0x19d: {  	v8 =	vimm.f32 $-Inf;
	v3 =	vmul.f32 v3, v0;
	v4 =	vmul.f32 v4, v0  }
0x19e: {  	v1 =	vimm.s32 $0x0;
	v5 =	vmul.f32 v5, v0;
	v2 =	vmul.f32 v2, v0  }
0x19f: {  	v6 =	vmul.f32 v6, v0;
	v9 =	vmax.f32 v8, v7;
	vm0 =	vgt.f32 v7, v8  }
0x1a0: {  	v10 =	vld [tilespmem:s0+$0x100];
	v7 =	vmin.f32 v8, v7;
	v11 =	vsel vm0, $0x0, v1;
	v12 =	vmax.f32 v9, v4  }
0x1a1: {  	s2 =	simm.s32 $0x660;
	v14 =	vld [tilespmem:s0+$0x180];
	vm0 =	vgt.f32 v4, v9;
	v7 =	vmax.f32 v8, v7;
	v4 =	vmin.f32 v9, v4  }
0x1a2: {  	v15 =	vld [tilespmem:s2+$0xFFFFFE00];
	v13 =	vmax.f32 v12, v2;
	vm1 =	vgt.f32 v2, v12;
	v11 =	vsel vm0, $0x1, v11  }
0x1a3: {  	v2 =	vmin.f32 v12, v2;
	v4 =	vmax.f32 v7, v4;
	v9 =	vmax.f32 v13, v5  }
0x1a4: {  	vm0 =	vgt.f32 v5, v13;
	v5 =	vmin.f32 v13, v5;
	v2 =	vmax.f32 v4, v2  }
0x1a5: {  	v4 =	vmul.f32 v10, v0;
	v12 =	vmax.f32 v9, v6;
	v7 =	vmin.f32 v9, v6  }
0x1a6: {  	vm2 =	vgt.f32 v6, v9;
	v6 =	vmul.f32 v14, v0;
	v9 =	vsel vm1, $0x2, v11  }
0x1a7: {  	v16 =	vld [tilespmem:s2+$0xFFFFFE80];
	v2 =	vmax.f32 v2, v5;
	v11 =	vmul.f32 v15, v0;
	vm1 =	vgt.f32 v3, v12  }
0x1a8: {  	v13 =	vld [tilespmem:s2+$0xFFFFFF80];
	v10 =	vmax.f32 v12, v3;
	v9 =	vsel vm0, $0x3, v9;
	v7 =	vmax.f32 v2, v7  }
0x1a9: {  	v5 =	vld [tilespmem:s2+$0x80];
	v12 =	vmin.f32 v12, v3;
	v14 =	vmax.f32 v10, v4;
	v3 =	vsel vm2, $0x4, v9  }
0x1aa: {  	v15 =	vld [tilespmem:s2+$0x0];
	v7 =	vmax.f32 v7, v12;
	v2 =	vmax.f32 v14, v6;
	vm0 =	vgt.f32 v6, v14  }
0x1ab: {  	v9 =	vld [tilespmem:s2+$0xFFFFFF00];
	v3 =	vsel vm1, $0x5, v3;
	vm1 =	vgt.f32 v4, v10;
	v4 =	vmin.f32 v10, v4  }
0x1ac: {  	v17 =	vmax.f32 v2, v11;
	vm2 =	vgt.f32 v11, v2;
	v11 =	vmin.f32 v2, v11  }
0x1ad: {  	v18 =	vsel vm1, $0x6, v3;
	vm1 =	vgt.f32 v2, v8;
	v4 =	vmax.f32 v7, v4  }
0x1ae: {  	v7 =	vmin.f32 v14, v6;
	v3 =	vmul.f32 v5, v0;
	v18 =	vsel vm0, $0x7, v18  }
0x1af: {  	vm0 =	vlt.f32 v2, v8;
	v5 =	vmul.f32 v13, v0;
	v8 =	vmul.f32 v16, v0  }
0x1b0: {  	v6 =	vmul.f32 v15, v0;
	v4 =	vmax.f32 v4, v7;
	v14 =	vmul.f32 v9, v0  }
0x1b1: {  	v7 =	vsel vm2, $0x0, v18;
	v15 =	vmax.f32 v17, v8;
	v9 =	vmax.f32 v4, v11;
	v4 =	vld [tilespmem:s2+$0x100]  }
0x1b2: {  	vm2 =	vgt.f32 v8, v17;
	v12 =	vmin.f32 v17, v8;
	v8 =	vld [tilespmem:s2+$0x180];
	v11 =	vmax.f32 v15, v14  }
0x1b3: {  	s29 =	simm.s32 $0x0;
	vm1 =	vmor vm1, vm0;
	v10 =	vsel vm2, $0x1, v7;
	v13 =	vmax.f32 v11, v5  }
0x1b4: {  	s30 =	simm.s32 $0x2;
	s31 =	simm.s32 $0xA60;
	s28 =	simm.s32 $0x1;
	vm0 =	vgt.f32 v14, v15;
	v14 =	vmin.f32 v15, v14;
	v7 =	vmax.f32 v13, v6  }
.LBB2_15:
0x1b5: {  	v15 =	vld [tilespmem:s31+$0xFFFFFE00];
	p0 =	sne.s32 s30, $0x1F;
	vm2 =	vgt.f32 v5, v11;
	v5 =	vmin.f32 v11, v5;
	v11 =	vmin.f32 v13, v6;
	s0 =	smov.u32 s30;
	s30 =	sadd.s32 $0x1, s30  }
0x1b6: {  	v9 =	vmax.f32 v9, v12;
	vm3 =	vgt.f32 v6, v13;
	v1 =	vsel vm1, s29, v1;
	s29 =	smov.u32 s28;
	v16 =	vld [tilespmem:s31+$0x0];
	s28 =	smov.u32 s0  }
0x1b7: {  	v6 =	vmax.f32 v9, v14;
	v9 =	vmul.f32 v4, v0;
	v4 =	vld [tilespmem:s31+$0x100];
	v8 =	vmul.f32 v8, v0  }
0x1b8: {  	v10 =	vsel vm0, $0x2, v10;
	vm0 =	vgt.f32 v3, v7;
	v5 =	vmax.f32 v6, v5;
	v12 =	vld [tilespmem:s31+$0xFFFFFF00]  }
0x1b9: {  	v13 =	vmax.f32 v7, v3;
	v10 =	vsel vm2, $0x3, v10;
	v11 =	vmax.f32 v5, v11;
	v6 =	vld [tilespmem:s31+$0x80]  }
0x1ba: {  	v7 =	vmin.f32 v7, v3;
	v5 =	vmul.f32 v15, v0;
	v14 =	vld [tilespmem:s31+$0xFFFFFF80];
	v15 =	vmax.f32 v13, v9  }
0x1bb: {  	v3 =	vsel vm3, $0x4, v10;
	v17 =	vld [tilespmem:s31+$0xFFFFFE80];
	vm1 =	vgt.f32 v8, v15;
	v10 =	vmax.f32 v15, v8  }
0x1bc: {  	v3 =	vsel vm0, $0x5, v3;
	vm0 =	vgt.f32 v9, v13;
	v18 =	vmax.f32 v10, v5  }
0x1bd: {  	vm2 =	vgt.f32 v5, v10;
	v19 =	vmin.f32 v10, v5;
	v5 =	vsel vm0, $0x6, v3  }
0x1be: {  	vm0 =	vlt.f32 v10, v2;
	v20 =	vsel vm1, $0x7, v5;
	v3 =	vmul.f32 v6, v0  }
0x1bf: {  	v9 =	vmin.f32 v13, v9;
	vm1 =	vgt.f32 v10, v2;
	v2 =	vmovc v10;
	v5 =	vmul.f32 v14, v0  }
0x1c0: {  	v7 =	vmax.f32 v11, v7;
	v6 =	vmul.f32 v16, v0;
	v14 =	vmul.f32 v12, v0  }
0x1c1: {  	v7 =	vmax.f32 v7, v9;
	v8 =	vmin.f32 v15, v8;
	v10 =	vmul.f32 v17, v0  }
.Ltmp6:
0x1c2: {  	v7 =	vmax.f32 v7, v8;
	(pc) =	sbr.rel @p0 .LBB2_15-.Ltmp6, $4  }
0x1c3: {  	v15 =	vsel vm2, $0x0, v20;
	vm2 =	vgt.f32 v10, v18;
	v16 =	vmax.f32 v18, v10  }
0x1c4: {  	v9 =	vmax.f32 v7, v19;
	vm1 =	vmor vm1, vm0;
	v11 =	vmax.f32 v16, v14;
	v8 =	vld [tilespmem:s31+$0x180]  }
0x1c5: {  	v12 =	vmin.f32 v18, v10;
	vm0 =	vgt.f32 v14, v16;
	v13 =	vmax.f32 v11, v5  }
0x1c6: {  	v10 =	vsel vm2, $0x1, v15;
	v14 =	vmin.f32 v16, v14;
	s31 =	sadd.s32 $0x400, s31;
	v7 =	vmax.f32 v13, v6  }
0x1c7: {  	vm2 =	vgt.f32 v5, v11;
	v5 =	vmin.f32 v11, v5  }
0x1c8: {  	v11 =	vmin.f32 v13, v6;
	v9 =	vmax.f32 v9, v12;
	vm3 =	vgt.f32 v6, v13  }
0x1c9: {  	v1 =	vsel vm1, s29, v1;
	v4 =	vmul.f32 v4, v0;
	v6 =	vmax.f32 v9, v14  }
0x1ca: {  	v0 =	vmul.f32 v8, v0;
	v8 =	vsel vm0, $0x2, v10;
	v5 =	vmax.f32 v6, v5  }
0x1cb: {  	vm0 =	vgt.f32 v3, v7;
	v6 =	vsel vm2, $0x3, v8;
	v8 =	vmax.f32 v7, v3  }
0x1cc: {  	v5 =	vmax.f32 v5, v11;
	v3 =	vmin.f32 v7, v3;
	v9 =	vmax.f32 v8, v4  }
0x1cd: {  	v6 =	vsel vm3, $0x4, v6;
	v10 =	vmin.f32 v8, v4;
	v7 =	vmax.f32 v9, v0  }
0x1ce: {  	v3 =	vmax.f32 v5, v3;
	v6 =	vsel vm0, $0x5, v6;
	vm0 =	vlt.f32 v7, v2  }
0x1cf: {  	vm1 =	vgt.f32 v7, v2;
	v2 =	vmax.f32 v3, v10;
	v3 =	vmin.f32 v9, v0  }
0x1d0: {  	vm2 =	vgt.f32 v4, v8;
	[tilespmem:$0x10500] =	vst v7;
	v2 =	vmax.f32 v2, v3;
	vm0 =	vmor vm1, vm0  }
0x1d1: {  	vm1 =	vgt.f32 v0, v9;
	v0 =	vsel vm2, $0x6, v6;
	v1 =	vsel vm0, s28, v1;
	[tilespmem:$0x10900] =	vst v2  }
0x1d2: {  	v0 =	vsel vm1, $0x7, v0;
	[tilespmem:$0x10D00] =	vst v1  }
0x1d3: {  	[tilespmem:$0x11100] =	vst v0  }
0x1d4: {  	s0 =	simm.s32 $0x270;
	v0 =	vld [tilespmem:s25+$0x10070]  }
0x1d5: {  	v1 =	vld [tilespmem:s0+$0xFFFFFE00]  }
0x1d6: {  	v2 =	vld [tilespmem:s0+$0xFFFFFF00]  }
0x1d7: {  	v3 =	vld [tilespmem:s0+$0x80]  }
0x1d8: {  	v4 =	vld [tilespmem:s0+$0xFFFFFE80]  }
0x1d9: {  	v5 =	vld [tilespmem:s0+$0xFFFFFF80]  }
0x1da: {  	v6 =	vld [tilespmem:s0+$0x0];
	_ =	sdelay $0x1  }
0x1db: {  	v7 =	vmul.f32 v1, v0  }
0x1dc: {  	v8 =	vimm.f32 $-Inf;
	v3 =	vmul.f32 v3, v0;
	v4 =	vmul.f32 v4, v0  }
0x1dd: {  	v1 =	vimm.s32 $0x0;
	v5 =	vmul.f32 v5, v0;
	v2 =	vmul.f32 v2, v0  }
0x1de: {  	v6 =	vmul.f32 v6, v0;
	v9 =	vmax.f32 v8, v7;
	vm0 =	vgt.f32 v7, v8  }
0x1df: {  	v10 =	vld [tilespmem:s0+$0x100];
	v7 =	vmin.f32 v8, v7;
	v11 =	vsel vm0, $0x0, v1;
	v12 =	vmax.f32 v9, v4  }
0x1e0: {  	s2 =	simm.s32 $0x670;
	v14 =	vld [tilespmem:s0+$0x180];
	vm0 =	vgt.f32 v4, v9;
	v7 =	vmax.f32 v8, v7;
	v4 =	vmin.f32 v9, v4  }
0x1e1: {  	v15 =	vld [tilespmem:s2+$0xFFFFFE00];
	v13 =	vmax.f32 v12, v2;
	vm1 =	vgt.f32 v2, v12;
	v11 =	vsel vm0, $0x1, v11  }
0x1e2: {  	v2 =	vmin.f32 v12, v2;
	v4 =	vmax.f32 v7, v4;
	v9 =	vmax.f32 v13, v5  }
0x1e3: {  	vm0 =	vgt.f32 v5, v13;
	v5 =	vmin.f32 v13, v5;
	v2 =	vmax.f32 v4, v2  }
0x1e4: {  	v4 =	vmul.f32 v10, v0;
	v12 =	vmax.f32 v9, v6;
	v7 =	vmin.f32 v9, v6  }
0x1e5: {  	vm2 =	vgt.f32 v6, v9;
	v6 =	vmul.f32 v14, v0;
	v9 =	vsel vm1, $0x2, v11  }
0x1e6: {  	v16 =	vld [tilespmem:s2+$0xFFFFFE80];
	v2 =	vmax.f32 v2, v5;
	v11 =	vmul.f32 v15, v0;
	vm1 =	vgt.f32 v3, v12  }
0x1e7: {  	v13 =	vld [tilespmem:s2+$0xFFFFFF80];
	v10 =	vmax.f32 v12, v3;
	v9 =	vsel vm0, $0x3, v9;
	v7 =	vmax.f32 v2, v7  }
0x1e8: {  	v5 =	vld [tilespmem:s2+$0x80];
	v12 =	vmin.f32 v12, v3;
	v14 =	vmax.f32 v10, v4;
	v3 =	vsel vm2, $0x4, v9  }
0x1e9: {  	v15 =	vld [tilespmem:s2+$0x0];
	v7 =	vmax.f32 v7, v12;
	v2 =	vmax.f32 v14, v6;
	vm0 =	vgt.f32 v6, v14  }
0x1ea: {  	v9 =	vld [tilespmem:s2+$0xFFFFFF00];
	v3 =	vsel vm1, $0x5, v3;
	vm1 =	vgt.f32 v4, v10;
	v4 =	vmin.f32 v10, v4  }
0x1eb: {  	v17 =	vmax.f32 v2, v11;
	vm2 =	vgt.f32 v11, v2;
	v11 =	vmin.f32 v2, v11  }
0x1ec: {  	v18 =	vsel vm1, $0x6, v3;
	vm1 =	vgt.f32 v2, v8;
	v4 =	vmax.f32 v7, v4  }
0x1ed: {  	v7 =	vmin.f32 v14, v6;
	v3 =	vmul.f32 v5, v0;
	v18 =	vsel vm0, $0x7, v18  }
0x1ee: {  	vm0 =	vlt.f32 v2, v8;
	v5 =	vmul.f32 v13, v0;
	v8 =	vmul.f32 v16, v0  }
0x1ef: {  	v6 =	vmul.f32 v15, v0;
	v4 =	vmax.f32 v4, v7;
	v14 =	vmul.f32 v9, v0  }
0x1f0: {  	v7 =	vsel vm2, $0x0, v18;
	v15 =	vmax.f32 v17, v8;
	v9 =	vmax.f32 v4, v11;
	v4 =	vld [tilespmem:s2+$0x100]  }
0x1f1: {  	vm2 =	vgt.f32 v8, v17;
	v12 =	vmin.f32 v17, v8;
	v8 =	vld [tilespmem:s2+$0x180];
	v11 =	vmax.f32 v15, v14  }
0x1f2: {  	s29 =	simm.s32 $0x0;
	vm1 =	vmor vm1, vm0;
	v10 =	vsel vm2, $0x1, v7;
	v13 =	vmax.f32 v11, v5  }
0x1f3: {  	s30 =	simm.s32 $0x2;
	s31 =	simm.s32 $0xA70;
	s28 =	simm.s32 $0x1;
	vm0 =	vgt.f32 v14, v15;
	v14 =	vmin.f32 v15, v14;
	v7 =	vmax.f32 v13, v6  }
.LBB2_17:
0x1f4: {  	v15 =	vld [tilespmem:s31+$0xFFFFFE00];
	p0 =	sne.s32 s30, $0x1F;
	vm2 =	vgt.f32 v5, v11;
	v5 =	vmin.f32 v11, v5;
	v11 =	vmin.f32 v13, v6;
	s0 =	smov.u32 s30;
	s30 =	sadd.s32 $0x1, s30  }
0x1f5: {  	v9 =	vmax.f32 v9, v12;
	vm3 =	vgt.f32 v6, v13;
	v1 =	vsel vm1, s29, v1;
	s29 =	smov.u32 s28;
	v16 =	vld [tilespmem:s31+$0x0];
	s28 =	smov.u32 s0  }
0x1f6: {  	v6 =	vmax.f32 v9, v14;
	v9 =	vmul.f32 v4, v0;
	v4 =	vld [tilespmem:s31+$0x100];
	v8 =	vmul.f32 v8, v0  }
0x1f7: {  	v10 =	vsel vm0, $0x2, v10;
	vm0 =	vgt.f32 v3, v7;
	v5 =	vmax.f32 v6, v5;
	v12 =	vld [tilespmem:s31+$0xFFFFFF00]  }
0x1f8: {  	v13 =	vmax.f32 v7, v3;
	v10 =	vsel vm2, $0x3, v10;
	v11 =	vmax.f32 v5, v11;
	v6 =	vld [tilespmem:s31+$0x80]  }
0x1f9: {  	v7 =	vmin.f32 v7, v3;
	v5 =	vmul.f32 v15, v0;
	v14 =	vld [tilespmem:s31+$0xFFFFFF80];
	v15 =	vmax.f32 v13, v9  }
0x1fa: {  	v3 =	vsel vm3, $0x4, v10;
	v17 =	vld [tilespmem:s31+$0xFFFFFE80];
	vm1 =	vgt.f32 v8, v15;
	v10 =	vmax.f32 v15, v8  }
0x1fb: {  	v3 =	vsel vm0, $0x5, v3;
	vm0 =	vgt.f32 v9, v13;
	v18 =	vmax.f32 v10, v5  }
0x1fc: {  	vm2 =	vgt.f32 v5, v10;
	v19 =	vmin.f32 v10, v5;
	v5 =	vsel vm0, $0x6, v3  }
0x1fd: {  	vm0 =	vlt.f32 v10, v2;
	v20 =	vsel vm1, $0x7, v5;
	v3 =	vmul.f32 v6, v0  }
0x1fe: {  	v9 =	vmin.f32 v13, v9;
	vm1 =	vgt.f32 v10, v2;
	v2 =	vmovc v10;
	v5 =	vmul.f32 v14, v0  }
0x1ff: {  	v7 =	vmax.f32 v11, v7;
	v6 =	vmul.f32 v16, v0;
	v14 =	vmul.f32 v12, v0  }
0x200: {  	v7 =	vmax.f32 v7, v9;
	v8 =	vmin.f32 v15, v8;
	v10 =	vmul.f32 v17, v0  }
.Ltmp7:
0x201: {  	v7 =	vmax.f32 v7, v8;
	(pc) =	sbr.rel @p0 .LBB2_17-.Ltmp7, $4  }
0x202: {  	v15 =	vsel vm2, $0x0, v20;
	vm2 =	vgt.f32 v10, v18;
	v16 =	vmax.f32 v18, v10  }
0x203: {  	v9 =	vmax.f32 v7, v19;
	vm1 =	vmor vm1, vm0;
	v11 =	vmax.f32 v16, v14;
	v8 =	vld [tilespmem:s31+$0x180]  }
0x204: {  	v12 =	vmin.f32 v18, v10;
	vm0 =	vgt.f32 v14, v16;
	v13 =	vmax.f32 v11, v5  }
0x205: {  	v10 =	vsel vm2, $0x1, v15;
	v14 =	vmin.f32 v16, v14;
	s31 =	sadd.s32 $0x400, s31;
	v7 =	vmax.f32 v13, v6  }
0x206: {  	vm2 =	vgt.f32 v5, v11;
	v5 =	vmin.f32 v11, v5  }
0x207: {  	v11 =	vmin.f32 v13, v6;
	v9 =	vmax.f32 v9, v12;
	vm3 =	vgt.f32 v6, v13  }
0x208: {  	v1 =	vsel vm1, s29, v1;
	v4 =	vmul.f32 v4, v0;
	v6 =	vmax.f32 v9, v14  }
0x209: {  	v0 =	vmul.f32 v8, v0;
	v8 =	vsel vm0, $0x2, v10;
	v5 =	vmax.f32 v6, v5  }
0x20a: {  	vm0 =	vgt.f32 v3, v7;
	v6 =	vsel vm2, $0x3, v8;
	v8 =	vmax.f32 v7, v3  }
0x20b: {  	v5 =	vmax.f32 v5, v11;
	v3 =	vmin.f32 v7, v3;
	v9 =	vmax.f32 v8, v4  }
0x20c: {  	v6 =	vsel vm3, $0x4, v6;
	v10 =	vmin.f32 v8, v4;
	v7 =	vmax.f32 v9, v0  }
0x20d: {  	v3 =	vmax.f32 v5, v3;
	v6 =	vsel vm0, $0x5, v6;
	vm0 =	vlt.f32 v7, v2  }
0x20e: {  	vm1 =	vgt.f32 v7, v2;
	v2 =	vmax.f32 v3, v10;
	v3 =	vmin.f32 v9, v0  }
0x20f: {  	vm2 =	vgt.f32 v4, v8;
	[tilespmem:$0x10580] =	vst v7;
	v2 =	vmax.f32 v2, v3;
	vm0 =	vmor vm1, vm0  }
0x210: {  	vm1 =	vgt.f32 v0, v9;
	v0 =	vsel vm2, $0x6, v6;
	v1 =	vsel vm0, s28, v1;
	[tilespmem:$0x10980] =	vst v2  }
0x211: {  	v0 =	vsel vm1, $0x7, v0;
	[tilespmem:$0x10D80] =	vst v1  }
0x212: {  	p0 =	seq.s32 s24, $0xB;
	[tilespmem:$0x11180] =	vst v0  }
0x213: {  	s0 =	sadd.s32 @!p0 s7, s26;
	s26 =	simm.s32 @!p0 $0x400;
	_ =	swait.ge [sflag:s17], $0x8000  }
0x214: {  	s29 =	simm.s32 @!p0 $0x0;
	s0 =	sshrl.u32 @!p0 s0, $0x3;
	[sflag:s17] =	ssyncset.done $0x0  }
0x215: {  	s0 =	sadd.s32 @!p0 s1, s0;
	s28 =	simm.s32 @!p0 $0x8000;
	[sflag:s17] =	ssyncadd.s32 $0xFFFF8000  }
0x216: {  	[tilespmem:s29], [sflag:$0x1] =	stream.strided.gather @!p0 [hbm4b:s0+s26], $0x8000, s28, s26, $0x38;
	[tilespmem:$0x12600] =	vst v63  }
0x217: {  	v0 =	vld [tilespmem:s25+$0x10000]  }
0x218: {  	s29 =	simm.s32 $0x0;
	v5 =	vld [tilespmem:$0x10200]  }
0x219: {  	v1 =	vld [tilespmem:s29+$0x8180]  }
0x21a: {  	v2 =	vld [tilespmem:s29+$0x8100]  }
0x21b: {  	v3 =	vld [tilespmem:s29+$0x8080]  }
0x21c: {  	v4 =	vld [tilespmem:s29+$0x8000]  }
0x21d: {  	v6 =	vld [tilespmem:s29+$0x8200]  }
0x21e: {  	v7 =	vld [tilespmem:s29+$0x8280]  }
0x21f: {  	v8 =	vld [tilespmem:s29+$0x8380]  }
0x220: {  	v9 =	vld [tilespmem:s29+$0x8300];
	_ =	sdelay $0x1  }
0x221: {  	v10 =	vld [tilespmem:$0x10600];
	v4 =	vmul.f32 v4, v0;
	v2 =	vmul.f32 v2, v0  }
0x222: {  	s31 =	simm.s32 $0x400;
	v3 =	vmul.f32 v3, v0;
	v1 =	vmul.f32 v1, v0  }
0x223: {  	v16 =	vld [tilespmem:s31+$0x8180];
	v6 =	vmul.f32 v6, v0;
	v12 =	vmul.f32 v7, v0  }
0x224: {  	v8 =	vmul.f32 v8, v0;
	v19 =	vmul.f32 v9, v0;
	v11 =	vmax.f32 v5, v4  }
0x225: {  	v13 =	vld [tilespmem:$0x10E00];
	vm0 =	vgt.f32 v4, v5;
	v4 =	vmin.f32 v5, v4;
	v7 =	vmax.f32 v11, v3  }
0x226: {  	v20 =	vld [tilespmem:s31+$0x8080];
	v14 =	vmin.f32 v11, v3;
	v4 =	vmax.f32 v10, v4;
	vm1 =	vgt.f32 v3, v11  }
0x227: {  	v15 =	vmax.f32 v7, v2;
	v4 =	vmax.f32 v4, v14;
	v14 =	vmin.f32 v7, v2  }
0x228: {  	v18 =	vld [tilespmem:s31+$0x8100];
	vm2 =	vgt.f32 v2, v7;
	v7 =	vmul.f32 v16, v0;
	v9 =	vmax.f32 v15, v1  }
0x229: {  	v11 =	vld [tilespmem:s31+$0x8000];
	v10 =	vmin.f32 v15, v1;
	v3 =	vmax.f32 v4, v14;
	vm3 =	vgt.f32 v1, v15  }
0x22a: {  	v17 =	vmax.f32 v9, v6;
	v4 =	vmin.f32 v9, v6;
	v1 =	vmax.f32 v3, v10  }
0x22b: {  	v2 =	vld [tilespmem:s31+$0x8200];
	v3 =	vsel vm0, $0x0, v13;
	vm0 =	vgt.f32 v6, v9;
	v9 =	vmul.f32 v20, v0  }
0x22c: {  	v1 =	vmax.f32 v1, v4;
	v3 =	vsel vm1, $0x1, v3;
	v6 =	vmin.f32 v17, v12  }
0x22d: {  	v10 =	vld [tilespmem:s31+$0x8280];
	v4 =	vmul.f32 v18, v0;
	v15 =	vmax.f32 v17, v12;
	v3 =	vsel vm2, $0x2, v3  }
0x22e: {  	v13 =	vld [tilespmem:s31+$0x8380];
	vm2 =	vgt.f32 v12, v17;
	v1 =	vmax.f32 v1, v6;
	v11 =	vmul.f32 v11, v0  }
0x22f: {  	v12 =	vmin.f32 v15, v19;
	v16 =	vmax.f32 v15, v19;
	v14 =	vsel vm3, $0x3, v3  }
0x230: {  	v6 =	vmul.f32 v2, v0;
	v17 =	vmax.f32 v16, v8;
	vm3 =	vgt.f32 v19, v15  }
0x231: {  	v2 =	vld [tilespmem:s31+$0x8300];
	v20 =	vsel vm0, $0x4, v14;
	vm0 =	vgt.f32 v8, v16;
	v8 =	vmin.f32 v16, v8  }
0x232: {  	v3 =	vmul.f32 v10, v0;
	v10 =	vmax.f32 v1, v12;
	v12 =	vmax.f32 v17, v11  }
0x233: {  	vm1 =	vgt.f32 v11, v17;
	v1 =	vmul.f32 v13, v0;
	v13 =	vmax.f32 v12, v9  }
0x234: {  	vm4 =	vlt.f32 v17, v5;
	v18 =	vmax.f32 v10, v8;
	v8 =	vld [tilespmem:$0x10A00];
	v14 =	vmax.f32 v13, v4  }
0x235: {  	v19 =	vsel vm2, $0x5, v20;
	vm2 =	vgt.f32 v17, v5;
	v15 =	vmax.f32 v14, v7  }
0x236: {  	s30 =	simm.s32 $0x2000;
	s26 =	simm.s32 $0x20;
	s28 =	simm.s32 $0x20;
	v5 =	vmovc v17;
	v16 =	vmin.f32 v12, v9;
	v2 =	vmul.f32 v2, v0;
	v10 =	vmax.f32 v15, v6  }
.LBB2_19:
0x237: {  	s29 =	smov.u32 s30  }
0x238: {  	s0 =	sshra.s32 s30, $0x2;
	v11 =	vmin.f32 v17, v11;
	v17 =	vsel vm3, $0x6, v19;
	vm2 =	vmor vm2, vm4;
	s26 =	sadd.s32 $0x1, s26;
	s29 =	sadd.s32 $0x1000, s30  }
0x239: {  	p0 =	sne.s32 s30, $0x1F000;
	v11 =	vmax.f32 v18, v11;
	v18 =	vmin.f32 v14, v7;
	v8 =	vsel vm2, s28, v8;
	s28 =	smov.u32 s26;
	v19 =	vld [tilespmem:s0+$0x8180]  }
0x23a: {  	v17 =	vsel vm0, $0x7, v17;
	v11 =	vmax.f32 v11, v16;
	v16 =	vmin.f32 v13, v4;
	v20 =	vld [tilespmem:s0+$0x8100]  }
0x23b: {  	vm0 =	vgt.f32 v9, v12;
	v9 =	vmax.f32 v11, v16;
	v11 =	vmin.f32 v15, v6;
	v21 =	vld [tilespmem:s0+$0x8080]  }
0x23c: {  	vm3 =	vgt.f32 v7, v14;
	vm2 =	vgt.f32 v4, v13;
	v4 =	vmax.f32 v9, v18;
	v12 =	vld [tilespmem:s0+$0x8000]  }
0x23d: {  	v7 =	vsel vm1, $0x0, v17;
	vm1 =	vgt.f32 v6, v15;
	v6 =	vmax.f32 v4, v11;
	v13 =	vld [tilespmem:s0+$0x8200]  }
0x23e: {  	v4 =	vsel vm0, $0x1, v7;
	v14 =	vld [tilespmem:s0+$0x8280]  }
0x23f: {  	v9 =	vmin.f32 v10, v3;
	v7 =	vsel vm2, $0x2, v4;
	vm2 =	vgt.f32 v3, v10  }
0x240: {  	v17 =	vmax.f32 v6, v9;
	v16 =	vsel vm3, $0x3, v7;
	v4 =	vmul.f32 v20, v0;
	v15 =	vld [tilespmem:s0+$0x8380]  }
0x241: {  	v10 =	vmax.f32 v10, v3;
	v7 =	vmul.f32 v19, v0;
	v11 =	vmul.f32 v12, v0  }
0x242: {  	v9 =	vmul.f32 v21, v0;
	v12 =	vmin.f32 v10, v2;
	v6 =	vmul.f32 v13, v0;
	v19 =	vld [tilespmem:s0+$0x8300]  }
0x243: {  	v13 =	vmax.f32 v10, v2;
	v3 =	vmul.f32 v14, v0;
	v14 =	vmax.f32 v17, v12  }
0x244: {  	v20 =	vsel vm1, $0x4, v16;
	vm0 =	vgt.f32 v1, v13;
	v17 =	vmax.f32 v13, v1  }
.Ltmp8:
0x245: {  	v18 =	vmin.f32 v13, v1;
	v12 =	vmax.f32 v17, v11;
	v1 =	vmul.f32 v15, v0;
	(pc) =	sbr.rel @p0 .LBB2_19-.Ltmp8, $4  }
0x246: {  	v18 =	vmax.f32 v14, v18;
	v16 =	vmin.f32 v12, v9;
	v13 =	vmax.f32 v12, v9  }
0x247: {  	vm3 =	vgt.f32 v2, v10;
	v14 =	vmax.f32 v13, v4;
	v2 =	vmul.f32 v19, v0  }
0x248: {  	vm1 =	vgt.f32 v11, v17;
	vm4 =	vlt.f32 v17, v5;
	v15 =	vmax.f32 v14, v7  }
0x249: {  	s30 =	smov.u32 s29;
	v19 =	vsel vm2, $0x5, v20;
	vm2 =	vgt.f32 v17, v5;
	v5 =	vmovc v17;
	v10 =	vmax.f32 v15, v6  }
0x24a: {  	v0 =	vmin.f32 v17, v11;
	v11 =	vsel vm3, $0x6, v19;
	vm2 =	vmor vm2, vm4  }
0x24b: {  	v17 =	vmin.f32 v14, v7;
	vm3 =	vgt.f32 v7, v14;
	v0 =	vmax.f32 v18, v0  }
0x24c: {  	v8 =	vsel vm2, s28, v8;
	v11 =	vsel vm0, $0x7, v11;
	vm0 =	vgt.f32 v9, v12  }
0x24d: {  	v9 =	vmin.f32 v15, v6;
	vm2 =	vgt.f32 v4, v13;
	v0 =	vmax.f32 v0, v16  }
0x24e: {  	v16 =	vmin.f32 v13, v4;
	v4 =	vsel vm1, $0x0, v11;
	vm1 =	vgt.f32 v6, v15  }
0x24f: {  	v6 =	vmin.f32 v10, v3;
	v0 =	vmax.f32 v0, v16;
	v4 =	vsel vm0, $0x1, v4  }
0x250: {  	vm0 =	vgt.f32 v3, v10;
	v3 =	vmax.f32 v10, v3;
	v0 =	vmax.f32 v0, v17  }
0x251: {  	v4 =	vsel vm2, $0x2, v4;
	v7 =	vmax.f32 v3, v2;
	v0 =	vmax.f32 v0, v9  }
0x252: {  	vm4 =	vgt.f32 v2, v3;
	v0 =	vmax.f32 v0, v6;
	v6 =	vmin.f32 v3, v2  }
0x253: {  	v4 =	vsel vm3, $0x3, v4;
	v0 =	vmax.f32 v0, v6;
	v6 =	vmax.f32 v7, v1  }
0x254: {  	v4 =	vsel vm1, $0x4, v4;
	vm2 =	vlt.f32 v6, v5;
	vm3 =	vgt.f32 v6, v5  }
0x255: {  	s0 =	sadd.s32 $0x1, s26;
	s2 =	sshll.u32 s24, $0x8;
	vm1 =	vgt.f32 v1, v7;
	v2 =	vsel vm0, $0x5, v4;
	vm0 =	vmor vm3, vm2  }
0x256: {  	s26 =	sand.u32 $0x3FFFFF00, s2;
	v1 =	vmin.f32 v7, v1;
	v2 =	vsel vm4, $0x6, v2;
	v3 =	vsel vm0, s0, v8  }
0x257: {  	s2 =	sshll.u32 s24, $0x7;
	v0 =	vmax.f32 v0, v1;
	[tilespmem:s26+$0x11200] =	vst v6;
	v1 =	vsel vm1, $0x7, v2;
	v2 =	vshll.u32 v3, $0x3  }
0x258: {  	s28 =	sand.u32 $0x3FFFFF80, s2;
	[tilespmem:s26+$0x11280] =	vst v0;
	v0 =	vadd.s32 v1, v2  }
0x259: {  	[tilespmem:s28+$0x11E00] =	vst v0  }
0x25a: {  	v0 =	vld [tilespmem:s25+$0x10010]  }
0x25b: {  	s2 =	simm.s32 $0x0;
	v5 =	vld [tilespmem:$0x10280]  }
0x25c: {  	v1 =	vld [tilespmem:s2+$0x8190]  }
0x25d: {  	v2 =	vld [tilespmem:s2+$0x8110]  }
0x25e: {  	v3 =	vld [tilespmem:s2+$0x8090]  }
0x25f: {  	v4 =	vld [tilespmem:s2+$0x8010]  }
0x260: {  	v6 =	vld [tilespmem:s2+$0x8210]  }
0x261: {  	v7 =	vld [tilespmem:s2+$0x8290]  }
0x262: {  	v8 =	vld [tilespmem:s2+$0x8390]  }
0x263: {  	v9 =	vld [tilespmem:s2+$0x8310];
	_ =	sdelay $0x1  }
0x264: {  	v10 =	vld [tilespmem:$0x10680];
	v4 =	vmul.f32 v4, v0;
	v2 =	vmul.f32 v2, v0  }
0x265: {  	s2 =	simm.s32 $0x400;
	v3 =	vmul.f32 v3, v0;
	v1 =	vmul.f32 v1, v0  }
0x266: {  	v16 =	vld [tilespmem:s2+$0x8190];
	v6 =	vmul.f32 v6, v0;
	v12 =	vmul.f32 v7, v0  }
0x267: {  	v8 =	vmul.f32 v8, v0;
	v19 =	vmul.f32 v9, v0;
	v11 =	vmax.f32 v5, v4  }
0x268: {  	v13 =	vld [tilespmem:$0x10E80];
	vm0 =	vgt.f32 v4, v5;
	v4 =	vmin.f32 v5, v4;
	v7 =	vmax.f32 v11, v3  }
0x269: {  	v20 =	vld [tilespmem:s2+$0x8090];
	v14 =	vmin.f32 v11, v3;
	v4 =	vmax.f32 v10, v4;
	vm1 =	vgt.f32 v3, v11  }
0x26a: {  	v15 =	vmax.f32 v7, v2;
	v4 =	vmax.f32 v4, v14;
	v14 =	vmin.f32 v7, v2  }
0x26b: {  	v18 =	vld [tilespmem:s2+$0x8110];
	vm2 =	vgt.f32 v2, v7;
	v7 =	vmul.f32 v16, v0;
	v9 =	vmax.f32 v15, v1  }
0x26c: {  	v11 =	vld [tilespmem:s2+$0x8010];
	v10 =	vmin.f32 v15, v1;
	v3 =	vmax.f32 v4, v14;
	vm3 =	vgt.f32 v1, v15  }
0x26d: {  	v17 =	vmax.f32 v9, v6;
	v4 =	vmin.f32 v9, v6;
	v1 =	vmax.f32 v3, v10  }
0x26e: {  	v2 =	vld [tilespmem:s2+$0x8210];
	v3 =	vsel vm0, $0x0, v13;
	vm0 =	vgt.f32 v6, v9;
	v9 =	vmul.f32 v20, v0  }
0x26f: {  	v1 =	vmax.f32 v1, v4;
	v3 =	vsel vm1, $0x1, v3;
	v6 =	vmin.f32 v17, v12  }
0x270: {  	v10 =	vld [tilespmem:s2+$0x8290];
	v4 =	vmul.f32 v18, v0;
	v15 =	vmax.f32 v17, v12;
	v3 =	vsel vm2, $0x2, v3  }
0x271: {  	v13 =	vld [tilespmem:s2+$0x8390];
	vm2 =	vgt.f32 v12, v17;
	v1 =	vmax.f32 v1, v6;
	v11 =	vmul.f32 v11, v0  }
0x272: {  	v12 =	vmin.f32 v15, v19;
	v16 =	vmax.f32 v15, v19;
	v14 =	vsel vm3, $0x3, v3  }
0x273: {  	v6 =	vmul.f32 v2, v0;
	v17 =	vmax.f32 v16, v8;
	vm3 =	vgt.f32 v19, v15  }
0x274: {  	v2 =	vld [tilespmem:s2+$0x8310];
	v20 =	vsel vm0, $0x4, v14;
	vm0 =	vgt.f32 v8, v16;
	v8 =	vmin.f32 v16, v8  }
0x275: {  	v3 =	vmul.f32 v10, v0;
	v10 =	vmax.f32 v1, v12;
	v12 =	vmax.f32 v17, v11  }
0x276: {  	vm1 =	vgt.f32 v11, v17;
	v1 =	vmul.f32 v13, v0;
	v13 =	vmax.f32 v12, v9  }
0x277: {  	vm4 =	vlt.f32 v17, v5;
	v18 =	vmax.f32 v10, v8;
	v8 =	vld [tilespmem:$0x10A80];
	v14 =	vmax.f32 v13, v4  }
0x278: {  	v19 =	vsel vm2, $0x5, v20;
	vm2 =	vgt.f32 v17, v5;
	v15 =	vmax.f32 v14, v7  }
0x279: {  	s29 =	simm.s32 $0x20;
	s31 =	simm.s32 $0x2000;
	s30 =	simm.s32 $0x20;
	v5 =	vmovc v17;
	v16 =	vmin.f32 v12, v9;
	v2 =	vmul.f32 v2, v0;
	v10 =	vmax.f32 v15, v6  }
.LBB2_21:
0x27a: {  	s0 =	smov.u32 s31  }
0x27b: {  	s2 =	sshra.s32 s31, $0x2;
	v11 =	vmin.f32 v17, v11;
	v17 =	vsel vm3, $0x6, v19;
	vm2 =	vmor vm2, vm4;
	s29 =	sadd.s32 $0x1, s29;
	s0 =	sadd.s32 $0x1000, s31  }
0x27c: {  	p0 =	sne.s32 s31, $0x1F000;
	v11 =	vmax.f32 v18, v11;
	v18 =	vmin.f32 v14, v7;
	v8 =	vsel vm2, s30, v8;
	s30 =	smov.u32 s29;
	v19 =	vld [tilespmem:s2+$0x8190]  }
0x27d: {  	v17 =	vsel vm0, $0x7, v17;
	v11 =	vmax.f32 v11, v16;
	v16 =	vmin.f32 v13, v4;
	v20 =	vld [tilespmem:s2+$0x8110]  }
0x27e: {  	vm0 =	vgt.f32 v9, v12;
	v9 =	vmax.f32 v11, v16;
	v11 =	vmin.f32 v15, v6;
	v21 =	vld [tilespmem:s2+$0x8090]  }
0x27f: {  	vm3 =	vgt.f32 v7, v14;
	vm2 =	vgt.f32 v4, v13;
	v4 =	vmax.f32 v9, v18;
	v12 =	vld [tilespmem:s2+$0x8010]  }
0x280: {  	v7 =	vsel vm1, $0x0, v17;
	vm1 =	vgt.f32 v6, v15;
	v6 =	vmax.f32 v4, v11;
	v13 =	vld [tilespmem:s2+$0x8210]  }
0x281: {  	v4 =	vsel vm0, $0x1, v7;
	v14 =	vld [tilespmem:s2+$0x8290]  }
0x282: {  	v9 =	vmin.f32 v10, v3;
	v7 =	vsel vm2, $0x2, v4;
	vm2 =	vgt.f32 v3, v10  }
0x283: {  	v17 =	vmax.f32 v6, v9;
	v16 =	vsel vm3, $0x3, v7;
	v4 =	vmul.f32 v20, v0;
	v15 =	vld [tilespmem:s2+$0x8390]  }
0x284: {  	v10 =	vmax.f32 v10, v3;
	v7 =	vmul.f32 v19, v0;
	v11 =	vmul.f32 v12, v0  }
0x285: {  	v9 =	vmul.f32 v21, v0;
	v12 =	vmin.f32 v10, v2;
	v6 =	vmul.f32 v13, v0;
	v19 =	vld [tilespmem:s2+$0x8310]  }
0x286: {  	v13 =	vmax.f32 v10, v2;
	v3 =	vmul.f32 v14, v0;
	v14 =	vmax.f32 v17, v12  }
0x287: {  	v20 =	vsel vm1, $0x4, v16;
	vm0 =	vgt.f32 v1, v13;
	v17 =	vmax.f32 v13, v1  }
.Ltmp9:
0x288: {  	v18 =	vmin.f32 v13, v1;
	v12 =	vmax.f32 v17, v11;
	v1 =	vmul.f32 v15, v0;
	(pc) =	sbr.rel @p0 .LBB2_21-.Ltmp9, $4  }
0x289: {  	v18 =	vmax.f32 v14, v18;
	v16 =	vmin.f32 v12, v9;
	v13 =	vmax.f32 v12, v9  }
0x28a: {  	vm3 =	vgt.f32 v2, v10;
	v14 =	vmax.f32 v13, v4;
	v2 =	vmul.f32 v19, v0  }
0x28b: {  	vm1 =	vgt.f32 v11, v17;
	vm4 =	vlt.f32 v17, v5;
	v15 =	vmax.f32 v14, v7  }
0x28c: {  	s31 =	smov.u32 s0;
	v19 =	vsel vm2, $0x5, v20;
	vm2 =	vgt.f32 v17, v5;
	v5 =	vmovc v17;
	v10 =	vmax.f32 v15, v6  }
0x28d: {  	v0 =	vmin.f32 v17, v11;
	v11 =	vsel vm3, $0x6, v19;
	vm2 =	vmor vm2, vm4  }
0x28e: {  	v17 =	vmin.f32 v14, v7;
	vm3 =	vgt.f32 v7, v14;
	v0 =	vmax.f32 v18, v0  }
0x28f: {  	v8 =	vsel vm2, s30, v8;
	v11 =	vsel vm0, $0x7, v11;
	vm0 =	vgt.f32 v9, v12  }
0x290: {  	v9 =	vmin.f32 v15, v6;
	vm2 =	vgt.f32 v4, v13;
	v0 =	vmax.f32 v0, v16  }
0x291: {  	v16 =	vmin.f32 v13, v4;
	v4 =	vsel vm1, $0x0, v11;
	vm1 =	vgt.f32 v6, v15  }
0x292: {  	v6 =	vmin.f32 v10, v3;
	v0 =	vmax.f32 v0, v16;
	v4 =	vsel vm0, $0x1, v4  }
0x293: {  	vm0 =	vgt.f32 v3, v10;
	v3 =	vmax.f32 v10, v3;
	v0 =	vmax.f32 v0, v17  }
0x294: {  	v4 =	vsel vm2, $0x2, v4;
	v7 =	vmax.f32 v3, v2;
	v0 =	vmax.f32 v0, v9  }
0x295: {  	vm4 =	vgt.f32 v2, v3;
	v0 =	vmax.f32 v0, v6;
	v6 =	vmin.f32 v3, v2  }
0x296: {  	v4 =	vsel vm3, $0x3, v4;
	v0 =	vmax.f32 v0, v6;
	v6 =	vmax.f32 v7, v1  }
0x297: {  	v4 =	vsel vm1, $0x4, v4;
	vm2 =	vlt.f32 v6, v5;
	vm3 =	vgt.f32 v6, v5  }
0x298: {  	s0 =	sadd.s32 $0x1, s29;
	vm1 =	vgt.f32 v1, v7;
	v2 =	vsel vm0, $0x5, v4;
	vm0 =	vmor vm3, vm2  }
0x299: {  	v1 =	vmin.f32 v7, v1;
	v2 =	vsel vm4, $0x6, v2;
	v3 =	vsel vm0, s0, v8  }
0x29a: {  	v0 =	vmax.f32 v0, v1;
	[tilespmem:s26+$0x11210] =	vst v6;
	v1 =	vsel vm1, $0x7, v2;
	v2 =	vshll.u32 v3, $0x3  }
0x29b: {  	[tilespmem:s26+$0x11290] =	vst v0;
	v0 =	vadd.s32 v1, v2  }
0x29c: {  	[tilespmem:s28+$0x11E10] =	vst v0  }
0x29d: {  	v0 =	vld [tilespmem:s25+$0x10020]  }
0x29e: {  	s2 =	simm.s32 $0x0;
	v5 =	vld [tilespmem:$0x10300]  }
0x29f: {  	v1 =	vld [tilespmem:s2+$0x81A0]  }
0x2a0: {  	v2 =	vld [tilespmem:s2+$0x8120]  }
0x2a1: {  	v3 =	vld [tilespmem:s2+$0x80A0]  }
0x2a2: {  	v4 =	vld [tilespmem:s2+$0x8020]  }
0x2a3: {  	v6 =	vld [tilespmem:s2+$0x8220]  }
0x2a4: {  	v7 =	vld [tilespmem:s2+$0x82A0]  }
0x2a5: {  	v8 =	vld [tilespmem:s2+$0x83A0]  }
0x2a6: {  	v9 =	vld [tilespmem:s2+$0x8320];
	_ =	sdelay $0x1  }
0x2a7: {  	v10 =	vld [tilespmem:$0x10700];
	v4 =	vmul.f32 v4, v0;
	v2 =	vmul.f32 v2, v0  }
0x2a8: {  	s31 =	simm.s32 $0x400;
	v3 =	vmul.f32 v3, v0;
	v1 =	vmul.f32 v1, v0  }
0x2a9: {  	v16 =	vld [tilespmem:s31+$0x81A0];
	v6 =	vmul.f32 v6, v0;
	v12 =	vmul.f32 v7, v0  }
0x2aa: {  	v8 =	vmul.f32 v8, v0;
	v19 =	vmul.f32 v9, v0;
	v11 =	vmax.f32 v5, v4  }
0x2ab: {  	v13 =	vld [tilespmem:$0x10F00];
	vm0 =	vgt.f32 v4, v5;
	v4 =	vmin.f32 v5, v4;
	v7 =	vmax.f32 v11, v3  }
0x2ac: {  	v20 =	vld [tilespmem:s31+$0x80A0];
	v14 =	vmin.f32 v11, v3;
	v4 =	vmax.f32 v10, v4;
	vm1 =	vgt.f32 v3, v11  }
0x2ad: {  	v15 =	vmax.f32 v7, v2;
	v4 =	vmax.f32 v4, v14;
	v14 =	vmin.f32 v7, v2  }
0x2ae: {  	v18 =	vld [tilespmem:s31+$0x8120];
	vm2 =	vgt.f32 v2, v7;
	v7 =	vmul.f32 v16, v0;
	v9 =	vmax.f32 v15, v1  }
0x2af: {  	v11 =	vld [tilespmem:s31+$0x8020];
	v10 =	vmin.f32 v15, v1;
	v3 =	vmax.f32 v4, v14;
	vm3 =	vgt.f32 v1, v15  }
0x2b0: {  	v17 =	vmax.f32 v9, v6;
	v4 =	vmin.f32 v9, v6;
	v1 =	vmax.f32 v3, v10  }
0x2b1: {  	v2 =	vld [tilespmem:s31+$0x8220];
	v3 =	vsel vm0, $0x0, v13;
	vm0 =	vgt.f32 v6, v9;
	v9 =	vmul.f32 v20, v0  }
0x2b2: {  	v1 =	vmax.f32 v1, v4;
	v3 =	vsel vm1, $0x1, v3;
	v6 =	vmin.f32 v17, v12  }
0x2b3: {  	v10 =	vld [tilespmem:s31+$0x82A0];
	v4 =	vmul.f32 v18, v0;
	v15 =	vmax.f32 v17, v12;
	v3 =	vsel vm2, $0x2, v3  }
0x2b4: {  	v13 =	vld [tilespmem:s31+$0x83A0];
	vm2 =	vgt.f32 v12, v17;
	v1 =	vmax.f32 v1, v6;
	v11 =	vmul.f32 v11, v0  }
0x2b5: {  	v12 =	vmin.f32 v15, v19;
	v16 =	vmax.f32 v15, v19;
	v14 =	vsel vm3, $0x3, v3  }
0x2b6: {  	v6 =	vmul.f32 v2, v0;
	v17 =	vmax.f32 v16, v8;
	vm3 =	vgt.f32 v19, v15  }
0x2b7: {  	v2 =	vld [tilespmem:s31+$0x8320];
	v20 =	vsel vm0, $0x4, v14;
	vm0 =	vgt.f32 v8, v16;
	v8 =	vmin.f32 v16, v8  }
0x2b8: {  	v3 =	vmul.f32 v10, v0;
	v10 =	vmax.f32 v1, v12;
	v12 =	vmax.f32 v17, v11  }
0x2b9: {  	vm1 =	vgt.f32 v11, v17;
	v1 =	vmul.f32 v13, v0;
	v13 =	vmax.f32 v12, v9  }
0x2ba: {  	vm4 =	vlt.f32 v17, v5;
	v18 =	vmax.f32 v10, v8;
	v8 =	vld [tilespmem:$0x10B00];
	v14 =	vmax.f32 v13, v4  }
0x2bb: {  	v19 =	vsel vm2, $0x5, v20;
	vm2 =	vgt.f32 v17, v5;
	v15 =	vmax.f32 v14, v7  }
0x2bc: {  	s29 =	simm.s32 $0x20;
	s30 =	simm.s32 $0x20;
	s0 =	simm.s32 $0x2000;
	v5 =	vmovc v17;
	v16 =	vmin.f32 v12, v9;
	v2 =	vmul.f32 v2, v0;
	v10 =	vmax.f32 v15, v6  }
.LBB2_23:
0x2bd: {  	s31 =	smov.u32 s0  }
0x2be: {  	s2 =	sshra.s32 s0, $0x2;
	v11 =	vmin.f32 v17, v11;
	v17 =	vsel vm3, $0x6, v19;
	vm2 =	vmor vm2, vm4;
	s29 =	sadd.s32 $0x1, s29;
	s31 =	sadd.s32 $0x1000, s0  }
0x2bf: {  	p0 =	sne.s32 s0, $0x1F000;
	v11 =	vmax.f32 v18, v11;
	v18 =	vmin.f32 v14, v7;
	v8 =	vsel vm2, s30, v8;
	s30 =	smov.u32 s29;
	v19 =	vld [tilespmem:s2+$0x81A0]  }
0x2c0: {  	v17 =	vsel vm0, $0x7, v17;
	v11 =	vmax.f32 v11, v16;
	v16 =	vmin.f32 v13, v4;
	v20 =	vld [tilespmem:s2+$0x8120]  }
0x2c1: {  	vm0 =	vgt.f32 v9, v12;
	v9 =	vmax.f32 v11, v16;
	v11 =	vmin.f32 v15, v6;
	v21 =	vld [tilespmem:s2+$0x80A0]  }
0x2c2: {  	vm3 =	vgt.f32 v7, v14;
	vm2 =	vgt.f32 v4, v13;
	v4 =	vmax.f32 v9, v18;
	v12 =	vld [tilespmem:s2+$0x8020]  }
0x2c3: {  	v7 =	vsel vm1, $0x0, v17;
	vm1 =	vgt.f32 v6, v15;
	v6 =	vmax.f32 v4, v11;
	v13 =	vld [tilespmem:s2+$0x8220]  }
0x2c4: {  	v4 =	vsel vm0, $0x1, v7;
	v14 =	vld [tilespmem:s2+$0x82A0]  }
0x2c5: {  	v9 =	vmin.f32 v10, v3;
	v7 =	vsel vm2, $0x2, v4;
	vm2 =	vgt.f32 v3, v10  }
0x2c6: {  	v17 =	vmax.f32 v6, v9;
	v16 =	vsel vm3, $0x3, v7;
	v4 =	vmul.f32 v20, v0;
	v15 =	vld [tilespmem:s2+$0x83A0]  }
0x2c7: {  	v10 =	vmax.f32 v10, v3;
	v7 =	vmul.f32 v19, v0;
	v11 =	vmul.f32 v12, v0  }
0x2c8: {  	v9 =	vmul.f32 v21, v0;
	v12 =	vmin.f32 v10, v2;
	v6 =	vmul.f32 v13, v0;
	v19 =	vld [tilespmem:s2+$0x8320]  }
0x2c9: {  	v13 =	vmax.f32 v10, v2;
	v3 =	vmul.f32 v14, v0;
	v14 =	vmax.f32 v17, v12  }
0x2ca: {  	v20 =	vsel vm1, $0x4, v16;
	vm0 =	vgt.f32 v1, v13;
	v17 =	vmax.f32 v13, v1  }
.Ltmp10:
0x2cb: {  	v18 =	vmin.f32 v13, v1;
	v12 =	vmax.f32 v17, v11;
	v1 =	vmul.f32 v15, v0;
	(pc) =	sbr.rel @p0 .LBB2_23-.Ltmp10, $4  }
0x2cc: {  	v18 =	vmax.f32 v14, v18;
	v16 =	vmin.f32 v12, v9;
	v13 =	vmax.f32 v12, v9  }
0x2cd: {  	vm3 =	vgt.f32 v2, v10;
	v14 =	vmax.f32 v13, v4;
	v2 =	vmul.f32 v19, v0  }
0x2ce: {  	vm1 =	vgt.f32 v11, v17;
	vm4 =	vlt.f32 v17, v5;
	v15 =	vmax.f32 v14, v7  }
0x2cf: {  	s0 =	smov.u32 s31;
	v19 =	vsel vm2, $0x5, v20;
	vm2 =	vgt.f32 v17, v5;
	v5 =	vmovc v17;
	v10 =	vmax.f32 v15, v6  }
0x2d0: {  	v0 =	vmin.f32 v17, v11;
	v11 =	vsel vm3, $0x6, v19;
	vm2 =	vmor vm2, vm4  }
0x2d1: {  	v17 =	vmin.f32 v14, v7;
	vm3 =	vgt.f32 v7, v14;
	v0 =	vmax.f32 v18, v0  }
0x2d2: {  	v8 =	vsel vm2, s30, v8;
	v11 =	vsel vm0, $0x7, v11;
	vm0 =	vgt.f32 v9, v12  }
0x2d3: {  	v9 =	vmin.f32 v15, v6;
	vm2 =	vgt.f32 v4, v13;
	v0 =	vmax.f32 v0, v16  }
0x2d4: {  	v16 =	vmin.f32 v13, v4;
	v4 =	vsel vm1, $0x0, v11;
	vm1 =	vgt.f32 v6, v15  }
0x2d5: {  	v6 =	vmin.f32 v10, v3;
	v0 =	vmax.f32 v0, v16;
	v4 =	vsel vm0, $0x1, v4  }
0x2d6: {  	vm0 =	vgt.f32 v3, v10;
	v3 =	vmax.f32 v10, v3;
	v0 =	vmax.f32 v0, v17  }
0x2d7: {  	v4 =	vsel vm2, $0x2, v4;
	v7 =	vmax.f32 v3, v2;
	v0 =	vmax.f32 v0, v9  }
0x2d8: {  	vm4 =	vgt.f32 v2, v3;
	v0 =	vmax.f32 v0, v6;
	v6 =	vmin.f32 v3, v2  }
0x2d9: {  	v4 =	vsel vm3, $0x3, v4;
	v0 =	vmax.f32 v0, v6;
	v6 =	vmax.f32 v7, v1  }
0x2da: {  	v4 =	vsel vm1, $0x4, v4;
	vm2 =	vlt.f32 v6, v5;
	vm3 =	vgt.f32 v6, v5  }
0x2db: {  	s0 =	sadd.s32 $0x1, s29;
	vm1 =	vgt.f32 v1, v7;
	v2 =	vsel vm0, $0x5, v4;
	vm0 =	vmor vm3, vm2  }
0x2dc: {  	v1 =	vmin.f32 v7, v1;
	v2 =	vsel vm4, $0x6, v2;
	v3 =	vsel vm0, s0, v8  }
0x2dd: {  	v0 =	vmax.f32 v0, v1;
	[tilespmem:s26+$0x11220] =	vst v6;
	v1 =	vsel vm1, $0x7, v2;
	v2 =	vshll.u32 v3, $0x3  }
0x2de: {  	[tilespmem:s26+$0x112A0] =	vst v0;
	v0 =	vadd.s32 v1, v2  }
0x2df: {  	[tilespmem:s28+$0x11E20] =	vst v0  }
0x2e0: {  	v0 =	vld [tilespmem:s25+$0x10030]  }
0x2e1: {  	s2 =	simm.s32 $0x0;
	v5 =	vld [tilespmem:$0x10380]  }
0x2e2: {  	v1 =	vld [tilespmem:s2+$0x81B0]  }
0x2e3: {  	v2 =	vld [tilespmem:s2+$0x8130]  }
0x2e4: {  	v3 =	vld [tilespmem:s2+$0x80B0]  }
0x2e5: {  	v4 =	vld [tilespmem:s2+$0x8030]  }
0x2e6: {  	v6 =	vld [tilespmem:s2+$0x8230]  }
0x2e7: {  	v7 =	vld [tilespmem:s2+$0x82B0]  }
0x2e8: {  	v8 =	vld [tilespmem:s2+$0x83B0]  }
0x2e9: {  	v9 =	vld [tilespmem:s2+$0x8330];
	_ =	sdelay $0x1  }
0x2ea: {  	v10 =	vld [tilespmem:$0x10780];
	v4 =	vmul.f32 v4, v0;
	v2 =	vmul.f32 v2, v0  }
0x2eb: {  	s31 =	simm.s32 $0x400;
	v3 =	vmul.f32 v3, v0;
	v1 =	vmul.f32 v1, v0  }
0x2ec: {  	v16 =	vld [tilespmem:s31+$0x81B0];
	v6 =	vmul.f32 v6, v0;
	v12 =	vmul.f32 v7, v0  }
0x2ed: {  	v8 =	vmul.f32 v8, v0;
	v19 =	vmul.f32 v9, v0;
	v11 =	vmax.f32 v5, v4  }
0x2ee: {  	v13 =	vld [tilespmem:$0x10F80];
	vm0 =	vgt.f32 v4, v5;
	v4 =	vmin.f32 v5, v4;
	v7 =	vmax.f32 v11, v3  }
0x2ef: {  	v20 =	vld [tilespmem:s31+$0x80B0];
	v14 =	vmin.f32 v11, v3;
	v4 =	vmax.f32 v10, v4;
	vm1 =	vgt.f32 v3, v11  }
0x2f0: {  	v15 =	vmax.f32 v7, v2;
	v4 =	vmax.f32 v4, v14;
	v14 =	vmin.f32 v7, v2  }
0x2f1: {  	v18 =	vld [tilespmem:s31+$0x8130];
	vm2 =	vgt.f32 v2, v7;
	v7 =	vmul.f32 v16, v0;
	v9 =	vmax.f32 v15, v1  }
0x2f2: {  	v11 =	vld [tilespmem:s31+$0x8030];
	v10 =	vmin.f32 v15, v1;
	v3 =	vmax.f32 v4, v14;
	vm3 =	vgt.f32 v1, v15  }
0x2f3: {  	v17 =	vmax.f32 v9, v6;
	v4 =	vmin.f32 v9, v6;
	v1 =	vmax.f32 v3, v10  }
0x2f4: {  	v2 =	vld [tilespmem:s31+$0x8230];
	v3 =	vsel vm0, $0x0, v13;
	vm0 =	vgt.f32 v6, v9;
	v9 =	vmul.f32 v20, v0  }
0x2f5: {  	v1 =	vmax.f32 v1, v4;
	v3 =	vsel vm1, $0x1, v3;
	v6 =	vmin.f32 v17, v12  }
0x2f6: {  	v10 =	vld [tilespmem:s31+$0x82B0];
	v4 =	vmul.f32 v18, v0;
	v15 =	vmax.f32 v17, v12;
	v3 =	vsel vm2, $0x2, v3  }
0x2f7: {  	v13 =	vld [tilespmem:s31+$0x83B0];
	vm2 =	vgt.f32 v12, v17;
	v1 =	vmax.f32 v1, v6;
	v11 =	vmul.f32 v11, v0  }
0x2f8: {  	v12 =	vmin.f32 v15, v19;
	v16 =	vmax.f32 v15, v19;
	v14 =	vsel vm3, $0x3, v3  }
0x2f9: {  	v6 =	vmul.f32 v2, v0;
	v17 =	vmax.f32 v16, v8;
	vm3 =	vgt.f32 v19, v15  }
0x2fa: {  	v2 =	vld [tilespmem:s31+$0x8330];
	v20 =	vsel vm0, $0x4, v14;
	vm0 =	vgt.f32 v8, v16;
	v8 =	vmin.f32 v16, v8  }
0x2fb: {  	v3 =	vmul.f32 v10, v0;
	v10 =	vmax.f32 v1, v12;
	v12 =	vmax.f32 v17, v11  }
0x2fc: {  	vm1 =	vgt.f32 v11, v17;
	v1 =	vmul.f32 v13, v0;
	v13 =	vmax.f32 v12, v9  }
0x2fd: {  	vm4 =	vlt.f32 v17, v5;
	v18 =	vmax.f32 v10, v8;
	v8 =	vld [tilespmem:$0x10B80];
	v14 =	vmax.f32 v13, v4  }
0x2fe: {  	v19 =	vsel vm2, $0x5, v20;
	vm2 =	vgt.f32 v17, v5;
	v15 =	vmax.f32 v14, v7  }
0x2ff: {  	s29 =	simm.s32 $0x20;
	s30 =	simm.s32 $0x20;
	s0 =	simm.s32 $0x2000;
	v5 =	vmovc v17;
	v16 =	vmin.f32 v12, v9;
	v2 =	vmul.f32 v2, v0;
	v10 =	vmax.f32 v15, v6  }
.LBB2_25:
0x300: {  	s31 =	smov.u32 s0  }
0x301: {  	s2 =	sshra.s32 s0, $0x2;
	v11 =	vmin.f32 v17, v11;
	v17 =	vsel vm3, $0x6, v19;
	vm2 =	vmor vm2, vm4;
	s29 =	sadd.s32 $0x1, s29;
	s31 =	sadd.s32 $0x1000, s0  }
0x302: {  	p0 =	sne.s32 s0, $0x1F000;
	v11 =	vmax.f32 v18, v11;
	v18 =	vmin.f32 v14, v7;
	v8 =	vsel vm2, s30, v8;
	s30 =	smov.u32 s29;
	v19 =	vld [tilespmem:s2+$0x81B0]  }
0x303: {  	v17 =	vsel vm0, $0x7, v17;
	v11 =	vmax.f32 v11, v16;
	v16 =	vmin.f32 v13, v4;
	v20 =	vld [tilespmem:s2+$0x8130]  }
0x304: {  	vm0 =	vgt.f32 v9, v12;
	v9 =	vmax.f32 v11, v16;
	v11 =	vmin.f32 v15, v6;
	v21 =	vld [tilespmem:s2+$0x80B0]  }
0x305: {  	vm3 =	vgt.f32 v7, v14;
	vm2 =	vgt.f32 v4, v13;
	v4 =	vmax.f32 v9, v18;
	v12 =	vld [tilespmem:s2+$0x8030]  }
0x306: {  	v7 =	vsel vm1, $0x0, v17;
	vm1 =	vgt.f32 v6, v15;
	v6 =	vmax.f32 v4, v11;
	v13 =	vld [tilespmem:s2+$0x8230]  }
0x307: {  	v4 =	vsel vm0, $0x1, v7;
	v14 =	vld [tilespmem:s2+$0x82B0]  }
0x308: {  	v9 =	vmin.f32 v10, v3;
	v7 =	vsel vm2, $0x2, v4;
	vm2 =	vgt.f32 v3, v10  }
0x309: {  	v17 =	vmax.f32 v6, v9;
	v16 =	vsel vm3, $0x3, v7;
	v4 =	vmul.f32 v20, v0;
	v15 =	vld [tilespmem:s2+$0x83B0]  }
0x30a: {  	v10 =	vmax.f32 v10, v3;
	v7 =	vmul.f32 v19, v0;
	v11 =	vmul.f32 v12, v0  }
0x30b: {  	v9 =	vmul.f32 v21, v0;
	v12 =	vmin.f32 v10, v2;
	v6 =	vmul.f32 v13, v0;
	v19 =	vld [tilespmem:s2+$0x8330]  }
0x30c: {  	v13 =	vmax.f32 v10, v2;
	v3 =	vmul.f32 v14, v0;
	v14 =	vmax.f32 v17, v12  }
0x30d: {  	v20 =	vsel vm1, $0x4, v16;
	vm0 =	vgt.f32 v1, v13;
	v17 =	vmax.f32 v13, v1  }
.Ltmp11:
0x30e: {  	v18 =	vmin.f32 v13, v1;
	v12 =	vmax.f32 v17, v11;
	v1 =	vmul.f32 v15, v0;
	(pc) =	sbr.rel @p0 .LBB2_25-.Ltmp11, $4  }
0x30f: {  	v18 =	vmax.f32 v14, v18;
	v16 =	vmin.f32 v12, v9;
	v13 =	vmax.f32 v12, v9  }
0x310: {  	vm3 =	vgt.f32 v2, v10;
	v14 =	vmax.f32 v13, v4;
	v2 =	vmul.f32 v19, v0  }
0x311: {  	vm1 =	vgt.f32 v11, v17;
	vm4 =	vlt.f32 v17, v5;
	v15 =	vmax.f32 v14, v7  }
0x312: {  	s0 =	smov.u32 s31;
	v19 =	vsel vm2, $0x5, v20;
	vm2 =	vgt.f32 v17, v5;
	v5 =	vmovc v17;
	v10 =	vmax.f32 v15, v6  }
0x313: {  	v0 =	vmin.f32 v17, v11;
	v11 =	vsel vm3, $0x6, v19;
	vm2 =	vmor vm2, vm4  }
0x314: {  	v17 =	vmin.f32 v14, v7;
	vm3 =	vgt.f32 v7, v14;
	v0 =	vmax.f32 v18, v0  }
0x315: {  	v8 =	vsel vm2, s30, v8;
	v11 =	vsel vm0, $0x7, v11;
	vm0 =	vgt.f32 v9, v12  }
0x316: {  	v9 =	vmin.f32 v15, v6;
	vm2 =	vgt.f32 v4, v13;
	v0 =	vmax.f32 v0, v16  }
0x317: {  	v16 =	vmin.f32 v13, v4;
	v4 =	vsel vm1, $0x0, v11;
	vm1 =	vgt.f32 v6, v15  }
0x318: {  	v6 =	vmin.f32 v10, v3;
	v0 =	vmax.f32 v0, v16;
	v4 =	vsel vm0, $0x1, v4  }
0x319: {  	vm0 =	vgt.f32 v3, v10;
	v3 =	vmax.f32 v10, v3;
	v0 =	vmax.f32 v0, v17  }
0x31a: {  	v4 =	vsel vm2, $0x2, v4;
	v7 =	vmax.f32 v3, v2;
	v0 =	vmax.f32 v0, v9  }
0x31b: {  	vm4 =	vgt.f32 v2, v3;
	v0 =	vmax.f32 v0, v6;
	v6 =	vmin.f32 v3, v2  }
0x31c: {  	v4 =	vsel vm3, $0x3, v4;
	v0 =	vmax.f32 v0, v6;
	v6 =	vmax.f32 v7, v1  }
0x31d: {  	v4 =	vsel vm1, $0x4, v4;
	vm2 =	vlt.f32 v6, v5;
	vm3 =	vgt.f32 v6, v5  }
0x31e: {  	s0 =	sadd.s32 $0x1, s29;
	vm1 =	vgt.f32 v1, v7;
	v2 =	vsel vm0, $0x5, v4;
	vm0 =	vmor vm3, vm2  }
0x31f: {  	v1 =	vmin.f32 v7, v1;
	v2 =	vsel vm4, $0x6, v2;
	v3 =	vsel vm0, s0, v8  }
0x320: {  	v0 =	vmax.f32 v0, v1;
	[tilespmem:s26+$0x11230] =	vst v6;
	v1 =	vsel vm1, $0x7, v2;
	v2 =	vshll.u32 v3, $0x3  }
0x321: {  	[tilespmem:s26+$0x112B0] =	vst v0;
	v0 =	vadd.s32 v1, v2  }
0x322: {  	[tilespmem:s28+$0x11E30] =	vst v0  }
0x323: {  	v0 =	vld [tilespmem:s25+$0x10040]  }
0x324: {  	s2 =	simm.s32 $0x0;
	v5 =	vld [tilespmem:$0x10400]  }
0x325: {  	v1 =	vld [tilespmem:s2+$0x81C0]  }
0x326: {  	v2 =	vld [tilespmem:s2+$0x8140]  }
0x327: {  	v3 =	vld [tilespmem:s2+$0x80C0]  }
0x328: {  	v4 =	vld [tilespmem:s2+$0x8040]  }
0x329: {  	v6 =	vld [tilespmem:s2+$0x8240]  }
0x32a: {  	v7 =	vld [tilespmem:s2+$0x82C0]  }
0x32b: {  	v8 =	vld [tilespmem:s2+$0x83C0]  }
0x32c: {  	v9 =	vld [tilespmem:s2+$0x8340];
	_ =	sdelay $0x1  }
0x32d: {  	v10 =	vld [tilespmem:$0x10800];
	v4 =	vmul.f32 v4, v0;
	v2 =	vmul.f32 v2, v0  }
0x32e: {  	s31 =	simm.s32 $0x400;
	v3 =	vmul.f32 v3, v0;
	v1 =	vmul.f32 v1, v0  }
0x32f: {  	v16 =	vld [tilespmem:s31+$0x81C0];
	v6 =	vmul.f32 v6, v0;
	v12 =	vmul.f32 v7, v0  }
0x330: {  	v8 =	vmul.f32 v8, v0;
	v19 =	vmul.f32 v9, v0;
	v11 =	vmax.f32 v5, v4  }
0x331: {  	v13 =	vld [tilespmem:$0x11000];
	vm0 =	vgt.f32 v4, v5;
	v4 =	vmin.f32 v5, v4;
	v7 =	vmax.f32 v11, v3  }
0x332: {  	v20 =	vld [tilespmem:s31+$0x80C0];
	v14 =	vmin.f32 v11, v3;
	v4 =	vmax.f32 v10, v4;
	vm1 =	vgt.f32 v3, v11  }
0x333: {  	v15 =	vmax.f32 v7, v2;
	v4 =	vmax.f32 v4, v14;
	v14 =	vmin.f32 v7, v2  }
0x334: {  	v18 =	vld [tilespmem:s31+$0x8140];
	vm2 =	vgt.f32 v2, v7;
	v7 =	vmul.f32 v16, v0;
	v9 =	vmax.f32 v15, v1  }
0x335: {  	v11 =	vld [tilespmem:s31+$0x8040];
	v10 =	vmin.f32 v15, v1;
	v3 =	vmax.f32 v4, v14;
	vm3 =	vgt.f32 v1, v15  }
0x336: {  	v17 =	vmax.f32 v9, v6;
	v4 =	vmin.f32 v9, v6;
	v1 =	vmax.f32 v3, v10  }
0x337: {  	v2 =	vld [tilespmem:s31+$0x8240];
	v3 =	vsel vm0, $0x0, v13;
	vm0 =	vgt.f32 v6, v9;
	v9 =	vmul.f32 v20, v0  }
0x338: {  	v1 =	vmax.f32 v1, v4;
	v3 =	vsel vm1, $0x1, v3;
	v6 =	vmin.f32 v17, v12  }
0x339: {  	v10 =	vld [tilespmem:s31+$0x82C0];
	v4 =	vmul.f32 v18, v0;
	v15 =	vmax.f32 v17, v12;
	v3 =	vsel vm2, $0x2, v3  }
0x33a: {  	v13 =	vld [tilespmem:s31+$0x83C0];
	vm2 =	vgt.f32 v12, v17;
	v1 =	vmax.f32 v1, v6;
	v11 =	vmul.f32 v11, v0  }
0x33b: {  	v12 =	vmin.f32 v15, v19;
	v16 =	vmax.f32 v15, v19;
	v14 =	vsel vm3, $0x3, v3  }
0x33c: {  	v6 =	vmul.f32 v2, v0;
	v17 =	vmax.f32 v16, v8;
	vm3 =	vgt.f32 v19, v15  }
0x33d: {  	v2 =	vld [tilespmem:s31+$0x8340];
	v20 =	vsel vm0, $0x4, v14;
	vm0 =	vgt.f32 v8, v16;
	v8 =	vmin.f32 v16, v8  }
0x33e: {  	v3 =	vmul.f32 v10, v0;
	v10 =	vmax.f32 v1, v12;
	v12 =	vmax.f32 v17, v11  }
0x33f: {  	vm1 =	vgt.f32 v11, v17;
	v1 =	vmul.f32 v13, v0;
	v13 =	vmax.f32 v12, v9  }
0x340: {  	vm4 =	vlt.f32 v17, v5;
	v18 =	vmax.f32 v10, v8;
	v8 =	vld [tilespmem:$0x10C00];
	v14 =	vmax.f32 v13, v4  }
0x341: {  	v19 =	vsel vm2, $0x5, v20;
	vm2 =	vgt.f32 v17, v5;
	v15 =	vmax.f32 v14, v7  }
0x342: {  	s29 =	simm.s32 $0x20;
	s30 =	simm.s32 $0x20;
	s0 =	simm.s32 $0x2000;
	v5 =	vmovc v17;
	v16 =	vmin.f32 v12, v9;
	v2 =	vmul.f32 v2, v0;
	v10 =	vmax.f32 v15, v6  }
.LBB2_27:
0x343: {  	s31 =	smov.u32 s0  }
0x344: {  	s2 =	sshra.s32 s0, $0x2;
	v11 =	vmin.f32 v17, v11;
	v17 =	vsel vm3, $0x6, v19;
	vm2 =	vmor vm2, vm4;
	s29 =	sadd.s32 $0x1, s29;
	s31 =	sadd.s32 $0x1000, s0  }
0x345: {  	p0 =	sne.s32 s0, $0x1F000;
	v11 =	vmax.f32 v18, v11;
	v18 =	vmin.f32 v14, v7;
	v8 =	vsel vm2, s30, v8;
	s30 =	smov.u32 s29;
	v19 =	vld [tilespmem:s2+$0x81C0]  }
0x346: {  	v17 =	vsel vm0, $0x7, v17;
	v11 =	vmax.f32 v11, v16;
	v16 =	vmin.f32 v13, v4;
	v20 =	vld [tilespmem:s2+$0x8140]  }
0x347: {  	vm0 =	vgt.f32 v9, v12;
	v9 =	vmax.f32 v11, v16;
	v11 =	vmin.f32 v15, v6;
	v21 =	vld [tilespmem:s2+$0x80C0]  }
0x348: {  	vm3 =	vgt.f32 v7, v14;
	vm2 =	vgt.f32 v4, v13;
	v4 =	vmax.f32 v9, v18;
	v12 =	vld [tilespmem:s2+$0x8040]  }
0x349: {  	v7 =	vsel vm1, $0x0, v17;
	vm1 =	vgt.f32 v6, v15;
	v6 =	vmax.f32 v4, v11;
	v13 =	vld [tilespmem:s2+$0x8240]  }
0x34a: {  	v4 =	vsel vm0, $0x1, v7;
	v14 =	vld [tilespmem:s2+$0x82C0]  }
0x34b: {  	v9 =	vmin.f32 v10, v3;
	v7 =	vsel vm2, $0x2, v4;
	vm2 =	vgt.f32 v3, v10  }
0x34c: {  	v17 =	vmax.f32 v6, v9;
	v16 =	vsel vm3, $0x3, v7;
	v4 =	vmul.f32 v20, v0;
	v15 =	vld [tilespmem:s2+$0x83C0]  }
0x34d: {  	v10 =	vmax.f32 v10, v3;
	v7 =	vmul.f32 v19, v0;
	v11 =	vmul.f32 v12, v0  }
0x34e: {  	v9 =	vmul.f32 v21, v0;
	v12 =	vmin.f32 v10, v2;
	v6 =	vmul.f32 v13, v0;
	v19 =	vld [tilespmem:s2+$0x8340]  }
0x34f: {  	v13 =	vmax.f32 v10, v2;
	v3 =	vmul.f32 v14, v0;
	v14 =	vmax.f32 v17, v12  }
0x350: {  	v20 =	vsel vm1, $0x4, v16;
	vm0 =	vgt.f32 v1, v13;
	v17 =	vmax.f32 v13, v1  }
.Ltmp12:
0x351: {  	v18 =	vmin.f32 v13, v1;
	v12 =	vmax.f32 v17, v11;
	v1 =	vmul.f32 v15, v0;
	(pc) =	sbr.rel @p0 .LBB2_27-.Ltmp12, $4  }
0x352: {  	v18 =	vmax.f32 v14, v18;
	v16 =	vmin.f32 v12, v9;
	v13 =	vmax.f32 v12, v9  }
0x353: {  	vm3 =	vgt.f32 v2, v10;
	v14 =	vmax.f32 v13, v4;
	v2 =	vmul.f32 v19, v0  }
0x354: {  	vm1 =	vgt.f32 v11, v17;
	vm4 =	vlt.f32 v17, v5;
	v15 =	vmax.f32 v14, v7  }
0x355: {  	s0 =	smov.u32 s31;
	v19 =	vsel vm2, $0x5, v20;
	vm2 =	vgt.f32 v17, v5;
	v5 =	vmovc v17;
	v10 =	vmax.f32 v15, v6  }
0x356: {  	v0 =	vmin.f32 v17, v11;
	v11 =	vsel vm3, $0x6, v19;
	vm2 =	vmor vm2, vm4  }
0x357: {  	v17 =	vmin.f32 v14, v7;
	vm3 =	vgt.f32 v7, v14;
	v0 =	vmax.f32 v18, v0  }
0x358: {  	v8 =	vsel vm2, s30, v8;
	v11 =	vsel vm0, $0x7, v11;
	vm0 =	vgt.f32 v9, v12  }
0x359: {  	v9 =	vmin.f32 v15, v6;
	vm2 =	vgt.f32 v4, v13;
	v0 =	vmax.f32 v0, v16  }
0x35a: {  	v16 =	vmin.f32 v13, v4;
	v4 =	vsel vm1, $0x0, v11;
	vm1 =	vgt.f32 v6, v15  }
0x35b: {  	v6 =	vmin.f32 v10, v3;
	v0 =	vmax.f32 v0, v16;
	v4 =	vsel vm0, $0x1, v4  }
0x35c: {  	vm0 =	vgt.f32 v3, v10;
	v3 =	vmax.f32 v10, v3;
	v0 =	vmax.f32 v0, v17  }
0x35d: {  	v4 =	vsel vm2, $0x2, v4;
	v7 =	vmax.f32 v3, v2;
	v0 =	vmax.f32 v0, v9  }
0x35e: {  	vm4 =	vgt.f32 v2, v3;
	v0 =	vmax.f32 v0, v6;
	v6 =	vmin.f32 v3, v2  }
0x35f: {  	v4 =	vsel vm3, $0x3, v4;
	v0 =	vmax.f32 v0, v6;
	v6 =	vmax.f32 v7, v1  }
0x360: {  	v4 =	vsel vm1, $0x4, v4;
	vm2 =	vlt.f32 v6, v5;
	vm3 =	vgt.f32 v6, v5  }
0x361: {  	s0 =	sadd.s32 $0x1, s29;
	vm1 =	vgt.f32 v1, v7;
	v2 =	vsel vm0, $0x5, v4;
	vm0 =	vmor vm3, vm2  }
0x362: {  	v1 =	vmin.f32 v7, v1;
	v2 =	vsel vm4, $0x6, v2;
	v3 =	vsel vm0, s0, v8  }
0x363: {  	v0 =	vmax.f32 v0, v1;
	[tilespmem:s26+$0x11240] =	vst v6;
	v1 =	vsel vm1, $0x7, v2;
	v2 =	vshll.u32 v3, $0x3  }
0x364: {  	[tilespmem:s26+$0x112C0] =	vst v0;
	v0 =	vadd.s32 v1, v2  }
0x365: {  	[tilespmem:s28+$0x11E40] =	vst v0  }
0x366: {  	v0 =	vld [tilespmem:s25+$0x10050]  }
0x367: {  	s2 =	simm.s32 $0x0;
	v5 =	vld [tilespmem:$0x10480]  }
0x368: {  	v1 =	vld [tilespmem:s2+$0x81D0]  }
0x369: {  	v2 =	vld [tilespmem:s2+$0x8150]  }
0x36a: {  	v3 =	vld [tilespmem:s2+$0x80D0]  }
0x36b: {  	v4 =	vld [tilespmem:s2+$0x8050]  }
0x36c: {  	v6 =	vld [tilespmem:s2+$0x8250]  }
0x36d: {  	v7 =	vld [tilespmem:s2+$0x82D0]  }
0x36e: {  	v8 =	vld [tilespmem:s2+$0x83D0]  }
0x36f: {  	v9 =	vld [tilespmem:s2+$0x8350];
	_ =	sdelay $0x1  }
0x370: {  	v10 =	vld [tilespmem:$0x10880];
	v4 =	vmul.f32 v4, v0;
	v2 =	vmul.f32 v2, v0  }
0x371: {  	s31 =	simm.s32 $0x400;
	v3 =	vmul.f32 v3, v0;
	v1 =	vmul.f32 v1, v0  }
0x372: {  	v16 =	vld [tilespmem:s31+$0x81D0];
	v6 =	vmul.f32 v6, v0;
	v12 =	vmul.f32 v7, v0  }
0x373: {  	v8 =	vmul.f32 v8, v0;
	v19 =	vmul.f32 v9, v0;
	v11 =	vmax.f32 v5, v4  }
0x374: {  	v13 =	vld [tilespmem:$0x11080];
	vm0 =	vgt.f32 v4, v5;
	v4 =	vmin.f32 v5, v4;
	v7 =	vmax.f32 v11, v3  }
0x375: {  	v20 =	vld [tilespmem:s31+$0x80D0];
	v14 =	vmin.f32 v11, v3;
	v4 =	vmax.f32 v10, v4;
	vm1 =	vgt.f32 v3, v11  }
0x376: {  	v15 =	vmax.f32 v7, v2;
	v4 =	vmax.f32 v4, v14;
	v14 =	vmin.f32 v7, v2  }
0x377: {  	v18 =	vld [tilespmem:s31+$0x8150];
	vm2 =	vgt.f32 v2, v7;
	v7 =	vmul.f32 v16, v0;
	v9 =	vmax.f32 v15, v1  }
0x378: {  	v11 =	vld [tilespmem:s31+$0x8050];
	v10 =	vmin.f32 v15, v1;
	v3 =	vmax.f32 v4, v14;
	vm3 =	vgt.f32 v1, v15  }
0x379: {  	v17 =	vmax.f32 v9, v6;
	v4 =	vmin.f32 v9, v6;
	v1 =	vmax.f32 v3, v10  }
0x37a: {  	v2 =	vld [tilespmem:s31+$0x8250];
	v3 =	vsel vm0, $0x0, v13;
	vm0 =	vgt.f32 v6, v9;
	v9 =	vmul.f32 v20, v0  }
0x37b: {  	v1 =	vmax.f32 v1, v4;
	v3 =	vsel vm1, $0x1, v3;
	v6 =	vmin.f32 v17, v12  }
0x37c: {  	v10 =	vld [tilespmem:s31+$0x82D0];
	v4 =	vmul.f32 v18, v0;
	v15 =	vmax.f32 v17, v12;
	v3 =	vsel vm2, $0x2, v3  }
0x37d: {  	v13 =	vld [tilespmem:s31+$0x83D0];
	vm2 =	vgt.f32 v12, v17;
	v1 =	vmax.f32 v1, v6;
	v11 =	vmul.f32 v11, v0  }
0x37e: {  	v12 =	vmin.f32 v15, v19;
	v16 =	vmax.f32 v15, v19;
	v14 =	vsel vm3, $0x3, v3  }
0x37f: {  	v6 =	vmul.f32 v2, v0;
	v17 =	vmax.f32 v16, v8;
	vm3 =	vgt.f32 v19, v15  }
0x380: {  	v2 =	vld [tilespmem:s31+$0x8350];
	v20 =	vsel vm0, $0x4, v14;
	vm0 =	vgt.f32 v8, v16;
	v8 =	vmin.f32 v16, v8  }
0x381: {  	v3 =	vmul.f32 v10, v0;
	v10 =	vmax.f32 v1, v12;
	v12 =	vmax.f32 v17, v11  }
0x382: {  	vm1 =	vgt.f32 v11, v17;
	v1 =	vmul.f32 v13, v0;
	v13 =	vmax.f32 v12, v9  }
0x383: {  	vm4 =	vlt.f32 v17, v5;
	v18 =	vmax.f32 v10, v8;
	v8 =	vld [tilespmem:$0x10C80];
	v14 =	vmax.f32 v13, v4  }
0x384: {  	v19 =	vsel vm2, $0x5, v20;
	vm2 =	vgt.f32 v17, v5;
	v15 =	vmax.f32 v14, v7  }
0x385: {  	s29 =	simm.s32 $0x20;
	s30 =	simm.s32 $0x20;
	s0 =	simm.s32 $0x2000;
	v5 =	vmovc v17;
	v16 =	vmin.f32 v12, v9;
	v2 =	vmul.f32 v2, v0;
	v10 =	vmax.f32 v15, v6  }
.LBB2_29:
0x386: {  	s31 =	smov.u32 s0  }
0x387: {  	s2 =	sshra.s32 s0, $0x2;
	v11 =	vmin.f32 v17, v11;
	v17 =	vsel vm3, $0x6, v19;
	vm2 =	vmor vm2, vm4;
	s29 =	sadd.s32 $0x1, s29;
	s31 =	sadd.s32 $0x1000, s0  }
0x388: {  	p0 =	sne.s32 s0, $0x1F000;
	v11 =	vmax.f32 v18, v11;
	v18 =	vmin.f32 v14, v7;
	v8 =	vsel vm2, s30, v8;
	s30 =	smov.u32 s29;
	v19 =	vld [tilespmem:s2+$0x81D0]  }
0x389: {  	v17 =	vsel vm0, $0x7, v17;
	v11 =	vmax.f32 v11, v16;
	v16 =	vmin.f32 v13, v4;
	v20 =	vld [tilespmem:s2+$0x8150]  }
0x38a: {  	vm0 =	vgt.f32 v9, v12;
	v9 =	vmax.f32 v11, v16;
	v11 =	vmin.f32 v15, v6;
	v21 =	vld [tilespmem:s2+$0x80D0]  }
0x38b: {  	vm3 =	vgt.f32 v7, v14;
	vm2 =	vgt.f32 v4, v13;
	v4 =	vmax.f32 v9, v18;
	v12 =	vld [tilespmem:s2+$0x8050]  }
0x38c: {  	v7 =	vsel vm1, $0x0, v17;
	vm1 =	vgt.f32 v6, v15;
	v6 =	vmax.f32 v4, v11;
	v13 =	vld [tilespmem:s2+$0x8250]  }
0x38d: {  	v4 =	vsel vm0, $0x1, v7;
	v14 =	vld [tilespmem:s2+$0x82D0]  }
0x38e: {  	v9 =	vmin.f32 v10, v3;
	v7 =	vsel vm2, $0x2, v4;
	vm2 =	vgt.f32 v3, v10  }
0x38f: {  	v17 =	vmax.f32 v6, v9;
	v16 =	vsel vm3, $0x3, v7;
	v4 =	vmul.f32 v20, v0;
	v15 =	vld [tilespmem:s2+$0x83D0]  }
0x390: {  	v10 =	vmax.f32 v10, v3;
	v7 =	vmul.f32 v19, v0;
	v11 =	vmul.f32 v12, v0  }
0x391: {  	v9 =	vmul.f32 v21, v0;
	v12 =	vmin.f32 v10, v2;
	v6 =	vmul.f32 v13, v0;
	v19 =	vld [tilespmem:s2+$0x8350]  }
0x392: {  	v13 =	vmax.f32 v10, v2;
	v3 =	vmul.f32 v14, v0;
	v14 =	vmax.f32 v17, v12  }
0x393: {  	v20 =	vsel vm1, $0x4, v16;
	vm0 =	vgt.f32 v1, v13;
	v17 =	vmax.f32 v13, v1  }
.Ltmp13:
0x394: {  	v18 =	vmin.f32 v13, v1;
	v12 =	vmax.f32 v17, v11;
	v1 =	vmul.f32 v15, v0;
	(pc) =	sbr.rel @p0 .LBB2_29-.Ltmp13, $4  }
0x395: {  	v18 =	vmax.f32 v14, v18;
	v16 =	vmin.f32 v12, v9;
	v13 =	vmax.f32 v12, v9  }
0x396: {  	vm3 =	vgt.f32 v2, v10;
	v14 =	vmax.f32 v13, v4;
	v2 =	vmul.f32 v19, v0  }
0x397: {  	vm1 =	vgt.f32 v11, v17;
	vm4 =	vlt.f32 v17, v5;
	v15 =	vmax.f32 v14, v7  }
0x398: {  	s0 =	smov.u32 s31;
	v19 =	vsel vm2, $0x5, v20;
	vm2 =	vgt.f32 v17, v5;
	v5 =	vmovc v17;
	v10 =	vmax.f32 v15, v6  }
0x399: {  	v0 =	vmin.f32 v17, v11;
	v11 =	vsel vm3, $0x6, v19;
	vm2 =	vmor vm2, vm4  }
0x39a: {  	v17 =	vmin.f32 v14, v7;
	vm3 =	vgt.f32 v7, v14;
	v0 =	vmax.f32 v18, v0  }
0x39b: {  	v8 =	vsel vm2, s30, v8;
	v11 =	vsel vm0, $0x7, v11;
	vm0 =	vgt.f32 v9, v12  }
0x39c: {  	v9 =	vmin.f32 v15, v6;
	vm2 =	vgt.f32 v4, v13;
	v0 =	vmax.f32 v0, v16  }
0x39d: {  	v16 =	vmin.f32 v13, v4;
	v4 =	vsel vm1, $0x0, v11;
	vm1 =	vgt.f32 v6, v15  }
0x39e: {  	v6 =	vmin.f32 v10, v3;
	v0 =	vmax.f32 v0, v16;
	v4 =	vsel vm0, $0x1, v4  }
0x39f: {  	vm0 =	vgt.f32 v3, v10;
	v3 =	vmax.f32 v10, v3;
	v0 =	vmax.f32 v0, v17  }
0x3a0: {  	v4 =	vsel vm2, $0x2, v4;
	v7 =	vmax.f32 v3, v2;
	v0 =	vmax.f32 v0, v9  }
0x3a1: {  	vm4 =	vgt.f32 v2, v3;
	v0 =	vmax.f32 v0, v6;
	v6 =	vmin.f32 v3, v2  }
0x3a2: {  	v4 =	vsel vm3, $0x3, v4;
	v0 =	vmax.f32 v0, v6;
	v6 =	vmax.f32 v7, v1  }
0x3a3: {  	v4 =	vsel vm1, $0x4, v4;
	vm2 =	vlt.f32 v6, v5;
	vm3 =	vgt.f32 v6, v5  }
0x3a4: {  	s0 =	sadd.s32 $0x1, s29;
	vm1 =	vgt.f32 v1, v7;
	v2 =	vsel vm0, $0x5, v4;
	vm0 =	vmor vm3, vm2  }
0x3a5: {  	v1 =	vmin.f32 v7, v1;
	v2 =	vsel vm4, $0x6, v2;
	v3 =	vsel vm0, s0, v8  }
0x3a6: {  	v0 =	vmax.f32 v0, v1;
	[tilespmem:s26+$0x11250] =	vst v6;
	v1 =	vsel vm1, $0x7, v2;
	v2 =	vshll.u32 v3, $0x3  }
0x3a7: {  	[tilespmem:s26+$0x112D0] =	vst v0;
	v0 =	vadd.s32 v1, v2  }
0x3a8: {  	[tilespmem:s28+$0x11E50] =	vst v0  }
0x3a9: {  	v0 =	vld [tilespmem:s25+$0x10060]  }
0x3aa: {  	s2 =	simm.s32 $0x0;
	v5 =	vld [tilespmem:$0x10500]  }
0x3ab: {  	v1 =	vld [tilespmem:s2+$0x81E0]  }
0x3ac: {  	v2 =	vld [tilespmem:s2+$0x8160]  }
0x3ad: {  	v3 =	vld [tilespmem:s2+$0x80E0]  }
0x3ae: {  	v4 =	vld [tilespmem:s2+$0x8060]  }
0x3af: {  	v6 =	vld [tilespmem:s2+$0x8260]  }
0x3b0: {  	v7 =	vld [tilespmem:s2+$0x82E0]  }
0x3b1: {  	v8 =	vld [tilespmem:s2+$0x83E0]  }
0x3b2: {  	v9 =	vld [tilespmem:s2+$0x8360];
	_ =	sdelay $0x1  }
0x3b3: {  	v10 =	vld [tilespmem:$0x10900];
	v4 =	vmul.f32 v4, v0;
	v2 =	vmul.f32 v2, v0  }
0x3b4: {  	s31 =	simm.s32 $0x400;
	v3 =	vmul.f32 v3, v0;
	v1 =	vmul.f32 v1, v0  }
0x3b5: {  	v16 =	vld [tilespmem:s31+$0x81E0];
	v6 =	vmul.f32 v6, v0;
	v12 =	vmul.f32 v7, v0  }
0x3b6: {  	v8 =	vmul.f32 v8, v0;
	v19 =	vmul.f32 v9, v0;
	v11 =	vmax.f32 v5, v4  }
0x3b7: {  	v13 =	vld [tilespmem:$0x11100];
	vm0 =	vgt.f32 v4, v5;
	v4 =	vmin.f32 v5, v4;
	v7 =	vmax.f32 v11, v3  }
0x3b8: {  	v20 =	vld [tilespmem:s31+$0x80E0];
	v14 =	vmin.f32 v11, v3;
	v4 =	vmax.f32 v10, v4;
	vm1 =	vgt.f32 v3, v11  }
0x3b9: {  	v15 =	vmax.f32 v7, v2;
	v4 =	vmax.f32 v4, v14;
	v14 =	vmin.f32 v7, v2  }
0x3ba: {  	v18 =	vld [tilespmem:s31+$0x8160];
	vm2 =	vgt.f32 v2, v7;
	v7 =	vmul.f32 v16, v0;
	v9 =	vmax.f32 v15, v1  }
0x3bb: {  	v11 =	vld [tilespmem:s31+$0x8060];
	v10 =	vmin.f32 v15, v1;
	v3 =	vmax.f32 v4, v14;
	vm3 =	vgt.f32 v1, v15  }
0x3bc: {  	v17 =	vmax.f32 v9, v6;
	v4 =	vmin.f32 v9, v6;
	v1 =	vmax.f32 v3, v10  }
0x3bd: {  	v2 =	vld [tilespmem:s31+$0x8260];
	v3 =	vsel vm0, $0x0, v13;
	vm0 =	vgt.f32 v6, v9;
	v9 =	vmul.f32 v20, v0  }
0x3be: {  	v1 =	vmax.f32 v1, v4;
	v3 =	vsel vm1, $0x1, v3;
	v6 =	vmin.f32 v17, v12  }
0x3bf: {  	v10 =	vld [tilespmem:s31+$0x82E0];
	v4 =	vmul.f32 v18, v0;
	v15 =	vmax.f32 v17, v12;
	v3 =	vsel vm2, $0x2, v3  }
0x3c0: {  	v13 =	vld [tilespmem:s31+$0x83E0];
	vm2 =	vgt.f32 v12, v17;
	v1 =	vmax.f32 v1, v6;
	v11 =	vmul.f32 v11, v0  }
0x3c1: {  	v12 =	vmin.f32 v15, v19;
	v16 =	vmax.f32 v15, v19;
	v14 =	vsel vm3, $0x3, v3  }
0x3c2: {  	v6 =	vmul.f32 v2, v0;
	v17 =	vmax.f32 v16, v8;
	vm3 =	vgt.f32 v19, v15  }
0x3c3: {  	v2 =	vld [tilespmem:s31+$0x8360];
	v20 =	vsel vm0, $0x4, v14;
	vm0 =	vgt.f32 v8, v16;
	v8 =	vmin.f32 v16, v8  }
0x3c4: {  	v3 =	vmul.f32 v10, v0;
	v10 =	vmax.f32 v1, v12;
	v12 =	vmax.f32 v17, v11  }
0x3c5: {  	vm1 =	vgt.f32 v11, v17;
	v1 =	vmul.f32 v13, v0;
	v13 =	vmax.f32 v12, v9  }
0x3c6: {  	vm4 =	vlt.f32 v17, v5;
	v18 =	vmax.f32 v10, v8;
	v8 =	vld [tilespmem:$0x10D00];
	v14 =	vmax.f32 v13, v4  }
0x3c7: {  	v19 =	vsel vm2, $0x5, v20;
	vm2 =	vgt.f32 v17, v5;
	v15 =	vmax.f32 v14, v7  }
0x3c8: {  	s29 =	simm.s32 $0x20;
	s30 =	simm.s32 $0x20;
	s0 =	simm.s32 $0x2000;
	v5 =	vmovc v17;
	v16 =	vmin.f32 v12, v9;
	v2 =	vmul.f32 v2, v0;
	v10 =	vmax.f32 v15, v6  }
.LBB2_31:
0x3c9: {  	s31 =	smov.u32 s0  }
0x3ca: {  	s2 =	sshra.s32 s0, $0x2;
	v11 =	vmin.f32 v17, v11;
	v17 =	vsel vm3, $0x6, v19;
	vm2 =	vmor vm2, vm4;
	s29 =	sadd.s32 $0x1, s29;
	s31 =	sadd.s32 $0x1000, s0  }
0x3cb: {  	p0 =	sne.s32 s0, $0x1F000;
	v11 =	vmax.f32 v18, v11;
	v18 =	vmin.f32 v14, v7;
	v8 =	vsel vm2, s30, v8;
	s30 =	smov.u32 s29;
	v19 =	vld [tilespmem:s2+$0x81E0]  }
0x3cc: {  	v17 =	vsel vm0, $0x7, v17;
	v11 =	vmax.f32 v11, v16;
	v16 =	vmin.f32 v13, v4;
	v20 =	vld [tilespmem:s2+$0x8160]  }
0x3cd: {  	vm0 =	vgt.f32 v9, v12;
	v9 =	vmax.f32 v11, v16;
	v11 =	vmin.f32 v15, v6;
	v21 =	vld [tilespmem:s2+$0x80E0]  }
0x3ce: {  	vm3 =	vgt.f32 v7, v14;
	vm2 =	vgt.f32 v4, v13;
	v4 =	vmax.f32 v9, v18;
	v12 =	vld [tilespmem:s2+$0x8060]  }
0x3cf: {  	v7 =	vsel vm1, $0x0, v17;
	vm1 =	vgt.f32 v6, v15;
	v6 =	vmax.f32 v4, v11;
	v13 =	vld [tilespmem:s2+$0x8260]  }
0x3d0: {  	v4 =	vsel vm0, $0x1, v7;
	v14 =	vld [tilespmem:s2+$0x82E0]  }
0x3d1: {  	v9 =	vmin.f32 v10, v3;
	v7 =	vsel vm2, $0x2, v4;
	vm2 =	vgt.f32 v3, v10  }
0x3d2: {  	v17 =	vmax.f32 v6, v9;
	v16 =	vsel vm3, $0x3, v7;
	v4 =	vmul.f32 v20, v0;
	v15 =	vld [tilespmem:s2+$0x83E0]  }
0x3d3: {  	v10 =	vmax.f32 v10, v3;
	v7 =	vmul.f32 v19, v0;
	v11 =	vmul.f32 v12, v0  }
0x3d4: {  	v9 =	vmul.f32 v21, v0;
	v12 =	vmin.f32 v10, v2;
	v6 =	vmul.f32 v13, v0;
	v19 =	vld [tilespmem:s2+$0x8360]  }
0x3d5: {  	v13 =	vmax.f32 v10, v2;
	v3 =	vmul.f32 v14, v0;
	v14 =	vmax.f32 v17, v12  }
0x3d6: {  	v20 =	vsel vm1, $0x4, v16;
	vm0 =	vgt.f32 v1, v13;
	v17 =	vmax.f32 v13, v1  }
.Ltmp14:
0x3d7: {  	v18 =	vmin.f32 v13, v1;
	v12 =	vmax.f32 v17, v11;
	v1 =	vmul.f32 v15, v0;
	(pc) =	sbr.rel @p0 .LBB2_31-.Ltmp14, $4  }
0x3d8: {  	v18 =	vmax.f32 v14, v18;
	v16 =	vmin.f32 v12, v9;
	v13 =	vmax.f32 v12, v9  }
0x3d9: {  	vm3 =	vgt.f32 v2, v10;
	v14 =	vmax.f32 v13, v4;
	v2 =	vmul.f32 v19, v0  }
0x3da: {  	vm1 =	vgt.f32 v11, v17;
	vm4 =	vlt.f32 v17, v5;
	v15 =	vmax.f32 v14, v7  }
0x3db: {  	s0 =	smov.u32 s31;
	v19 =	vsel vm2, $0x5, v20;
	vm2 =	vgt.f32 v17, v5;
	v5 =	vmovc v17;
	v10 =	vmax.f32 v15, v6  }
0x3dc: {  	v0 =	vmin.f32 v17, v11;
	v11 =	vsel vm3, $0x6, v19;
	vm2 =	vmor vm2, vm4  }
0x3dd: {  	v17 =	vmin.f32 v14, v7;
	vm3 =	vgt.f32 v7, v14;
	v0 =	vmax.f32 v18, v0  }
0x3de: {  	v8 =	vsel vm2, s30, v8;
	v11 =	vsel vm0, $0x7, v11;
	vm0 =	vgt.f32 v9, v12  }
0x3df: {  	v9 =	vmin.f32 v15, v6;
	vm2 =	vgt.f32 v4, v13;
	v0 =	vmax.f32 v0, v16  }
0x3e0: {  	v16 =	vmin.f32 v13, v4;
	v4 =	vsel vm1, $0x0, v11;
	vm1 =	vgt.f32 v6, v15  }
0x3e1: {  	v6 =	vmin.f32 v10, v3;
	v0 =	vmax.f32 v0, v16;
	v4 =	vsel vm0, $0x1, v4  }
0x3e2: {  	vm0 =	vgt.f32 v3, v10;
	v3 =	vmax.f32 v10, v3;
	v0 =	vmax.f32 v0, v17  }
0x3e3: {  	v4 =	vsel vm2, $0x2, v4;
	v7 =	vmax.f32 v3, v2;
	v0 =	vmax.f32 v0, v9  }
0x3e4: {  	vm4 =	vgt.f32 v2, v3;
	v0 =	vmax.f32 v0, v6;
	v6 =	vmin.f32 v3, v2  }
0x3e5: {  	v4 =	vsel vm3, $0x3, v4;
	v0 =	vmax.f32 v0, v6;
	v6 =	vmax.f32 v7, v1  }
0x3e6: {  	v4 =	vsel vm1, $0x4, v4;
	vm2 =	vlt.f32 v6, v5;
	vm3 =	vgt.f32 v6, v5  }
0x3e7: {  	s0 =	sadd.s32 $0x1, s29;
	vm1 =	vgt.f32 v1, v7;
	v2 =	vsel vm0, $0x5, v4;
	vm0 =	vmor vm3, vm2  }
0x3e8: {  	v1 =	vmin.f32 v7, v1;
	v2 =	vsel vm4, $0x6, v2;
	v3 =	vsel vm0, s0, v8  }
0x3e9: {  	v0 =	vmax.f32 v0, v1;
	[tilespmem:s26+$0x11260] =	vst v6;
	v1 =	vsel vm1, $0x7, v2;
	v2 =	vshll.u32 v3, $0x3  }
0x3ea: {  	[tilespmem:s26+$0x112E0] =	vst v0;
	v0 =	vadd.s32 v1, v2  }
0x3eb: {  	[tilespmem:s28+$0x11E60] =	vst v0  }
0x3ec: {  	v0 =	vld [tilespmem:s25+$0x10070]  }
0x3ed: {  	s30 =	simm.s32 $0x0;
	v5 =	vld [tilespmem:$0x10580]  }
0x3ee: {  	v1 =	vld [tilespmem:s30+$0x81F0]  }
0x3ef: {  	v2 =	vld [tilespmem:s30+$0x8170]  }
0x3f0: {  	v3 =	vld [tilespmem:s30+$0x80F0]  }
0x3f1: {  	v4 =	vld [tilespmem:s30+$0x8070]  }
0x3f2: {  	v6 =	vld [tilespmem:s30+$0x8270]  }
0x3f3: {  	v7 =	vld [tilespmem:s30+$0x82F0]  }
0x3f4: {  	v8 =	vld [tilespmem:s30+$0x83F0]  }
0x3f5: {  	v9 =	vld [tilespmem:s30+$0x8370];
	_ =	sdelay $0x1  }
0x3f6: {  	v10 =	vld [tilespmem:$0x10980];
	v4 =	vmul.f32 v4, v0;
	v2 =	vmul.f32 v2, v0  }
0x3f7: {  	s31 =	simm.s32 $0x400;
	v3 =	vmul.f32 v3, v0;
	v1 =	vmul.f32 v1, v0  }
0x3f8: {  	v16 =	vld [tilespmem:s31+$0x81F0];
	v6 =	vmul.f32 v6, v0;
	v12 =	vmul.f32 v7, v0  }
0x3f9: {  	v8 =	vmul.f32 v8, v0;
	v19 =	vmul.f32 v9, v0;
	v11 =	vmax.f32 v5, v4  }
0x3fa: {  	v13 =	vld [tilespmem:$0x11180];
	vm0 =	vgt.f32 v4, v5;
	v4 =	vmin.f32 v5, v4;
	v7 =	vmax.f32 v11, v3  }
0x3fb: {  	v20 =	vld [tilespmem:s31+$0x80F0];
	v14 =	vmin.f32 v11, v3;
	v4 =	vmax.f32 v10, v4;
	vm1 =	vgt.f32 v3, v11  }
0x3fc: {  	v15 =	vmax.f32 v7, v2;
	v4 =	vmax.f32 v4, v14;
	v14 =	vmin.f32 v7, v2  }
0x3fd: {  	v18 =	vld [tilespmem:s31+$0x8170];
	vm2 =	vgt.f32 v2, v7;
	v7 =	vmul.f32 v16, v0;
	v9 =	vmax.f32 v15, v1  }
0x3fe: {  	v11 =	vld [tilespmem:s31+$0x8070];
	v10 =	vmin.f32 v15, v1;
	v3 =	vmax.f32 v4, v14;
	vm3 =	vgt.f32 v1, v15  }
0x3ff: {  	v17 =	vmax.f32 v9, v6;
	v4 =	vmin.f32 v9, v6;
	v1 =	vmax.f32 v3, v10  }
0x400: {  	v2 =	vld [tilespmem:s31+$0x8270];
	v3 =	vsel vm0, $0x0, v13;
	vm0 =	vgt.f32 v6, v9;
	v9 =	vmul.f32 v20, v0  }
0x401: {  	v1 =	vmax.f32 v1, v4;
	v3 =	vsel vm1, $0x1, v3;
	v6 =	vmin.f32 v17, v12  }
0x402: {  	v10 =	vld [tilespmem:s31+$0x82F0];
	v4 =	vmul.f32 v18, v0;
	v15 =	vmax.f32 v17, v12;
	v3 =	vsel vm2, $0x2, v3  }
0x403: {  	v13 =	vld [tilespmem:s31+$0x83F0];
	vm2 =	vgt.f32 v12, v17;
	v1 =	vmax.f32 v1, v6;
	v11 =	vmul.f32 v11, v0  }
0x404: {  	v12 =	vmin.f32 v15, v19;
	v16 =	vmax.f32 v15, v19;
	v14 =	vsel vm3, $0x3, v3  }
0x405: {  	v6 =	vmul.f32 v2, v0;
	v17 =	vmax.f32 v16, v8;
	vm3 =	vgt.f32 v19, v15  }
0x406: {  	v2 =	vld [tilespmem:s31+$0x8370];
	v20 =	vsel vm0, $0x4, v14;
	vm0 =	vgt.f32 v8, v16;
	v8 =	vmin.f32 v16, v8  }
0x407: {  	v3 =	vmul.f32 v10, v0;
	v10 =	vmax.f32 v1, v12;
	v12 =	vmax.f32 v17, v11  }
0x408: {  	vm1 =	vgt.f32 v11, v17;
	v1 =	vmul.f32 v13, v0;
	v13 =	vmax.f32 v12, v9  }
0x409: {  	vm4 =	vlt.f32 v17, v5;
	v18 =	vmax.f32 v10, v8;
	v8 =	vld [tilespmem:$0x10D80];
	v14 =	vmax.f32 v13, v4  }
0x40a: {  	v19 =	vsel vm2, $0x5, v20;
	vm2 =	vgt.f32 v17, v5;
	v15 =	vmax.f32 v14, v7  }
0x40b: {  	s29 =	simm.s32 $0x20;
	s0 =	simm.s32 $0x2000;
	s25 =	simm.s32 $0x20;
	v5 =	vmovc v17;
	v16 =	vmin.f32 v12, v9;
	v2 =	vmul.f32 v2, v0;
	v10 =	vmax.f32 v15, v6  }
.LBB2_33:
0x40c: {  	s30 =	smov.u32 s0  }
0x40d: {  	s2 =	sshra.s32 s0, $0x2;
	v11 =	vmin.f32 v17, v11;
	v17 =	vsel vm3, $0x6, v19;
	vm2 =	vmor vm2, vm4;
	s25 =	sadd.s32 $0x1, s25;
	s30 =	sadd.s32 $0x1000, s0  }
0x40e: {  	p0 =	sne.s32 s0, $0x1F000;
	v11 =	vmax.f32 v18, v11;
	v18 =	vmin.f32 v14, v7;
	v8 =	vsel vm2, s29, v8;
	s29 =	smov.u32 s25;
	v19 =	vld [tilespmem:s2+$0x81F0]  }
0x40f: {  	v17 =	vsel vm0, $0x7, v17;
	v11 =	vmax.f32 v11, v16;
	v16 =	vmin.f32 v13, v4;
	v20 =	vld [tilespmem:s2+$0x8170]  }
0x410: {  	vm0 =	vgt.f32 v9, v12;
	v9 =	vmax.f32 v11, v16;
	v11 =	vmin.f32 v15, v6;
	v21 =	vld [tilespmem:s2+$0x80F0]  }
0x411: {  	vm3 =	vgt.f32 v7, v14;
	vm2 =	vgt.f32 v4, v13;
	v4 =	vmax.f32 v9, v18;
	v12 =	vld [tilespmem:s2+$0x8070]  }
0x412: {  	v7 =	vsel vm1, $0x0, v17;
	vm1 =	vgt.f32 v6, v15;
	v6 =	vmax.f32 v4, v11;
	v13 =	vld [tilespmem:s2+$0x8270]  }
0x413: {  	v4 =	vsel vm0, $0x1, v7;
	v14 =	vld [tilespmem:s2+$0x82F0]  }
0x414: {  	v9 =	vmin.f32 v10, v3;
	v7 =	vsel vm2, $0x2, v4;
	vm2 =	vgt.f32 v3, v10  }
0x415: {  	v17 =	vmax.f32 v6, v9;
	v16 =	vsel vm3, $0x3, v7;
	v4 =	vmul.f32 v20, v0;
	v15 =	vld [tilespmem:s2+$0x83F0]  }
0x416: {  	v10 =	vmax.f32 v10, v3;
	v7 =	vmul.f32 v19, v0;
	v11 =	vmul.f32 v12, v0  }
0x417: {  	v9 =	vmul.f32 v21, v0;
	v12 =	vmin.f32 v10, v2;
	v6 =	vmul.f32 v13, v0;
	v19 =	vld [tilespmem:s2+$0x8370]  }
0x418: {  	v13 =	vmax.f32 v10, v2;
	v3 =	vmul.f32 v14, v0;
	v14 =	vmax.f32 v17, v12  }
0x419: {  	v20 =	vsel vm1, $0x4, v16;
	vm0 =	vgt.f32 v1, v13;
	v17 =	vmax.f32 v13, v1  }
.Ltmp15:
0x41a: {  	v18 =	vmin.f32 v13, v1;
	v12 =	vmax.f32 v17, v11;
	v1 =	vmul.f32 v15, v0;
	(pc) =	sbr.rel @p0 .LBB2_33-.Ltmp15, $4  }
0x41b: {  	v18 =	vmax.f32 v14, v18;
	v16 =	vmin.f32 v12, v9;
	v13 =	vmax.f32 v12, v9  }
0x41c: {  	vm3 =	vgt.f32 v2, v10;
	v14 =	vmax.f32 v13, v4;
	v2 =	vmul.f32 v19, v0  }
0x41d: {  	vm1 =	vgt.f32 v11, v17;
	vm4 =	vlt.f32 v17, v5;
	v15 =	vmax.f32 v14, v7  }
0x41e: {  	s0 =	smov.u32 s30;
	v19 =	vsel vm2, $0x5, v20;
	vm2 =	vgt.f32 v17, v5;
	v5 =	vmovc v17;
	v10 =	vmax.f32 v15, v6  }
0x41f: {  	v0 =	vmin.f32 v17, v11;
	v48 =	vsel vm3, $0x6, v19;
	vm2 =	vmor vm2, vm4  }
0x420: {  	v49 =	vmin.f32 v14, v7;
	v50 =	vmin.f32 v13, v4;
	vm6 =	vgt.f32 v9, v12  }
0x421: {  	v51 =	vmin.f32 v15, v6;
	vm7 =	vgt.f32 v4, v13;
	vm8 =	vgt.f32 v7, v14  }
0x422: {  	vm9 =	vgt.f32 v6, v15;
	vm10 =	vgt.f32 v3, v10;
	v53 =	vmin.f32 v10, v3  }
0x423: {  	v54 =	vmax.f32 v10, v3;
	v0 =	vmax.f32 v18, v0;
	v8 =	vsel vm2, s29, v8  }
0x424: {  	v11 =	vsel vm0, $0x7, v48;
	v55 =	vmin.f32 v54, v2;
	v56 =	vmax.f32 v54, v2  }
0x425: {  	vm14 =	vgt.f32 v2, v54;
	v0 =	vmax.f32 v0, v16;
	v52 =	vsel vm1, $0x0, v11  }
0x426: {  	v57 =	vmax.f32 v56, v1;
	vm11 =	vgt.f32 v1, v56;
	v4 =	vsel vm6, $0x1, v52  }
0x427: {  	v59 =	vmin.f32 v56, v1;
	v0 =	vmax.f32 v0, v50;
	v4 =	vsel vm7, $0x2, v4  }
0x428: {  	s24 =	sadd.s32 $0x1, s24;
	vm12 =	vlt.f32 v57, v5;
	v0 =	vmax.f32 v0, v49;
	v4 =	vsel vm8, $0x3, v4  }
0x429: {  	p0 =	sne.s32 s24, $0xC;
	vm13 =	vgt.f32 v57, v5;
	v0 =	vmax.f32 v0, v51;
	v4 =	vsel vm9, $0x4, v4  }
.Ltmp16:
0x42a: {  	s0 =	sadd.s32 $0x1, s25;
	vm15 =	vmor vm13, vm12;
	v0 =	vmax.f32 v0, v53;
	v58 =	vsel vm10, $0x5, v4;
	(pc) =	sbr.rel @p0 .LBB2_2-.Ltmp16, $4  }
0x42b: {  	v60 =	vsel vm15, s0, v8;
	v0 =	vmax.f32 v0, v55;
	v2 =	vsel vm14, $0x6, v58  }
0x42c: {  	[tilespmem:s26+$0x11270] =	vst v57;
	v62 =	vshll.u32 v60, $0x3;
	v0 =	vmax.f32 v0, v59;
	v61 =	vsel vm11, $0x7, v2  }
0x42d: {  	[tilespmem:s26+$0x112F0] =	vst v0;
	v63 =	vadd.s32 v61, v62  }
0x42e: {  	[tilespmem:s28+$0x11E70] =	vst v63  }
0x42f: {  	[hbm4b:s9+s18] =	stream.strided.scatter [tilespmem:s20], [sflag:$0x3], $0xC00, s19, s18, $0x38;
	[tilespmem:$0x12600] =	vst v63  }
0x430: {  	_ =	swait.ge [sflag:s13], $0xC00  }
0x431: {  	s23 =	sadd.s32 $0x1, s23;
	[sflag:s13] =	ssyncset.done $0x0  }
0x432: {  	p0 =	sne.s32 s23, s11;
	[sflag:s13] =	ssyncadd.s32 $0xFFFFF400  }
0x433: {  	[hbm4b:s10+s3] =	stream.linear.scatter [tilespmem:s21], [sflag:$0x3], $0x400, $0x38;
	[tilespmem:$0x12600] =	vst v63  }
.Ltmp17:
0x434: {  	s0 =	sadd.s32 $0x1000, s10;
	(pc) =	sbr.rel @p0 .LBB2_1-.Ltmp17, $4  }
0x435: {  	[hbm4b:s0+s3] =	stream.linear.scatter [tilespmem:s22], [sflag:$0x3], $0x200, $0x38;
	[tilespmem:$0x12600] =	vst v63  }
0x436: {  	_ =	swait.ge [sflag:s13], $0x600  }
0x437: {  	[sflag:s13] =	ssyncset.done $0x0  }
0x438: {  	[sflag:s13] =	ssyncadd.s32 $0xFFFFFA00  }
0x439: {  	_ =	sfence.sel $0x180000  }
0x43a: {  	[bflag:$0x0] =	sbarrier.arrive $0xFFFF  }
0x43b: {  	_ =	strace $0x90000047  }
0x43c: {  	s0 =	stileid.u32;
	[bflag:$0x2] =	sbarrier.arrive $0xFFFF  }
0x43d: {  	p0 =	sne.s32 s0, $0x0;
	s0 =	rddreg [dreg:$0x4]  }
0x43e: {  	s0 =	sadd.s32 @!p0 $0x100000, s0  }
0x43f: {  	[sflag:s0] =	ssyncadd.tile.s32 @!p0 $0x1;
	_ =	shalt  }
.Lfunc_end2:
_tile_overlayer_lowered:
.L_overlay_start_2:
0x440: {  	(tag) =	ssettag $0x2  }
0x441: {  	s0 =	rddreg [dreg:$0x0];
	s2 =	stileid.u32  }
0x442: {  	s1 =	rddreg [dreg:$0x1];
	p0 =	sne.s32 s2, $0x0  }
0x443: {  	s3 =	rddreg [dreg:$0x2];
	[bflag:$0x3] =	sbarrier.arrive $0xFFFF;
	s2 =	simm.s32 @!p0 $0x1C03  }
0x444: {  	[timem:s3], [sflag:s2] =	dma.local @!p0 [hbm:s0], s1  }
0x445: {  	s0 =	simm.s32 @!p0 $0x3  }
0x446: {  	_ =	swait.ge @!p0 [sflag:s0], s1  }
0x447: {  	s1 =	ssub.s32 @!p0 $0x0, s1;
	[sflag:s0] =	ssyncset.done @!p0 $0x0  }
0x448: {  	[sflag:s0] =	ssyncadd.s32 @!p0 s1  }
0x449: {  	[bflag:$0x3] =	sbarrier.arrive $0xFFFF  }
0x44a: {  	_ =	shalt  }

</sc_bundles>
